<compile_context>
chip_gen: v7x
topology: tpu7x:2x2x1
jax: 0.10.2.dev20260603
libtpu: 0.0.44.dev20260713+nightly
codegen_flags: <defaults>
</compile_context>

<pallas_src>
import functools

import jax
import jax.numpy as jnp
from jax import lax
from jax.experimental import pallas as pl
from jax.experimental.pallas import tpu as pltpu
from jax.experimental.pallas import tpu_sc as plsc

NC = 2
NS = 16
NW = NC * NS
C = 96
NBUF = 3
CH0 = 84
CH1 = 126
SHIFT = 14

_mesh = plsc.VectorSubcoreMesh(
    core_axis_name="c", subcore_axis_name="s", num_cores=NC, num_subcores=NS
)
_sc_params = pltpu.CompilerParams(
    needs_layout_passes=False, use_tc_tiling_on_sc=False
)


def _make_deg_kernel(n_pad, ch_max):
    @functools.partial(
        pl.kernel,
        out_type=jax.ShapeDtypeStruct((NW, n_pad), jnp.float32),
        mesh=_mesh,
        compiler_params=_sc_params,
        scratch_types=[
            pltpu.VMEM((n_pad,), jnp.float32),
            pltpu.VMEM((ch_max, C), jnp.int32),
        ],
    )
    def deg_kernel(pk_hbm, out_hbm, hist, pkbuf):
        c = lax.axis_index("c")
        s = lax.axis_index("s")
        wid = s * NC + c

        def zero_body(i, _):
            hist[pl.ds(i * 16, 16)] = jnp.zeros((16,), jnp.float32)
            return 0

        lax.fori_loop(0, n_pad // 16, zero_body, 0)
        pltpu.sync_copy(pk_hbm.at[wid], pkbuf)

        ones = jnp.full((16,), 1.0, jnp.float32)

        def body(k, _):
            for j in range(C // 16):
                v = pkbuf[k, pl.ds(j * 16, 16)]
                dst16 = lax.shift_right_logical(v, SHIFT)
                plsc.addupdate_scatter(hist, [dst16], ones)
            return 0

        lax.fori_loop(0, ch_max, body, 0)
        pltpu.sync_copy(hist, out_hbm.at[wid])

    return deg_kernel


def _make_prop_kernel(n, n_pad, ch_max, d, rows_per):
    @functools.partial(
        pl.kernel,
        out_type=jax.ShapeDtypeStruct((NC, n, d), jnp.float32),
        mesh=_mesh,
        compiler_params=_sc_params,
        scratch_types=[
            pltpu.VMEM_SHARED((n_pad, d), jnp.float32),
            pltpu.VMEM((ch_max, C), jnp.int32),
            pltpu.VMEM((NBUF, C), jnp.int32),
            pltpu.VMEM((NBUF, C), jnp.int32),
            tuple(pltpu.VMEM((C, d), jnp.float32) for _ in range(NBUF)),
            pltpu.SemaphoreType.DMA((NBUF,)),
        ],
    )
    def prop_kernel(p_hbm, pk_hbm, out_hbm, acc, pkbuf, sring, dring, rows,
                    gsem):
        c = lax.axis_index("c")
        s = lax.axis_index("s")
        wid = s * NC + c
        nch = lax.select(c == 0, CH0, CH1)

        tail = n - NS * rows_per
        pltpu.sync_copy(
            p_hbm.at[pl.ds(s * rows_per, rows_per)],
            acc.at[pl.ds(s * rows_per, rows_per)],
        )
        @pl.when(s == 0)
        def _():
            pltpu.sync_copy(
                p_hbm.at[pl.ds(NS * rows_per, tail)],
                acc.at[pl.ds(NS * rows_per, tail)],
            )
        pltpu.sync_copy(pk_hbm.at[wid], pkbuf)

        def unpack(k, slot):
            for j in range(C // 16):
                v = pkbuf[k, pl.ds(j * 16, 16)]
                sring[slot, pl.ds(j * 16, 16)] = v & ((1 << SHIFT) - 1)
                dring[slot, pl.ds(j * 16, 16)] = lax.shift_right_logical(v, SHIFT)

        def fire_gather(k, b):
            pltpu.async_copy(p_hbm.at[sring.at[b]], rows[b], gsem.at[b])

        def wait_gather(k, b):
            pltpu.make_async_copy(p_hbm.at[sring.at[b]], rows[b], gsem.at[b]).wait()

        for b in range(NBUF - 1):
            unpack(b, b)
            fire_gather(b, b)
        plsc.subcore_barrier()

        def body(g, _):
            for b in range(NBUF):
                k = g * NBUF + b
                @pl.when(k + NBUF - 1 < nch)
                def _():
                    unpack(k + NBUF - 1, (b + NBUF - 1) % NBUF)
                    fire_gather(k + NBUF - 1, (b + NBUF - 1) % NBUF)

                wait_gather(k, b)
                pltpu.sync_copy(rows[b], acc.at[dring.at[b]], add=True)
            return 0

        lax.fori_loop(0, nch // NBUF, body, 0)
        plsc.subcore_barrier()
        pltpu.sync_copy(
            acc.at[pl.ds(s * rows_per, rows_per)],
            out_hbm.at[c, pl.ds(s * rows_per, rows_per)],
        )
        @pl.when(s == 0)
        def _():
            pltpu.sync_copy(
                acc.at[pl.ds(NS * rows_per, tail)],
                out_hbm.at[c, pl.ds(NS * rows_per, tail)],
            )

    return prop_kernel


def _deg_reduce_body(hist_ref, dis_ref):
    deg = 1.0 + jnp.sum(hist_ref[...], axis=0, keepdims=True)
    dis_ref[...] = lax.rsqrt(deg)


def _t0_body(x_ref, dis_ref, w_ref, p_ref):
    q = jnp.dot(x_ref[...], w_ref[...], preferred_element_type=jnp.float32)
    p_ref[...] = q * dis_ref[...]


def _t_mid_body(acc_ref, p_ref, dis_ref, b_ref, w_ref, o_ref):
    dis = dis_ref[...]
    a = acc_ref[...]
    h = (a[0] + a[1] - p_ref[...]) * dis + b_ref[...]
    h = jnp.maximum(h, 0.0)
    o_ref[...] = jnp.dot(h, w_ref[...], preferred_element_type=jnp.float32) * dis


def _t_final_body(acc_ref, p_ref, dis_ref, b_ref, o_ref):
    a = acc_ref[...]
    o_ref[...] = (a[0] + a[1] - p_ref[...]) * dis_ref[...] + b_ref[...]


def kernel(x, edge_index, batch, W1, b1, W2, b2, W3, b3):
    n, d_in = x.shape
    e = edge_index.shape[1]
    d_hid = W1.shape[1]
    n_cls = W3.shape[1]

    ch_max = max(CH0, CH1)
    n_pad = -(-(n + 1) // NS) * NS
    rows_per = (n // NS) // 8 * 8

    src = edge_index[0]
    dst = edge_index[1]
    pad_val = jnp.int32(n << SHIFT)
    packed = src + (dst << SHIFT)

    cap1 = NS * CH1 * C
    cap0 = NS * CH0 * C
    r1 = cap1
    pk1 = packed[:r1].reshape(NS, CH1, C)
    pk0 = jnp.pad(packed[r1:], (0, cap0 - (e - r1)),
                  constant_values=pad_val).reshape(NS, CH0, C)
    pk0 = jnp.pad(pk0, ((0, 0), (0, ch_max - CH0), (0, 0)),
                  constant_values=pad_val)
    pk1 = jnp.pad(pk1, ((0, 0), (0, ch_max - CH1), (0, 0)),
                  constant_values=pad_val)
    pk = jnp.stack([pk0, pk1], axis=1).reshape(NW, ch_max, C)

    hist = _make_deg_kernel(n_pad, ch_max)(pk)

    bn = 400
    grid = n // bn
    f32 = jnp.float32

    dis_full = pl.pallas_call(
        _deg_reduce_body,
        grid=(1,),
        in_specs=[pl.BlockSpec((NW, n_pad), lambda j: (0, 0))],
        out_specs=pl.BlockSpec((1, n_pad), lambda j: (0, 0)),
        out_shape=jax.ShapeDtypeStruct((1, n_pad), f32),
    )(hist)
    dis = dis_full[0, :n].reshape(n, 1)

    p1 = pl.pallas_call(
        _t0_body,
        grid=(grid,),
        in_specs=[
            pl.BlockSpec((bn, d_in), lambda j: (j, 0)),
            pl.BlockSpec((bn, 1), lambda j: (j, 0)),
            pl.BlockSpec((d_in, d_hid), lambda j: (0, 0)),
        ],
        out_specs=pl.BlockSpec((bn, d_hid), lambda j: (j, 0)),
        out_shape=jax.ShapeDtypeStruct((n, d_hid), f32),
    )(x, dis, W1)

    prop_h = _make_prop_kernel(n, n_pad, ch_max, d_hid, rows_per)
    prop_c = _make_prop_kernel(n, n_pad, ch_max, n_cls, rows_per)

    def t_mid(acc, p, dis, b, w, d_out):
        return pl.pallas_call(
            _t_mid_body,
            grid=(grid,),
            in_specs=[
                pl.BlockSpec((NC, bn, d_hid), lambda j: (0, j, 0)),
                pl.BlockSpec((bn, d_hid), lambda j: (j, 0)),
                pl.BlockSpec((bn, 1), lambda j: (j, 0)),
                pl.BlockSpec((1, d_hid), lambda j: (0, 0)),
                pl.BlockSpec((d_hid, d_out), lambda j: (0, 0)),
            ],
            out_specs=pl.BlockSpec((bn, d_out), lambda j: (j, 0)),
            out_shape=jax.ShapeDtypeStruct((n, d_out), f32),
        )(acc, p, dis, b.reshape(1, -1), w)

    a1 = prop_h(p1, pk)
    p2 = t_mid(a1, p1, dis, b1, W2, d_hid)
    a2 = prop_h(p2, pk)
    p3 = t_mid(a2, p2, dis, b2, W3, n_cls)
    a3 = prop_c(p3, pk)

    out = pl.pallas_call(
        _t_final_body,
        grid=(grid,),
        in_specs=[
            pl.BlockSpec((NC, bn, n_cls), lambda j: (0, j, 0)),
            pl.BlockSpec((bn, n_cls), lambda j: (j, 0)),
            pl.BlockSpec((bn, 1), lambda j: (j, 0)),
            pl.BlockSpec((1, n_cls), lambda j: (0, 0)),
        ],
        out_specs=pl.BlockSpec((bn, n_cls), lambda j: (j, 0)),
        out_shape=jax.ShapeDtypeStruct((n, n_cls), f32),
    )(a3, p3, dis, b3.reshape(1, -1))
    return out

# --- scband reference (transcript-rebuilt; emitter-appended) ---
"""Pipeline reference for scband-gcn-26817775797032 (READ-ONLY COPY).

The authoritative reference and input builder live on the scoring server;
editing this copy changes nothing except your own understanding.
"""

import jax, jax.numpy as jnp
import numpy as np

N = 10000
E = 320000
D_IN = 128
D_HID = 128
N_CLS = 16


def gcn_conv(x, src, dst, W, b):
    n = x.shape[0]
    loop = jnp.arange(n, dtype=src.dtype)
    s = jnp.concatenate([src, loop])
    d = jnp.concatenate([dst, loop])
    h = x @ W
    deg = jnp.zeros((n,), dtype=x.dtype).at[d].add(1.0)
    deg_inv_sqrt = jnp.where(deg > 0, deg ** -0.5, 0.0)
    norm = deg_inv_sqrt[s] * deg_inv_sqrt[d]
    msg = h[s] * norm[:, None]
    out = jax.ops.segment_sum(msg, d, num_segments=n)
    return out + b


def setup_inputs(seed: int = 0) -> dict:
    key = jax.random.key(seed)
    k = jax.random.split(key, 9)
    x = jax.random.normal(k[0], (N, D_IN), dtype=jnp.float32)
    edge_index = jax.random.randint(k[1], (2, E), 0, N, dtype=jnp.int32)
    batch = jnp.zeros((N,), dtype=jnp.int32)
    s1 = (1.0 / D_IN) ** 0.5
    s2 = (1.0 / D_HID) ** 0.5
    W1 = jax.random.uniform(k[2], (D_IN, D_HID), minval=-s1, maxval=s1, dtype=jnp.float32)
    b1 = jnp.zeros((D_HID,), dtype=jnp.float32)
    W2 = jax.random.uniform(k[3], (D_HID, D_HID), minval=-s2, maxval=s2, dtype=jnp.float32)
    b2 = jnp.zeros((D_HID,), dtype=jnp.float32)
    W3 = jax.random.uniform(k[4], (D_HID, N_CLS), minval=-s2, maxval=s2, dtype=jnp.float32)
    b3 = jnp.zeros((N_CLS,), dtype=jnp.float32)
    return {"x": x, "edge_index": edge_index, "batch": batch,
            "W1": W1, "b1": b1, "W2": W2, "b2": b2, "W3": W3, "b3": b3}


def reference(x, edge_index, batch, W1, b1, W2, b2, W3, b3):
    src, dst = edge_index[0], edge_index[1]
    h = gcn_conv(x, src, dst, W1, b1)
    h = jax.nn.relu(h)
    # F.dropout with training=False (eval mode) -> identity
    h = gcn_conv(h, src, dst, W2, b2)
    h = jax.nn.relu(h)
    out = gcn_conv(h, src, dst, W3, b3)
    return out

if __name__ == "__main__":
    import jax
    _d = setup_inputs()
    print(jax.jit(kernel)(*tuple(_d.values())))

</pallas_src>

<mosaic_0001>
#map = affine_map<(d0, d1) -> (0, 0)>
#map1 = affine_map<(d0, d1) -> (0, 0, 0)>
module attributes {stable_mosaic.version = 14 : i64} {
  func.func @prop_kernel(%arg0: i32, %arg1: i32, %arg2: memref<10000x16xf32, #tpu.memory_space<hbm>>, %arg3: memref<32x126x96xi32, #tpu.memory_space<hbm>>, %arg4: memref<2x10000x16xf32, #tpu.memory_space<hbm>>, %arg5: memref<10016x16xf32, #tpu.memory_space<vmem_shared>>, %arg6: memref<126x96xi32, #tpu.memory_space<vmem>>, %arg7: memref<3x96xi32, #tpu.memory_space<vmem>>, %arg8: memref<3x96xi32, #tpu.memory_space<vmem>>, %arg9: memref<96x16xf32, #tpu.memory_space<vmem>>, %arg10: memref<96x16xf32, #tpu.memory_space<vmem>>, %arg11: memref<96x16xf32, #tpu.memory_space<vmem>>, %arg12: memref<3x!tpu.dma_semaphore, #tpu.memory_space<semaphore_mem>>) attributes {dimension_semantics = [#tpu.dimension_semantics<core_parallel>, #tpu.dimension_semantics<subcore_parallel>], iteration_bounds = array<i64: 2, 16>, scalar_prefetch = 0 : i64, scratch_operands = 8 : i64, tpu.core_type = #tpu.core_type<sc_vector_subcore>, window_params = [{transform_indices = #map}, {transform_indices = #map1}, {transform_indices = #map1}]} {
    %mul3A = arith.constant 2 : i32
    %mul3A_0 = arith.muli %arg1, %mul3A : i32
    %add3A = arith.addi %mul3A_0, %arg0 : i32
    %eq3A = arith.constant 0 : i32
    %eq3A_1 = arith.cmpi eq, %arg0, %eq3A : i32
    %select_n3A = arith.constant 126 : i32
    %select_n3A_2 = arith.constant 84 : i32
    %select_n3A_3 = arith.select %eq3A_1, %select_n3A_2, %select_n3A : i32
    %mul3A_4 = arith.constant 624 : i32
    %mul3A_5 = arith.muli %arg1, %mul3A_4 : i32
    %mul3A_6 = arith.constant 624 : i32
    %mul3A_7 = arith.muli %arg1, %mul3A_6 : i32
    "tpu.region"() ({
      %run_scoped3A = tpu.sem_alloc : memref<!tpu.dma_semaphore, #tpu.memory_space<semaphore_mem>>
      %dma_start3A_281 = arith.constant 0 : i32
      %dma_start3A_282 = tpu.memref_slice %arg5[%mul3A_7, %dma_start3A_281] : memref<10016x16xf32, #tpu.memory_space<vmem_shared>> -> memref<624x16xf32, #tpu.memory_space<vmem_shared>>
      %dma_start3A_283 = arith.constant 0 : i32
      %dma_start3A_284 = tpu.memref_slice %arg2[%mul3A_5, %dma_start3A_283] : memref<10000x16xf32, #tpu.memory_space<hbm>> -> memref<624x16xf32, #tpu.memory_space<hbm>>
      tpu.enqueue_dma source(%dma_start3A_284 : memref<624x16xf32, #tpu.memory_space<hbm>>) target(%dma_start3A_282 : memref<624x16xf32, #tpu.memory_space<vmem_shared>>) target_semaphore(%run_scoped3A : memref<!tpu.dma_semaphore, #tpu.memory_space<semaphore_mem>>)
      %dma_wait3A = arith.constant 0 : i32
      %dma_wait3A_285 = tpu.memref_slice %arg5[%mul3A_7, %dma_wait3A] : memref<10016x16xf32, #tpu.memory_space<vmem_shared>> -> memref<624x16xf32, #tpu.memory_space<vmem_shared>>
      %dma_wait3A_286 = arith.constant 0 : i32
      %dma_wait3A_287 = tpu.memref_slice %arg2[%mul3A_5, %dma_wait3A_286] : memref<10000x16xf32, #tpu.memory_space<hbm>> -> memref<624x16xf32, #tpu.memory_space<hbm>>
      tpu.wait_dma2 semaphore(%run_scoped3A : memref<!tpu.dma_semaphore, #tpu.memory_space<semaphore_mem>>) src(%dma_wait3A_287 : memref<624x16xf32, #tpu.memory_space<hbm>>) dst(%dma_wait3A_285 : memref<624x16xf32, #tpu.memory_space<vmem_shared>>)
      tpu.yield
    }) : () -> ()
    %eq3A_8 = arith.constant 0 : i32
    %eq3A_9 = arith.cmpi eq, %arg1, %eq3A_8 : i32
    %convert_element_type3A = arith.extui %eq3A_9 : i1 to i32
    %cond3A = arith.constant 0 : i32
    %cond3A_10 = arith.cmpi ne, %convert_element_type3A, %cond3A : i32
    scf.if %cond3A_10 {
      "tpu.region"() ({
        %run_scoped3A = tpu.sem_alloc : memref<!tpu.dma_semaphore, #tpu.memory_space<semaphore_mem>>
        %dma_start3A_281 = arith.constant 9984 : i32
        %dma_start3A_282 = arith.constant 0 : i32
        %dma_start3A_283 = tpu.memref_slice %arg5[%dma_start3A_281, %dma_start3A_282] : memref<10016x16xf32, #tpu.memory_space<vmem_shared>> -> memref<16x16xf32, #tpu.memory_space<vmem_shared>>
        %dma_start3A_284 = arith.constant 9984 : i32
        %dma_start3A_285 = arith.constant 0 : i32
        %dma_start3A_286 = tpu.memref_slice %arg2[%dma_start3A_284, %dma_start3A_285] : memref<10000x16xf32, #tpu.memory_space<hbm>> -> memref<16x16xf32, #tpu.memory_space<hbm>>
        tpu.enqueue_dma source(%dma_start3A_286 : memref<16x16xf32, #tpu.memory_space<hbm>>) target(%dma_start3A_283 : memref<16x16xf32, #tpu.memory_space<vmem_shared>>) target_semaphore(%run_scoped3A : memref<!tpu.dma_semaphore, #tpu.memory_space<semaphore_mem>>)
        %dma_wait3A = arith.constant 9984 : i32
        %dma_wait3A_287 = arith.constant 0 : i32
        %dma_wait3A_288 = tpu.memref_slice %arg5[%dma_wait3A, %dma_wait3A_287] : memref<10016x16xf32, #tpu.memory_space<vmem_shared>> -> memref<16x16xf32, #tpu.memory_space<vmem_shared>>
        %dma_wait3A_289 = arith.constant 9984 : i32
        %dma_wait3A_290 = arith.constant 0 : i32
        %dma_wait3A_291 = tpu.memref_slice %arg2[%dma_wait3A_289, %dma_wait3A_290] : memref<10000x16xf32, #tpu.memory_space<hbm>> -> memref<16x16xf32, #tpu.memory_space<hbm>>
        tpu.wait_dma2 semaphore(%run_scoped3A : memref<!tpu.dma_semaphore, #tpu.memory_space<semaphore_mem>>) src(%dma_wait3A_291 : memref<16x16xf32, #tpu.memory_space<hbm>>) dst(%dma_wait3A_288 : memref<16x16xf32, #tpu.memory_space<vmem_shared>>)
        tpu.yield
      }) : () -> ()
    } else {
    }
    "tpu.region"() ({
      %run_scoped3A = tpu.sem_alloc : memref<!tpu.dma_semaphore, #tpu.memory_space<semaphore_mem>>
      %dma_start3A_281 = arith.constant 0 : i32
      %dma_start3A_282 = arith.constant 0 : i32
      %dma_start3A_283 = tpu.memref_slice %arg3[%add3A, %dma_start3A_281, %dma_start3A_282] : memref<32x126x96xi32, #tpu.memory_space<hbm>> -> memref<1x126x96xi32, #tpu.memory_space<hbm>>
      %dma_start3A_284 = tpu.memref_squeeze %dma_start3A_283 : memref<1x126x96xi32, #tpu.memory_space<hbm>> -> memref<126x96xi32, #tpu.memory_space<hbm>>
      %dma_start3A_285 = arith.constant 0 : i32
      %dma_start3A_286 = arith.constant 0 : i32
      %dma_start3A_287 = tpu.memref_slice %arg3[%add3A, %dma_start3A_285, %dma_start3A_286] : memref<32x126x96xi32, #tpu.memory_space<hbm>> -> memref<1x126x96xi32, #tpu.memory_space<hbm>>
      %dma_start3A_288 = tpu.memref_squeeze %dma_start3A_287 : memref<1x126x96xi32, #tpu.memory_space<hbm>> -> memref<126x96xi32, #tpu.memory_space<hbm>>
      tpu.enqueue_dma source(%dma_start3A_288 : memref<126x96xi32, #tpu.memory_space<hbm>>) target(%arg6 : memref<126x96xi32, #tpu.memory_space<vmem>>) target_semaphore(%run_scoped3A : memref<!tpu.dma_semaphore, #tpu.memory_space<semaphore_mem>>)
      %dma_wait3A = arith.constant 0 : i32
      %dma_wait3A_289 = arith.constant 0 : i32
      %dma_wait3A_290 = tpu.memref_slice %arg3[%add3A, %dma_wait3A, %dma_wait3A_289] : memref<32x126x96xi32, #tpu.memory_space<hbm>> -> memref<1x126x96xi32, #tpu.memory_space<hbm>>
      %dma_wait3A_291 = tpu.memref_squeeze %dma_wait3A_290 : memref<1x126x96xi32, #tpu.memory_space<hbm>> -> memref<126x96xi32, #tpu.memory_space<hbm>>
      %dma_wait3A_292 = arith.constant 0 : i32
      %dma_wait3A_293 = arith.constant 0 : i32
      %dma_wait3A_294 = tpu.memref_slice %arg3[%add3A, %dma_wait3A_292, %dma_wait3A_293] : memref<32x126x96xi32, #tpu.memory_space<hbm>> -> memref<1x126x96xi32, #tpu.memory_space<hbm>>
      %dma_wait3A_295 = tpu.memref_squeeze %dma_wait3A_294 : memref<1x126x96xi32, #tpu.memory_space<hbm>> -> memref<126x96xi32, #tpu.memory_space<hbm>>
      tpu.wait_dma2 semaphore(%run_scoped3A : memref<!tpu.dma_semaphore, #tpu.memory_space<semaphore_mem>>) src(%dma_wait3A_295 : memref<126x96xi32, #tpu.memory_space<hbm>>) dst(%arg6 : memref<126x96xi32, #tpu.memory_space<vmem>>)
      tpu.yield
    }) : () -> ()
    %get3A = arith.constant 0 : i32
    %get3A_11 = arith.index_cast %get3A : i32 to index
    %get3A_12 = arith.constant 0 : index
    %get3A_13 = tpu.vector_load %arg6[%get3A_11, %get3A_12] {strides = array<i32>} : memref<126x96xi32, #tpu.memory_space<vmem>>, vector<16xi32>,
    %and3A = arith.constant 16383 : i32
    %and3A_14 = vector.broadcast %and3A : i32 to vector<16xi32>
    %and3A_15 = arith.andi %get3A_13, %and3A_14 : vector<16xi32>
    %swap3A = arith.constant 0 : i32
    %swap3A_16 = arith.index_cast %swap3A : i32 to index
    %swap3A_17 = arith.constant 0 : index
    %swap3A_18 = tpu.vector_load %arg7[%swap3A_16, %swap3A_17] {strides = array<i32>} : memref<3x96xi32, #tpu.memory_space<vmem>>, vector<16xi32>,
    tpu.vector_store %arg7[%swap3A_16, %swap3A_17], %and3A_15 {strides = array<i32>} : memref<3x96xi32, #tpu.memory_space<vmem>>, vector<16xi32>,
    %shift_right_logical3A = arith.constant 14 : i32
    %shift_right_logical3A_19 = vector.broadcast %shift_right_logical3A : i32 to vector<16xi32>
    %shift_right_logical3A_20 = arith.shrui %get3A_13, %shift_right_logical3A_19 : vector<16xi32>
    %swap3A_21 = arith.constant 0 : i32
    %swap3A_22 = arith.index_cast %swap3A_21 : i32 to index
    %swap3A_23 = arith.constant 0 : index
    %swap3A_24 = tpu.vector_load %arg8[%swap3A_22, %swap3A_23] {strides = array<i32>} : memref<3x96xi32, #tpu.memory_space<vmem>>, vector<16xi32>,
    tpu.vector_store %arg8[%swap3A_22, %swap3A_23], %shift_right_logical3A_20 {strides = array<i32>} : memref<3x96xi32, #tpu.memory_space<vmem>>, vector<16xi32>,
    %get3A_25 = arith.constant 0 : i32
    %get3A_26 = arith.index_cast %get3A_25 : i32 to index
    %get3A_27 = arith.constant 16 : index
    %get3A_28 = tpu.vector_load %arg6[%get3A_26, %get3A_27] {strides = array<i32>} : memref<126x96xi32, #tpu.memory_space<vmem>>, vector<16xi32>,
    %and3A_29 = arith.constant 16383 : i32
    %and3A_30 = vector.broadcast %and3A_29 : i32 to vector<16xi32>
    %and3A_31 = arith.andi %get3A_28, %and3A_30 : vector<16xi32>
    %swap3A_32 = arith.constant 0 : i32
    %swap3A_33 = arith.index_cast %swap3A_32 : i32 to index
    %swap3A_34 = arith.constant 16 : index
    %swap3A_35 = tpu.vector_load %arg7[%swap3A_33, %swap3A_34] {strides = array<i32>} : memref<3x96xi32, #tpu.memory_space<vmem>>, vector<16xi32>,
    tpu.vector_store %arg7[%swap3A_33, %swap3A_34], %and3A_31 {strides = array<i32>} : memref<3x96xi32, #tpu.memory_space<vmem>>, vector<16xi32>,
    %shift_right_logical3A_36 = arith.constant 14 : i32
    %shift_right_logical3A_37 = vector.broadcast %shift_right_logical3A_36 : i32 to vector<16xi32>
    %shift_right_logical3A_38 = arith.shrui %get3A_28, %shift_right_logical3A_37 : vector<16xi32>
    %swap3A_39 = arith.constant 0 : i32
    %swap3A_40 = arith.index_cast %swap3A_39 : i32 to index
    %swap3A_41 = arith.constant 16 : index
    %swap3A_42 = tpu.vector_load %arg8[%swap3A_40, %swap3A_41] {strides = array<i32>} : memref<3x96xi32, #tpu.memory_space<vmem>>, vector<16xi32>,
    tpu.vector_store %arg8[%swap3A_40, %swap3A_41], %shift_right_logical3A_38 {strides = array<i32>} : memref<3x96xi32, #tpu.memory_space<vmem>>, vector<16xi32>,
    %get3A_43 = arith.constant 0 : i32
    %get3A_44 = arith.index_cast %get3A_43 : i32 to index
    %get3A_45 = arith.constant 32 : index
    %get3A_46 = tpu.vector_load %arg6[%get3A_44, %get3A_45] {strides = array<i32>} : memref<126x96xi32, #tpu.memory_space<vmem>>, vector<16xi32>,
    %and3A_47 = arith.constant 16383 : i32
    %and3A_48 = vector.broadcast %and3A_47 : i32 to vector<16xi32>
    %and3A_49 = arith.andi %get3A_46, %and3A_48 : vector<16xi32>
    %swap3A_50 = arith.constant 0 : i32
    %swap3A_51 = arith.index_cast %swap3A_50 : i32 to index
    %swap3A_52 = arith.constant 32 : index
    %swap3A_53 = tpu.vector_load %arg7[%swap3A_51, %swap3A_52] {strides = array<i32>} : memref<3x96xi32, #tpu.memory_space<vmem>>, vector<16xi32>,
    tpu.vector_store %arg7[%swap3A_51, %swap3A_52], %and3A_49 {strides = array<i32>} : memref<3x96xi32, #tpu.memory_space<vmem>>, vector<16xi32>,
    %shift_right_logical3A_54 = arith.constant 14 : i32
    %shift_right_logical3A_55 = vector.broadcast %shift_right_logical3A_54 : i32 to vector<16xi32>
    %shift_right_logical3A_56 = arith.shrui %get3A_46, %shift_right_logical3A_55 : vector<16xi32>
    %swap3A_57 = arith.constant 0 : i32
    %swap3A_58 = arith.index_cast %swap3A_57 : i32 to index
    %swap3A_59 = arith.constant 32 : index
    %swap3A_60 = tpu.vector_load %arg8[%swap3A_58, %swap3A_59] {strides = array<i32>} : memref<3x96xi32, #tpu.memory_space<vmem>>, vector<16xi32>,
    tpu.vector_store %arg8[%swap3A_58, %swap3A_59], %shift_right_logical3A_56 {strides = array<i32>} : memref<3x96xi32, #tpu.memory_space<vmem>>, vector<16xi32>,
    %get3A_61 = arith.constant 0 : i32
    %get3A_62 = arith.index_cast %get3A_61 : i32 to index
    %get3A_63 = arith.constant 48 : index
    %get3A_64 = tpu.vector_load %arg6[%get3A_62, %get3A_63] {strides = array<i32>} : memref<126x96xi32, #tpu.memory_space<vmem>>, vector<16xi32>,
    %and3A_65 = arith.constant 16383 : i32
    %and3A_66 = vector.broadcast %and3A_65 : i32 to vector<16xi32>
    %and3A_67 = arith.andi %get3A_64, %and3A_66 : vector<16xi32>
    %swap3A_68 = arith.constant 0 : i32
    %swap3A_69 = arith.index_cast %swap3A_68 : i32 to index
    %swap3A_70 = arith.constant 48 : index
    %swap3A_71 = tpu.vector_load %arg7[%swap3A_69, %swap3A_70] {strides = array<i32>} : memref<3x96xi32, #tpu.memory_space<vmem>>, vector<16xi32>,
    tpu.vector_store %arg7[%swap3A_69, %swap3A_70], %and3A_67 {strides = array<i32>} : memref<3x96xi32, #tpu.memory_space<vmem>>, vector<16xi32>,
    %shift_right_logical3A_72 = arith.constant 14 : i32
    %shift_right_logical3A_73 = vector.broadcast %shift_right_logical3A_72 : i32 to vector<16xi32>
    %shift_right_logical3A_74 = arith.shrui %get3A_64, %shift_right_logical3A_73 : vector<16xi32>
    %swap3A_75 = arith.constant 0 : i32
    %swap3A_76 = arith.index_cast %swap3A_75 : i32 to index
    %swap3A_77 = arith.constant 48 : index
    %swap3A_78 = tpu.vector_load %arg8[%swap3A_76, %swap3A_77] {strides = array<i32>} : memref<3x96xi32, #tpu.memory_space<vmem>>, vector<16xi32>,
    tpu.vector_store %arg8[%swap3A_76, %swap3A_77], %shift_right_logical3A_74 {strides = array<i32>} : memref<3x96xi32, #tpu.memory_space<vmem>>, vector<16xi32>,
    %get3A_79 = arith.constant 0 : i32
    %get3A_80 = arith.index_cast %get3A_79 : i32 to index
    %get3A_81 = arith.constant 64 : index
    %get3A_82 = tpu.vector_load %arg6[%get3A_80, %get3A_81] {strides = array<i32>} : memref<126x96xi32, #tpu.memory_space<vmem>>, vector<16xi32>,
    %and3A_83 = arith.constant 16383 : i32
    %and3A_84 = vector.broadcast %and3A_83 : i32 to vector<16xi32>
    %and3A_85 = arith.andi %get3A_82, %and3A_84 : vector<16xi32>
    %swap3A_86 = arith.constant 0 : i32
    %swap3A_87 = arith.index_cast %swap3A_86 : i32 to index
    %swap3A_88 = arith.constant 64 : index
    %swap3A_89 = tpu.vector_load %arg7[%swap3A_87, %swap3A_88] {strides = array<i32>} : memref<3x96xi32, #tpu.memory_space<vmem>>, vector<16xi32>,
    tpu.vector_store %arg7[%swap3A_87, %swap3A_88], %and3A_85 {strides = array<i32>} : memref<3x96xi32, #tpu.memory_space<vmem>>, vector<16xi32>,
    %shift_right_logical3A_90 = arith.constant 14 : i32
    %shift_right_logical3A_91 = vector.broadcast %shift_right_logical3A_90 : i32 to vector<16xi32>
    %shift_right_logical3A_92 = arith.shrui %get3A_82, %shift_right_logical3A_91 : vector<16xi32>
    %swap3A_93 = arith.constant 0 : i32
    %swap3A_94 = arith.index_cast %swap3A_93 : i32 to index
    %swap3A_95 = arith.constant 64 : index
    %swap3A_96 = tpu.vector_load %arg8[%swap3A_94, %swap3A_95] {strides = array<i32>} : memref<3x96xi32, #tpu.memory_space<vmem>>, vector<16xi32>,
    tpu.vector_store %arg8[%swap3A_94, %swap3A_95], %shift_right_logical3A_92 {strides = array<i32>} : memref<3x96xi32, #tpu.memory_space<vmem>>, vector<16xi32>,
    %get3A_97 = arith.constant 0 : i32
    %get3A_98 = arith.index_cast %get3A_97 : i32 to index
    %get3A_99 = arith.constant 80 : index
    %get3A_100 = tpu.vector_load %arg6[%get3A_98, %get3A_99] {strides = array<i32>} : memref<126x96xi32, #tpu.memory_space<vmem>>, vector<16xi32>,
    %and3A_101 = arith.constant 16383 : i32
    %and3A_102 = vector.broadcast %and3A_101 : i32 to vector<16xi32>
    %and3A_103 = arith.andi %get3A_100, %and3A_102 : vector<16xi32>
    %swap3A_104 = arith.constant 0 : i32
    %swap3A_105 = arith.index_cast %swap3A_104 : i32 to index
    %swap3A_106 = arith.constant 80 : index
    %swap3A_107 = tpu.vector_load %arg7[%swap3A_105, %swap3A_106] {strides = array<i32>} : memref<3x96xi32, #tpu.memory_space<vmem>>, vector<16xi32>,
    tpu.vector_store %arg7[%swap3A_105, %swap3A_106], %and3A_103 {strides = array<i32>} : memref<3x96xi32, #tpu.memory_space<vmem>>, vector<16xi32>,
    %shift_right_logical3A_108 = arith.constant 14 : i32
    %shift_right_logical3A_109 = vector.broadcast %shift_right_logical3A_108 : i32 to vector<16xi32>
    %shift_right_logical3A_110 = arith.shrui %get3A_100, %shift_right_logical3A_109 : vector<16xi32>
    %swap3A_111 = arith.constant 0 : i32
    %swap3A_112 = arith.index_cast %swap3A_111 : i32 to index
    %swap3A_113 = arith.constant 80 : index
    %swap3A_114 = tpu.vector_load %arg8[%swap3A_112, %swap3A_113] {strides = array<i32>} : memref<3x96xi32, #tpu.memory_space<vmem>>, vector<16xi32>,
    tpu.vector_store %arg8[%swap3A_112, %swap3A_113], %shift_right_logical3A_110 {strides = array<i32>} : memref<3x96xi32, #tpu.memory_space<vmem>>, vector<16xi32>,
    %dma_start3A = arith.constant 0 : i32
    %dma_start3A_115 = arith.constant 0 : i32
    %dma_start3A_116 = arith.constant 0 : i32
    %dma_start3A_117 = tpu.memref_slice %arg7[%dma_start3A, %dma_start3A_116] : memref<3x96xi32, #tpu.memory_space<vmem>> -> memref<1x96xi32, #tpu.memory_space<vmem>>
    %dma_start3A_118 = tpu.memref_squeeze %dma_start3A_117 : memref<1x96xi32, #tpu.memory_space<vmem>> -> memref<96xi32, #tpu.memory_space<vmem>>
    %dma_start3A_119 = arith.constant 0 : i32
    %dma_start3A_120 = arith.constant 0 : i32
    %dma_start3A_121 = tpu.memref_slice %arg2[%dma_start3A_119, %dma_start3A_120] : memref<10000x16xf32, #tpu.memory_space<hbm>> -> memref<10000x16xf32, #tpu.memory_space<hbm>>
    %dma_start3A_122 = tpu.memref_slice %arg12[%dma_start3A_115] : memref<3x!tpu.dma_semaphore, #tpu.memory_space<semaphore_mem>> -> memref<1x!tpu.dma_semaphore, #tpu.memory_space<semaphore_mem>>
    %dma_start3A_123 = tpu.memref_squeeze %dma_start3A_122 : memref<1x!tpu.dma_semaphore, #tpu.memory_space<semaphore_mem>> -> memref<!tpu.dma_semaphore, #tpu.memory_space<semaphore_mem>>
    tpu.enqueue_indirect_dma source(%dma_start3A_121 : memref<10000x16xf32, #tpu.memory_space<hbm>>) target(%arg9 : memref<96x16xf32, #tpu.memory_space<vmem>>) offsets(%dma_start3A_118 : memref<96xi32, #tpu.memory_space<vmem>>) semaphore(%dma_start3A_123 : memref<!tpu.dma_semaphore, #tpu.memory_space<semaphore_mem>>)
    %get3A_124 = arith.constant 1 : i32
    %get3A_125 = arith.index_cast %get3A_124 : i32 to index
    %get3A_126 = arith.constant 0 : index
    %get3A_127 = tpu.vector_load %arg6[%get3A_125, %get3A_126] {strides = array<i32>} : memref<126x96xi32, #tpu.memory_space<vmem>>, vector<16xi32>,
    %and3A_128 = arith.constant 16383 : i32
    %and3A_129 = vector.broadcast %and3A_128 : i32 to vector<16xi32>
    %and3A_130 = arith.andi %get3A_127, %and3A_129 : vector<16xi32>
    %swap3A_131 = arith.constant 1 : i32
    %swap3A_132 = arith.index_cast %swap3A_131 : i32 to index
    %swap3A_133 = arith.constant 0 : index
    %swap3A_134 = tpu.vector_load %arg7[%swap3A_132, %swap3A_133] {strides = array<i32>} : memref<3x96xi32, #tpu.memory_space<vmem>>, vector<16xi32>,
    tpu.vector_store %arg7[%swap3A_132, %swap3A_133], %and3A_130 {strides = array<i32>} : memref<3x96xi32, #tpu.memory_space<vmem>>, vector<16xi32>,
    %shift_right_logical3A_135 = arith.constant 14 : i32
    %shift_right_logical3A_136 = vector.broadcast %shift_right_logical3A_135 : i32 to vector<16xi32>
    %shift_right_logical3A_137 = arith.shrui %get3A_127, %shift_right_logical3A_136 : vector<16xi32>
    %swap3A_138 = arith.constant 1 : i32
    %swap3A_139 = arith.index_cast %swap3A_138 : i32 to index
    %swap3A_140 = arith.constant 0 : index
    %swap3A_141 = tpu.vector_load %arg8[%swap3A_139, %swap3A_140] {strides = array<i32>} : memref<3x96xi32, #tpu.memory_space<vmem>>, vector<16xi32>,
    tpu.vector_store %arg8[%swap3A_139, %swap3A_140], %shift_right_logical3A_137 {strides = array<i32>} : memref<3x96xi32, #tpu.memory_space<vmem>>, vector<16xi32>,
    %get3A_142 = arith.constant 1 : i32
    %get3A_143 = arith.index_cast %get3A_142 : i32 to index
    %get3A_144 = arith.constant 16 : index
    %get3A_145 = tpu.vector_load %arg6[%get3A_143, %get3A_144] {strides = array<i32>} : memref<126x96xi32, #tpu.memory_space<vmem>>, vector<16xi32>,
    %and3A_146 = arith.constant 16383 : i32
    %and3A_147 = vector.broadcast %and3A_146 : i32 to vector<16xi32>
    %and3A_148 = arith.andi %get3A_145, %and3A_147 : vector<16xi32>
    %swap3A_149 = arith.constant 1 : i32
    %swap3A_150 = arith.index_cast %swap3A_149 : i32 to index
    %swap3A_151 = arith.constant 16 : index
    %swap3A_152 = tpu.vector_load %arg7[%swap3A_150, %swap3A_151] {strides = array<i32>} : memref<3x96xi32, #tpu.memory_space<vmem>>, vector<16xi32>,
    tpu.vector_store %arg7[%swap3A_150, %swap3A_151], %and3A_148 {strides = array<i32>} : memref<3x96xi32, #tpu.memory_space<vmem>>, vector<16xi32>,
    %shift_right_logical3A_153 = arith.constant 14 : i32
    %shift_right_logical3A_154 = vector.broadcast %shift_right_logical3A_153 : i32 to vector<16xi32>
    %shift_right_logical3A_155 = arith.shrui %get3A_145, %shift_right_logical3A_154 : vector<16xi32>
    %swap3A_156 = arith.constant 1 : i32
    %swap3A_157 = arith.index_cast %swap3A_156 : i32 to index
    %swap3A_158 = arith.constant 16 : index
    %swap3A_159 = tpu.vector_load %arg8[%swap3A_157, %swap3A_158] {strides = array<i32>} : memref<3x96xi32, #tpu.memory_space<vmem>>, vector<16xi32>,
    tpu.vector_store %arg8[%swap3A_157, %swap3A_158], %shift_right_logical3A_155 {strides = array<i32>} : memref<3x96xi32, #tpu.memory_space<vmem>>, vector<16xi32>,
    %get3A_160 = arith.constant 1 : i32
    %get3A_161 = arith.index_cast %get3A_160 : i32 to index
    %get3A_162 = arith.constant 32 : index
    %get3A_163 = tpu.vector_load %arg6[%get3A_161, %get3A_162] {strides = array<i32>} : memref<126x96xi32, #tpu.memory_space<vmem>>, vector<16xi32>,
    %and3A_164 = arith.constant 16383 : i32
    %and3A_165 = vector.broadcast %and3A_164 : i32 to vector<16xi32>
    %and3A_166 = arith.andi %get3A_163, %and3A_165 : vector<16xi32>
    %swap3A_167 = arith.constant 1 : i32
    %swap3A_168 = arith.index_cast %swap3A_167 : i32 to index
    %swap3A_169 = arith.constant 32 : index
    %swap3A_170 = tpu.vector_load %arg7[%swap3A_168, %swap3A_169] {strides = array<i32>} : memref<3x96xi32, #tpu.memory_space<vmem>>, vector<16xi32>,
    tpu.vector_store %arg7[%swap3A_168, %swap3A_169], %and3A_166 {strides = array<i32>} : memref<3x96xi32, #tpu.memory_space<vmem>>, vector<16xi32>,
    %shift_right_logical3A_171 = arith.constant 14 : i32
    %shift_right_logical3A_172 = vector.broadcast %shift_right_logical3A_171 : i32 to vector<16xi32>
    %shift_right_logical3A_173 = arith.shrui %get3A_163, %shift_right_logical3A_172 : vector<16xi32>
    %swap3A_174 = arith.constant 1 : i32
    %swap3A_175 = arith.index_cast %swap3A_174 : i32 to index
    %swap3A_176 = arith.constant 32 : index
    %swap3A_177 = tpu.vector_load %arg8[%swap3A_175, %swap3A_176] {strides = array<i32>} : memref<3x96xi32, #tpu.memory_space<vmem>>, vector<16xi32>,
    tpu.vector_store %arg8[%swap3A_175, %swap3A_176], %shift_right_logical3A_173 {strides = array<i32>} : memref<3x96xi32, #tpu.memory_space<vmem>>, vector<16xi32>,
    %get3A_178 = arith.constant 1 : i32
    %get3A_179 = arith.index_cast %get3A_178 : i32 to index
    %get3A_180 = arith.constant 48 : index
    %get3A_181 = tpu.vector_load %arg6[%get3A_179, %get3A_180] {strides = array<i32>} : memref<126x96xi32, #tpu.memory_space<vmem>>, vector<16xi32>,
    %and3A_182 = arith.constant 16383 : i32
    %and3A_183 = vector.broadcast %and3A_182 : i32 to vector<16xi32>
    %and3A_184 = arith.andi %get3A_181, %and3A_183 : vector<16xi32>
    %swap3A_185 = arith.constant 1 : i32
    %swap3A_186 = arith.index_cast %swap3A_185 : i32 to index
    %swap3A_187 = arith.constant 48 : index
    %swap3A_188 = tpu.vector_load %arg7[%swap3A_186, %swap3A_187] {strides = array<i32>} : memref<3x96xi32, #tpu.memory_space<vmem>>, vector<16xi32>,
    tpu.vector_store %arg7[%swap3A_186, %swap3A_187], %and3A_184 {strides = array<i32>} : memref<3x96xi32, #tpu.memory_space<vmem>>, vector<16xi32>,
    %shift_right_logical3A_189 = arith.constant 14 : i32
    %shift_right_logical3A_190 = vector.broadcast %shift_right_logical3A_189 : i32 to vector<16xi32>
    %shift_right_logical3A_191 = arith.shrui %get3A_181, %shift_right_logical3A_190 : vector<16xi32>
    %swap3A_192 = arith.constant 1 : i32
    %swap3A_193 = arith.index_cast %swap3A_192 : i32 to index
    %swap3A_194 = arith.constant 48 : index
    %swap3A_195 = tpu.vector_load %arg8[%swap3A_193, %swap3A_194] {strides = array<i32>} : memref<3x96xi32, #tpu.memory_space<vmem>>, vector<16xi32>,
    tpu.vector_store %arg8[%swap3A_193, %swap3A_194], %shift_right_logical3A_191 {strides = array<i32>} : memref<3x96xi32, #tpu.memory_space<vmem>>, vector<16xi32>,
    %get3A_196 = arith.constant 1 : i32
    %get3A_197 = arith.index_cast %get3A_196 : i32 to index
    %get3A_198 = arith.constant 64 : index
    %get3A_199 = tpu.vector_load %arg6[%get3A_197, %get3A_198] {strides = array<i32>} : memref<126x96xi32, #tpu.memory_space<vmem>>, vector<16xi32>,
    %and3A_200 = arith.constant 16383 : i32
    %and3A_201 = vector.broadcast %and3A_200 : i32 to vector<16xi32>
    %and3A_202 = arith.andi %get3A_199, %and3A_201 : vector<16xi32>
    %swap3A_203 = arith.constant 1 : i32
    %swap3A_204 = arith.index_cast %swap3A_203 : i32 to index
    %swap3A_205 = arith.constant 64 : index
    %swap3A_206 = tpu.vector_load %arg7[%swap3A_204, %swap3A_205] {strides = array<i32>} : memref<3x96xi32, #tpu.memory_space<vmem>>, vector<16xi32>,
    tpu.vector_store %arg7[%swap3A_204, %swap3A_205], %and3A_202 {strides = array<i32>} : memref<3x96xi32, #tpu.memory_space<vmem>>, vector<16xi32>,
    %shift_right_logical3A_207 = arith.constant 14 : i32
    %shift_right_logical3A_208 = vector.broadcast %shift_right_logical3A_207 : i32 to vector<16xi32>
    %shift_right_logical3A_209 = arith.shrui %get3A_199, %shift_right_logical3A_208 : vector<16xi32>
    %swap3A_210 = arith.constant 1 : i32
    %swap3A_211 = arith.index_cast %swap3A_210 : i32 to index
    %swap3A_212 = arith.constant 64 : index
    %swap3A_213 = tpu.vector_load %arg8[%swap3A_211, %swap3A_212] {strides = array<i32>} : memref<3x96xi32, #tpu.memory_space<vmem>>, vector<16xi32>,
    tpu.vector_store %arg8[%swap3A_211, %swap3A_212], %shift_right_logical3A_209 {strides = array<i32>} : memref<3x96xi32, #tpu.memory_space<vmem>>, vector<16xi32>,
    %get3A_214 = arith.constant 1 : i32
    %get3A_215 = arith.index_cast %get3A_214 : i32 to index
    %get3A_216 = arith.constant 80 : index
    %get3A_217 = tpu.vector_load %arg6[%get3A_215, %get3A_216] {strides = array<i32>} : memref<126x96xi32, #tpu.memory_space<vmem>>, vector<16xi32>,
    %and3A_218 = arith.constant 16383 : i32
    %and3A_219 = vector.broadcast %and3A_218 : i32 to vector<16xi32>
    %and3A_220 = arith.andi %get3A_217, %and3A_219 : vector<16xi32>
    %swap3A_221 = arith.constant 1 : i32
    %swap3A_222 = arith.index_cast %swap3A_221 : i32 to index
    %swap3A_223 = arith.constant 80 : index
    %swap3A_224 = tpu.vector_load %arg7[%swap3A_222, %swap3A_223] {strides = array<i32>} : memref<3x96xi32, #tpu.memory_space<vmem>>, vector<16xi32>,
    tpu.vector_store %arg7[%swap3A_222, %swap3A_223], %and3A_220 {strides = array<i32>} : memref<3x96xi32, #tpu.memory_space<vmem>>, vector<16xi32>,
    %shift_right_logical3A_225 = arith.constant 14 : i32
    %shift_right_logical3A_226 = vector.broadcast %shift_right_logical3A_225 : i32 to vector<16xi32>
    %shift_right_logical3A_227 = arith.shrui %get3A_217, %shift_right_logical3A_226 : vector<16xi32>
    %swap3A_228 = arith.constant 1 : i32
    %swap3A_229 = arith.index_cast %swap3A_228 : i32 to index
    %swap3A_230 = arith.constant 80 : index
    %swap3A_231 = tpu.vector_load %arg8[%swap3A_229, %swap3A_230] {strides = array<i32>} : memref<3x96xi32, #tpu.memory_space<vmem>>, vector<16xi32>,
    tpu.vector_store %arg8[%swap3A_229, %swap3A_230], %shift_right_logical3A_227 {strides = array<i32>} : memref<3x96xi32, #tpu.memory_space<vmem>>, vector<16xi32>,
    %dma_start3A_232 = arith.constant 1 : i32
    %dma_start3A_233 = arith.constant 1 : i32
    %dma_start3A_234 = arith.constant 0 : i32
    %dma_start3A_235 = tpu.memref_slice %arg7[%dma_start3A_232, %dma_start3A_234] : memref<3x96xi32, #tpu.memory_space<vmem>> -> memref<1x96xi32, #tpu.memory_space<vmem>>
    %dma_start3A_236 = tpu.memref_squeeze %dma_start3A_235 : memref<1x96xi32, #tpu.memory_space<vmem>> -> memref<96xi32, #tpu.memory_space<vmem>>
    %dma_start3A_237 = arith.constant 0 : i32
    %dma_start3A_238 = arith.constant 0 : i32
    %dma_start3A_239 = tpu.memref_slice %arg2[%dma_start3A_237, %dma_start3A_238] : memref<10000x16xf32, #tpu.memory_space<hbm>> -> memref<10000x16xf32, #tpu.memory_space<hbm>>
    %dma_start3A_240 = tpu.memref_slice %arg12[%dma_start3A_233] : memref<3x!tpu.dma_semaphore, #tpu.memory_space<semaphore_mem>> -> memref<1x!tpu.dma_semaphore, #tpu.memory_space<semaphore_mem>>
    %dma_start3A_241 = tpu.memref_squeeze %dma_start3A_240 : memref<1x!tpu.dma_semaphore, #tpu.memory_space<semaphore_mem>> -> memref<!tpu.dma_semaphore, #tpu.memory_space<semaphore_mem>>
    tpu.enqueue_indirect_dma source(%dma_start3A_239 : memref<10000x16xf32, #tpu.memory_space<hbm>>) target(%arg10 : memref<96x16xf32, #tpu.memory_space<vmem>>) offsets(%dma_start3A_236 : memref<96xi32, #tpu.memory_space<vmem>>) semaphore(%dma_start3A_241 : memref<!tpu.dma_semaphore, #tpu.memory_space<semaphore_mem>>)
    %barrier3A = arith.constant 0 : index
    tpu.barrier barrier_id(%barrier3A)
    %jit3A = arith.constant 3 : i32
    %div3A = arith.divsi %select_n3A_3, %jit3A : i32
    %sign3A = arith.constant 0 : i32
    %sign3A_242 = arith.cmpi sgt, %select_n3A_3, %sign3A : i32
    %sign3A_243 = arith.extui %sign3A_242 : i1 to i32
    %sign3A_244 = arith.constant 0 : i32
    %sign3A_245 = arith.cmpi slt, %select_n3A_3, %sign3A_244 : i32
    %sign3A_246 = arith.extui %sign3A_245 : i1 to i32
    %sign3A_247 = arith.subi %sign3A_243, %sign3A_246 : i32
    %sign3A_248 = arith.constant 0 : i32
    %sign3A_249 = arith.cmpi sgt, %jit3A, %sign3A_248 : i32
    %sign3A_250 = arith.extui %sign3A_249 : i1 to i32
    %sign3A_251 = arith.constant 0 : i32
    %sign3A_252 = arith.cmpi slt, %jit3A, %sign3A_251 : i32
    %sign3A_253 = arith.extui %sign3A_252 : i1 to i32
    %sign3A_254 = arith.subi %sign3A_250, %sign3A_253 : i32
    %ne3A = arith.cmpi ne, %sign3A_247, %sign3A_254 : i32
    %rem3A = arith.remsi %select_n3A_3, %jit3A : i32
    %ne3A_255 = arith.constant 0 : i32
    %ne3A_256 = arith.cmpi ne, %rem3A, %ne3A_255 : i32
    %and3A_257 = arith.andi %ne3A, %ne3A_256 : i1
    %sub3A = arith.constant 1 : i32
    %sub3A_258 = arith.subi %div3A, %sub3A : i32
    %select_n3A_259 = arith.select %and3A_257, %sub3A_258, %div3A : i32
    %while3A = arith.constant 0 : i32
    %while3A_260 = arith.constant 0 : i32
    %while3A_261 = arith.subi %select_n3A_259, %while3A : i32
    %while3A_262 = arith.addi %while3A, %while3A_261 : i32
    %while3A_263 = arith.constant 1 : i32
    %while3A_264 = arith.divsi %while3A_261, %while3A_263 : i32
    %while3A_265 = arith.muli %while3A_264, %while3A_263 : i32
    %while3A_266 = arith.addi %while3A, %while3A_265 : i32
    %while3A_267 = arith.constant 1 : i32
    %while3A_268 = scf.for %while3A_281 = %while3A to %while3A_266 step %while3A_267 iter_args(%while3A_282 = %while3A_260) -> (i32)  : i32 {
      %mul3A_283 = arith.constant 3 : i32
      %mul3A_284 = arith.muli %while3A_281, %mul3A_283 : i32
      %add3A_285 = arith.constant 0 : i32
      %add3A_286 = arith.addi %mul3A_284, %add3A_285 : i32
      %add3A_287 = arith.constant 3 : i32
      %add3A_288 = arith.addi %add3A_286, %add3A_287 : i32
      %sub3A_289 = arith.constant 1 : i32
      %sub3A_290 = arith.subi %add3A_288, %sub3A_289 : i32
      %lt3A = arith.cmpi slt, %sub3A_290, %select_n3A_3 : i32
      %convert_element_type3A_291 = arith.extui %lt3A : i1 to i32
      %cond3A_292 = arith.constant 0 : i32
      %cond3A_293 = arith.cmpi ne, %convert_element_type3A_291, %cond3A_292 : i32
      scf.if %cond3A_293 {
        %add3A_350 = arith.constant 3 : i32
        %add3A_351 = arith.addi %add3A_286, %add3A_350 : i32
        %sub3A_352 = arith.constant 1 : i32
        %sub3A_353 = arith.subi %add3A_351, %sub3A_352 : i32
        %get3A_354 = arith.index_cast %sub3A_353 : i32 to index
        %get3A_355 = arith.constant 0 : index
        %get3A_356 = tpu.vector_load %arg6[%get3A_354, %get3A_355] {strides = array<i32>} : memref<126x96xi32, #tpu.memory_space<vmem>>, vector<16xi32>,
        %and3A_357 = arith.constant 16383 : i32
        %and3A_358 = vector.broadcast %and3A_357 : i32 to vector<16xi32>
        %and3A_359 = arith.andi %get3A_356, %and3A_358 : vector<16xi32>
        %swap3A_360 = arith.constant 2 : i32
        %swap3A_361 = arith.index_cast %swap3A_360 : i32 to index
        %swap3A_362 = arith.constant 0 : index
        %swap3A_363 = tpu.vector_load %arg7[%swap3A_361, %swap3A_362] {strides = array<i32>} : memref<3x96xi32, #tpu.memory_space<vmem>>, vector<16xi32>,
        tpu.vector_store %arg7[%swap3A_361, %swap3A_362], %and3A_359 {strides = array<i32>} : memref<3x96xi32, #tpu.memory_space<vmem>>, vector<16xi32>,
        %shift_right_logical3A_364 = arith.constant 14 : i32
        %shift_right_logical3A_365 = vector.broadcast %shift_right_logical3A_364 : i32 to vector<16xi32>
        %shift_right_logical3A_366 = arith.shrui %get3A_356, %shift_right_logical3A_365 : vector<16xi32>
        %swap3A_367 = arith.constant 2 : i32
        %swap3A_368 = arith.index_cast %swap3A_367 : i32 to index
        %swap3A_369 = arith.constant 0 : index
        %swap3A_370 = tpu.vector_load %arg8[%swap3A_368, %swap3A_369] {strides = array<i32>} : memref<3x96xi32, #tpu.memory_space<vmem>>, vector<16xi32>,
        tpu.vector_store %arg8[%swap3A_368, %swap3A_369], %shift_right_logical3A_366 {strides = array<i32>} : memref<3x96xi32, #tpu.memory_space<vmem>>, vector<16xi32>,
        %get3A_371 = arith.index_cast %sub3A_353 : i32 to index
        %get3A_372 = arith.constant 16 : index
        %get3A_373 = tpu.vector_load %arg6[%get3A_371, %get3A_372] {strides = array<i32>} : memref<126x96xi32, #tpu.memory_space<vmem>>, vector<16xi32>,
        %and3A_374 = arith.constant 16383 : i32
        %and3A_375 = vector.broadcast %and3A_374 : i32 to vector<16xi32>
        %and3A_376 = arith.andi %get3A_373, %and3A_375 : vector<16xi32>
        %swap3A_377 = arith.constant 2 : i32
        %swap3A_378 = arith.index_cast %swap3A_377 : i32 to index
        %swap3A_379 = arith.constant 16 : index
        %swap3A_380 = tpu.vector_load %arg7[%swap3A_378, %swap3A_379] {strides = array<i32>} : memref<3x96xi32, #tpu.memory_space<vmem>>, vector<16xi32>,
        tpu.vector_store %arg7[%swap3A_378, %swap3A_379], %and3A_376 {strides = array<i32>} : memref<3x96xi32, #tpu.memory_space<vmem>>, vector<16xi32>,
        %shift_right_logical3A_381 = arith.constant 14 : i32
        %shift_right_logical3A_382 = vector.broadcast %shift_right_logical3A_381 : i32 to vector<16xi32>
        %shift_right_logical3A_383 = arith.shrui %get3A_373, %shift_right_logical3A_382 : vector<16xi32>
        %swap3A_384 = arith.constant 2 : i32
        %swap3A_385 = arith.index_cast %swap3A_384 : i32 to index
        %swap3A_386 = arith.constant 16 : index
        %swap3A_387 = tpu.vector_load %arg8[%swap3A_385, %swap3A_386] {strides = array<i32>} : memref<3x96xi32, #tpu.memory_space<vmem>>, vector<16xi32>,
        tpu.vector_store %arg8[%swap3A_385, %swap3A_386], %shift_right_logical3A_383 {strides = array<i32>} : memref<3x96xi32, #tpu.memory_space<vmem>>, vector<16xi32>,
        %get3A_388 = arith.index_cast %sub3A_353 : i32 to index
        %get3A_389 = arith.constant 32 : index
        %get3A_390 = tpu.vector_load %arg6[%get3A_388, %get3A_389] {strides = array<i32>} : memref<126x96xi32, #tpu.memory_space<vmem>>, vector<16xi32>,
        %and3A_391 = arith.constant 16383 : i32
        %and3A_392 = vector.broadcast %and3A_391 : i32 to vector<16xi32>
        %and3A_393 = arith.andi %get3A_390, %and3A_392 : vector<16xi32>
        %swap3A_394 = arith.constant 2 : i32
        %swap3A_395 = arith.index_cast %swap3A_394 : i32 to index
        %swap3A_396 = arith.constant 32 : index
        %swap3A_397 = tpu.vector_load %arg7[%swap3A_395, %swap3A_396] {strides = array<i32>} : memref<3x96xi32, #tpu.memory_space<vmem>>, vector<16xi32>,
        tpu.vector_store %arg7[%swap3A_395, %swap3A_396], %and3A_393 {strides = array<i32>} : memref<3x96xi32, #tpu.memory_space<vmem>>, vector<16xi32>,
        %shift_right_logical3A_398 = arith.constant 14 : i32
        %shift_right_logical3A_399 = vector.broadcast %shift_right_logical3A_398 : i32 to vector<16xi32>
        %shift_right_logical3A_400 = arith.shrui %get3A_390, %shift_right_logical3A_399 : vector<16xi32>
        %swap3A_401 = arith.constant 2 : i32
        %swap3A_402 = arith.index_cast %swap3A_401 : i32 to index
        %swap3A_403 = arith.constant 32 : index
        %swap3A_404 = tpu.vector_load %arg8[%swap3A_402, %swap3A_403] {strides = array<i32>} : memref<3x96xi32, #tpu.memory_space<vmem>>, vector<16xi32>,
        tpu.vector_store %arg8[%swap3A_402, %swap3A_403], %shift_right_logical3A_400 {strides = array<i32>} : memref<3x96xi32, #tpu.memory_space<vmem>>, vector<16xi32>,
        %get3A_405 = arith.index_cast %sub3A_353 : i32 to index
        %get3A_406 = arith.constant 48 : index
        %get3A_407 = tpu.vector_load %arg6[%get3A_405, %get3A_406] {strides = array<i32>} : memref<126x96xi32, #tpu.memory_space<vmem>>, vector<16xi32>,
        %and3A_408 = arith.constant 16383 : i32
        %and3A_409 = vector.broadcast %and3A_408 : i32 to vector<16xi32>
        %and3A_410 = arith.andi %get3A_407, %and3A_409 : vector<16xi32>
        %swap3A_411 = arith.constant 2 : i32
        %swap3A_412 = arith.index_cast %swap3A_411 : i32 to index
        %swap3A_413 = arith.constant 48 : index
        %swap3A_414 = tpu.vector_load %arg7[%swap3A_412, %swap3A_413] {strides = array<i32>} : memref<3x96xi32, #tpu.memory_space<vmem>>, vector<16xi32>,
        tpu.vector_store %arg7[%swap3A_412, %swap3A_413], %and3A_410 {strides = array<i32>} : memref<3x96xi32, #tpu.memory_space<vmem>>, vector<16xi32>,
        %shift_right_logical3A_415 = arith.constant 14 : i32
        %shift_right_logical3A_416 = vector.broadcast %shift_right_logical3A_415 : i32 to vector<16xi32>
        %shift_right_logical3A_417 = arith.shrui %get3A_407, %shift_right_logical3A_416 : vector<16xi32>
        %swap3A_418 = arith.constant 2 : i32
        %swap3A_419 = arith.index_cast %swap3A_418 : i32 to index
        %swap3A_420 = arith.constant 48 : index
        %swap3A_421 = tpu.vector_load %arg8[%swap3A_419, %swap3A_420] {strides = array<i32>} : memref<3x96xi32, #tpu.memory_space<vmem>>, vector<16xi32>,
        tpu.vector_store %arg8[%swap3A_419, %swap3A_420], %shift_right_logical3A_417 {strides = array<i32>} : memref<3x96xi32, #tpu.memory_space<vmem>>, vector<16xi32>,
        %get3A_422 = arith.index_cast %sub3A_353 : i32 to index
        %get3A_423 = arith.constant 64 : index
        %get3A_424 = tpu.vector_load %arg6[%get3A_422, %get3A_423] {strides = array<i32>} : memref<126x96xi32, #tpu.memory_space<vmem>>, vector<16xi32>,
        %and3A_425 = arith.constant 16383 : i32
        %and3A_426 = vector.broadcast %and3A_425 : i32 to vector<16xi32>
        %and3A_427 = arith.andi %get3A_424, %and3A_426 : vector<16xi32>
        %swap3A_428 = arith.constant 2 : i32
        %swap3A_429 = arith.index_cast %swap3A_428 : i32 to index
        %swap3A_430 = arith.constant 64 : index
        %swap3A_431 = tpu.vector_load %arg7[%swap3A_429, %swap3A_430] {strides = array<i32>} : memref<3x96xi32, #tpu.memory_space<vmem>>, vector<16xi32>,
        tpu.vector_store %arg7[%swap3A_429, %swap3A_430], %and3A_427 {strides = array<i32>} : memref<3x96xi32, #tpu.memory_space<vmem>>, vector<16xi32>,
        %shift_right_logical3A_432 = arith.constant 14 : i32
        %shift_right_logical3A_433 = vector.broadcast %shift_right_logical3A_432 : i32 to vector<16xi32>
        %shift_right_logical3A_434 = arith.shrui %get3A_424, %shift_right_logical3A_433 : vector<16xi32>
        %swap3A_435 = arith.constant 2 : i32
        %swap3A_436 = arith.index_cast %swap3A_435 : i32 to index
        %swap3A_437 = arith.constant 64 : index
        %swap3A_438 = tpu.vector_load %arg8[%swap3A_436, %swap3A_437] {strides = array<i32>} : memref<3x96xi32, #tpu.memory_space<vmem>>, vector<16xi32>,
        tpu.vector_store %arg8[%swap3A_436, %swap3A_437], %shift_right_logical3A_434 {strides = array<i32>} : memref<3x96xi32, #tpu.memory_space<vmem>>, vector<16xi32>,
        %get3A_439 = arith.index_cast %sub3A_353 : i32 to index
        %get3A_440 = arith.constant 80 : index
        %get3A_441 = tpu.vector_load %arg6[%get3A_439, %get3A_440] {strides = array<i32>} : memref<126x96xi32, #tpu.memory_space<vmem>>, vector<16xi32>,
        %and3A_442 = arith.constant 16383 : i32
        %and3A_443 = vector.broadcast %and3A_442 : i32 to vector<16xi32>
        %and3A_444 = arith.andi %get3A_441, %and3A_443 : vector<16xi32>
        %swap3A_445 = arith.constant 2 : i32
        %swap3A_446 = arith.index_cast %swap3A_445 : i32 to index
        %swap3A_447 = arith.constant 80 : index
        %swap3A_448 = tpu.vector_load %arg7[%swap3A_446, %swap3A_447] {strides = array<i32>} : memref<3x96xi32, #tpu.memory_space<vmem>>, vector<16xi32>,
        tpu.vector_store %arg7[%swap3A_446, %swap3A_447], %and3A_444 {strides = array<i32>} : memref<3x96xi32, #tpu.memory_space<vmem>>, vector<16xi32>,
        %shift_right_logical3A_449 = arith.constant 14 : i32
        %shift_right_logical3A_450 = vector.broadcast %shift_right_logical3A_449 : i32 to vector<16xi32>
        %shift_right_logical3A_451 = arith.shrui %get3A_441, %shift_right_logical3A_450 : vector<16xi32>
        %swap3A_452 = arith.constant 2 : i32
        %swap3A_453 = arith.index_cast %swap3A_452 : i32 to index
        %swap3A_454 = arith.constant 80 : index
        %swap3A_455 = tpu.vector_load %arg8[%swap3A_453, %swap3A_454] {strides = array<i32>} : memref<3x96xi32, #tpu.memory_space<vmem>>, vector<16xi32>,
        tpu.vector_store %arg8[%swap3A_453, %swap3A_454], %shift_right_logical3A_451 {strides = array<i32>} : memref<3x96xi32, #tpu.memory_space<vmem>>, vector<16xi32>,
        %add3A_456 = arith.constant 3 : i32
        %add3A_457 = arith.addi %add3A_286, %add3A_456 : i32
        %sub3A_458 = arith.constant 1 : i32
        %sub3A_459 = arith.subi %add3A_457, %sub3A_458 : i32
        %dma_start3A_460 = arith.constant 2 : i32
        %dma_start3A_461 = arith.constant 2 : i32
        %dma_start3A_462 = arith.constant 0 : i32
        %dma_start3A_463 = tpu.memref_slice %arg7[%dma_start3A_460, %dma_start3A_462] : memref<3x96xi32, #tpu.memory_space<vmem>> -> memref<1x96xi32, #tpu.memory_space<vmem>>
        %dma_start3A_464 = tpu.memref_squeeze %dma_start3A_463 : memref<1x96xi32, #tpu.memory_space<vmem>> -> memref<96xi32, #tpu.memory_space<vmem>>
        %dma_start3A_465 = arith.constant 0 : i32
        %dma_start3A_466 = arith.constant 0 : i32
        %dma_start3A_467 = tpu.memref_slice %arg2[%dma_start3A_465, %dma_start3A_466] : memref<10000x16xf32, #tpu.memory_space<hbm>> -> memref<10000x16xf32, #tpu.memory_space<hbm>>
        %dma_start3A_468 = tpu.memref_slice %arg12[%dma_start3A_461] : memref<3x!tpu.dma_semaphore, #tpu.memory_space<semaphore_mem>> -> memref<1x!tpu.dma_semaphore, #tpu.memory_space<semaphore_mem>>
        %dma_start3A_469 = tpu.memref_squeeze %dma_start3A_468 : memref<1x!tpu.dma_semaphore, #tpu.memory_space<semaphore_mem>> -> memref<!tpu.dma_semaphore, #tpu.memory_space<semaphore_mem>>
        tpu.enqueue_indirect_dma source(%dma_start3A_467 : memref<10000x16xf32, #tpu.memory_space<hbm>>) target(%arg11 : memref<96x16xf32, #tpu.memory_space<vmem>>) offsets(%dma_start3A_464 : memref<96xi32, #tpu.memory_space<vmem>>) semaphore(%dma_start3A_469 : memref<!tpu.dma_semaphore, #tpu.memory_space<semaphore_mem>>)
      } else {
      }
      %dma_wait3A = arith.constant 0 : i32
      %dma_wait3A_294 = arith.constant 0 : i32
      %dma_wait3A_295 = arith.constant 0 : i32
      %dma_wait3A_296 = tpu.memref_slice %arg7[%dma_wait3A, %dma_wait3A_295] : memref<3x96xi32, #tpu.memory_space<vmem>> -> memref<1x96xi32, #tpu.memory_space<vmem>>
      %dma_wait3A_297 = tpu.memref_squeeze %dma_wait3A_296 : memref<1x96xi32, #tpu.memory_space<vmem>> -> memref<96xi32, #tpu.memory_space<vmem>>
      %dma_wait3A_298 = arith.constant 0 : i32
      %dma_wait3A_299 = arith.constant 0 : i32
      %dma_wait3A_300 = tpu.memref_slice %arg2[%dma_wait3A_298, %dma_wait3A_299] : memref<10000x16xf32, #tpu.memory_space<hbm>> -> memref<10000x16xf32, #tpu.memory_space<hbm>>
      %dma_wait3A_301 = tpu.memref_slice %arg12[%dma_wait3A_294] : memref<3x!tpu.dma_semaphore, #tpu.memory_space<semaphore_mem>> -> memref<1x!tpu.dma_semaphore, #tpu.memory_space<semaphore_mem>>
      %dma_wait3A_302 = tpu.memref_squeeze %dma_wait3A_301 : memref<1x!tpu.dma_semaphore, #tpu.memory_space<semaphore_mem>> -> memref<!tpu.dma_semaphore, #tpu.memory_space<semaphore_mem>>
      tpu.wait_indirect_dma semaphore(%dma_wait3A_302 : memref<!tpu.dma_semaphore, #tpu.memory_space<semaphore_mem>>) src(%dma_wait3A_300 : memref<10000x16xf32, #tpu.memory_space<hbm>>) dst(%arg9 : memref<96x16xf32, #tpu.memory_space<vmem>>)
      %run_scoped3A = arith.constant 0 : i32
      "tpu.region"() ({
        %run_scoped3A_350 = tpu.sem_alloc : memref<!tpu.dma_semaphore, #tpu.memory_space<semaphore_mem>>
        %dma_start3A_351 = arith.constant 0 : i32
        %dma_start3A_352 = tpu.memref_slice %arg8[%run_scoped3A, %dma_start3A_351] : memref<3x96xi32, #tpu.memory_space<vmem>> -> memref<1x96xi32, #tpu.memory_space<vmem>>
        %dma_start3A_353 = tpu.memref_squeeze %dma_start3A_352 : memref<1x96xi32, #tpu.memory_space<vmem>> -> memref<96xi32, #tpu.memory_space<vmem>>
        %dma_start3A_354 = arith.constant 0 : i32
        %dma_start3A_355 = arith.constant 0 : i32
        %dma_start3A_356 = tpu.memref_slice %arg5[%dma_start3A_354, %dma_start3A_355] : memref<10016x16xf32, #tpu.memory_space<vmem_shared>> -> memref<10016x16xf32, #tpu.memory_space<vmem_shared>>
        tpu.enqueue_indirect_dma source(%arg9 : memref<96x16xf32, #tpu.memory_space<vmem>>) target(%dma_start3A_356 : memref<10016x16xf32, #tpu.memory_space<vmem_shared>>) offsets(%dma_start3A_353 : memref<96xi32, #tpu.memory_space<vmem>>) semaphore(%run_scoped3A_350 : memref<!tpu.dma_semaphore, #tpu.memory_space<semaphore_mem>>) {add = true}
        %dma_wait3A_357 = arith.constant 0 : i32
        %dma_wait3A_358 = tpu.memref_slice %arg8[%run_scoped3A, %dma_wait3A_357] : memref<3x96xi32, #tpu.memory_space<vmem>> -> memref<1x96xi32, #tpu.memory_space<vmem>>
        %dma_wait3A_359 = tpu.memref_squeeze %dma_wait3A_358 : memref<1x96xi32, #tpu.memory_space<vmem>> -> memref<96xi32, #tpu.memory_space<vmem>>
        %dma_wait3A_360 = arith.constant 0 : i32
        %dma_wait3A_361 = arith.constant 0 : i32
        %dma_wait3A_362 = tpu.memref_slice %arg5[%dma_wait3A_360, %dma_wait3A_361] : memref<10016x16xf32, #tpu.memory_space<vmem_shared>> -> memref<10016x16xf32, #tpu.memory_space<vmem_shared>>
        tpu.wait_indirect_dma semaphore(%run_scoped3A_350 : memref<!tpu.dma_semaphore, #tpu.memory_space<semaphore_mem>>) src(%arg9 : memref<96x16xf32, #tpu.memory_space<vmem>>) dst(%dma_wait3A_362 : memref<10016x16xf32, #tpu.memory_space<vmem_shared>>)
        tpu.yield
      }) : () -> ()
      %mul3A_303 = arith.constant 3 : i32
      %mul3A_304 = arith.muli %while3A_281, %mul3A_303 : i32
      %add3A_305 = arith.constant 1 : i32
      %add3A_306 = arith.addi %mul3A_304, %add3A_305 : i32
      %add3A_307 = arith.constant 3 : i32
      %add3A_308 = arith.addi %add3A_306, %add3A_307 : i32
      %sub3A_309 = arith.constant 1 : i32
      %sub3A_310 = arith.subi %add3A_308, %sub3A_309 : i32
      %lt3A_311 = arith.cmpi slt, %sub3A_310, %select_n3A_3 : i32
      %convert_element_type3A_312 = arith.extui %lt3A_311 : i1 to i32
      %cond3A_313 = arith.constant 0 : i32
      %cond3A_314 = arith.cmpi ne, %convert_element_type3A_312, %cond3A_313 : i32
      scf.if %cond3A_314 {
        %add3A_350 = arith.constant 3 : i32
        %add3A_351 = arith.addi %add3A_306, %add3A_350 : i32
        %sub3A_352 = arith.constant 1 : i32
        %sub3A_353 = arith.subi %add3A_351, %sub3A_352 : i32
        %get3A_354 = arith.index_cast %sub3A_353 : i32 to index
        %get3A_355 = arith.constant 0 : index
        %get3A_356 = tpu.vector_load %arg6[%get3A_354, %get3A_355] {strides = array<i32>} : memref<126x96xi32, #tpu.memory_space<vmem>>, vector<16xi32>,
        %and3A_357 = arith.constant 16383 : i32
        %and3A_358 = vector.broadcast %and3A_357 : i32 to vector<16xi32>
        %and3A_359 = arith.andi %get3A_356, %and3A_358 : vector<16xi32>
        %swap3A_360 = arith.constant 0 : i32
        %swap3A_361 = arith.index_cast %swap3A_360 : i32 to index
        %swap3A_362 = arith.constant 0 : index
        %swap3A_363 = tpu.vector_load %arg7[%swap3A_361, %swap3A_362] {strides = array<i32>} : memref<3x96xi32, #tpu.memory_space<vmem>>, vector<16xi32>,
        tpu.vector_store %arg7[%swap3A_361, %swap3A_362], %and3A_359 {strides = array<i32>} : memref<3x96xi32, #tpu.memory_space<vmem>>, vector<16xi32>,
        %shift_right_logical3A_364 = arith.constant 14 : i32
        %shift_right_logical3A_365 = vector.broadcast %shift_right_logical3A_364 : i32 to vector<16xi32>
        %shift_right_logical3A_366 = arith.shrui %get3A_356, %shift_right_logical3A_365 : vector<16xi32>
        %swap3A_367 = arith.constant 0 : i32
        %swap3A_368 = arith.index_cast %swap3A_367 : i32 to index
        %swap3A_369 = arith.constant 0 : index
        %swap3A_370 = tpu.vector_load %arg8[%swap3A_368, %swap3A_369] {strides = array<i32>} : memref<3x96xi32, #tpu.memory_space<vmem>>, vector<16xi32>,
        tpu.vector_store %arg8[%swap3A_368, %swap3A_369], %shift_right_logical3A_366 {strides = array<i32>} : memref<3x96xi32, #tpu.memory_space<vmem>>, vector<16xi32>,
        %get3A_371 = arith.index_cast %sub3A_353 : i32 to index
        %get3A_372 = arith.constant 16 : index
        %get3A_373 = tpu.vector_load %arg6[%get3A_371, %get3A_372] {strides = array<i32>} : memref<126x96xi32, #tpu.memory_space<vmem>>, vector<16xi32>,
        %and3A_374 = arith.constant 16383 : i32
        %and3A_375 = vector.broadcast %and3A_374 : i32 to vector<16xi32>
        %and3A_376 = arith.andi %get3A_373, %and3A_375 : vector<16xi32>
        %swap3A_377 = arith.constant 0 : i32
        %swap3A_378 = arith.index_cast %swap3A_377 : i32 to index
        %swap3A_379 = arith.constant 16 : index
        %swap3A_380 = tpu.vector_load %arg7[%swap3A_378, %swap3A_379] {strides = array<i32>} : memref<3x96xi32, #tpu.memory_space<vmem>>, vector<16xi32>,
        tpu.vector_store %arg7[%swap3A_378, %swap3A_379], %and3A_376 {strides = array<i32>} : memref<3x96xi32, #tpu.memory_space<vmem>>, vector<16xi32>,
        %shift_right_logical3A_381 = arith.constant 14 : i32
        %shift_right_logical3A_382 = vector.broadcast %shift_right_logical3A_381 : i32 to vector<16xi32>
        %shift_right_logical3A_383 = arith.shrui %get3A_373, %shift_right_logical3A_382 : vector<16xi32>
        %swap3A_384 = arith.constant 0 : i32
        %swap3A_385 = arith.index_cast %swap3A_384 : i32 to index
        %swap3A_386 = arith.constant 16 : index
        %swap3A_387 = tpu.vector_load %arg8[%swap3A_385, %swap3A_386] {strides = array<i32>} : memref<3x96xi32, #tpu.memory_space<vmem>>, vector<16xi32>,
        tpu.vector_store %arg8[%swap3A_385, %swap3A_386], %shift_right_logical3A_383 {strides = array<i32>} : memref<3x96xi32, #tpu.memory_space<vmem>>, vector<16xi32>,
        %get3A_388 = arith.index_cast %sub3A_353 : i32 to index
        %get3A_389 = arith.constant 32 : index
        %get3A_390 = tpu.vector_load %arg6[%get3A_388, %get3A_389] {strides = array<i32>} : memref<126x96xi32, #tpu.memory_space<vmem>>, vector<16xi32>,
        %and3A_391 = arith.constant 16383 : i32
        %and3A_392 = vector.broadcast %and3A_391 : i32 to vector<16xi32>
        %and3A_393 = arith.andi %get3A_390, %and3A_392 : vector<16xi32>
        %swap3A_394 = arith.constant 0 : i32
        %swap3A_395 = arith.index_cast %swap3A_394 : i32 to index
        %swap3A_396 = arith.constant 32 : index
        %swap3A_397 = tpu.vector_load %arg7[%swap3A_395, %swap3A_396] {strides = array<i32>} : memref<3x96xi32, #tpu.memory_space<vmem>>, vector<16xi32>,
        tpu.vector_store %arg7[%swap3A_395, %swap3A_396], %and3A_393 {strides = array<i32>} : memref<3x96xi32, #tpu.memory_space<vmem>>, vector<16xi32>,
        %shift_right_logical3A_398 = arith.constant 14 : i32
        %shift_right_logical3A_399 = vector.broadcast %shift_right_logical3A_398 : i32 to vector<16xi32>
        %shift_right_logical3A_400 = arith.shrui %get3A_390, %shift_right_logical3A_399 : vector<16xi32>
        %swap3A_401 = arith.constant 0 : i32
        %swap3A_402 = arith.index_cast %swap3A_401 : i32 to index
        %swap3A_403 = arith.constant 32 : index
        %swap3A_404 = tpu.vector_load %arg8[%swap3A_402, %swap3A_403] {strides = array<i32>} : memref<3x96xi32, #tpu.memory_space<vmem>>, vector<16xi32>,
        tpu.vector_store %arg8[%swap3A_402, %swap3A_403], %shift_right_logical3A_400 {strides = array<i32>} : memref<3x96xi32, #tpu.memory_space<vmem>>, vector<16xi32>,
        %get3A_405 = arith.index_cast %sub3A_353 : i32 to index
        %get3A_406 = arith.constant 48 : index
        %get3A_407 = tpu.vector_load %arg6[%get3A_405, %get3A_406] {strides = array<i32>} : memref<126x96xi32, #tpu.memory_space<vmem>>, vector<16xi32>,
        %and3A_408 = arith.constant 16383 : i32
        %and3A_409 = vector.broadcast %and3A_408 : i32 to vector<16xi32>
        %and3A_410 = arith.andi %get3A_407, %and3A_409 : vector<16xi32>
        %swap3A_411 = arith.constant 0 : i32
        %swap3A_412 = arith.index_cast %swap3A_411 : i32 to index
        %swap3A_413 = arith.constant 48 : index
        %swap3A_414 = tpu.vector_load %arg7[%swap3A_412, %swap3A_413] {strides = array<i32>} : memref<3x96xi32, #tpu.memory_space<vmem>>, vector<16xi32>,
        tpu.vector_store %arg7[%swap3A_412, %swap3A_413], %and3A_410 {strides = array<i32>} : memref<3x96xi32, #tpu.memory_space<vmem>>, vector<16xi32>,
        %shift_right_logical3A_415 = arith.constant 14 : i32
        %shift_right_logical3A_416 = vector.broadcast %shift_right_logical3A_415 : i32 to vector<16xi32>
        %shift_right_logical3A_417 = arith.shrui %get3A_407, %shift_right_logical3A_416 : vector<16xi32>
        %swap3A_418 = arith.constant 0 : i32
        %swap3A_419 = arith.index_cast %swap3A_418 : i32 to index
        %swap3A_420 = arith.constant 48 : index
        %swap3A_421 = tpu.vector_load %arg8[%swap3A_419, %swap3A_420] {strides = array<i32>} : memref<3x96xi32, #tpu.memory_space<vmem>>, vector<16xi32>,
        tpu.vector_store %arg8[%swap3A_419, %swap3A_420], %shift_right_logical3A_417 {strides = array<i32>} : memref<3x96xi32, #tpu.memory_space<vmem>>, vector<16xi32>,
        %get3A_422 = arith.index_cast %sub3A_353 : i32 to index
        %get3A_423 = arith.constant 64 : index
        %get3A_424 = tpu.vector_load %arg6[%get3A_422, %get3A_423] {strides = array<i32>} : memref<126x96xi32, #tpu.memory_space<vmem>>, vector<16xi32>,
        %and3A_425 = arith.constant 16383 : i32
        %and3A_426 = vector.broadcast %and3A_425 : i32 to vector<16xi32>
        %and3A_427 = arith.andi %get3A_424, %and3A_426 : vector<16xi32>
        %swap3A_428 = arith.constant 0 : i32
        %swap3A_429 = arith.index_cast %swap3A_428 : i32 to index
        %swap3A_430 = arith.constant 64 : index
        %swap3A_431 = tpu.vector_load %arg7[%swap3A_429, %swap3A_430] {strides = array<i32>} : memref<3x96xi32, #tpu.memory_space<vmem>>, vector<16xi32>,
        tpu.vector_store %arg7[%swap3A_429, %swap3A_430], %and3A_427 {strides = array<i32>} : memref<3x96xi32, #tpu.memory_space<vmem>>, vector<16xi32>,
        %shift_right_logical3A_432 = arith.constant 14 : i32
        %shift_right_logical3A_433 = vector.broadcast %shift_right_logical3A_432 : i32 to vector<16xi32>
        %shift_right_logical3A_434 = arith.shrui %get3A_424, %shift_right_logical3A_433 : vector<16xi32>
        %swap3A_435 = arith.constant 0 : i32
        %swap3A_436 = arith.index_cast %swap3A_435 : i32 to index
        %swap3A_437 = arith.constant 64 : index
        %swap3A_438 = tpu.vector_load %arg8[%swap3A_436, %swap3A_437] {strides = array<i32>} : memref<3x96xi32, #tpu.memory_space<vmem>>, vector<16xi32>,
        tpu.vector_store %arg8[%swap3A_436, %swap3A_437], %shift_right_logical3A_434 {strides = array<i32>} : memref<3x96xi32, #tpu.memory_space<vmem>>, vector<16xi32>,
        %get3A_439 = arith.index_cast %sub3A_353 : i32 to index
        %get3A_440 = arith.constant 80 : index
        %get3A_441 = tpu.vector_load %arg6[%get3A_439, %get3A_440] {strides = array<i32>} : memref<126x96xi32, #tpu.memory_space<vmem>>, vector<16xi32>,
        %and3A_442 = arith.constant 16383 : i32
        %and3A_443 = vector.broadcast %and3A_442 : i32 to vector<16xi32>
        %and3A_444 = arith.andi %get3A_441, %and3A_443 : vector<16xi32>
        %swap3A_445 = arith.constant 0 : i32
        %swap3A_446 = arith.index_cast %swap3A_445 : i32 to index
        %swap3A_447 = arith.constant 80 : index
        %swap3A_448 = tpu.vector_load %arg7[%swap3A_446, %swap3A_447] {strides = array<i32>} : memref<3x96xi32, #tpu.memory_space<vmem>>, vector<16xi32>,
        tpu.vector_store %arg7[%swap3A_446, %swap3A_447], %and3A_444 {strides = array<i32>} : memref<3x96xi32, #tpu.memory_space<vmem>>, vector<16xi32>,
        %shift_right_logical3A_449 = arith.constant 14 : i32
        %shift_right_logical3A_450 = vector.broadcast %shift_right_logical3A_449 : i32 to vector<16xi32>
        %shift_right_logical3A_451 = arith.shrui %get3A_441, %shift_right_logical3A_450 : vector<16xi32>
        %swap3A_452 = arith.constant 0 : i32
        %swap3A_453 = arith.index_cast %swap3A_452 : i32 to index
        %swap3A_454 = arith.constant 80 : index
        %swap3A_455 = tpu.vector_load %arg8[%swap3A_453, %swap3A_454] {strides = array<i32>} : memref<3x96xi32, #tpu.memory_space<vmem>>, vector<16xi32>,
        tpu.vector_store %arg8[%swap3A_453, %swap3A_454], %shift_right_logical3A_451 {strides = array<i32>} : memref<3x96xi32, #tpu.memory_space<vmem>>, vector<16xi32>,
        %add3A_456 = arith.constant 3 : i32
        %add3A_457 = arith.addi %add3A_306, %add3A_456 : i32
        %sub3A_458 = arith.constant 1 : i32
        %sub3A_459 = arith.subi %add3A_457, %sub3A_458 : i32
        %dma_start3A_460 = arith.constant 0 : i32
        %dma_start3A_461 = arith.constant 0 : i32
        %dma_start3A_462 = arith.constant 0 : i32
        %dma_start3A_463 = tpu.memref_slice %arg7[%dma_start3A_460, %dma_start3A_462] : memref<3x96xi32, #tpu.memory_space<vmem>> -> memref<1x96xi32, #tpu.memory_space<vmem>>
        %dma_start3A_464 = tpu.memref_squeeze %dma_start3A_463 : memref<1x96xi32, #tpu.memory_space<vmem>> -> memref<96xi32, #tpu.memory_space<vmem>>
        %dma_start3A_465 = arith.constant 0 : i32
        %dma_start3A_466 = arith.constant 0 : i32
        %dma_start3A_467 = tpu.memref_slice %arg2[%dma_start3A_465, %dma_start3A_466] : memref<10000x16xf32, #tpu.memory_space<hbm>> -> memref<10000x16xf32, #tpu.memory_space<hbm>>
        %dma_start3A_468 = tpu.memref_slice %arg12[%dma_start3A_461] : memref<3x!tpu.dma_semaphore, #tpu.memory_space<semaphore_mem>> -> memref<1x!tpu.dma_semaphore, #tpu.memory_space<semaphore_mem>>
        %dma_start3A_469 = tpu.memref_squeeze %dma_start3A_468 : memref<1x!tpu.dma_semaphore, #tpu.memory_space<semaphore_mem>> -> memref<!tpu.dma_semaphore, #tpu.memory_space<semaphore_mem>>
        tpu.enqueue_indirect_dma source(%dma_start3A_467 : memref<10000x16xf32, #tpu.memory_space<hbm>>) target(%arg9 : memref<96x16xf32, #tpu.memory_space<vmem>>) offsets(%dma_start3A_464 : memref<96xi32, #tpu.memory_space<vmem>>) semaphore(%dma_start3A_469 : memref<!tpu.dma_semaphore, #tpu.memory_space<semaphore_mem>>)
      } else {
      }
      %dma_wait3A_315 = arith.constant 1 : i32
      %dma_wait3A_316 = arith.constant 1 : i32
      %dma_wait3A_317 = arith.constant 0 : i32
      %dma_wait3A_318 = tpu.memref_slice %arg7[%dma_wait3A_315, %dma_wait3A_317] : memref<3x96xi32, #tpu.memory_space<vmem>> -> memref<1x96xi32, #tpu.memory_space<vmem>>
      %dma_wait3A_319 = tpu.memref_squeeze %dma_wait3A_318 : memref<1x96xi32, #tpu.memory_space<vmem>> -> memref<96xi32, #tpu.memory_space<vmem>>
      %dma_wait3A_320 = arith.constant 0 : i32
      %dma_wait3A_321 = arith.constant 0 : i32
      %dma_wait3A_322 = tpu.memref_slice %arg2[%dma_wait3A_320, %dma_wait3A_321] : memref<10000x16xf32, #tpu.memory_space<hbm>> -> memref<10000x16xf32, #tpu.memory_space<hbm>>
      %dma_wait3A_323 = tpu.memref_slice %arg12[%dma_wait3A_316] : memref<3x!tpu.dma_semaphore, #tpu.memory_space<semaphore_mem>> -> memref<1x!tpu.dma_semaphore, #tpu.memory_space<semaphore_mem>>
      %dma_wait3A_324 = tpu.memref_squeeze %dma_wait3A_323 : memref<1x!tpu.dma_semaphore, #tpu.memory_space<semaphore_mem>> -> memref<!tpu.dma_semaphore, #tpu.memory_space<semaphore_mem>>
      tpu.wait_indirect_dma semaphore(%dma_wait3A_324 : memref<!tpu.dma_semaphore, #tpu.memory_space<semaphore_mem>>) src(%dma_wait3A_322 : memref<10000x16xf32, #tpu.memory_space<hbm>>) dst(%arg10 : memref<96x16xf32, #tpu.memory_space<vmem>>)
      %run_scoped3A_325 = arith.constant 1 : i32
      "tpu.region"() ({
        %run_scoped3A_350 = tpu.sem_alloc : memref<!tpu.dma_semaphore, #tpu.memory_space<semaphore_mem>>
        %dma_start3A_351 = arith.constant 0 : i32
        %dma_start3A_352 = tpu.memref_slice %arg8[%run_scoped3A_325, %dma_start3A_351] : memref<3x96xi32, #tpu.memory_space<vmem>> -> memref<1x96xi32, #tpu.memory_space<vmem>>
        %dma_start3A_353 = tpu.memref_squeeze %dma_start3A_352 : memref<1x96xi32, #tpu.memory_space<vmem>> -> memref<96xi32, #tpu.memory_space<vmem>>
        %dma_start3A_354 = arith.constant 0 : i32
        %dma_start3A_355 = arith.constant 0 : i32
        %dma_start3A_356 = tpu.memref_slice %arg5[%dma_start3A_354, %dma_start3A_355] : memref<10016x16xf32, #tpu.memory_space<vmem_shared>> -> memref<10016x16xf32, #tpu.memory_space<vmem_shared>>
        tpu.enqueue_indirect_dma source(%arg10 : memref<96x16xf32, #tpu.memory_space<vmem>>) target(%dma_start3A_356 : memref<10016x16xf32, #tpu.memory_space<vmem_shared>>) offsets(%dma_start3A_353 : memref<96xi32, #tpu.memory_space<vmem>>) semaphore(%run_scoped3A_350 : memref<!tpu.dma_semaphore, #tpu.memory_space<semaphore_mem>>) {add = true}
        %dma_wait3A_357 = arith.constant 0 : i32
        %dma_wait3A_358 = tpu.memref_slice %arg8[%run_scoped3A_325, %dma_wait3A_357] : memref<3x96xi32, #tpu.memory_space<vmem>> -> memref<1x96xi32, #tpu.memory_space<vmem>>
        %dma_wait3A_359 = tpu.memref_squeeze %dma_wait3A_358 : memref<1x96xi32, #tpu.memory_space<vmem>> -> memref<96xi32, #tpu.memory_space<vmem>>
        %dma_wait3A_360 = arith.constant 0 : i32
        %dma_wait3A_361 = arith.constant 0 : i32
        %dma_wait3A_362 = tpu.memref_slice %arg5[%dma_wait3A_360, %dma_wait3A_361] : memref<10016x16xf32, #tpu.memory_space<vmem_shared>> -> memref<10016x16xf32, #tpu.memory_space<vmem_shared>>
        tpu.wait_indirect_dma semaphore(%run_scoped3A_350 : memref<!tpu.dma_semaphore, #tpu.memory_space<semaphore_mem>>) src(%arg10 : memref<96x16xf32, #tpu.memory_space<vmem>>) dst(%dma_wait3A_362 : memref<10016x16xf32, #tpu.memory_space<vmem_shared>>)
        tpu.yield
      }) : () -> ()
      %mul3A_326 = arith.constant 3 : i32
      %mul3A_327 = arith.muli %while3A_281, %mul3A_326 : i32
      %add3A_328 = arith.constant 2 : i32
      %add3A_329 = arith.addi %mul3A_327, %add3A_328 : i32
      %add3A_330 = arith.constant 3 : i32
      %add3A_331 = arith.addi %add3A_329, %add3A_330 : i32
      %sub3A_332 = arith.constant 1 : i32
      %sub3A_333 = arith.subi %add3A_331, %sub3A_332 : i32
      %lt3A_334 = arith.cmpi slt, %sub3A_333, %select_n3A_3 : i32
      %convert_element_type3A_335 = arith.extui %lt3A_334 : i1 to i32
      %cond3A_336 = arith.constant 0 : i32
      %cond3A_337 = arith.cmpi ne, %convert_element_type3A_335, %cond3A_336 : i32
      scf.if %cond3A_337 {
        %add3A_350 = arith.constant 3 : i32
        %add3A_351 = arith.addi %add3A_329, %add3A_350 : i32
        %sub3A_352 = arith.constant 1 : i32
        %sub3A_353 = arith.subi %add3A_351, %sub3A_352 : i32
        %get3A_354 = arith.index_cast %sub3A_353 : i32 to index
        %get3A_355 = arith.constant 0 : index
        %get3A_356 = tpu.vector_load %arg6[%get3A_354, %get3A_355] {strides = array<i32>} : memref<126x96xi32, #tpu.memory_space<vmem>>, vector<16xi32>,
        %and3A_357 = arith.constant 16383 : i32
        %and3A_358 = vector.broadcast %and3A_357 : i32 to vector<16xi32>
        %and3A_359 = arith.andi %get3A_356, %and3A_358 : vector<16xi32>
        %swap3A_360 = arith.constant 1 : i32
        %swap3A_361 = arith.index_cast %swap3A_360 : i32 to index
        %swap3A_362 = arith.constant 0 : index
        %swap3A_363 = tpu.vector_load %arg7[%swap3A_361, %swap3A_362] {strides = array<i32>} : memref<3x96xi32, #tpu.memory_space<vmem>>, vector<16xi32>,
        tpu.vector_store %arg7[%swap3A_361, %swap3A_362], %and3A_359 {strides = array<i32>} : memref<3x96xi32, #tpu.memory_space<vmem>>, vector<16xi32>,
        %shift_right_logical3A_364 = arith.constant 14 : i32
        %shift_right_logical3A_365 = vector.broadcast %shift_right_logical3A_364 : i32 to vector<16xi32>
        %shift_right_logical3A_366 = arith.shrui %get3A_356, %shift_right_logical3A_365 : vector<16xi32>
        %swap3A_367 = arith.constant 1 : i32
        %swap3A_368 = arith.index_cast %swap3A_367 : i32 to index
        %swap3A_369 = arith.constant 0 : index
        %swap3A_370 = tpu.vector_load %arg8[%swap3A_368, %swap3A_369] {strides = array<i32>} : memref<3x96xi32, #tpu.memory_space<vmem>>, vector<16xi32>,
        tpu.vector_store %arg8[%swap3A_368, %swap3A_369], %shift_right_logical3A_366 {strides = array<i32>} : memref<3x96xi32, #tpu.memory_space<vmem>>, vector<16xi32>,
        %get3A_371 = arith.index_cast %sub3A_353 : i32 to index
        %get3A_372 = arith.constant 16 : index
        %get3A_373 = tpu.vector_load %arg6[%get3A_371, %get3A_372] {strides = array<i32>} : memref<126x96xi32, #tpu.memory_space<vmem>>, vector<16xi32>,
        %and3A_374 = arith.constant 16383 : i32
        %and3A_375 = vector.broadcast %and3A_374 : i32 to vector<16xi32>
        %and3A_376 = arith.andi %get3A_373, %and3A_375 : vector<16xi32>
        %swap3A_377 = arith.constant 1 : i32
        %swap3A_378 = arith.index_cast %swap3A_377 : i32 to index
        %swap3A_379 = arith.constant 16 : index
        %swap3A_380 = tpu.vector_load %arg7[%swap3A_378, %swap3A_379] {strides = array<i32>} : memref<3x96xi32, #tpu.memory_space<vmem>>, vector<16xi32>,
        tpu.vector_store %arg7[%swap3A_378, %swap3A_379], %and3A_376 {strides = array<i32>} : memref<3x96xi32, #tpu.memory_space<vmem>>, vector<16xi32>,
        %shift_right_logical3A_381 = arith.constant 14 : i32
        %shift_right_logical3A_382 = vector.broadcast %shift_right_logical3A_381 : i32 to vector<16xi32>
        %shift_right_logical3A_383 = arith.shrui %get3A_373, %shift_right_logical3A_382 : vector<16xi32>
        %swap3A_384 = arith.constant 1 : i32
        %swap3A_385 = arith.index_cast %swap3A_384 : i32 to index
        %swap3A_386 = arith.constant 16 : index
        %swap3A_387 = tpu.vector_load %arg8[%swap3A_385, %swap3A_386] {strides = array<i32>} : memref<3x96xi32, #tpu.memory_space<vmem>>, vector<16xi32>,
        tpu.vector_store %arg8[%swap3A_385, %swap3A_386], %shift_right_logical3A_383 {strides = array<i32>} : memref<3x96xi32, #tpu.memory_space<vmem>>, vector<16xi32>,
        %get3A_388 = arith.index_cast %sub3A_353 : i32 to index
        %get3A_389 = arith.constant 32 : index
        %get3A_390 = tpu.vector_load %arg6[%get3A_388, %get3A_389] {strides = array<i32>} : memref<126x96xi32, #tpu.memory_space<vmem>>, vector<16xi32>,
        %and3A_391 = arith.constant 16383 : i32
        %and3A_392 = vector.broadcast %and3A_391 : i32 to vector<16xi32>
        %and3A_393 = arith.andi %get3A_390, %and3A_392 : vector<16xi32>
        %swap3A_394 = arith.constant 1 : i32
        %swap3A_395 = arith.index_cast %swap3A_394 : i32 to index
        %swap3A_396 = arith.constant 32 : index
        %swap3A_397 = tpu.vector_load %arg7[%swap3A_395, %swap3A_396] {strides = array<i32>} : memref<3x96xi32, #tpu.memory_space<vmem>>, vector<16xi32>,
        tpu.vector_store %arg7[%swap3A_395, %swap3A_396], %and3A_393 {strides = array<i32>} : memref<3x96xi32, #tpu.memory_space<vmem>>, vector<16xi32>,
        %shift_right_logical3A_398 = arith.constant 14 : i32
        %shift_right_logical3A_399 = vector.broadcast %shift_right_logical3A_398 : i32 to vector<16xi32>
        %shift_right_logical3A_400 = arith.shrui %get3A_390, %shift_right_logical3A_399 : vector<16xi32>
        %swap3A_401 = arith.constant 1 : i32
        %swap3A_402 = arith.index_cast %swap3A_401 : i32 to index
        %swap3A_403 = arith.constant 32 : index
        %swap3A_404 = tpu.vector_load %arg8[%swap3A_402, %swap3A_403] {strides = array<i32>} : memref<3x96xi32, #tpu.memory_space<vmem>>, vector<16xi32>,
        tpu.vector_store %arg8[%swap3A_402, %swap3A_403], %shift_right_logical3A_400 {strides = array<i32>} : memref<3x96xi32, #tpu.memory_space<vmem>>, vector<16xi32>,
        %get3A_405 = arith.index_cast %sub3A_353 : i32 to index
        %get3A_406 = arith.constant 48 : index
        %get3A_407 = tpu.vector_load %arg6[%get3A_405, %get3A_406] {strides = array<i32>} : memref<126x96xi32, #tpu.memory_space<vmem>>, vector<16xi32>,
        %and3A_408 = arith.constant 16383 : i32
        %and3A_409 = vector.broadcast %and3A_408 : i32 to vector<16xi32>
        %and3A_410 = arith.andi %get3A_407, %and3A_409 : vector<16xi32>
        %swap3A_411 = arith.constant 1 : i32
        %swap3A_412 = arith.index_cast %swap3A_411 : i32 to index
        %swap3A_413 = arith.constant 48 : index
        %swap3A_414 = tpu.vector_load %arg7[%swap3A_412, %swap3A_413] {strides = array<i32>} : memref<3x96xi32, #tpu.memory_space<vmem>>, vector<16xi32>,
        tpu.vector_store %arg7[%swap3A_412, %swap3A_413], %and3A_410 {strides = array<i32>} : memref<3x96xi32, #tpu.memory_space<vmem>>, vector<16xi32>,
        %shift_right_logical3A_415 = arith.constant 14 : i32
        %shift_right_logical3A_416 = vector.broadcast %shift_right_logical3A_415 : i32 to vector<16xi32>
        %shift_right_logical3A_417 = arith.shrui %get3A_407, %shift_right_logical3A_416 : vector<16xi32>
        %swap3A_418 = arith.constant 1 : i32
        %swap3A_419 = arith.index_cast %swap3A_418 : i32 to index
        %swap3A_420 = arith.constant 48 : index
        %swap3A_421 = tpu.vector_load %arg8[%swap3A_419, %swap3A_420] {strides = array<i32>} : memref<3x96xi32, #tpu.memory_space<vmem>>, vector<16xi32>,
        tpu.vector_store %arg8[%swap3A_419, %swap3A_420], %shift_right_logical3A_417 {strides = array<i32>} : memref<3x96xi32, #tpu.memory_space<vmem>>, vector<16xi32>,
        %get3A_422 = arith.index_cast %sub3A_353 : i32 to index
        %get3A_423 = arith.constant 64 : index
        %get3A_424 = tpu.vector_load %arg6[%get3A_422, %get3A_423] {strides = array<i32>} : memref<126x96xi32, #tpu.memory_space<vmem>>, vector<16xi32>,
        %and3A_425 = arith.constant 16383 : i32
        %and3A_426 = vector.broadcast %and3A_425 : i32 to vector<16xi32>
        %and3A_427 = arith.andi %get3A_424, %and3A_426 : vector<16xi32>
        %swap3A_428 = arith.constant 1 : i32
        %swap3A_429 = arith.index_cast %swap3A_428 : i32 to index
        %swap3A_430 = arith.constant 64 : index
        %swap3A_431 = tpu.vector_load %arg7[%swap3A_429, %swap3A_430] {strides = array<i32>} : memref<3x96xi32, #tpu.memory_space<vmem>>, vector<16xi32>,
        tpu.vector_store %arg7[%swap3A_429, %swap3A_430], %and3A_427 {strides = array<i32>} : memref<3x96xi32, #tpu.memory_space<vmem>>, vector<16xi32>,
        %shift_right_logical3A_432 = arith.constant 14 : i32
        %shift_right_logical3A_433 = vector.broadcast %shift_right_logical3A_432 : i32 to vector<16xi32>
        %shift_right_logical3A_434 = arith.shrui %get3A_424, %shift_right_logical3A_433 : vector<16xi32>
        %swap3A_435 = arith.constant 1 : i32
        %swap3A_436 = arith.index_cast %swap3A_435 : i32 to index
        %swap3A_437 = arith.constant 64 : index
        %swap3A_438 = tpu.vector_load %arg8[%swap3A_436, %swap3A_437] {strides = array<i32>} : memref<3x96xi32, #tpu.memory_space<vmem>>, vector<16xi32>,
        tpu.vector_store %arg8[%swap3A_436, %swap3A_437], %shift_right_logical3A_434 {strides = array<i32>} : memref<3x96xi32, #tpu.memory_space<vmem>>, vector<16xi32>,
        %get3A_439 = arith.index_cast %sub3A_353 : i32 to index
        %get3A_440 = arith.constant 80 : index
        %get3A_441 = tpu.vector_load %arg6[%get3A_439, %get3A_440] {strides = array<i32>} : memref<126x96xi32, #tpu.memory_space<vmem>>, vector<16xi32>,
        %and3A_442 = arith.constant 16383 : i32
        %and3A_443 = vector.broadcast %and3A_442 : i32 to vector<16xi32>
        %and3A_444 = arith.andi %get3A_441, %and3A_443 : vector<16xi32>
        %swap3A_445 = arith.constant 1 : i32
        %swap3A_446 = arith.index_cast %swap3A_445 : i32 to index
        %swap3A_447 = arith.constant 80 : index
        %swap3A_448 = tpu.vector_load %arg7[%swap3A_446, %swap3A_447] {strides = array<i32>} : memref<3x96xi32, #tpu.memory_space<vmem>>, vector<16xi32>,
        tpu.vector_store %arg7[%swap3A_446, %swap3A_447], %and3A_444 {strides = array<i32>} : memref<3x96xi32, #tpu.memory_space<vmem>>, vector<16xi32>,
        %shift_right_logical3A_449 = arith.constant 14 : i32
        %shift_right_logical3A_450 = vector.broadcast %shift_right_logical3A_449 : i32 to vector<16xi32>
        %shift_right_logical3A_451 = arith.shrui %get3A_441, %shift_right_logical3A_450 : vector<16xi32>
        %swap3A_452 = arith.constant 1 : i32
        %swap3A_453 = arith.index_cast %swap3A_452 : i32 to index
        %swap3A_454 = arith.constant 80 : index
        %swap3A_455 = tpu.vector_load %arg8[%swap3A_453, %swap3A_454] {strides = array<i32>} : memref<3x96xi32, #tpu.memory_space<vmem>>, vector<16xi32>,
        tpu.vector_store %arg8[%swap3A_453, %swap3A_454], %shift_right_logical3A_451 {strides = array<i32>} : memref<3x96xi32, #tpu.memory_space<vmem>>, vector<16xi32>,
        %add3A_456 = arith.constant 3 : i32
        %add3A_457 = arith.addi %add3A_329, %add3A_456 : i32
        %sub3A_458 = arith.constant 1 : i32
        %sub3A_459 = arith.subi %add3A_457, %sub3A_458 : i32
        %dma_start3A_460 = arith.constant 1 : i32
        %dma_start3A_461 = arith.constant 1 : i32
        %dma_start3A_462 = arith.constant 0 : i32
        %dma_start3A_463 = tpu.memref_slice %arg7[%dma_start3A_460, %dma_start3A_462] : memref<3x96xi32, #tpu.memory_space<vmem>> -> memref<1x96xi32, #tpu.memory_space<vmem>>
        %dma_start3A_464 = tpu.memref_squeeze %dma_start3A_463 : memref<1x96xi32, #tpu.memory_space<vmem>> -> memref<96xi32, #tpu.memory_space<vmem>>
        %dma_start3A_465 = arith.constant 0 : i32
        %dma_start3A_466 = arith.constant 0 : i32
        %dma_start3A_467 = tpu.memref_slice %arg2[%dma_start3A_465, %dma_start3A_466] : memref<10000x16xf32, #tpu.memory_space<hbm>> -> memref<10000x16xf32, #tpu.memory_space<hbm>>
        %dma_start3A_468 = tpu.memref_slice %arg12[%dma_start3A_461] : memref<3x!tpu.dma_semaphore, #tpu.memory_space<semaphore_mem>> -> memref<1x!tpu.dma_semaphore, #tpu.memory_space<semaphore_mem>>
        %dma_start3A_469 = tpu.memref_squeeze %dma_start3A_468 : memref<1x!tpu.dma_semaphore, #tpu.memory_space<semaphore_mem>> -> memref<!tpu.dma_semaphore, #tpu.memory_space<semaphore_mem>>
        tpu.enqueue_indirect_dma source(%dma_start3A_467 : memref<10000x16xf32, #tpu.memory_space<hbm>>) target(%arg10 : memref<96x16xf32, #tpu.memory_space<vmem>>) offsets(%dma_start3A_464 : memref<96xi32, #tpu.memory_space<vmem>>) semaphore(%dma_start3A_469 : memref<!tpu.dma_semaphore, #tpu.memory_space<semaphore_mem>>)
      } else {
      }
      %dma_wait3A_338 = arith.constant 2 : i32
      %dma_wait3A_339 = arith.constant 2 : i32
      %dma_wait3A_340 = arith.constant 0 : i32
      %dma_wait3A_341 = tpu.memref_slice %arg7[%dma_wait3A_338, %dma_wait3A_340] : memref<3x96xi32, #tpu.memory_space<vmem>> -> memref<1x96xi32, #tpu.memory_space<vmem>>
      %dma_wait3A_342 = tpu.memref_squeeze %dma_wait3A_341 : memref<1x96xi32, #tpu.memory_space<vmem>> -> memref<96xi32, #tpu.memory_space<vmem>>
      %dma_wait3A_343 = arith.constant 0 : i32
      %dma_wait3A_344 = arith.constant 0 : i32
      %dma_wait3A_345 = tpu.memref_slice %arg2[%dma_wait3A_343, %dma_wait3A_344] : memref<10000x16xf32, #tpu.memory_space<hbm>> -> memref<10000x16xf32, #tpu.memory_space<hbm>>
      %dma_wait3A_346 = tpu.memref_slice %arg12[%dma_wait3A_339] : memref<3x!tpu.dma_semaphore, #tpu.memory_space<semaphore_mem>> -> memref<1x!tpu.dma_semaphore, #tpu.memory_space<semaphore_mem>>
      %dma_wait3A_347 = tpu.memref_squeeze %dma_wait3A_346 : memref<1x!tpu.dma_semaphore, #tpu.memory_space<semaphore_mem>> -> memref<!tpu.dma_semaphore, #tpu.memory_space<semaphore_mem>>
      tpu.wait_indirect_dma semaphore(%dma_wait3A_347 : memref<!tpu.dma_semaphore, #tpu.memory_space<semaphore_mem>>) src(%dma_wait3A_345 : memref<10000x16xf32, #tpu.memory_space<hbm>>) dst(%arg11 : memref<96x16xf32, #tpu.memory_space<vmem>>)
      %run_scoped3A_348 = arith.constant 2 : i32
      "tpu.region"() ({
        %run_scoped3A_350 = tpu.sem_alloc : memref<!tpu.dma_semaphore, #tpu.memory_space<semaphore_mem>>
        %dma_start3A_351 = arith.constant 0 : i32
        %dma_start3A_352 = tpu.memref_slice %arg8[%run_scoped3A_348, %dma_start3A_351] : memref<3x96xi32, #tpu.memory_space<vmem>> -> memref<1x96xi32, #tpu.memory_space<vmem>>
        %dma_start3A_353 = tpu.memref_squeeze %dma_start3A_352 : memref<1x96xi32, #tpu.memory_space<vmem>> -> memref<96xi32, #tpu.memory_space<vmem>>
        %dma_start3A_354 = arith.constant 0 : i32
        %dma_start3A_355 = arith.constant 0 : i32
        %dma_start3A_356 = tpu.memref_slice %arg5[%dma_start3A_354, %dma_start3A_355] : memref<10016x16xf32, #tpu.memory_space<vmem_shared>> -> memref<10016x16xf32, #tpu.memory_space<vmem_shared>>
        tpu.enqueue_indirect_dma source(%arg11 : memref<96x16xf32, #tpu.memory_space<vmem>>) target(%dma_start3A_356 : memref<10016x16xf32, #tpu.memory_space<vmem_shared>>) offsets(%dma_start3A_353 : memref<96xi32, #tpu.memory_space<vmem>>) semaphore(%run_scoped3A_350 : memref<!tpu.dma_semaphore, #tpu.memory_space<semaphore_mem>>) {add = true}
        %dma_wait3A_357 = arith.constant 0 : i32
        %dma_wait3A_358 = tpu.memref_slice %arg8[%run_scoped3A_348, %dma_wait3A_357] : memref<3x96xi32, #tpu.memory_space<vmem>> -> memref<1x96xi32, #tpu.memory_space<vmem>>
        %dma_wait3A_359 = tpu.memref_squeeze %dma_wait3A_358 : memref<1x96xi32, #tpu.memory_space<vmem>> -> memref<96xi32, #tpu.memory_space<vmem>>
        %dma_wait3A_360 = arith.constant 0 : i32
        %dma_wait3A_361 = arith.constant 0 : i32
        %dma_wait3A_362 = tpu.memref_slice %arg5[%dma_wait3A_360, %dma_wait3A_361] : memref<10016x16xf32, #tpu.memory_space<vmem_shared>> -> memref<10016x16xf32, #tpu.memory_space<vmem_shared>>
        tpu.wait_indirect_dma semaphore(%run_scoped3A_350 : memref<!tpu.dma_semaphore, #tpu.memory_space<semaphore_mem>>) src(%arg11 : memref<96x16xf32, #tpu.memory_space<vmem>>) dst(%dma_wait3A_362 : memref<10016x16xf32, #tpu.memory_space<vmem_shared>>)
        tpu.yield
      }) : () -> ()
      %while3A_349 = arith.constant 0 : i32
      scf.yield %while3A_349 : i32
    }
    %while3A_269 = arith.constant 1 : i32
    %while3A_270 = scf.for %while3A_281 = %while3A_266 to %while3A_262 step %while3A_269 iter_args(%while3A_282 = %while3A_268) -> (i32)  : i32 {
      %mul3A_283 = arith.constant 3 : i32
      %mul3A_284 = arith.muli %while3A_281, %mul3A_283 : i32
      %add3A_285 = arith.constant 0 : i32
      %add3A_286 = arith.addi %mul3A_284, %add3A_285 : i32
      %add3A_287 = arith.constant 3 : i32
      %add3A_288 = arith.addi %add3A_286, %add3A_287 : i32
      %sub3A_289 = arith.constant 1 : i32
      %sub3A_290 = arith.subi %add3A_288, %sub3A_289 : i32
      %lt3A = arith.cmpi slt, %sub3A_290, %select_n3A_3 : i32
      %convert_element_type3A_291 = arith.extui %lt3A : i1 to i32
      %cond3A_292 = arith.constant 0 : i32
      %cond3A_293 = arith.cmpi ne, %convert_element_type3A_291, %cond3A_292 : i32
      scf.if %cond3A_293 {
        %add3A_350 = arith.constant 3 : i32
        %add3A_351 = arith.addi %add3A_286, %add3A_350 : i32
        %sub3A_352 = arith.constant 1 : i32
        %sub3A_353 = arith.subi %add3A_351, %sub3A_352 : i32
        %get3A_354 = arith.index_cast %sub3A_353 : i32 to index
        %get3A_355 = arith.constant 0 : index
        %get3A_356 = tpu.vector_load %arg6[%get3A_354, %get3A_355] {strides = array<i32>} : memref<126x96xi32, #tpu.memory_space<vmem>>, vector<16xi32>,
        %and3A_357 = arith.constant 16383 : i32
        %and3A_358 = vector.broadcast %and3A_357 : i32 to vector<16xi32>
        %and3A_359 = arith.andi %get3A_356, %and3A_358 : vector<16xi32>
        %swap3A_360 = arith.constant 2 : i32
        %swap3A_361 = arith.index_cast %swap3A_360 : i32 to index
        %swap3A_362 = arith.constant 0 : index
        %swap3A_363 = tpu.vector_load %arg7[%swap3A_361, %swap3A_362] {strides = array<i32>} : memref<3x96xi32, #tpu.memory_space<vmem>>, vector<16xi32>,
        tpu.vector_store %arg7[%swap3A_361, %swap3A_362], %and3A_359 {strides = array<i32>} : memref<3x96xi32, #tpu.memory_space<vmem>>, vector<16xi32>,
        %shift_right_logical3A_364 = arith.constant 14 : i32
        %shift_right_logical3A_365 = vector.broadcast %shift_right_logical3A_364 : i32 to vector<16xi32>
        %shift_right_logical3A_366 = arith.shrui %get3A_356, %shift_right_logical3A_365 : vector<16xi32>
        %swap3A_367 = arith.constant 2 : i32
        %swap3A_368 = arith.index_cast %swap3A_367 : i32 to index
        %swap3A_369 = arith.constant 0 : index
        %swap3A_370 = tpu.vector_load %arg8[%swap3A_368, %swap3A_369] {strides = array<i32>} : memref<3x96xi32, #tpu.memory_space<vmem>>, vector<16xi32>,
        tpu.vector_store %arg8[%swap3A_368, %swap3A_369], %shift_right_logical3A_366 {strides = array<i32>} : memref<3x96xi32, #tpu.memory_space<vmem>>, vector<16xi32>,
        %get3A_371 = arith.index_cast %sub3A_353 : i32 to index
        %get3A_372 = arith.constant 16 : index
        %get3A_373 = tpu.vector_load %arg6[%get3A_371, %get3A_372] {strides = array<i32>} : memref<126x96xi32, #tpu.memory_space<vmem>>, vector<16xi32>,
        %and3A_374 = arith.constant 16383 : i32
        %and3A_375 = vector.broadcast %and3A_374 : i32 to vector<16xi32>
        %and3A_376 = arith.andi %get3A_373, %and3A_375 : vector<16xi32>
        %swap3A_377 = arith.constant 2 : i32
        %swap3A_378 = arith.index_cast %swap3A_377 : i32 to index
        %swap3A_379 = arith.constant 16 : index
        %swap3A_380 = tpu.vector_load %arg7[%swap3A_378, %swap3A_379] {strides = array<i32>} : memref<3x96xi32, #tpu.memory_space<vmem>>, vector<16xi32>,
        tpu.vector_store %arg7[%swap3A_378, %swap3A_379], %and3A_376 {strides = array<i32>} : memref<3x96xi32, #tpu.memory_space<vmem>>, vector<16xi32>,
        %shift_right_logical3A_381 = arith.constant 14 : i32
        %shift_right_logical3A_382 = vector.broadcast %shift_right_logical3A_381 : i32 to vector<16xi32>
        %shift_right_logical3A_383 = arith.shrui %get3A_373, %shift_right_logical3A_382 : vector<16xi32>
        %swap3A_384 = arith.constant 2 : i32
        %swap3A_385 = arith.index_cast %swap3A_384 : i32 to index
        %swap3A_386 = arith.constant 16 : index
        %swap3A_387 = tpu.vector_load %arg8[%swap3A_385, %swap3A_386] {strides = array<i32>} : memref<3x96xi32, #tpu.memory_space<vmem>>, vector<16xi32>,
        tpu.vector_store %arg8[%swap3A_385, %swap3A_386], %shift_right_logical3A_383 {strides = array<i32>} : memref<3x96xi32, #tpu.memory_space<vmem>>, vector<16xi32>,
        %get3A_388 = arith.index_cast %sub3A_353 : i32 to index
        %get3A_389 = arith.constant 32 : index
        %get3A_390 = tpu.vector_load %arg6[%get3A_388, %get3A_389] {strides = array<i32>} : memref<126x96xi32, #tpu.memory_space<vmem>>, vector<16xi32>,
        %and3A_391 = arith.constant 16383 : i32
        %and3A_392 = vector.broadcast %and3A_391 : i32 to vector<16xi32>
        %and3A_393 = arith.andi %get3A_390, %and3A_392 : vector<16xi32>
        %swap3A_394 = arith.constant 2 : i32
        %swap3A_395 = arith.index_cast %swap3A_394 : i32 to index
        %swap3A_396 = arith.constant 32 : index
        %swap3A_397 = tpu.vector_load %arg7[%swap3A_395, %swap3A_396] {strides = array<i32>} : memref<3x96xi32, #tpu.memory_space<vmem>>, vector<16xi32>,
        tpu.vector_store %arg7[%swap3A_395, %swap3A_396], %and3A_393 {strides = array<i32>} : memref<3x96xi32, #tpu.memory_space<vmem>>, vector<16xi32>,
        %shift_right_logical3A_398 = arith.constant 14 : i32
        %shift_right_logical3A_399 = vector.broadcast %shift_right_logical3A_398 : i32 to vector<16xi32>
        %shift_right_logical3A_400 = arith.shrui %get3A_390, %shift_right_logical3A_399 : vector<16xi32>
        %swap3A_401 = arith.constant 2 : i32
        %swap3A_402 = arith.index_cast %swap3A_401 : i32 to index
        %swap3A_403 = arith.constant 32 : index
        %swap3A_404 = tpu.vector_load %arg8[%swap3A_402, %swap3A_403] {strides = array<i32>} : memref<3x96xi32, #tpu.memory_space<vmem>>, vector<16xi32>,
        tpu.vector_store %arg8[%swap3A_402, %swap3A_403], %shift_right_logical3A_400 {strides = array<i32>} : memref<3x96xi32, #tpu.memory_space<vmem>>, vector<16xi32>,
        %get3A_405 = arith.index_cast %sub3A_353 : i32 to index
        %get3A_406 = arith.constant 48 : index
        %get3A_407 = tpu.vector_load %arg6[%get3A_405, %get3A_406] {strides = array<i32>} : memref<126x96xi32, #tpu.memory_space<vmem>>, vector<16xi32>,
        %and3A_408 = arith.constant 16383 : i32
        %and3A_409 = vector.broadcast %and3A_408 : i32 to vector<16xi32>
        %and3A_410 = arith.andi %get3A_407, %and3A_409 : vector<16xi32>
        %swap3A_411 = arith.constant 2 : i32
        %swap3A_412 = arith.index_cast %swap3A_411 : i32 to index
        %swap3A_413 = arith.constant 48 : index
        %swap3A_414 = tpu.vector_load %arg7[%swap3A_412, %swap3A_413] {strides = array<i32>} : memref<3x96xi32, #tpu.memory_space<vmem>>, vector<16xi32>,
        tpu.vector_store %arg7[%swap3A_412, %swap3A_413], %and3A_410 {strides = array<i32>} : memref<3x96xi32, #tpu.memory_space<vmem>>, vector<16xi32>,
        %shift_right_logical3A_415 = arith.constant 14 : i32
        %shift_right_logical3A_416 = vector.broadcast %shift_right_logical3A_415 : i32 to vector<16xi32>
        %shift_right_logical3A_417 = arith.shrui %get3A_407, %shift_right_logical3A_416 : vector<16xi32>
        %swap3A_418 = arith.constant 2 : i32
        %swap3A_419 = arith.index_cast %swap3A_418 : i32 to index
        %swap3A_420 = arith.constant 48 : index
        %swap3A_421 = tpu.vector_load %arg8[%swap3A_419, %swap3A_420] {strides = array<i32>} : memref<3x96xi32, #tpu.memory_space<vmem>>, vector<16xi32>,
        tpu.vector_store %arg8[%swap3A_419, %swap3A_420], %shift_right_logical3A_417 {strides = array<i32>} : memref<3x96xi32, #tpu.memory_space<vmem>>, vector<16xi32>,
        %get3A_422 = arith.index_cast %sub3A_353 : i32 to index
        %get3A_423 = arith.constant 64 : index
        %get3A_424 = tpu.vector_load %arg6[%get3A_422, %get3A_423] {strides = array<i32>} : memref<126x96xi32, #tpu.memory_space<vmem>>, vector<16xi32>,
        %and3A_425 = arith.constant 16383 : i32
        %and3A_426 = vector.broadcast %and3A_425 : i32 to vector<16xi32>
        %and3A_427 = arith.andi %get3A_424, %and3A_426 : vector<16xi32>
        %swap3A_428 = arith.constant 2 : i32
        %swap3A_429 = arith.index_cast %swap3A_428 : i32 to index
        %swap3A_430 = arith.constant 64 : index
        %swap3A_431 = tpu.vector_load %arg7[%swap3A_429, %swap3A_430] {strides = array<i32>} : memref<3x96xi32, #tpu.memory_space<vmem>>, vector<16xi32>,
        tpu.vector_store %arg7[%swap3A_429, %swap3A_430], %and3A_427 {strides = array<i32>} : memref<3x96xi32, #tpu.memory_space<vmem>>, vector<16xi32>,
        %shift_right_logical3A_432 = arith.constant 14 : i32
        %shift_right_logical3A_433 = vector.broadcast %shift_right_logical3A_432 : i32 to vector<16xi32>
        %shift_right_logical3A_434 = arith.shrui %get3A_424, %shift_right_logical3A_433 : vector<16xi32>
        %swap3A_435 = arith.constant 2 : i32
        %swap3A_436 = arith.index_cast %swap3A_435 : i32 to index
        %swap3A_437 = arith.constant 64 : index
        %swap3A_438 = tpu.vector_load %arg8[%swap3A_436, %swap3A_437] {strides = array<i32>} : memref<3x96xi32, #tpu.memory_space<vmem>>, vector<16xi32>,
        tpu.vector_store %arg8[%swap3A_436, %swap3A_437], %shift_right_logical3A_434 {strides = array<i32>} : memref<3x96xi32, #tpu.memory_space<vmem>>, vector<16xi32>,
        %get3A_439 = arith.index_cast %sub3A_353 : i32 to index
        %get3A_440 = arith.constant 80 : index
        %get3A_441 = tpu.vector_load %arg6[%get3A_439, %get3A_440] {strides = array<i32>} : memref<126x96xi32, #tpu.memory_space<vmem>>, vector<16xi32>,
        %and3A_442 = arith.constant 16383 : i32
        %and3A_443 = vector.broadcast %and3A_442 : i32 to vector<16xi32>
        %and3A_444 = arith.andi %get3A_441, %and3A_443 : vector<16xi32>
        %swap3A_445 = arith.constant 2 : i32
        %swap3A_446 = arith.index_cast %swap3A_445 : i32 to index
        %swap3A_447 = arith.constant 80 : index
        %swap3A_448 = tpu.vector_load %arg7[%swap3A_446, %swap3A_447] {strides = array<i32>} : memref<3x96xi32, #tpu.memory_space<vmem>>, vector<16xi32>,
        tpu.vector_store %arg7[%swap3A_446, %swap3A_447], %and3A_444 {strides = array<i32>} : memref<3x96xi32, #tpu.memory_space<vmem>>, vector<16xi32>,
        %shift_right_logical3A_449 = arith.constant 14 : i32
        %shift_right_logical3A_450 = vector.broadcast %shift_right_logical3A_449 : i32 to vector<16xi32>
        %shift_right_logical3A_451 = arith.shrui %get3A_441, %shift_right_logical3A_450 : vector<16xi32>
        %swap3A_452 = arith.constant 2 : i32
        %swap3A_453 = arith.index_cast %swap3A_452 : i32 to index
        %swap3A_454 = arith.constant 80 : index
        %swap3A_455 = tpu.vector_load %arg8[%swap3A_453, %swap3A_454] {strides = array<i32>} : memref<3x96xi32, #tpu.memory_space<vmem>>, vector<16xi32>,
        tpu.vector_store %arg8[%swap3A_453, %swap3A_454], %shift_right_logical3A_451 {strides = array<i32>} : memref<3x96xi32, #tpu.memory_space<vmem>>, vector<16xi32>,
        %add3A_456 = arith.constant 3 : i32
        %add3A_457 = arith.addi %add3A_286, %add3A_456 : i32
        %sub3A_458 = arith.constant 1 : i32
        %sub3A_459 = arith.subi %add3A_457, %sub3A_458 : i32
        %dma_start3A_460 = arith.constant 2 : i32
        %dma_start3A_461 = arith.constant 2 : i32
        %dma_start3A_462 = arith.constant 0 : i32
        %dma_start3A_463 = tpu.memref_slice %arg7[%dma_start3A_460, %dma_start3A_462] : memref<3x96xi32, #tpu.memory_space<vmem>> -> memref<1x96xi32, #tpu.memory_space<vmem>>
        %dma_start3A_464 = tpu.memref_squeeze %dma_start3A_463 : memref<1x96xi32, #tpu.memory_space<vmem>> -> memref<96xi32, #tpu.memory_space<vmem>>
        %dma_start3A_465 = arith.constant 0 : i32
        %dma_start3A_466 = arith.constant 0 : i32
        %dma_start3A_467 = tpu.memref_slice %arg2[%dma_start3A_465, %dma_start3A_466] : memref<10000x16xf32, #tpu.memory_space<hbm>> -> memref<10000x16xf32, #tpu.memory_space<hbm>>
        %dma_start3A_468 = tpu.memref_slice %arg12[%dma_start3A_461] : memref<3x!tpu.dma_semaphore, #tpu.memory_space<semaphore_mem>> -> memref<1x!tpu.dma_semaphore, #tpu.memory_space<semaphore_mem>>
        %dma_start3A_469 = tpu.memref_squeeze %dma_start3A_468 : memref<1x!tpu.dma_semaphore, #tpu.memory_space<semaphore_mem>> -> memref<!tpu.dma_semaphore, #tpu.memory_space<semaphore_mem>>
        tpu.enqueue_indirect_dma source(%dma_start3A_467 : memref<10000x16xf32, #tpu.memory_space<hbm>>) target(%arg11 : memref<96x16xf32, #tpu.memory_space<vmem>>) offsets(%dma_start3A_464 : memref<96xi32, #tpu.memory_space<vmem>>) semaphore(%dma_start3A_469 : memref<!tpu.dma_semaphore, #tpu.memory_space<semaphore_mem>>)
      } else {
      }
      %dma_wait3A = arith.constant 0 : i32
      %dma_wait3A_294 = arith.constant 0 : i32
      %dma_wait3A_295 = arith.constant 0 : i32
      %dma_wait3A_296 = tpu.memref_slice %arg7[%dma_wait3A, %dma_wait3A_295] : memref<3x96xi32, #tpu.memory_space<vmem>> -> memref<1x96xi32, #tpu.memory_space<vmem>>
      %dma_wait3A_297 = tpu.memref_squeeze %dma_wait3A_296 : memref<1x96xi32, #tpu.memory_space<vmem>> -> memref<96xi32, #tpu.memory_space<vmem>>
      %dma_wait3A_298 = arith.constant 0 : i32
      %dma_wait3A_299 = arith.constant 0 : i32
      %dma_wait3A_300 = tpu.memref_slice %arg2[%dma_wait3A_298, %dma_wait3A_299] : memref<10000x16xf32, #tpu.memory_space<hbm>> -> memref<10000x16xf32, #tpu.memory_space<hbm>>
      %dma_wait3A_301 = tpu.memref_slice %arg12[%dma_wait3A_294] : memref<3x!tpu.dma_semaphore, #tpu.memory_space<semaphore_mem>> -> memref<1x!tpu.dma_semaphore, #tpu.memory_space<semaphore_mem>>
      %dma_wait3A_302 = tpu.memref_squeeze %dma_wait3A_301 : memref<1x!tpu.dma_semaphore, #tpu.memory_space<semaphore_mem>> -> memref<!tpu.dma_semaphore, #tpu.memory_space<semaphore_mem>>
      tpu.wait_indirect_dma semaphore(%dma_wait3A_302 : memref<!tpu.dma_semaphore, #tpu.memory_space<semaphore_mem>>) src(%dma_wait3A_300 : memref<10000x16xf32, #tpu.memory_space<hbm>>) dst(%arg9 : memref<96x16xf32, #tpu.memory_space<vmem>>)
      %run_scoped3A = arith.constant 0 : i32
      "tpu.region"() ({
        %run_scoped3A_350 = tpu.sem_alloc : memref<!tpu.dma_semaphore, #tpu.memory_space<semaphore_mem>>
        %dma_start3A_351 = arith.constant 0 : i32
        %dma_start3A_352 = tpu.memref_slice %arg8[%run_scoped3A, %dma_start3A_351] : memref<3x96xi32, #tpu.memory_space<vmem>> -> memref<1x96xi32, #tpu.memory_space<vmem>>
        %dma_start3A_353 = tpu.memref_squeeze %dma_start3A_352 : memref<1x96xi32, #tpu.memory_space<vmem>> -> memref<96xi32, #tpu.memory_space<vmem>>
        %dma_start3A_354 = arith.constant 0 : i32
        %dma_start3A_355 = arith.constant 0 : i32
        %dma_start3A_356 = tpu.memref_slice %arg5[%dma_start3A_354, %dma_start3A_355] : memref<10016x16xf32, #tpu.memory_space<vmem_shared>> -> memref<10016x16xf32, #tpu.memory_space<vmem_shared>>
        tpu.enqueue_indirect_dma source(%arg9 : memref<96x16xf32, #tpu.memory_space<vmem>>) target(%dma_start3A_356 : memref<10016x16xf32, #tpu.memory_space<vmem_shared>>) offsets(%dma_start3A_353 : memref<96xi32, #tpu.memory_space<vmem>>) semaphore(%run_scoped3A_350 : memref<!tpu.dma_semaphore, #tpu.memory_space<semaphore_mem>>) {add = true}
        %dma_wait3A_357 = arith.constant 0 : i32
        %dma_wait3A_358 = tpu.memref_slice %arg8[%run_scoped3A, %dma_wait3A_357] : memref<3x96xi32, #tpu.memory_space<vmem>> -> memref<1x96xi32, #tpu.memory_space<vmem>>
        %dma_wait3A_359 = tpu.memref_squeeze %dma_wait3A_358 : memref<1x96xi32, #tpu.memory_space<vmem>> -> memref<96xi32, #tpu.memory_space<vmem>>
        %dma_wait3A_360 = arith.constant 0 : i32
        %dma_wait3A_361 = arith.constant 0 : i32
        %dma_wait3A_362 = tpu.memref_slice %arg5[%dma_wait3A_360, %dma_wait3A_361] : memref<10016x16xf32, #tpu.memory_space<vmem_shared>> -> memref<10016x16xf32, #tpu.memory_space<vmem_shared>>
        tpu.wait_indirect_dma semaphore(%run_scoped3A_350 : memref<!tpu.dma_semaphore, #tpu.memory_space<semaphore_mem>>) src(%arg9 : memref<96x16xf32, #tpu.memory_space<vmem>>) dst(%dma_wait3A_362 : memref<10016x16xf32, #tpu.memory_space<vmem_shared>>)
        tpu.yield
      }) : () -> ()
      %mul3A_303 = arith.constant 3 : i32
      %mul3A_304 = arith.muli %while3A_281, %mul3A_303 : i32
      %add3A_305 = arith.constant 1 : i32
      %add3A_306 = arith.addi %mul3A_304, %add3A_305 : i32
      %add3A_307 = arith.constant 3 : i32
      %add3A_308 = arith.addi %add3A_306, %add3A_307 : i32
      %sub3A_309 = arith.constant 1 : i32
      %sub3A_310 = arith.subi %add3A_308, %sub3A_309 : i32
      %lt3A_311 = arith.cmpi slt, %sub3A_310, %select_n3A_3 : i32
      %convert_element_type3A_312 = arith.extui %lt3A_311 : i1 to i32
      %cond3A_313 = arith.constant 0 : i32
      %cond3A_314 = arith.cmpi ne, %convert_element_type3A_312, %cond3A_313 : i32
      scf.if %cond3A_314 {
        %add3A_350 = arith.constant 3 : i32
        %add3A_351 = arith.addi %add3A_306, %add3A_350 : i32
        %sub3A_352 = arith.constant 1 : i32
        %sub3A_353 = arith.subi %add3A_351, %sub3A_352 : i32
        %get3A_354 = arith.index_cast %sub3A_353 : i32 to index
        %get3A_355 = arith.constant 0 : index
        %get3A_356 = tpu.vector_load %arg6[%get3A_354, %get3A_355] {strides = array<i32>} : memref<126x96xi32, #tpu.memory_space<vmem>>, vector<16xi32>,
        %and3A_357 = arith.constant 16383 : i32
        %and3A_358 = vector.broadcast %and3A_357 : i32 to vector<16xi32>
        %and3A_359 = arith.andi %get3A_356, %and3A_358 : vector<16xi32>
        %swap3A_360 = arith.constant 0 : i32
        %swap3A_361 = arith.index_cast %swap3A_360 : i32 to index
        %swap3A_362 = arith.constant 0 : index
        %swap3A_363 = tpu.vector_load %arg7[%swap3A_361, %swap3A_362] {strides = array<i32>} : memref<3x96xi32, #tpu.memory_space<vmem>>, vector<16xi32>,
        tpu.vector_store %arg7[%swap3A_361, %swap3A_362], %and3A_359 {strides = array<i32>} : memref<3x96xi32, #tpu.memory_space<vmem>>, vector<16xi32>,
        %shift_right_logical3A_364 = arith.constant 14 : i32
        %shift_right_logical3A_365 = vector.broadcast %shift_right_logical3A_364 : i32 to vector<16xi32>
        %shift_right_logical3A_366 = arith.shrui %get3A_356, %shift_right_logical3A_365 : vector<16xi32>
        %swap3A_367 = arith.constant 0 : i32
        %swap3A_368 = arith.index_cast %swap3A_367 : i32 to index
        %swap3A_369 = arith.constant 0 : index
        %swap3A_370 = tpu.vector_load %arg8[%swap3A_368, %swap3A_369] {strides = array<i32>} : memref<3x96xi32, #tpu.memory_space<vmem>>, vector<16xi32>,
        tpu.vector_store %arg8[%swap3A_368, %swap3A_369], %shift_right_logical3A_366 {strides = array<i32>} : memref<3x96xi32, #tpu.memory_space<vmem>>, vector<16xi32>,
        %get3A_371 = arith.index_cast %sub3A_353 : i32 to index
        %get3A_372 = arith.constant 16 : index
        %get3A_373 = tpu.vector_load %arg6[%get3A_371, %get3A_372] {strides = array<i32>} : memref<126x96xi32, #tpu.memory_space<vmem>>, vector<16xi32>,
        %and3A_374 = arith.constant 16383 : i32
        %and3A_375 = vector.broadcast %and3A_374 : i32 to vector<16xi32>
        %and3A_376 = arith.andi %get3A_373, %and3A_375 : vector<16xi32>
        %swap3A_377 = arith.constant 0 : i32
        %swap3A_378 = arith.index_cast %swap3A_377 : i32 to index
        %swap3A_379 = arith.constant 16 : index
        %swap3A_380 = tpu.vector_load %arg7[%swap3A_378, %swap3A_379] {strides = array<i32>} : memref<3x96xi32, #tpu.memory_space<vmem>>, vector<16xi32>,
        tpu.vector_store %arg7[%swap3A_378, %swap3A_379], %and3A_376 {strides = array<i32>} : memref<3x96xi32, #tpu.memory_space<vmem>>, vector<16xi32>,
        %shift_right_logical3A_381 = arith.constant 14 : i32
        %shift_right_logical3A_382 = vector.broadcast %shift_right_logical3A_381 : i32 to vector<16xi32>
        %shift_right_logical3A_383 = arith.shrui %get3A_373, %shift_right_logical3A_382 : vector<16xi32>
        %swap3A_384 = arith.constant 0 : i32
        %swap3A_385 = arith.index_cast %swap3A_384 : i32 to index
        %swap3A_386 = arith.constant 16 : index
        %swap3A_387 = tpu.vector_load %arg8[%swap3A_385, %swap3A_386] {strides = array<i32>} : memref<3x96xi32, #tpu.memory_space<vmem>>, vector<16xi32>,
        tpu.vector_store %arg8[%swap3A_385, %swap3A_386], %shift_right_logical3A_383 {strides = array<i32>} : memref<3x96xi32, #tpu.memory_space<vmem>>, vector<16xi32>,
        %get3A_388 = arith.index_cast %sub3A_353 : i32 to index
        %get3A_389 = arith.constant 32 : index
        %get3A_390 = tpu.vector_load %arg6[%get3A_388, %get3A_389] {strides = array<i32>} : memref<126x96xi32, #tpu.memory_space<vmem>>, vector<16xi32>,
        %and3A_391 = arith.constant 16383 : i32
        %and3A_392 = vector.broadcast %and3A_391 : i32 to vector<16xi32>
        %and3A_393 = arith.andi %get3A_390, %and3A_392 : vector<16xi32>
        %swap3A_394 = arith.constant 0 : i32
        %swap3A_395 = arith.index_cast %swap3A_394 : i32 to index
        %swap3A_396 = arith.constant 32 : index
        %swap3A_397 = tpu.vector_load %arg7[%swap3A_395, %swap3A_396] {strides = array<i32>} : memref<3x96xi32, #tpu.memory_space<vmem>>, vector<16xi32>,
        tpu.vector_store %arg7[%swap3A_395, %swap3A_396], %and3A_393 {strides = array<i32>} : memref<3x96xi32, #tpu.memory_space<vmem>>, vector<16xi32>,
        %shift_right_logical3A_398 = arith.constant 14 : i32
        %shift_right_logical3A_399 = vector.broadcast %shift_right_logical3A_398 : i32 to vector<16xi32>
        %shift_right_logical3A_400 = arith.shrui %get3A_390, %shift_right_logical3A_399 : vector<16xi32>
        %swap3A_401 = arith.constant 0 : i32
        %swap3A_402 = arith.index_cast %swap3A_401 : i32 to index
        %swap3A_403 = arith.constant 32 : index
        %swap3A_404 = tpu.vector_load %arg8[%swap3A_402, %swap3A_403] {strides = array<i32>} : memref<3x96xi32, #tpu.memory_space<vmem>>, vector<16xi32>,
        tpu.vector_store %arg8[%swap3A_402, %swap3A_403], %shift_right_logical3A_400 {strides = array<i32>} : memref<3x96xi32, #tpu.memory_space<vmem>>, vector<16xi32>,
        %get3A_405 = arith.index_cast %sub3A_353 : i32 to index
        %get3A_406 = arith.constant 48 : index
        %get3A_407 = tpu.vector_load %arg6[%get3A_405, %get3A_406] {strides = array<i32>} : memref<126x96xi32, #tpu.memory_space<vmem>>, vector<16xi32>,
        %and3A_408 = arith.constant 16383 : i32
        %and3A_409 = vector.broadcast %and3A_408 : i32 to vector<16xi32>
        %and3A_410 = arith.andi %get3A_407, %and3A_409 : vector<16xi32>
        %swap3A_411 = arith.constant 0 : i32
        %swap3A_412 = arith.index_cast %swap3A_411 : i32 to index
        %swap3A_413 = arith.constant 48 : index
        %swap3A_414 = tpu.vector_load %arg7[%swap3A_412, %swap3A_413] {strides = array<i32>} : memref<3x96xi32, #tpu.memory_space<vmem>>, vector<16xi32>,
        tpu.vector_store %arg7[%swap3A_412, %swap3A_413], %and3A_410 {strides = array<i32>} : memref<3x96xi32, #tpu.memory_space<vmem>>, vector<16xi32>,
        %shift_right_logical3A_415 = arith.constant 14 : i32
        %shift_right_logical3A_416 = vector.broadcast %shift_right_logical3A_415 : i32 to vector<16xi32>
        %shift_right_logical3A_417 = arith.shrui %get3A_407, %shift_right_logical3A_416 : vector<16xi32>
        %swap3A_418 = arith.constant 0 : i32
        %swap3A_419 = arith.index_cast %swap3A_418 : i32 to index
        %swap3A_420 = arith.constant 48 : index
        %swap3A_421 = tpu.vector_load %arg8[%swap3A_419, %swap3A_420] {strides = array<i32>} : memref<3x96xi32, #tpu.memory_space<vmem>>, vector<16xi32>,
        tpu.vector_store %arg8[%swap3A_419, %swap3A_420], %shift_right_logical3A_417 {strides = array<i32>} : memref<3x96xi32, #tpu.memory_space<vmem>>, vector<16xi32>,
        %get3A_422 = arith.index_cast %sub3A_353 : i32 to index
        %get3A_423 = arith.constant 64 : index
        %get3A_424 = tpu.vector_load %arg6[%get3A_422, %get3A_423] {strides = array<i32>} : memref<126x96xi32, #tpu.memory_space<vmem>>, vector<16xi32>,
        %and3A_425 = arith.constant 16383 : i32
        %and3A_426 = vector.broadcast %and3A_425 : i32 to vector<16xi32>
        %and3A_427 = arith.andi %get3A_424, %and3A_426 : vector<16xi32>
        %swap3A_428 = arith.constant 0 : i32
        %swap3A_429 = arith.index_cast %swap3A_428 : i32 to index
        %swap3A_430 = arith.constant 64 : index
        %swap3A_431 = tpu.vector_load %arg7[%swap3A_429, %swap3A_430] {strides = array<i32>} : memref<3x96xi32, #tpu.memory_space<vmem>>, vector<16xi32>,
        tpu.vector_store %arg7[%swap3A_429, %swap3A_430], %and3A_427 {strides = array<i32>} : memref<3x96xi32, #tpu.memory_space<vmem>>, vector<16xi32>,
        %shift_right_logical3A_432 = arith.constant 14 : i32
        %shift_right_logical3A_433 = vector.broadcast %shift_right_logical3A_432 : i32 to vector<16xi32>
        %shift_right_logical3A_434 = arith.shrui %get3A_424, %shift_right_logical3A_433 : vector<16xi32>
        %swap3A_435 = arith.constant 0 : i32
        %swap3A_436 = arith.index_cast %swap3A_435 : i32 to index
        %swap3A_437 = arith.constant 64 : index
        %swap3A_438 = tpu.vector_load %arg8[%swap3A_436, %swap3A_437] {strides = array<i32>} : memref<3x96xi32, #tpu.memory_space<vmem>>, vector<16xi32>,
        tpu.vector_store %arg8[%swap3A_436, %swap3A_437], %shift_right_logical3A_434 {strides = array<i32>} : memref<3x96xi32, #tpu.memory_space<vmem>>, vector<16xi32>,
        %get3A_439 = arith.index_cast %sub3A_353 : i32 to index
        %get3A_440 = arith.constant 80 : index
        %get3A_441 = tpu.vector_load %arg6[%get3A_439, %get3A_440] {strides = array<i32>} : memref<126x96xi32, #tpu.memory_space<vmem>>, vector<16xi32>,
        %and3A_442 = arith.constant 16383 : i32
        %and3A_443 = vector.broadcast %and3A_442 : i32 to vector<16xi32>
        %and3A_444 = arith.andi %get3A_441, %and3A_443 : vector<16xi32>
        %swap3A_445 = arith.constant 0 : i32
        %swap3A_446 = arith.index_cast %swap3A_445 : i32 to index
        %swap3A_447 = arith.constant 80 : index
        %swap3A_448 = tpu.vector_load %arg7[%swap3A_446, %swap3A_447] {strides = array<i32>} : memref<3x96xi32, #tpu.memory_space<vmem>>, vector<16xi32>,
        tpu.vector_store %arg7[%swap3A_446, %swap3A_447], %and3A_444 {strides = array<i32>} : memref<3x96xi32, #tpu.memory_space<vmem>>, vector<16xi32>,
        %shift_right_logical3A_449 = arith.constant 14 : i32
        %shift_right_logical3A_450 = vector.broadcast %shift_right_logical3A_449 : i32 to vector<16xi32>
        %shift_right_logical3A_451 = arith.shrui %get3A_441, %shift_right_logical3A_450 : vector<16xi32>
        %swap3A_452 = arith.constant 0 : i32
        %swap3A_453 = arith.index_cast %swap3A_452 : i32 to index
        %swap3A_454 = arith.constant 80 : index
        %swap3A_455 = tpu.vector_load %arg8[%swap3A_453, %swap3A_454] {strides = array<i32>} : memref<3x96xi32, #tpu.memory_space<vmem>>, vector<16xi32>,
        tpu.vector_store %arg8[%swap3A_453, %swap3A_454], %shift_right_logical3A_451 {strides = array<i32>} : memref<3x96xi32, #tpu.memory_space<vmem>>, vector<16xi32>,
        %add3A_456 = arith.constant 3 : i32
        %add3A_457 = arith.addi %add3A_306, %add3A_456 : i32
        %sub3A_458 = arith.constant 1 : i32
        %sub3A_459 = arith.subi %add3A_457, %sub3A_458 : i32
        %dma_start3A_460 = arith.constant 0 : i32
        %dma_start3A_461 = arith.constant 0 : i32
        %dma_start3A_462 = arith.constant 0 : i32
        %dma_start3A_463 = tpu.memref_slice %arg7[%dma_start3A_460, %dma_start3A_462] : memref<3x96xi32, #tpu.memory_space<vmem>> -> memref<1x96xi32, #tpu.memory_space<vmem>>
        %dma_start3A_464 = tpu.memref_squeeze %dma_start3A_463 : memref<1x96xi32, #tpu.memory_space<vmem>> -> memref<96xi32, #tpu.memory_space<vmem>>
        %dma_start3A_465 = arith.constant 0 : i32
        %dma_start3A_466 = arith.constant 0 : i32
        %dma_start3A_467 = tpu.memref_slice %arg2[%dma_start3A_465, %dma_start3A_466] : memref<10000x16xf32, #tpu.memory_space<hbm>> -> memref<10000x16xf32, #tpu.memory_space<hbm>>
        %dma_start3A_468 = tpu.memref_slice %arg12[%dma_start3A_461] : memref<3x!tpu.dma_semaphore, #tpu.memory_space<semaphore_mem>> -> memref<1x!tpu.dma_semaphore, #tpu.memory_space<semaphore_mem>>
        %dma_start3A_469 = tpu.memref_squeeze %dma_start3A_468 : memref<1x!tpu.dma_semaphore, #tpu.memory_space<semaphore_mem>> -> memref<!tpu.dma_semaphore, #tpu.memory_space<semaphore_mem>>
        tpu.enqueue_indirect_dma source(%dma_start3A_467 : memref<10000x16xf32, #tpu.memory_space<hbm>>) target(%arg9 : memref<96x16xf32, #tpu.memory_space<vmem>>) offsets(%dma_start3A_464 : memref<96xi32, #tpu.memory_space<vmem>>) semaphore(%dma_start3A_469 : memref<!tpu.dma_semaphore, #tpu.memory_space<semaphore_mem>>)
      } else {
      }
      %dma_wait3A_315 = arith.constant 1 : i32
      %dma_wait3A_316 = arith.constant 1 : i32
      %dma_wait3A_317 = arith.constant 0 : i32
      %dma_wait3A_318 = tpu.memref_slice %arg7[%dma_wait3A_315, %dma_wait3A_317] : memref<3x96xi32, #tpu.memory_space<vmem>> -> memref<1x96xi32, #tpu.memory_space<vmem>>
      %dma_wait3A_319 = tpu.memref_squeeze %dma_wait3A_318 : memref<1x96xi32, #tpu.memory_space<vmem>> -> memref<96xi32, #tpu.memory_space<vmem>>
      %dma_wait3A_320 = arith.constant 0 : i32
      %dma_wait3A_321 = arith.constant 0 : i32
      %dma_wait3A_322 = tpu.memref_slice %arg2[%dma_wait3A_320, %dma_wait3A_321] : memref<10000x16xf32, #tpu.memory_space<hbm>> -> memref<10000x16xf32, #tpu.memory_space<hbm>>
      %dma_wait3A_323 = tpu.memref_slice %arg12[%dma_wait3A_316] : memref<3x!tpu.dma_semaphore, #tpu.memory_space<semaphore_mem>> -> memref<1x!tpu.dma_semaphore, #tpu.memory_space<semaphore_mem>>
      %dma_wait3A_324 = tpu.memref_squeeze %dma_wait3A_323 : memref<1x!tpu.dma_semaphore, #tpu.memory_space<semaphore_mem>> -> memref<!tpu.dma_semaphore, #tpu.memory_space<semaphore_mem>>
      tpu.wait_indirect_dma semaphore(%dma_wait3A_324 : memref<!tpu.dma_semaphore, #tpu.memory_space<semaphore_mem>>) src(%dma_wait3A_322 : memref<10000x16xf32, #tpu.memory_space<hbm>>) dst(%arg10 : memref<96x16xf32, #tpu.memory_space<vmem>>)
      %run_scoped3A_325 = arith.constant 1 : i32
      "tpu.region"() ({
        %run_scoped3A_350 = tpu.sem_alloc : memref<!tpu.dma_semaphore, #tpu.memory_space<semaphore_mem>>
        %dma_start3A_351 = arith.constant 0 : i32
        %dma_start3A_352 = tpu.memref_slice %arg8[%run_scoped3A_325, %dma_start3A_351] : memref<3x96xi32, #tpu.memory_space<vmem>> -> memref<1x96xi32, #tpu.memory_space<vmem>>
        %dma_start3A_353 = tpu.memref_squeeze %dma_start3A_352 : memref<1x96xi32, #tpu.memory_space<vmem>> -> memref<96xi32, #tpu.memory_space<vmem>>
        %dma_start3A_354 = arith.constant 0 : i32
        %dma_start3A_355 = arith.constant 0 : i32
        %dma_start3A_356 = tpu.memref_slice %arg5[%dma_start3A_354, %dma_start3A_355] : memref<10016x16xf32, #tpu.memory_space<vmem_shared>> -> memref<10016x16xf32, #tpu.memory_space<vmem_shared>>
        tpu.enqueue_indirect_dma source(%arg10 : memref<96x16xf32, #tpu.memory_space<vmem>>) target(%dma_start3A_356 : memref<10016x16xf32, #tpu.memory_space<vmem_shared>>) offsets(%dma_start3A_353 : memref<96xi32, #tpu.memory_space<vmem>>) semaphore(%run_scoped3A_350 : memref<!tpu.dma_semaphore, #tpu.memory_space<semaphore_mem>>) {add = true}
        %dma_wait3A_357 = arith.constant 0 : i32
        %dma_wait3A_358 = tpu.memref_slice %arg8[%run_scoped3A_325, %dma_wait3A_357] : memref<3x96xi32, #tpu.memory_space<vmem>> -> memref<1x96xi32, #tpu.memory_space<vmem>>
        %dma_wait3A_359 = tpu.memref_squeeze %dma_wait3A_358 : memref<1x96xi32, #tpu.memory_space<vmem>> -> memref<96xi32, #tpu.memory_space<vmem>>
        %dma_wait3A_360 = arith.constant 0 : i32
        %dma_wait3A_361 = arith.constant 0 : i32
        %dma_wait3A_362 = tpu.memref_slice %arg5[%dma_wait3A_360, %dma_wait3A_361] : memref<10016x16xf32, #tpu.memory_space<vmem_shared>> -> memref<10016x16xf32, #tpu.memory_space<vmem_shared>>
        tpu.wait_indirect_dma semaphore(%run_scoped3A_350 : memref<!tpu.dma_semaphore, #tpu.memory_space<semaphore_mem>>) src(%arg10 : memref<96x16xf32, #tpu.memory_space<vmem>>) dst(%dma_wait3A_362 : memref<10016x16xf32, #tpu.memory_space<vmem_shared>>)
        tpu.yield
      }) : () -> ()
      %mul3A_326 = arith.constant 3 : i32
      %mul3A_327 = arith.muli %while3A_281, %mul3A_326 : i32
      %add3A_328 = arith.constant 2 : i32
      %add3A_329 = arith.addi %mul3A_327, %add3A_328 : i32
      %add3A_330 = arith.constant 3 : i32
      %add3A_331 = arith.addi %add3A_329, %add3A_330 : i32
      %sub3A_332 = arith.constant 1 : i32
      %sub3A_333 = arith.subi %add3A_331, %sub3A_332 : i32
      %lt3A_334 = arith.cmpi slt, %sub3A_333, %select_n3A_3 : i32
      %convert_element_type3A_335 = arith.extui %lt3A_334 : i1 to i32
      %cond3A_336 = arith.constant 0 : i32
      %cond3A_337 = arith.cmpi ne, %convert_element_type3A_335, %cond3A_336 : i32
      scf.if %cond3A_337 {
        %add3A_350 = arith.constant 3 : i32
        %add3A_351 = arith.addi %add3A_329, %add3A_350 : i32
        %sub3A_352 = arith.constant 1 : i32
        %sub3A_353 = arith.subi %add3A_351, %sub3A_352 : i32
        %get3A_354 = arith.index_cast %sub3A_353 : i32 to index
        %get3A_355 = arith.constant 0 : index
        %get3A_356 = tpu.vector_load %arg6[%get3A_354, %get3A_355] {strides = array<i32>} : memref<126x96xi32, #tpu.memory_space<vmem>>, vector<16xi32>,
        %and3A_357 = arith.constant 16383 : i32
        %and3A_358 = vector.broadcast %and3A_357 : i32 to vector<16xi32>
        %and3A_359 = arith.andi %get3A_356, %and3A_358 : vector<16xi32>
        %swap3A_360 = arith.constant 1 : i32
        %swap3A_361 = arith.index_cast %swap3A_360 : i32 to index
        %swap3A_362 = arith.constant 0 : index
        %swap3A_363 = tpu.vector_load %arg7[%swap3A_361, %swap3A_362] {strides = array<i32>} : memref<3x96xi32, #tpu.memory_space<vmem>>, vector<16xi32>,
        tpu.vector_store %arg7[%swap3A_361, %swap3A_362], %and3A_359 {strides = array<i32>} : memref<3x96xi32, #tpu.memory_space<vmem>>, vector<16xi32>,
        %shift_right_logical3A_364 = arith.constant 14 : i32
        %shift_right_logical3A_365 = vector.broadcast %shift_right_logical3A_364 : i32 to vector<16xi32>
        %shift_right_logical3A_366 = arith.shrui %get3A_356, %shift_right_logical3A_365 : vector<16xi32>
        %swap3A_367 = arith.constant 1 : i32
        %swap3A_368 = arith.index_cast %swap3A_367 : i32 to index
        %swap3A_369 = arith.constant 0 : index
        %swap3A_370 = tpu.vector_load %arg8[%swap3A_368, %swap3A_369] {strides = array<i32>} : memref<3x96xi32, #tpu.memory_space<vmem>>, vector<16xi32>,
        tpu.vector_store %arg8[%swap3A_368, %swap3A_369], %shift_right_logical3A_366 {strides = array<i32>} : memref<3x96xi32, #tpu.memory_space<vmem>>, vector<16xi32>,
        %get3A_371 = arith.index_cast %sub3A_353 : i32 to index
        %get3A_372 = arith.constant 16 : index
        %get3A_373 = tpu.vector_load %arg6[%get3A_371, %get3A_372] {strides = array<i32>} : memref<126x96xi32, #tpu.memory_space<vmem>>, vector<16xi32>,
        %and3A_374 = arith.constant 16383 : i32
        %and3A_375 = vector.broadcast %and3A_374 : i32 to vector<16xi32>
        %and3A_376 = arith.andi %get3A_373, %and3A_375 : vector<16xi32>
        %swap3A_377 = arith.constant 1 : i32
        %swap3A_378 = arith.index_cast %swap3A_377 : i32 to index
        %swap3A_379 = arith.constant 16 : index
        %swap3A_380 = tpu.vector_load %arg7[%swap3A_378, %swap3A_379] {strides = array<i32>} : memref<3x96xi32, #tpu.memory_space<vmem>>, vector<16xi32>,
        tpu.vector_store %arg7[%swap3A_378, %swap3A_379], %and3A_376 {strides = array<i32>} : memref<3x96xi32, #tpu.memory_space<vmem>>, vector<16xi32>,
        %shift_right_logical3A_381 = arith.constant 14 : i32
        %shift_right_logical3A_382 = vector.broadcast %shift_right_logical3A_381 : i32 to vector<16xi32>
        %shift_right_logical3A_383 = arith.shrui %get3A_373, %shift_right_logical3A_382 : vector<16xi32>
        %swap3A_384 = arith.constant 1 : i32
        %swap3A_385 = arith.index_cast %swap3A_384 : i32 to index
        %swap3A_386 = arith.constant 16 : index
        %swap3A_387 = tpu.vector_load %arg8[%swap3A_385, %swap3A_386] {strides = array<i32>} : memref<3x96xi32, #tpu.memory_space<vmem>>, vector<16xi32>,
        tpu.vector_store %arg8[%swap3A_385, %swap3A_386], %shift_right_logical3A_383 {strides = array<i32>} : memref<3x96xi32, #tpu.memory_space<vmem>>, vector<16xi32>,
        %get3A_388 = arith.index_cast %sub3A_353 : i32 to index
        %get3A_389 = arith.constant 32 : index
        %get3A_390 = tpu.vector_load %arg6[%get3A_388, %get3A_389] {strides = array<i32>} : memref<126x96xi32, #tpu.memory_space<vmem>>, vector<16xi32>,
        %and3A_391 = arith.constant 16383 : i32
        %and3A_392 = vector.broadcast %and3A_391 : i32 to vector<16xi32>
        %and3A_393 = arith.andi %get3A_390, %and3A_392 : vector<16xi32>
        %swap3A_394 = arith.constant 1 : i32
        %swap3A_395 = arith.index_cast %swap3A_394 : i32 to index
        %swap3A_396 = arith.constant 32 : index
        %swap3A_397 = tpu.vector_load %arg7[%swap3A_395, %swap3A_396] {strides = array<i32>} : memref<3x96xi32, #tpu.memory_space<vmem>>, vector<16xi32>,
        tpu.vector_store %arg7[%swap3A_395, %swap3A_396], %and3A_393 {strides = array<i32>} : memref<3x96xi32, #tpu.memory_space<vmem>>, vector<16xi32>,
        %shift_right_logical3A_398 = arith.constant 14 : i32
        %shift_right_logical3A_399 = vector.broadcast %shift_right_logical3A_398 : i32 to vector<16xi32>
        %shift_right_logical3A_400 = arith.shrui %get3A_390, %shift_right_logical3A_399 : vector<16xi32>
        %swap3A_401 = arith.constant 1 : i32
        %swap3A_402 = arith.index_cast %swap3A_401 : i32 to index
        %swap3A_403 = arith.constant 32 : index
        %swap3A_404 = tpu.vector_load %arg8[%swap3A_402, %swap3A_403] {strides = array<i32>} : memref<3x96xi32, #tpu.memory_space<vmem>>, vector<16xi32>,
        tpu.vector_store %arg8[%swap3A_402, %swap3A_403], %shift_right_logical3A_400 {strides = array<i32>} : memref<3x96xi32, #tpu.memory_space<vmem>>, vector<16xi32>,
        %get3A_405 = arith.index_cast %sub3A_353 : i32 to index
        %get3A_406 = arith.constant 48 : index
        %get3A_407 = tpu.vector_load %arg6[%get3A_405, %get3A_406] {strides = array<i32>} : memref<126x96xi32, #tpu.memory_space<vmem>>, vector<16xi32>,
        %and3A_408 = arith.constant 16383 : i32
        %and3A_409 = vector.broadcast %and3A_408 : i32 to vector<16xi32>
        %and3A_410 = arith.andi %get3A_407, %and3A_409 : vector<16xi32>
        %swap3A_411 = arith.constant 1 : i32
        %swap3A_412 = arith.index_cast %swap3A_411 : i32 to index
        %swap3A_413 = arith.constant 48 : index
        %swap3A_414 = tpu.vector_load %arg7[%swap3A_412, %swap3A_413] {strides = array<i32>} : memref<3x96xi32, #tpu.memory_space<vmem>>, vector<16xi32>,
        tpu.vector_store %arg7[%swap3A_412, %swap3A_413], %and3A_410 {strides = array<i32>} : memref<3x96xi32, #tpu.memory_space<vmem>>, vector<16xi32>,
        %shift_right_logical3A_415 = arith.constant 14 : i32
        %shift_right_logical3A_416 = vector.broadcast %shift_right_logical3A_415 : i32 to vector<16xi32>
        %shift_right_logical3A_417 = arith.shrui %get3A_407, %shift_right_logical3A_416 : vector<16xi32>
        %swap3A_418 = arith.constant 1 : i32
        %swap3A_419 = arith.index_cast %swap3A_418 : i32 to index
        %swap3A_420 = arith.constant 48 : index
        %swap3A_421 = tpu.vector_load %arg8[%swap3A_419, %swap3A_420] {strides = array<i32>} : memref<3x96xi32, #tpu.memory_space<vmem>>, vector<16xi32>,
        tpu.vector_store %arg8[%swap3A_419, %swap3A_420], %shift_right_logical3A_417 {strides = array<i32>} : memref<3x96xi32, #tpu.memory_space<vmem>>, vector<16xi32>,
        %get3A_422 = arith.index_cast %sub3A_353 : i32 to index
        %get3A_423 = arith.constant 64 : index
        %get3A_424 = tpu.vector_load %arg6[%get3A_422, %get3A_423] {strides = array<i32>} : memref<126x96xi32, #tpu.memory_space<vmem>>, vector<16xi32>,
        %and3A_425 = arith.constant 16383 : i32
        %and3A_426 = vector.broadcast %and3A_425 : i32 to vector<16xi32>
        %and3A_427 = arith.andi %get3A_424, %and3A_426 : vector<16xi32>
        %swap3A_428 = arith.constant 1 : i32
        %swap3A_429 = arith.index_cast %swap3A_428 : i32 to index
        %swap3A_430 = arith.constant 64 : index
        %swap3A_431 = tpu.vector_load %arg7[%swap3A_429, %swap3A_430] {strides = array<i32>} : memref<3x96xi32, #tpu.memory_space<vmem>>, vector<16xi32>,
        tpu.vector_store %arg7[%swap3A_429, %swap3A_430], %and3A_427 {strides = array<i32>} : memref<3x96xi32, #tpu.memory_space<vmem>>, vector<16xi32>,
        %shift_right_logical3A_432 = arith.constant 14 : i32
        %shift_right_logical3A_433 = vector.broadcast %shift_right_logical3A_432 : i32 to vector<16xi32>
        %shift_right_logical3A_434 = arith.shrui %get3A_424, %shift_right_logical3A_433 : vector<16xi32>
        %swap3A_435 = arith.constant 1 : i32
        %swap3A_436 = arith.index_cast %swap3A_435 : i32 to index
        %swap3A_437 = arith.constant 64 : index
        %swap3A_438 = tpu.vector_load %arg8[%swap3A_436, %swap3A_437] {strides = array<i32>} : memref<3x96xi32, #tpu.memory_space<vmem>>, vector<16xi32>,
        tpu.vector_store %arg8[%swap3A_436, %swap3A_437], %shift_right_logical3A_434 {strides = array<i32>} : memref<3x96xi32, #tpu.memory_space<vmem>>, vector<16xi32>,
        %get3A_439 = arith.index_cast %sub3A_353 : i32 to index
        %get3A_440 = arith.constant 80 : index
        %get3A_441 = tpu.vector_load %arg6[%get3A_439, %get3A_440] {strides = array<i32>} : memref<126x96xi32, #tpu.memory_space<vmem>>, vector<16xi32>,
        %and3A_442 = arith.constant 16383 : i32
        %and3A_443 = vector.broadcast %and3A_442 : i32 to vector<16xi32>
        %and3A_444 = arith.andi %get3A_441, %and3A_443 : vector<16xi32>
        %swap3A_445 = arith.constant 1 : i32
        %swap3A_446 = arith.index_cast %swap3A_445 : i32 to index
        %swap3A_447 = arith.constant 80 : index
        %swap3A_448 = tpu.vector_load %arg7[%swap3A_446, %swap3A_447] {strides = array<i32>} : memref<3x96xi32, #tpu.memory_space<vmem>>, vector<16xi32>,
        tpu.vector_store %arg7[%swap3A_446, %swap3A_447], %and3A_444 {strides = array<i32>} : memref<3x96xi32, #tpu.memory_space<vmem>>, vector<16xi32>,
        %shift_right_logical3A_449 = arith.constant 14 : i32
        %shift_right_logical3A_450 = vector.broadcast %shift_right_logical3A_449 : i32 to vector<16xi32>
        %shift_right_logical3A_451 = arith.shrui %get3A_441, %shift_right_logical3A_450 : vector<16xi32>
        %swap3A_452 = arith.constant 1 : i32
        %swap3A_453 = arith.index_cast %swap3A_452 : i32 to index
        %swap3A_454 = arith.constant 80 : index
        %swap3A_455 = tpu.vector_load %arg8[%swap3A_453, %swap3A_454] {strides = array<i32>} : memref<3x96xi32, #tpu.memory_space<vmem>>, vector<16xi32>,
        tpu.vector_store %arg8[%swap3A_453, %swap3A_454], %shift_right_logical3A_451 {strides = array<i32>} : memref<3x96xi32, #tpu.memory_space<vmem>>, vector<16xi32>,
        %add3A_456 = arith.constant 3 : i32
        %add3A_457 = arith.addi %add3A_329, %add3A_456 : i32
        %sub3A_458 = arith.constant 1 : i32
        %sub3A_459 = arith.subi %add3A_457, %sub3A_458 : i32
        %dma_start3A_460 = arith.constant 1 : i32
        %dma_start3A_461 = arith.constant 1 : i32
        %dma_start3A_462 = arith.constant 0 : i32
        %dma_start3A_463 = tpu.memref_slice %arg7[%dma_start3A_460, %dma_start3A_462] : memref<3x96xi32, #tpu.memory_space<vmem>> -> memref<1x96xi32, #tpu.memory_space<vmem>>
        %dma_start3A_464 = tpu.memref_squeeze %dma_start3A_463 : memref<1x96xi32, #tpu.memory_space<vmem>> -> memref<96xi32, #tpu.memory_space<vmem>>
        %dma_start3A_465 = arith.constant 0 : i32
        %dma_start3A_466 = arith.constant 0 : i32
        %dma_start3A_467 = tpu.memref_slice %arg2[%dma_start3A_465, %dma_start3A_466] : memref<10000x16xf32, #tpu.memory_space<hbm>> -> memref<10000x16xf32, #tpu.memory_space<hbm>>
        %dma_start3A_468 = tpu.memref_slice %arg12[%dma_start3A_461] : memref<3x!tpu.dma_semaphore, #tpu.memory_space<semaphore_mem>> -> memref<1x!tpu.dma_semaphore, #tpu.memory_space<semaphore_mem>>
        %dma_start3A_469 = tpu.memref_squeeze %dma_start3A_468 : memref<1x!tpu.dma_semaphore, #tpu.memory_space<semaphore_mem>> -> memref<!tpu.dma_semaphore, #tpu.memory_space<semaphore_mem>>
        tpu.enqueue_indirect_dma source(%dma_start3A_467 : memref<10000x16xf32, #tpu.memory_space<hbm>>) target(%arg10 : memref<96x16xf32, #tpu.memory_space<vmem>>) offsets(%dma_start3A_464 : memref<96xi32, #tpu.memory_space<vmem>>) semaphore(%dma_start3A_469 : memref<!tpu.dma_semaphore, #tpu.memory_space<semaphore_mem>>)
      } else {
      }
      %dma_wait3A_338 = arith.constant 2 : i32
      %dma_wait3A_339 = arith.constant 2 : i32
      %dma_wait3A_340 = arith.constant 0 : i32
      %dma_wait3A_341 = tpu.memref_slice %arg7[%dma_wait3A_338, %dma_wait3A_340] : memref<3x96xi32, #tpu.memory_space<vmem>> -> memref<1x96xi32, #tpu.memory_space<vmem>>
      %dma_wait3A_342 = tpu.memref_squeeze %dma_wait3A_341 : memref<1x96xi32, #tpu.memory_space<vmem>> -> memref<96xi32, #tpu.memory_space<vmem>>
      %dma_wait3A_343 = arith.constant 0 : i32
      %dma_wait3A_344 = arith.constant 0 : i32
      %dma_wait3A_345 = tpu.memref_slice %arg2[%dma_wait3A_343, %dma_wait3A_344] : memref<10000x16xf32, #tpu.memory_space<hbm>> -> memref<10000x16xf32, #tpu.memory_space<hbm>>
      %dma_wait3A_346 = tpu.memref_slice %arg12[%dma_wait3A_339] : memref<3x!tpu.dma_semaphore, #tpu.memory_space<semaphore_mem>> -> memref<1x!tpu.dma_semaphore, #tpu.memory_space<semaphore_mem>>
      %dma_wait3A_347 = tpu.memref_squeeze %dma_wait3A_346 : memref<1x!tpu.dma_semaphore, #tpu.memory_space<semaphore_mem>> -> memref<!tpu.dma_semaphore, #tpu.memory_space<semaphore_mem>>
      tpu.wait_indirect_dma semaphore(%dma_wait3A_347 : memref<!tpu.dma_semaphore, #tpu.memory_space<semaphore_mem>>) src(%dma_wait3A_345 : memref<10000x16xf32, #tpu.memory_space<hbm>>) dst(%arg11 : memref<96x16xf32, #tpu.memory_space<vmem>>)
      %run_scoped3A_348 = arith.constant 2 : i32
      "tpu.region"() ({
        %run_scoped3A_350 = tpu.sem_alloc : memref<!tpu.dma_semaphore, #tpu.memory_space<semaphore_mem>>
        %dma_start3A_351 = arith.constant 0 : i32
        %dma_start3A_352 = tpu.memref_slice %arg8[%run_scoped3A_348, %dma_start3A_351] : memref<3x96xi32, #tpu.memory_space<vmem>> -> memref<1x96xi32, #tpu.memory_space<vmem>>
        %dma_start3A_353 = tpu.memref_squeeze %dma_start3A_352 : memref<1x96xi32, #tpu.memory_space<vmem>> -> memref<96xi32, #tpu.memory_space<vmem>>
        %dma_start3A_354 = arith.constant 0 : i32
        %dma_start3A_355 = arith.constant 0 : i32
        %dma_start3A_356 = tpu.memref_slice %arg5[%dma_start3A_354, %dma_start3A_355] : memref<10016x16xf32, #tpu.memory_space<vmem_shared>> -> memref<10016x16xf32, #tpu.memory_space<vmem_shared>>
        tpu.enqueue_indirect_dma source(%arg11 : memref<96x16xf32, #tpu.memory_space<vmem>>) target(%dma_start3A_356 : memref<10016x16xf32, #tpu.memory_space<vmem_shared>>) offsets(%dma_start3A_353 : memref<96xi32, #tpu.memory_space<vmem>>) semaphore(%run_scoped3A_350 : memref<!tpu.dma_semaphore, #tpu.memory_space<semaphore_mem>>) {add = true}
        %dma_wait3A_357 = arith.constant 0 : i32
        %dma_wait3A_358 = tpu.memref_slice %arg8[%run_scoped3A_348, %dma_wait3A_357] : memref<3x96xi32, #tpu.memory_space<vmem>> -> memref<1x96xi32, #tpu.memory_space<vmem>>
        %dma_wait3A_359 = tpu.memref_squeeze %dma_wait3A_358 : memref<1x96xi32, #tpu.memory_space<vmem>> -> memref<96xi32, #tpu.memory_space<vmem>>
        %dma_wait3A_360 = arith.constant 0 : i32
        %dma_wait3A_361 = arith.constant 0 : i32
        %dma_wait3A_362 = tpu.memref_slice %arg5[%dma_wait3A_360, %dma_wait3A_361] : memref<10016x16xf32, #tpu.memory_space<vmem_shared>> -> memref<10016x16xf32, #tpu.memory_space<vmem_shared>>
        tpu.wait_indirect_dma semaphore(%run_scoped3A_350 : memref<!tpu.dma_semaphore, #tpu.memory_space<semaphore_mem>>) src(%arg11 : memref<96x16xf32, #tpu.memory_space<vmem>>) dst(%dma_wait3A_362 : memref<10016x16xf32, #tpu.memory_space<vmem_shared>>)
        tpu.yield
      }) : () -> ()
      %while3A_349 = arith.constant 0 : i32
      scf.yield %while3A_349 : i32
    }
    %barrier3A_271 = arith.constant 0 : index
    tpu.barrier barrier_id(%barrier3A_271)
    %mul3A_272 = arith.constant 624 : i32
    %mul3A_273 = arith.muli %arg1, %mul3A_272 : i32
    %mul3A_274 = arith.constant 624 : i32
    %mul3A_275 = arith.muli %arg1, %mul3A_274 : i32
    "tpu.region"() ({
      %run_scoped3A = tpu.sem_alloc : memref<!tpu.dma_semaphore, #tpu.memory_space<semaphore_mem>>
      %dma_start3A_281 = arith.constant 0 : i32
      %dma_start3A_282 = tpu.memref_slice %arg4[%arg0, %mul3A_275, %dma_start3A_281] : memref<2x10000x16xf32, #tpu.memory_space<hbm>> -> memref<1x624x16xf32, #tpu.memory_space<hbm>>
      %dma_start3A_283 = tpu.memref_squeeze %dma_start3A_282 : memref<1x624x16xf32, #tpu.memory_space<hbm>> -> memref<624x16xf32, #tpu.memory_space<hbm>>
      %dma_start3A_284 = arith.constant 0 : i32
      %dma_start3A_285 = tpu.memref_slice %arg5[%mul3A_273, %dma_start3A_284] : memref<10016x16xf32, #tpu.memory_space<vmem_shared>> -> memref<624x16xf32, #tpu.memory_space<vmem_shared>>
      tpu.enqueue_dma source(%dma_start3A_285 : memref<624x16xf32, #tpu.memory_space<vmem_shared>>) target(%dma_start3A_283 : memref<624x16xf32, #tpu.memory_space<hbm>>) target_semaphore(%run_scoped3A : memref<!tpu.dma_semaphore, #tpu.memory_space<semaphore_mem>>)
      %dma_wait3A = arith.constant 0 : i32
      %dma_wait3A_286 = tpu.memref_slice %arg4[%arg0, %mul3A_275, %dma_wait3A] : memref<2x10000x16xf32, #tpu.memory_space<hbm>> -> memref<1x624x16xf32, #tpu.memory_space<hbm>>
      %dma_wait3A_287 = tpu.memref_squeeze %dma_wait3A_286 : memref<1x624x16xf32, #tpu.memory_space<hbm>> -> memref<624x16xf32, #tpu.memory_space<hbm>>
      %dma_wait3A_288 = arith.constant 0 : i32
      %dma_wait3A_289 = tpu.memref_slice %arg5[%mul3A_273, %dma_wait3A_288] : memref<10016x16xf32, #tpu.memory_space<vmem_shared>> -> memref<624x16xf32, #tpu.memory_space<vmem_shared>>
      tpu.wait_dma2 semaphore(%run_scoped3A : memref<!tpu.dma_semaphore, #tpu.memory_space<semaphore_mem>>) src(%dma_wait3A_289 : memref<624x16xf32, #tpu.memory_space<vmem_shared>>) dst(%dma_wait3A_287 : memref<624x16xf32, #tpu.memory_space<hbm>>)
      tpu.yield
    }) : () -> ()
    %eq3A_276 = arith.constant 0 : i32
    %eq3A_277 = arith.cmpi eq, %arg1, %eq3A_276 : i32
    %convert_element_type3A_278 = arith.extui %eq3A_277 : i1 to i32
    %cond3A_279 = arith.constant 0 : i32
    %cond3A_280 = arith.cmpi ne, %convert_element_type3A_278, %cond3A_279 : i32
    scf.if %cond3A_280 {
      "tpu.region"() ({
        %run_scoped3A = tpu.sem_alloc : memref<!tpu.dma_semaphore, #tpu.memory_space<semaphore_mem>>
        %dma_start3A_281 = arith.constant 9984 : i32
        %dma_start3A_282 = arith.constant 0 : i32
        %dma_start3A_283 = tpu.memref_slice %arg4[%arg0, %dma_start3A_281, %dma_start3A_282] : memref<2x10000x16xf32, #tpu.memory_space<hbm>> -> memref<1x16x16xf32, #tpu.memory_space<hbm>>
        %dma_start3A_284 = tpu.memref_squeeze %dma_start3A_283 : memref<1x16x16xf32, #tpu.memory_space<hbm>> -> memref<16x16xf32, #tpu.memory_space<hbm>>
        %dma_start3A_285 = arith.constant 9984 : i32
        %dma_start3A_286 = arith.constant 0 : i32
        %dma_start3A_287 = tpu.memref_slice %arg5[%dma_start3A_285, %dma_start3A_286] : memref<10016x16xf32, #tpu.memory_space<vmem_shared>> -> memref<16x16xf32, #tpu.memory_space<vmem_shared>>
        tpu.enqueue_dma source(%dma_start3A_287 : memref<16x16xf32, #tpu.memory_space<vmem_shared>>) target(%dma_start3A_284 : memref<16x16xf32, #tpu.memory_space<hbm>>) target_semaphore(%run_scoped3A : memref<!tpu.dma_semaphore, #tpu.memory_space<semaphore_mem>>)
        %dma_wait3A = arith.constant 9984 : i32
        %dma_wait3A_288 = arith.constant 0 : i32
        %dma_wait3A_289 = tpu.memref_slice %arg4[%arg0, %dma_wait3A, %dma_wait3A_288] : memref<2x10000x16xf32, #tpu.memory_space<hbm>> -> memref<1x16x16xf32, #tpu.memory_space<hbm>>
        %dma_wait3A_290 = tpu.memref_squeeze %dma_wait3A_289 : memref<1x16x16xf32, #tpu.memory_space<hbm>> -> memref<16x16xf32, #tpu.memory_space<hbm>>
        %dma_wait3A_291 = arith.constant 9984 : i32
        %dma_wait3A_292 = arith.constant 0 : i32
        %dma_wait3A_293 = tpu.memref_slice %arg5[%dma_wait3A_291, %dma_wait3A_292] : memref<10016x16xf32, #tpu.memory_space<vmem_shared>> -> memref<16x16xf32, #tpu.memory_space<vmem_shared>>
        tpu.wait_dma2 semaphore(%run_scoped3A : memref<!tpu.dma_semaphore, #tpu.memory_space<semaphore_mem>>) src(%dma_wait3A_293 : memref<16x16xf32, #tpu.memory_space<vmem_shared>>) dst(%dma_wait3A_290 : memref<16x16xf32, #tpu.memory_space<hbm>>)
        tpu.yield
      }) : () -> ()
    } else {
    }
    return
  }
}

#map = affine_map<(d0, d1) -> (0, 0)>
#map1 = affine_map<(d0, d1) -> (0, 0, 0)>
module attributes {stable_mosaic.version = 14 : i64} {
  func.func @prop_kernel(%arg0: i32, %arg1: i32, %arg2: memref<10000x128xf32, #tpu.memory_space<hbm>>, %arg3: memref<32x126x96xi32, #tpu.memory_space<hbm>>, %arg4: memref<2x10000x128xf32, #tpu.memory_space<hbm>>, %arg5: memref<10016x128xf32, #tpu.memory_space<vmem_shared>>, %arg6: memref<126x96xi32, #tpu.memory_space<vmem>>, %arg7: memref<3x96xi32, #tpu.memory_space<vmem>>, %arg8: memref<3x96xi32, #tpu.memory_space<vmem>>, %arg9: memref<96x128xf32, #tpu.memory_space<vmem>>, %arg10: memref<96x128xf32, #tpu.memory_space<vmem>>, %arg11: memref<96x128xf32, #tpu.memory_space<vmem>>, %arg12: memref<3x!tpu.dma_semaphore, #tpu.memory_space<semaphore_mem>>) attributes {dimension_semantics = [#tpu.dimension_semantics<core_parallel>, #tpu.dimension_semantics<subcore_parallel>], iteration_bounds = array<i64: 2, 16>, scalar_prefetch = 0 : i64, scratch_operands = 8 : i64, tpu.core_type = #tpu.core_type<sc_vector_subcore>, window_params = [{transform_indices = #map}, {transform_indices = #map1}, {transform_indices = #map1}]} {
    %mul3A = arith.constant 2 : i32
    %mul3A_0 = arith.muli %arg1, %mul3A : i32
    %add3A = arith.addi %mul3A_0, %arg0 : i32
    %eq3A = arith.constant 0 : i32
    %eq3A_1 = arith.cmpi eq, %arg0, %eq3A : i32
    %select_n3A = arith.constant 126 : i32
    %select_n3A_2 = arith.constant 84 : i32
    %select_n3A_3 = arith.select %eq3A_1, %select_n3A_2, %select_n3A : i32
    %mul3A_4 = arith.constant 624 : i32
    %mul3A_5 = arith.muli %arg1, %mul3A_4 : i32
    %mul3A_6 = arith.constant 624 : i32
    %mul3A_7 = arith.muli %arg1, %mul3A_6 : i32
    "tpu.region"() ({
      %run_scoped3A = tpu.sem_alloc : memref<!tpu.dma_semaphore, #tpu.memory_space<semaphore_mem>>
      %dma_start3A_281 = arith.constant 0 : i32
      %dma_start3A_282 = tpu.memref_slice %arg5[%mul3A_7, %dma_start3A_281] : memref<10016x128xf32, #tpu.memory_space<vmem_shared>> -> memref<624x128xf32, #tpu.memory_space<vmem_shared>>
      %dma_start3A_283 = arith.constant 0 : i32
      %dma_start3A_284 = tpu.memref_slice %arg2[%mul3A_5, %dma_start3A_283] : memref<10000x128xf32, #tpu.memory_space<hbm>> -> memref<624x128xf32, #tpu.memory_space<hbm>>
      tpu.enqueue_dma source(%dma_start3A_284 : memref<624x128xf32, #tpu.memory_space<hbm>>) target(%dma_start3A_282 : memref<624x128xf32, #tpu.memory_space<vmem_shared>>) target_semaphore(%run_scoped3A : memref<!tpu.dma_semaphore, #tpu.memory_space<semaphore_mem>>)
      %dma_wait3A = arith.constant 0 : i32
      %dma_wait3A_285 = tpu.memref_slice %arg5[%mul3A_7, %dma_wait3A] : memref<10016x128xf32, #tpu.memory_space<vmem_shared>> -> memref<624x128xf32, #tpu.memory_space<vmem_shared>>
      %dma_wait3A_286 = arith.constant 0 : i32
      %dma_wait3A_287 = tpu.memref_slice %arg2[%mul3A_5, %dma_wait3A_286] : memref<10000x128xf32, #tpu.memory_space<hbm>> -> memref<624x128xf32, #tpu.memory_space<hbm>>
      tpu.wait_dma2 semaphore(%run_scoped3A : memref<!tpu.dma_semaphore, #tpu.memory_space<semaphore_mem>>) src(%dma_wait3A_287 : memref<624x128xf32, #tpu.memory_space<hbm>>) dst(%dma_wait3A_285 : memref<624x128xf32, #tpu.memory_space<vmem_shared>>)
      tpu.yield
    }) : () -> ()
    %eq3A_8 = arith.constant 0 : i32
    %eq3A_9 = arith.cmpi eq, %arg1, %eq3A_8 : i32
    %convert_element_type3A = arith.extui %eq3A_9 : i1 to i32
    %cond3A = arith.constant 0 : i32
    %cond3A_10 = arith.cmpi ne, %convert_element_type3A, %cond3A : i32
    scf.if %cond3A_10 {
      "tpu.region"() ({
        %run_scoped3A = tpu.sem_alloc : memref<!tpu.dma_semaphore, #tpu.memory_space<semaphore_mem>>
        %dma_start3A_281 = arith.constant 9984 : i32
        %dma_start3A_282 = arith.constant 0 : i32
        %dma_start3A_283 = tpu.memref_slice %arg5[%dma_start3A_281, %dma_start3A_282] : memref<10016x128xf32, #tpu.memory_space<vmem_shared>> -> memref<16x128xf32, #tpu.memory_space<vmem_shared>>
        %dma_start3A_284 = arith.constant 9984 : i32
        %dma_start3A_285 = arith.constant 0 : i32
        %dma_start3A_286 = tpu.memref_slice %arg2[%dma_start3A_284, %dma_start3A_285] : memref<10000x128xf32, #tpu.memory_space<hbm>> -> memref<16x128xf32, #tpu.memory_space<hbm>>
        tpu.enqueue_dma source(%dma_start3A_286 : memref<16x128xf32, #tpu.memory_space<hbm>>) target(%dma_start3A_283 : memref<16x128xf32, #tpu.memory_space<vmem_shared>>) target_semaphore(%run_scoped3A : memref<!tpu.dma_semaphore, #tpu.memory_space<semaphore_mem>>)
        %dma_wait3A = arith.constant 9984 : i32
        %dma_wait3A_287 = arith.constant 0 : i32
        %dma_wait3A_288 = tpu.memref_slice %arg5[%dma_wait3A, %dma_wait3A_287] : memref<10016x128xf32, #tpu.memory_space<vmem_shared>> -> memref<16x128xf32, #tpu.memory_space<vmem_shared>>
        %dma_wait3A_289 = arith.constant 9984 : i32
        %dma_wait3A_290 = arith.constant 0 : i32
        %dma_wait3A_291 = tpu.memref_slice %arg2[%dma_wait3A_289, %dma_wait3A_290] : memref<10000x128xf32, #tpu.memory_space<hbm>> -> memref<16x128xf32, #tpu.memory_space<hbm>>
        tpu.wait_dma2 semaphore(%run_scoped3A : memref<!tpu.dma_semaphore, #tpu.memory_space<semaphore_mem>>) src(%dma_wait3A_291 : memref<16x128xf32, #tpu.memory_space<hbm>>) dst(%dma_wait3A_288 : memref<16x128xf32, #tpu.memory_space<vmem_shared>>)
        tpu.yield
      }) : () -> ()
    } else {
    }
    "tpu.region"() ({
      %run_scoped3A = tpu.sem_alloc : memref<!tpu.dma_semaphore, #tpu.memory_space<semaphore_mem>>
      %dma_start3A_281 = arith.constant 0 : i32
      %dma_start3A_282 = arith.constant 0 : i32
      %dma_start3A_283 = tpu.memref_slice %arg3[%add3A, %dma_start3A_281, %dma_start3A_282] : memref<32x126x96xi32, #tpu.memory_space<hbm>> -> memref<1x126x96xi32, #tpu.memory_space<hbm>>
      %dma_start3A_284 = tpu.memref_squeeze %dma_start3A_283 : memref<1x126x96xi32, #tpu.memory_space<hbm>> -> memref<126x96xi32, #tpu.memory_space<hbm>>
      %dma_start3A_285 = arith.constant 0 : i32
      %dma_start3A_286 = arith.constant 0 : i32
      %dma_start3A_287 = tpu.memref_slice %arg3[%add3A, %dma_start3A_285, %dma_start3A_286] : memref<32x126x96xi32, #tpu.memory_space<hbm>> -> memref<1x126x96xi32, #tpu.memory_space<hbm>>
      %dma_start3A_288 = tpu.memref_squeeze %dma_start3A_287 : memref<1x126x96xi32, #tpu.memory_space<hbm>> -> memref<126x96xi32, #tpu.memory_space<hbm>>
      tpu.enqueue_dma source(%dma_start3A_288 : memref<126x96xi32, #tpu.memory_space<hbm>>) target(%arg6 : memref<126x96xi32, #tpu.memory_space<vmem>>) target_semaphore(%run_scoped3A : memref<!tpu.dma_semaphore, #tpu.memory_space<semaphore_mem>>)
      %dma_wait3A = arith.constant 0 : i32
      %dma_wait3A_289 = arith.constant 0 : i32
      %dma_wait3A_290 = tpu.memref_slice %arg3[%add3A, %dma_wait3A, %dma_wait3A_289] : memref<32x126x96xi32, #tpu.memory_space<hbm>> -> memref<1x126x96xi32, #tpu.memory_space<hbm>>
      %dma_wait3A_291 = tpu.memref_squeeze %dma_wait3A_290 : memref<1x126x96xi32, #tpu.memory_space<hbm>> -> memref<126x96xi32, #tpu.memory_space<hbm>>
      %dma_wait3A_292 = arith.constant 0 : i32
      %dma_wait3A_293 = arith.constant 0 : i32
      %dma_wait3A_294 = tpu.memref_slice %arg3[%add3A, %dma_wait3A_292, %dma_wait3A_293] : memref<32x126x96xi32, #tpu.memory_space<hbm>> -> memref<1x126x96xi32, #tpu.memory_space<hbm>>
      %dma_wait3A_295 = tpu.memref_squeeze %dma_wait3A_294 : memref<1x126x96xi32, #tpu.memory_space<hbm>> -> memref<126x96xi32, #tpu.memory_space<hbm>>
      tpu.wait_dma2 semaphore(%run_scoped3A : memref<!tpu.dma_semaphore, #tpu.memory_space<semaphore_mem>>) src(%dma_wait3A_295 : memref<126x96xi32, #tpu.memory_space<hbm>>) dst(%arg6 : memref<126x96xi32, #tpu.memory_space<vmem>>)
      tpu.yield
    }) : () -> ()
    %get3A = arith.constant 0 : i32
    %get3A_11 = arith.index_cast %get3A : i32 to index
    %get3A_12 = arith.constant 0 : index
    %get3A_13 = tpu.vector_load %arg6[%get3A_11, %get3A_12] {strides = array<i32>} : memref<126x96xi32, #tpu.memory_space<vmem>>, vector<16xi32>,
    %and3A = arith.constant 16383 : i32
    %and3A_14 = vector.broadcast %and3A : i32 to vector<16xi32>
    %and3A_15 = arith.andi %get3A_13, %and3A_14 : vector<16xi32>
    %swap3A = arith.constant 0 : i32
    %swap3A_16 = arith.index_cast %swap3A : i32 to index
    %swap3A_17 = arith.constant 0 : index
    %swap3A_18 = tpu.vector_load %arg7[%swap3A_16, %swap3A_17] {strides = array<i32>} : memref<3x96xi32, #tpu.memory_space<vmem>>, vector<16xi32>,
    tpu.vector_store %arg7[%swap3A_16, %swap3A_17], %and3A_15 {strides = array<i32>} : memref<3x96xi32, #tpu.memory_space<vmem>>, vector<16xi32>,
    %shift_right_logical3A = arith.constant 14 : i32
    %shift_right_logical3A_19 = vector.broadcast %shift_right_logical3A : i32 to vector<16xi32>
    %shift_right_logical3A_20 = arith.shrui %get3A_13, %shift_right_logical3A_19 : vector<16xi32>
    %swap3A_21 = arith.constant 0 : i32
    %swap3A_22 = arith.index_cast %swap3A_21 : i32 to index
    %swap3A_23 = arith.constant 0 : index
    %swap3A_24 = tpu.vector_load %arg8[%swap3A_22, %swap3A_23] {strides = array<i32>} : memref<3x96xi32, #tpu.memory_space<vmem>>, vector<16xi32>,
    tpu.vector_store %arg8[%swap3A_22, %swap3A_23], %shift_right_logical3A_20 {strides = array<i32>} : memref<3x96xi32, #tpu.memory_space<vmem>>, vector<16xi32>,
    %get3A_25 = arith.constant 0 : i32
    %get3A_26 = arith.index_cast %get3A_25 : i32 to index
    %get3A_27 = arith.constant 16 : index
    %get3A_28 = tpu.vector_load %arg6[%get3A_26, %get3A_27] {strides = array<i32>} : memref<126x96xi32, #tpu.memory_space<vmem>>, vector<16xi32>,
    %and3A_29 = arith.constant 16383 : i32
    %and3A_30 = vector.broadcast %and3A_29 : i32 to vector<16xi32>
    %and3A_31 = arith.andi %get3A_28, %and3A_30 : vector<16xi32>
    %swap3A_32 = arith.constant 0 : i32
    %swap3A_33 = arith.index_cast %swap3A_32 : i32 to index
    %swap3A_34 = arith.constant 16 : index
    %swap3A_35 = tpu.vector_load %arg7[%swap3A_33, %swap3A_34] {strides = array<i32>} : memref<3x96xi32, #tpu.memory_space<vmem>>, vector<16xi32>,
    tpu.vector_store %arg7[%swap3A_33, %swap3A_34], %and3A_31 {strides = array<i32>} : memref<3x96xi32, #tpu.memory_space<vmem>>, vector<16xi32>,
    %shift_right_logical3A_36 = arith.constant 14 : i32
    %shift_right_logical3A_37 = vector.broadcast %shift_right_logical3A_36 : i32 to vector<16xi32>
    %shift_right_logical3A_38 = arith.shrui %get3A_28, %shift_right_logical3A_37 : vector<16xi32>
    %swap3A_39 = arith.constant 0 : i32
    %swap3A_40 = arith.index_cast %swap3A_39 : i32 to index
    %swap3A_41 = arith.constant 16 : index
    %swap3A_42 = tpu.vector_load %arg8[%swap3A_40, %swap3A_41] {strides = array<i32>} : memref<3x96xi32, #tpu.memory_space<vmem>>, vector<16xi32>,
    tpu.vector_store %arg8[%swap3A_40, %swap3A_41], %shift_right_logical3A_38 {strides = array<i32>} : memref<3x96xi32, #tpu.memory_space<vmem>>, vector<16xi32>,
    %get3A_43 = arith.constant 0 : i32
    %get3A_44 = arith.index_cast %get3A_43 : i32 to index
    %get3A_45 = arith.constant 32 : index
    %get3A_46 = tpu.vector_load %arg6[%get3A_44, %get3A_45] {strides = array<i32>} : memref<126x96xi32, #tpu.memory_space<vmem>>, vector<16xi32>,
    %and3A_47 = arith.constant 16383 : i32
    %and3A_48 = vector.broadcast %and3A_47 : i32 to vector<16xi32>
    %and3A_49 = arith.andi %get3A_46, %and3A_48 : vector<16xi32>
    %swap3A_50 = arith.constant 0 : i32
    %swap3A_51 = arith.index_cast %swap3A_50 : i32 to index
    %swap3A_52 = arith.constant 32 : index
    %swap3A_53 = tpu.vector_load %arg7[%swap3A_51, %swap3A_52] {strides = array<i32>} : memref<3x96xi32, #tpu.memory_space<vmem>>, vector<16xi32>,
    tpu.vector_store %arg7[%swap3A_51, %swap3A_52], %and3A_49 {strides = array<i32>} : memref<3x96xi32, #tpu.memory_space<vmem>>, vector<16xi32>,
    %shift_right_logical3A_54 = arith.constant 14 : i32
    %shift_right_logical3A_55 = vector.broadcast %shift_right_logical3A_54 : i32 to vector<16xi32>
    %shift_right_logical3A_56 = arith.shrui %get3A_46, %shift_right_logical3A_55 : vector<16xi32>
    %swap3A_57 = arith.constant 0 : i32
    %swap3A_58 = arith.index_cast %swap3A_57 : i32 to index
    %swap3A_59 = arith.constant 32 : index
    %swap3A_60 = tpu.vector_load %arg8[%swap3A_58, %swap3A_59] {strides = array<i32>} : memref<3x96xi32, #tpu.memory_space<vmem>>, vector<16xi32>,
    tpu.vector_store %arg8[%swap3A_58, %swap3A_59], %shift_right_logical3A_56 {strides = array<i32>} : memref<3x96xi32, #tpu.memory_space<vmem>>, vector<16xi32>,
    %get3A_61 = arith.constant 0 : i32
    %get3A_62 = arith.index_cast %get3A_61 : i32 to index
    %get3A_63 = arith.constant 48 : index
    %get3A_64 = tpu.vector_load %arg6[%get3A_62, %get3A_63] {strides = array<i32>} : memref<126x96xi32, #tpu.memory_space<vmem>>, vector<16xi32>,
    %and3A_65 = arith.constant 16383 : i32
    %and3A_66 = vector.broadcast %and3A_65 : i32 to vector<16xi32>
    %and3A_67 = arith.andi %get3A_64, %and3A_66 : vector<16xi32>
    %swap3A_68 = arith.constant 0 : i32
    %swap3A_69 = arith.index_cast %swap3A_68 : i32 to index
    %swap3A_70 = arith.constant 48 : index
    %swap3A_71 = tpu.vector_load %arg7[%swap3A_69, %swap3A_70] {strides = array<i32>} : memref<3x96xi32, #tpu.memory_space<vmem>>, vector<16xi32>,
    tpu.vector_store %arg7[%swap3A_69, %swap3A_70], %and3A_67 {strides = array<i32>} : memref<3x96xi32, #tpu.memory_space<vmem>>, vector<16xi32>,
    %shift_right_logical3A_72 = arith.constant 14 : i32
    %shift_right_logical3A_73 = vector.broadcast %shift_right_logical3A_72 : i32 to vector<16xi32>
    %shift_right_logical3A_74 = arith.shrui %get3A_64, %shift_right_logical3A_73 : vector<16xi32>
    %swap3A_75 = arith.constant 0 : i32
    %swap3A_76 = arith.index_cast %swap3A_75 : i32 to index
    %swap3A_77 = arith.constant 48 : index
    %swap3A_78 = tpu.vector_load %arg8[%swap3A_76, %swap3A_77] {strides = array<i32>} : memref<3x96xi32, #tpu.memory_space<vmem>>, vector<16xi32>,
    tpu.vector_store %arg8[%swap3A_76, %swap3A_77], %shift_right_logical3A_74 {strides = array<i32>} : memref<3x96xi32, #tpu.memory_space<vmem>>, vector<16xi32>,
    %get3A_79 = arith.constant 0 : i32
    %get3A_80 = arith.index_cast %get3A_79 : i32 to index
    %get3A_81 = arith.constant 64 : index
    %get3A_82 = tpu.vector_load %arg6[%get3A_80, %get3A_81] {strides = array<i32>} : memref<126x96xi32, #tpu.memory_space<vmem>>, vector<16xi32>,
    %and3A_83 = arith.constant 16383 : i32
    %and3A_84 = vector.broadcast %and3A_83 : i32 to vector<16xi32>
    %and3A_85 = arith.andi %get3A_82, %and3A_84 : vector<16xi32>
    %swap3A_86 = arith.constant 0 : i32
    %swap3A_87 = arith.index_cast %swap3A_86 : i32 to index
    %swap3A_88 = arith.constant 64 : index
    %swap3A_89 = tpu.vector_load %arg7[%swap3A_87, %swap3A_88] {strides = array<i32>} : memref<3x96xi32, #tpu.memory_space<vmem>>, vector<16xi32>,
    tpu.vector_store %arg7[%swap3A_87, %swap3A_88], %and3A_85 {strides = array<i32>} : memref<3x96xi32, #tpu.memory_space<vmem>>, vector<16xi32>,
    %shift_right_logical3A_90 = arith.constant 14 : i32
    %shift_right_logical3A_91 = vector.broadcast %shift_right_logical3A_90 : i32 to vector<16xi32>
    %shift_right_logical3A_92 = arith.shrui %get3A_82, %shift_right_logical3A_91 : vector<16xi32>
    %swap3A_93 = arith.constant 0 : i32
    %swap3A_94 = arith.index_cast %swap3A_93 : i32 to index
    %swap3A_95 = arith.constant 64 : index
    %swap3A_96 = tpu.vector_load %arg8[%swap3A_94, %swap3A_95] {strides = array<i32>} : memref<3x96xi32, #tpu.memory_space<vmem>>, vector<16xi32>,
    tpu.vector_store %arg8[%swap3A_94, %swap3A_95], %shift_right_logical3A_92 {strides = array<i32>} : memref<3x96xi32, #tpu.memory_space<vmem>>, vector<16xi32>,
    %get3A_97 = arith.constant 0 : i32
    %get3A_98 = arith.index_cast %get3A_97 : i32 to index
    %get3A_99 = arith.constant 80 : index
    %get3A_100 = tpu.vector_load %arg6[%get3A_98, %get3A_99] {strides = array<i32>} : memref<126x96xi32, #tpu.memory_space<vmem>>, vector<16xi32>,
    %and3A_101 = arith.constant 16383 : i32
    %and3A_102 = vector.broadcast %and3A_101 : i32 to vector<16xi32>
    %and3A_103 = arith.andi %get3A_100, %and3A_102 : vector<16xi32>
    %swap3A_104 = arith.constant 0 : i32
    %swap3A_105 = arith.index_cast %swap3A_104 : i32 to index
    %swap3A_106 = arith.constant 80 : index
    %swap3A_107 = tpu.vector_load %arg7[%swap3A_105, %swap3A_106] {strides = array<i32>} : memref<3x96xi32, #tpu.memory_space<vmem>>, vector<16xi32>,
    tpu.vector_store %arg7[%swap3A_105, %swap3A_106], %and3A_103 {strides = array<i32>} : memref<3x96xi32, #tpu.memory_space<vmem>>, vector<16xi32>,
    %shift_right_logical3A_108 = arith.constant 14 : i32
    %shift_right_logical3A_109 = vector.broadcast %shift_right_logical3A_108 : i32 to vector<16xi32>
    %shift_right_logical3A_110 = arith.shrui %get3A_100, %shift_right_logical3A_109 : vector<16xi32>
    %swap3A_111 = arith.constant 0 : i32
    %swap3A_112 = arith.index_cast %swap3A_111 : i32 to index
    %swap3A_113 = arith.constant 80 : index
    %swap3A_114 = tpu.vector_load %arg8[%swap3A_112, %swap3A_113] {strides = array<i32>} : memref<3x96xi32, #tpu.memory_space<vmem>>, vector<16xi32>,
    tpu.vector_store %arg8[%swap3A_112, %swap3A_113], %shift_right_logical3A_110 {strides = array<i32>} : memref<3x96xi32, #tpu.memory_space<vmem>>, vector<16xi32>,
    %dma_start3A = arith.constant 0 : i32
    %dma_start3A_115 = arith.constant 0 : i32
    %dma_start3A_116 = arith.constant 0 : i32
    %dma_start3A_117 = tpu.memref_slice %arg7[%dma_start3A, %dma_start3A_116] : memref<3x96xi32, #tpu.memory_space<vmem>> -> memref<1x96xi32, #tpu.memory_space<vmem>>
    %dma_start3A_118 = tpu.memref_squeeze %dma_start3A_117 : memref<1x96xi32, #tpu.memory_space<vmem>> -> memref<96xi32, #tpu.memory_space<vmem>>
    %dma_start3A_119 = arith.constant 0 : i32
    %dma_start3A_120 = arith.constant 0 : i32
    %dma_start3A_121 = tpu.memref_slice %arg2[%dma_start3A_119, %dma_start3A_120] : memref<10000x128xf32, #tpu.memory_space<hbm>> -> memref<10000x128xf32, #tpu.memory_space<hbm>>
    %dma_start3A_122 = tpu.memref_slice %arg12[%dma_start3A_115] : memref<3x!tpu.dma_semaphore, #tpu.memory_space<semaphore_mem>> -> memref<1x!tpu.dma_semaphore, #tpu.memory_space<semaphore_mem>>
    %dma_start3A_123 = tpu.memref_squeeze %dma_start3A_122 : memref<1x!tpu.dma_semaphore, #tpu.memory_space<semaphore_mem>> -> memref<!tpu.dma_semaphore, #tpu.memory_space<semaphore_mem>>
    tpu.enqueue_indirect_dma source(%dma_start3A_121 : memref<10000x128xf32, #tpu.memory_space<hbm>>) target(%arg9 : memref<96x128xf32, #tpu.memory_space<vmem>>) offsets(%dma_start3A_118 : memref<96xi32, #tpu.memory_space<vmem>>) semaphore(%dma_start3A_123 : memref<!tpu.dma_semaphore, #tpu.memory_space<semaphore_mem>>)
    %get3A_124 = arith.constant 1 : i32
    %get3A_125 = arith.index_cast %get3A_124 : i32 to index
    %get3A_126 = arith.constant 0 : index
    %get3A_127 = tpu.vector_load %arg6[%get3A_125, %get3A_126] {strides = array<i32>} : memref<126x96xi32, #tpu.memory_space<vmem>>, vector<16xi32>,
    %and3A_128 = arith.constant 16383 : i32
    %and3A_129 = vector.broadcast %and3A_128 : i32 to vector<16xi32>
    %and3A_130 = arith.andi %get3A_127, %and3A_129 : vector<16xi32>
    %swap3A_131 = arith.constant 1 : i32
    %swap3A_132 = arith.index_cast %swap3A_131 : i32 to index
    %swap3A_133 = arith.constant 0 : index
    %swap3A_134 = tpu.vector_load %arg7[%swap3A_132, %swap3A_133] {strides = array<i32>} : memref<3x96xi32, #tpu.memory_space<vmem>>, vector<16xi32>,
    tpu.vector_store %arg7[%swap3A_132, %swap3A_133], %and3A_130 {strides = array<i32>} : memref<3x96xi32, #tpu.memory_space<vmem>>, vector<16xi32>,
    %shift_right_logical3A_135 = arith.constant 14 : i32
    %shift_right_logical3A_136 = vector.broadcast %shift_right_logical3A_135 : i32 to vector<16xi32>
    %shift_right_logical3A_137 = arith.shrui %get3A_127, %shift_right_logical3A_136 : vector<16xi32>
    %swap3A_138 = arith.constant 1 : i32
    %swap3A_139 = arith.index_cast %swap3A_138 : i32 to index
    %swap3A_140 = arith.constant 0 : index
    %swap3A_141 = tpu.vector_load %arg8[%swap3A_139, %swap3A_140] {strides = array<i32>} : memref<3x96xi32, #tpu.memory_space<vmem>>, vector<16xi32>,
    tpu.vector_store %arg8[%swap3A_139, %swap3A_140], %shift_right_logical3A_137 {strides = array<i32>} : memref<3x96xi32, #tpu.memory_space<vmem>>, vector<16xi32>,
    %get3A_142 = arith.constant 1 : i32
    %get3A_143 = arith.index_cast %get3A_142 : i32 to index
    %get3A_144 = arith.constant 16 : index
    %get3A_145 = tpu.vector_load %arg6[%get3A_143, %get3A_144] {strides = array<i32>} : memref<126x96xi32, #tpu.memory_space<vmem>>, vector<16xi32>,
    %and3A_146 = arith.constant 16383 : i32
    %and3A_147 = vector.broadcast %and3A_146 : i32 to vector<16xi32>
    %and3A_148 = arith.andi %get3A_145, %and3A_147 : vector<16xi32>
    %swap3A_149 = arith.constant 1 : i32
    %swap3A_150 = arith.index_cast %swap3A_149 : i32 to index
    %swap3A_151 = arith.constant 16 : index
    %swap3A_152 = tpu.vector_load %arg7[%swap3A_150, %swap3A_151] {strides = array<i32>} : memref<3x96xi32, #tpu.memory_space<vmem>>, vector<16xi32>,
    tpu.vector_store %arg7[%swap3A_150, %swap3A_151], %and3A_148 {strides = array<i32>} : memref<3x96xi32, #tpu.memory_space<vmem>>, vector<16xi32>,
    %shift_right_logical3A_153 = arith.constant 14 : i32
    %shift_right_logical3A_154 = vector.broadcast %shift_right_logical3A_153 : i32 to vector<16xi32>
    %shift_right_logical3A_155 = arith.shrui %get3A_145, %shift_right_logical3A_154 : vector<16xi32>
    %swap3A_156 = arith.constant 1 : i32
    %swap3A_157 = arith.index_cast %swap3A_156 : i32 to index
    %swap3A_158 = arith.constant 16 : index
    %swap3A_159 = tpu.vector_load %arg8[%swap3A_157, %swap3A_158] {strides = array<i32>} : memref<3x96xi32, #tpu.memory_space<vmem>>, vector<16xi32>,
    tpu.vector_store %arg8[%swap3A_157, %swap3A_158], %shift_right_logical3A_155 {strides = array<i32>} : memref<3x96xi32, #tpu.memory_space<vmem>>, vector<16xi32>,
    %get3A_160 = arith.constant 1 : i32
    %get3A_161 = arith.index_cast %get3A_160 : i32 to index
    %get3A_162 = arith.constant 32 : index
    %get3A_163 = tpu.vector_load %arg6[%get3A_161, %get3A_162] {strides = array<i32>} : memref<126x96xi32, #tpu.memory_space<vmem>>, vector<16xi32>,
    %and3A_164 = arith.constant 16383 : i32
    %and3A_165 = vector.broadcast %and3A_164 : i32 to vector<16xi32>
    %and3A_166 = arith.andi %get3A_163, %and3A_165 : vector<16xi32>
    %swap3A_167 = arith.constant 1 : i32
    %swap3A_168 = arith.index_cast %swap3A_167 : i32 to index
    %swap3A_169 = arith.constant 32 : index
    %swap3A_170 = tpu.vector_load %arg7[%swap3A_168, %swap3A_169] {strides = array<i32>} : memref<3x96xi32, #tpu.memory_space<vmem>>, vector<16xi32>,
    tpu.vector_store %arg7[%swap3A_168, %swap3A_169], %and3A_166 {strides = array<i32>} : memref<3x96xi32, #tpu.memory_space<vmem>>, vector<16xi32>,
    %shift_right_logical3A_171 = arith.constant 14 : i32
    %shift_right_logical3A_172 = vector.broadcast %shift_right_logical3A_171 : i32 to vector<16xi32>
    %shift_right_logical3A_173 = arith.shrui %get3A_163, %shift_right_logical3A_172 : vector<16xi32>
    %swap3A_174 = arith.constant 1 : i32
    %swap3A_175 = arith.index_cast %swap3A_174 : i32 to index
    %swap3A_176 = arith.constant 32 : index
    %swap3A_177 = tpu.vector_load %arg8[%swap3A_175, %swap3A_176] {strides = array<i32>} : memref<3x96xi32, #tpu.memory_space<vmem>>, vector<16xi32>,
    tpu.vector_store %arg8[%swap3A_175, %swap3A_176], %shift_right_logical3A_173 {strides = array<i32>} : memref<3x96xi32, #tpu.memory_space<vmem>>, vector<16xi32>,
    %get3A_178 = arith.constant 1 : i32
    %get3A_179 = arith.index_cast %get3A_178 : i32 to index
    %get3A_180 = arith.constant 48 : index
    %get3A_181 = tpu.vector_load %arg6[%get3A_179, %get3A_180] {strides = array<i32>} : memref<126x96xi32, #tpu.memory_space<vmem>>, vector<16xi32>,
    %and3A_182 = arith.constant 16383 : i32
    %and3A_183 = vector.broadcast %and3A_182 : i32 to vector<16xi32>
    %and3A_184 = arith.andi %get3A_181, %and3A_183 : vector<16xi32>
    %swap3A_185 = arith.constant 1 : i32
    %swap3A_186 = arith.index_cast %swap3A_185 : i32 to index
    %swap3A_187 = arith.constant 48 : index
    %swap3A_188 = tpu.vector_load %arg7[%swap3A_186, %swap3A_187] {strides = array<i32>} : memref<3x96xi32, #tpu.memory_space<vmem>>, vector<16xi32>,
    tpu.vector_store %arg7[%swap3A_186, %swap3A_187], %and3A_184 {strides = array<i32>} : memref<3x96xi32, #tpu.memory_space<vmem>>, vector<16xi32>,
    %shift_right_logical3A_189 = arith.constant 14 : i32
    %shift_right_logical3A_190 = vector.broadcast %shift_right_logical3A_189 : i32 to vector<16xi32>
    %shift_right_logical3A_191 = arith.shrui %get3A_181, %shift_right_logical3A_190 : vector<16xi32>
    %swap3A_192 = arith.constant 1 : i32
    %swap3A_193 = arith.index_cast %swap3A_192 : i32 to index
    %swap3A_194 = arith.constant 48 : index
    %swap3A_195 = tpu.vector_load %arg8[%swap3A_193, %swap3A_194] {strides = array<i32>} : memref<3x96xi32, #tpu.memory_space<vmem>>, vector<16xi32>,
    tpu.vector_store %arg8[%swap3A_193, %swap3A_194], %shift_right_logical3A_191 {strides = array<i32>} : memref<3x96xi32, #tpu.memory_space<vmem>>, vector<16xi32>,
    %get3A_196 = arith.constant 1 : i32
    %get3A_197 = arith.index_cast %get3A_196 : i32 to index
    %get3A_198 = arith.constant 64 : index
    %get3A_199 = tpu.vector_load %arg6[%get3A_197, %get3A_198] {strides = array<i32>} : memref<126x96xi32, #tpu.memory_space<vmem>>, vector<16xi32>,
    %and3A_200 = arith.constant 16383 : i32
    %and3A_201 = vector.broadcast %and3A_200 : i32 to vector<16xi32>
    %and3A_202 = arith.andi %get3A_199, %and3A_201 : vector<16xi32>
    %swap3A_203 = arith.constant 1 : i32
    %swap3A_204 = arith.index_cast %swap3A_203 : i32 to index
    %swap3A_205 = arith.constant 64 : index
    %swap3A_206 = tpu.vector_load %arg7[%swap3A_204, %swap3A_205] {strides = array<i32>} : memref<3x96xi32, #tpu.memory_space<vmem>>, vector<16xi32>,
    tpu.vector_store %arg7[%swap3A_204, %swap3A_205], %and3A_202 {strides = array<i32>} : memref<3x96xi32, #tpu.memory_space<vmem>>, vector<16xi32>,
    %shift_right_logical3A_207 = arith.constant 14 : i32
    %shift_right_logical3A_208 = vector.broadcast %shift_right_logical3A_207 : i32 to vector<16xi32>
    %shift_right_logical3A_209 = arith.shrui %get3A_199, %shift_right_logical3A_208 : vector<16xi32>
    %swap3A_210 = arith.constant 1 : i32
    %swap3A_211 = arith.index_cast %swap3A_210 : i32 to index
    %swap3A_212 = arith.constant 64 : index
    %swap3A_213 = tpu.vector_load %arg8[%swap3A_211, %swap3A_212] {strides = array<i32>} : memref<3x96xi32, #tpu.memory_space<vmem>>, vector<16xi32>,
    tpu.vector_store %arg8[%swap3A_211, %swap3A_212], %shift_right_logical3A_209 {strides = array<i32>} : memref<3x96xi32, #tpu.memory_space<vmem>>, vector<16xi32>,
    %get3A_214 = arith.constant 1 : i32
    %get3A_215 = arith.index_cast %get3A_214 : i32 to index
    %get3A_216 = arith.constant 80 : index
    %get3A_217 = tpu.vector_load %arg6[%get3A_215, %get3A_216] {strides = array<i32>} : memref<126x96xi32, #tpu.memory_space<vmem>>, vector<16xi32>,
    %and3A_218 = arith.constant 16383 : i32
    %and3A_219 = vector.broadcast %and3A_218 : i32 to vector<16xi32>
    %and3A_220 = arith.andi %get3A_217, %and3A_219 : vector<16xi32>
    %swap3A_221 = arith.constant 1 : i32
    %swap3A_222 = arith.index_cast %swap3A_221 : i32 to index
    %swap3A_223 = arith.constant 80 : index
    %swap3A_224 = tpu.vector_load %arg7[%swap3A_222, %swap3A_223] {strides = array<i32>} : memref<3x96xi32, #tpu.memory_space<vmem>>, vector<16xi32>,
    tpu.vector_store %arg7[%swap3A_222, %swap3A_223], %and3A_220 {strides = array<i32>} : memref<3x96xi32, #tpu.memory_space<vmem>>, vector<16xi32>,
    %shift_right_logical3A_225 = arith.constant 14 : i32
    %shift_right_logical3A_226 = vector.broadcast %shift_right_logical3A_225 : i32 to vector<16xi32>
    %shift_right_logical3A_227 = arith.shrui %get3A_217, %shift_right_logical3A_226 : vector<16xi32>
    %swap3A_228 = arith.constant 1 : i32
    %swap3A_229 = arith.index_cast %swap3A_228 : i32 to index
    %swap3A_230 = arith.constant 80 : index
    %swap3A_231 = tpu.vector_load %arg8[%swap3A_229, %swap3A_230] {strides = array<i32>} : memref<3x96xi32, #tpu.memory_space<vmem>>, vector<16xi32>,
    tpu.vector_store %arg8[%swap3A_229, %swap3A_230], %shift_right_logical3A_227 {strides = array<i32>} : memref<3x96xi32, #tpu.memory_space<vmem>>, vector<16xi32>,
    %dma_start3A_232 = arith.constant 1 : i32
    %dma_start3A_233 = arith.constant 1 : i32
    %dma_start3A_234 = arith.constant 0 : i32
    %dma_start3A_235 = tpu.memref_slice %arg7[%dma_start3A_232, %dma_start3A_234] : memref<3x96xi32, #tpu.memory_space<vmem>> -> memref<1x96xi32, #tpu.memory_space<vmem>>
    %dma_start3A_236 = tpu.memref_squeeze %dma_start3A_235 : memref<1x96xi32, #tpu.memory_space<vmem>> -> memref<96xi32, #tpu.memory_space<vmem>>
    %dma_start3A_237 = arith.constant 0 : i32
    %dma_start3A_238 = arith.constant 0 : i32
    %dma_start3A_239 = tpu.memref_slice %arg2[%dma_start3A_237, %dma_start3A_238] : memref<10000x128xf32, #tpu.memory_space<hbm>> -> memref<10000x128xf32, #tpu.memory_space<hbm>>
    %dma_start3A_240 = tpu.memref_slice %arg12[%dma_start3A_233] : memref<3x!tpu.dma_semaphore, #tpu.memory_space<semaphore_mem>> -> memref<1x!tpu.dma_semaphore, #tpu.memory_space<semaphore_mem>>
    %dma_start3A_241 = tpu.memref_squeeze %dma_start3A_240 : memref<1x!tpu.dma_semaphore, #tpu.memory_space<semaphore_mem>> -> memref<!tpu.dma_semaphore, #tpu.memory_space<semaphore_mem>>
    tpu.enqueue_indirect_dma source(%dma_start3A_239 : memref<10000x128xf32, #tpu.memory_space<hbm>>) target(%arg10 : memref<96x128xf32, #tpu.memory_space<vmem>>) offsets(%dma_start3A_236 : memref<96xi32, #tpu.memory_space<vmem>>) semaphore(%dma_start3A_241 : memref<!tpu.dma_semaphore, #tpu.memory_space<semaphore_mem>>)
    %barrier3A = arith.constant 0 : index
    tpu.barrier barrier_id(%barrier3A)
    %jit3A = arith.constant 3 : i32
    %div3A = arith.divsi %select_n3A_3, %jit3A : i32
    %sign3A = arith.constant 0 : i32
    %sign3A_242 = arith.cmpi sgt, %select_n3A_3, %sign3A : i32
    %sign3A_243 = arith.extui %sign3A_242 : i1 to i32
    %sign3A_244 = arith.constant 0 : i32
    %sign3A_245 = arith.cmpi slt, %select_n3A_3, %sign3A_244 : i32
    %sign3A_246 = arith.extui %sign3A_245 : i1 to i32
    %sign3A_247 = arith.subi %sign3A_243, %sign3A_246 : i32
    %sign3A_248 = arith.constant 0 : i32
    %sign3A_249 = arith.cmpi sgt, %jit3A, %sign3A_248 : i32
    %sign3A_250 = arith.extui %sign3A_249 : i1 to i32
    %sign3A_251 = arith.constant 0 : i32
    %sign3A_252 = arith.cmpi slt, %jit3A, %sign3A_251 : i32
    %sign3A_253 = arith.extui %sign3A_252 : i1 to i32
    %sign3A_254 = arith.subi %sign3A_250, %sign3A_253 : i32
    %ne3A = arith.cmpi ne, %sign3A_247, %sign3A_254 : i32
    %rem3A = arith.remsi %select_n3A_3, %jit3A : i32
    %ne3A_255 = arith.constant 0 : i32
    %ne3A_256 = arith.cmpi ne, %rem3A, %ne3A_255 : i32
    %and3A_257 = arith.andi %ne3A, %ne3A_256 : i1
    %sub3A = arith.constant 1 : i32
    %sub3A_258 = arith.subi %div3A, %sub3A : i32
    %select_n3A_259 = arith.select %and3A_257, %sub3A_258, %div3A : i32
    %while3A = arith.constant 0 : i32
    %while3A_260 = arith.constant 0 : i32
    %while3A_261 = arith.subi %select_n3A_259, %while3A : i32
    %while3A_262 = arith.addi %while3A, %while3A_261 : i32
    %while3A_263 = arith.constant 1 : i32
    %while3A_264 = arith.divsi %while3A_261, %while3A_263 : i32
    %while3A_265 = arith.muli %while3A_264, %while3A_263 : i32
    %while3A_266 = arith.addi %while3A, %while3A_265 : i32
    %while3A_267 = arith.constant 1 : i32
    %while3A_268 = scf.for %while3A_281 = %while3A to %while3A_266 step %while3A_267 iter_args(%while3A_282 = %while3A_260) -> (i32)  : i32 {
      %mul3A_283 = arith.constant 3 : i32
      %mul3A_284 = arith.muli %while3A_281, %mul3A_283 : i32
      %add3A_285 = arith.constant 0 : i32
      %add3A_286 = arith.addi %mul3A_284, %add3A_285 : i32
      %add3A_287 = arith.constant 3 : i32
      %add3A_288 = arith.addi %add3A_286, %add3A_287 : i32
      %sub3A_289 = arith.constant 1 : i32
      %sub3A_290 = arith.subi %add3A_288, %sub3A_289 : i32
      %lt3A = arith.cmpi slt, %sub3A_290, %select_n3A_3 : i32
      %convert_element_type3A_291 = arith.extui %lt3A : i1 to i32
      %cond3A_292 = arith.constant 0 : i32
      %cond3A_293 = arith.cmpi ne, %convert_element_type3A_291, %cond3A_292 : i32
      scf.if %cond3A_293 {
        %add3A_350 = arith.constant 3 : i32
        %add3A_351 = arith.addi %add3A_286, %add3A_350 : i32
        %sub3A_352 = arith.constant 1 : i32
        %sub3A_353 = arith.subi %add3A_351, %sub3A_352 : i32
        %get3A_354 = arith.index_cast %sub3A_353 : i32 to index
        %get3A_355 = arith.constant 0 : index
        %get3A_356 = tpu.vector_load %arg6[%get3A_354, %get3A_355] {strides = array<i32>} : memref<126x96xi32, #tpu.memory_space<vmem>>, vector<16xi32>,
        %and3A_357 = arith.constant 16383 : i32
        %and3A_358 = vector.broadcast %and3A_357 : i32 to vector<16xi32>
        %and3A_359 = arith.andi %get3A_356, %and3A_358 : vector<16xi32>
        %swap3A_360 = arith.constant 2 : i32
        %swap3A_361 = arith.index_cast %swap3A_360 : i32 to index
        %swap3A_362 = arith.constant 0 : index
        %swap3A_363 = tpu.vector_load %arg7[%swap3A_361, %swap3A_362] {strides = array<i32>} : memref<3x96xi32, #tpu.memory_space<vmem>>, vector<16xi32>,
        tpu.vector_store %arg7[%swap3A_361, %swap3A_362], %and3A_359 {strides = array<i32>} : memref<3x96xi32, #tpu.memory_space<vmem>>, vector<16xi32>,
        %shift_right_logical3A_364 = arith.constant 14 : i32
        %shift_right_logical3A_365 = vector.broadcast %shift_right_logical3A_364 : i32 to vector<16xi32>
        %shift_right_logical3A_366 = arith.shrui %get3A_356, %shift_right_logical3A_365 : vector<16xi32>
        %swap3A_367 = arith.constant 2 : i32
        %swap3A_368 = arith.index_cast %swap3A_367 : i32 to index
        %swap3A_369 = arith.constant 0 : index
        %swap3A_370 = tpu.vector_load %arg8[%swap3A_368, %swap3A_369] {strides = array<i32>} : memref<3x96xi32, #tpu.memory_space<vmem>>, vector<16xi32>,
        tpu.vector_store %arg8[%swap3A_368, %swap3A_369], %shift_right_logical3A_366 {strides = array<i32>} : memref<3x96xi32, #tpu.memory_space<vmem>>, vector<16xi32>,
        %get3A_371 = arith.index_cast %sub3A_353 : i32 to index
        %get3A_372 = arith.constant 16 : index
        %get3A_373 = tpu.vector_load %arg6[%get3A_371, %get3A_372] {strides = array<i32>} : memref<126x96xi32, #tpu.memory_space<vmem>>, vector<16xi32>,
        %and3A_374 = arith.constant 16383 : i32
        %and3A_375 = vector.broadcast %and3A_374 : i32 to vector<16xi32>
        %and3A_376 = arith.andi %get3A_373, %and3A_375 : vector<16xi32>
        %swap3A_377 = arith.constant 2 : i32
        %swap3A_378 = arith.index_cast %swap3A_377 : i32 to index
        %swap3A_379 = arith.constant 16 : index
        %swap3A_380 = tpu.vector_load %arg7[%swap3A_378, %swap3A_379] {strides = array<i32>} : memref<3x96xi32, #tpu.memory_space<vmem>>, vector<16xi32>,
        tpu.vector_store %arg7[%swap3A_378, %swap3A_379], %and3A_376 {strides = array<i32>} : memref<3x96xi32, #tpu.memory_space<vmem>>, vector<16xi32>,
        %shift_right_logical3A_381 = arith.constant 14 : i32
        %shift_right_logical3A_382 = vector.broadcast %shift_right_logical3A_381 : i32 to vector<16xi32>
        %shift_right_logical3A_383 = arith.shrui %get3A_373, %shift_right_logical3A_382 : vector<16xi32>
        %swap3A_384 = arith.constant 2 : i32
        %swap3A_385 = arith.index_cast %swap3A_384 : i32 to index
        %swap3A_386 = arith.constant 16 : index
        %swap3A_387 = tpu.vector_load %arg8[%swap3A_385, %swap3A_386] {strides = array<i32>} : memref<3x96xi32, #tpu.memory_space<vmem>>, vector<16xi32>,
        tpu.vector_store %arg8[%swap3A_385, %swap3A_386], %shift_right_logical3A_383 {strides = array<i32>} : memref<3x96xi32, #tpu.memory_space<vmem>>, vector<16xi32>,
        %get3A_388 = arith.index_cast %sub3A_353 : i32 to index
        %get3A_389 = arith.constant 32 : index
        %get3A_390 = tpu.vector_load %arg6[%get3A_388, %get3A_389] {strides = array<i32>} : memref<126x96xi32, #tpu.memory_space<vmem>>, vector<16xi32>,
        %and3A_391 = arith.constant 16383 : i32
        %and3A_392 = vector.broadcast %and3A_391 : i32 to vector<16xi32>
        %and3A_393 = arith.andi %get3A_390, %and3A_392 : vector<16xi32>
        %swap3A_394 = arith.constant 2 : i32
        %swap3A_395 = arith.index_cast %swap3A_394 : i32 to index
        %swap3A_396 = arith.constant 32 : index
        %swap3A_397 = tpu.vector_load %arg7[%swap3A_395, %swap3A_396] {strides = array<i32>} : memref<3x96xi32, #tpu.memory_space<vmem>>, vector<16xi32>,
        tpu.vector_store %arg7[%swap3A_395, %swap3A_396], %and3A_393 {strides = array<i32>} : memref<3x96xi32, #tpu.memory_space<vmem>>, vector<16xi32>,
        %shift_right_logical3A_398 = arith.constant 14 : i32
        %shift_right_logical3A_399 = vector.broadcast %shift_right_logical3A_398 : i32 to vector<16xi32>
        %shift_right_logical3A_400 = arith.shrui %get3A_390, %shift_right_logical3A_399 : vector<16xi32>
        %swap3A_401 = arith.constant 2 : i32
        %swap3A_402 = arith.index_cast %swap3A_401 : i32 to index
        %swap3A_403 = arith.constant 32 : index
        %swap3A_404 = tpu.vector_load %arg8[%swap3A_402, %swap3A_403] {strides = array<i32>} : memref<3x96xi32, #tpu.memory_space<vmem>>, vector<16xi32>,
        tpu.vector_store %arg8[%swap3A_402, %swap3A_403], %shift_right_logical3A_400 {strides = array<i32>} : memref<3x96xi32, #tpu.memory_space<vmem>>, vector<16xi32>,
        %get3A_405 = arith.index_cast %sub3A_353 : i32 to index
        %get3A_406 = arith.constant 48 : index
        %get3A_407 = tpu.vector_load %arg6[%get3A_405, %get3A_406] {strides = array<i32>} : memref<126x96xi32, #tpu.memory_space<vmem>>, vector<16xi32>,
        %and3A_408 = arith.constant 16383 : i32
        %and3A_409 = vector.broadcast %and3A_408 : i32 to vector<16xi32>
        %and3A_410 = arith.andi %get3A_407, %and3A_409 : vector<16xi32>
        %swap3A_411 = arith.constant 2 : i32
        %swap3A_412 = arith.index_cast %swap3A_411 : i32 to index
        %swap3A_413 = arith.constant 48 : index
        %swap3A_414 = tpu.vector_load %arg7[%swap3A_412, %swap3A_413] {strides = array<i32>} : memref<3x96xi32, #tpu.memory_space<vmem>>, vector<16xi32>,
        tpu.vector_store %arg7[%swap3A_412, %swap3A_413], %and3A_410 {strides = array<i32>} : memref<3x96xi32, #tpu.memory_space<vmem>>, vector<16xi32>,
        %shift_right_logical3A_415 = arith.constant 14 : i32
        %shift_right_logical3A_416 = vector.broadcast %shift_right_logical3A_415 : i32 to vector<16xi32>
        %shift_right_logical3A_417 = arith.shrui %get3A_407, %shift_right_logical3A_416 : vector<16xi32>
        %swap3A_418 = arith.constant 2 : i32
        %swap3A_419 = arith.index_cast %swap3A_418 : i32 to index
        %swap3A_420 = arith.constant 48 : index
        %swap3A_421 = tpu.vector_load %arg8[%swap3A_419, %swap3A_420] {strides = array<i32>} : memref<3x96xi32, #tpu.memory_space<vmem>>, vector<16xi32>,
        tpu.vector_store %arg8[%swap3A_419, %swap3A_420], %shift_right_logical3A_417 {strides = array<i32>} : memref<3x96xi32, #tpu.memory_space<vmem>>, vector<16xi32>,
        %get3A_422 = arith.index_cast %sub3A_353 : i32 to index
        %get3A_423 = arith.constant 64 : index
        %get3A_424 = tpu.vector_load %arg6[%get3A_422, %get3A_423] {strides = array<i32>} : memref<126x96xi32, #tpu.memory_space<vmem>>, vector<16xi32>,
        %and3A_425 = arith.constant 16383 : i32
        %and3A_426 = vector.broadcast %and3A_425 : i32 to vector<16xi32>
        %and3A_427 = arith.andi %get3A_424, %and3A_426 : vector<16xi32>
        %swap3A_428 = arith.constant 2 : i32
        %swap3A_429 = arith.index_cast %swap3A_428 : i32 to index
        %swap3A_430 = arith.constant 64 : index
        %swap3A_431 = tpu.vector_load %arg7[%swap3A_429, %swap3A_430] {strides = array<i32>} : memref<3x96xi32, #tpu.memory_space<vmem>>, vector<16xi32>,
        tpu.vector_store %arg7[%swap3A_429, %swap3A_430], %and3A_427 {strides = array<i32>} : memref<3x96xi32, #tpu.memory_space<vmem>>, vector<16xi32>,
        %shift_right_logical3A_432 = arith.constant 14 : i32
        %shift_right_logical3A_433 = vector.broadcast %shift_right_logical3A_432 : i32 to vector<16xi32>
        %shift_right_logical3A_434 = arith.shrui %get3A_424, %shift_right_logical3A_433 : vector<16xi32>
        %swap3A_435 = arith.constant 2 : i32
        %swap3A_436 = arith.index_cast %swap3A_435 : i32 to index
        %swap3A_437 = arith.constant 64 : index
        %swap3A_438 = tpu.vector_load %arg8[%swap3A_436, %swap3A_437] {strides = array<i32>} : memref<3x96xi32, #tpu.memory_space<vmem>>, vector<16xi32>,
        tpu.vector_store %arg8[%swap3A_436, %swap3A_437], %shift_right_logical3A_434 {strides = array<i32>} : memref<3x96xi32, #tpu.memory_space<vmem>>, vector<16xi32>,
        %get3A_439 = arith.index_cast %sub3A_353 : i32 to index
        %get3A_440 = arith.constant 80 : index
        %get3A_441 = tpu.vector_load %arg6[%get3A_439, %get3A_440] {strides = array<i32>} : memref<126x96xi32, #tpu.memory_space<vmem>>, vector<16xi32>,
        %and3A_442 = arith.constant 16383 : i32
        %and3A_443 = vector.broadcast %and3A_442 : i32 to vector<16xi32>
        %and3A_444 = arith.andi %get3A_441, %and3A_443 : vector<16xi32>
        %swap3A_445 = arith.constant 2 : i32
        %swap3A_446 = arith.index_cast %swap3A_445 : i32 to index
        %swap3A_447 = arith.constant 80 : index
        %swap3A_448 = tpu.vector_load %arg7[%swap3A_446, %swap3A_447] {strides = array<i32>} : memref<3x96xi32, #tpu.memory_space<vmem>>, vector<16xi32>,
        tpu.vector_store %arg7[%swap3A_446, %swap3A_447], %and3A_444 {strides = array<i32>} : memref<3x96xi32, #tpu.memory_space<vmem>>, vector<16xi32>,
        %shift_right_logical3A_449 = arith.constant 14 : i32
        %shift_right_logical3A_450 = vector.broadcast %shift_right_logical3A_449 : i32 to vector<16xi32>
        %shift_right_logical3A_451 = arith.shrui %get3A_441, %shift_right_logical3A_450 : vector<16xi32>
        %swap3A_452 = arith.constant 2 : i32
        %swap3A_453 = arith.index_cast %swap3A_452 : i32 to index
        %swap3A_454 = arith.constant 80 : index
        %swap3A_455 = tpu.vector_load %arg8[%swap3A_453, %swap3A_454] {strides = array<i32>} : memref<3x96xi32, #tpu.memory_space<vmem>>, vector<16xi32>,
        tpu.vector_store %arg8[%swap3A_453, %swap3A_454], %shift_right_logical3A_451 {strides = array<i32>} : memref<3x96xi32, #tpu.memory_space<vmem>>, vector<16xi32>,
        %add3A_456 = arith.constant 3 : i32
        %add3A_457 = arith.addi %add3A_286, %add3A_456 : i32
        %sub3A_458 = arith.constant 1 : i32
        %sub3A_459 = arith.subi %add3A_457, %sub3A_458 : i32
        %dma_start3A_460 = arith.constant 2 : i32
        %dma_start3A_461 = arith.constant 2 : i32
        %dma_start3A_462 = arith.constant 0 : i32
        %dma_start3A_463 = tpu.memref_slice %arg7[%dma_start3A_460, %dma_start3A_462] : memref<3x96xi32, #tpu.memory_space<vmem>> -> memref<1x96xi32, #tpu.memory_space<vmem>>
        %dma_start3A_464 = tpu.memref_squeeze %dma_start3A_463 : memref<1x96xi32, #tpu.memory_space<vmem>> -> memref<96xi32, #tpu.memory_space<vmem>>
        %dma_start3A_465 = arith.constant 0 : i32
        %dma_start3A_466 = arith.constant 0 : i32
        %dma_start3A_467 = tpu.memref_slice %arg2[%dma_start3A_465, %dma_start3A_466] : memref<10000x128xf32, #tpu.memory_space<hbm>> -> memref<10000x128xf32, #tpu.memory_space<hbm>>
        %dma_start3A_468 = tpu.memref_slice %arg12[%dma_start3A_461] : memref<3x!tpu.dma_semaphore, #tpu.memory_space<semaphore_mem>> -> memref<1x!tpu.dma_semaphore, #tpu.memory_space<semaphore_mem>>
        %dma_start3A_469 = tpu.memref_squeeze %dma_start3A_468 : memref<1x!tpu.dma_semaphore, #tpu.memory_space<semaphore_mem>> -> memref<!tpu.dma_semaphore, #tpu.memory_space<semaphore_mem>>
        tpu.enqueue_indirect_dma source(%dma_start3A_467 : memref<10000x128xf32, #tpu.memory_space<hbm>>) target(%arg11 : memref<96x128xf32, #tpu.memory_space<vmem>>) offsets(%dma_start3A_464 : memref<96xi32, #tpu.memory_space<vmem>>) semaphore(%dma_start3A_469 : memref<!tpu.dma_semaphore, #tpu.memory_space<semaphore_mem>>)
      } else {
      }
      %dma_wait3A = arith.constant 0 : i32
      %dma_wait3A_294 = arith.constant 0 : i32
      %dma_wait3A_295 = arith.constant 0 : i32
      %dma_wait3A_296 = tpu.memref_slice %arg7[%dma_wait3A, %dma_wait3A_295] : memref<3x96xi32, #tpu.memory_space<vmem>> -> memref<1x96xi32, #tpu.memory_space<vmem>>
      %dma_wait3A_297 = tpu.memref_squeeze %dma_wait3A_296 : memref<1x96xi32, #tpu.memory_space<vmem>> -> memref<96xi32, #tpu.memory_space<vmem>>
      %dma_wait3A_298 = arith.constant 0 : i32
      %dma_wait3A_299 = arith.constant 0 : i32
      %dma_wait3A_300 = tpu.memref_slice %arg2[%dma_wait3A_298, %dma_wait3A_299] : memref<10000x128xf32, #tpu.memory_space<hbm>> -> memref<10000x128xf32, #tpu.memory_space<hbm>>
      %dma_wait3A_301 = tpu.memref_slice %arg12[%dma_wait3A_294] : memref<3x!tpu.dma_semaphore, #tpu.memory_space<semaphore_mem>> -> memref<1x!tpu.dma_semaphore, #tpu.memory_space<semaphore_mem>>
      %dma_wait3A_302 = tpu.memref_squeeze %dma_wait3A_301 : memref<1x!tpu.dma_semaphore, #tpu.memory_space<semaphore_mem>> -> memref<!tpu.dma_semaphore, #tpu.memory_space<semaphore_mem>>
      tpu.wait_indirect_dma semaphore(%dma_wait3A_302 : memref<!tpu.dma_semaphore, #tpu.memory_space<semaphore_mem>>) src(%dma_wait3A_300 : memref<10000x128xf32, #tpu.memory_space<hbm>>) dst(%arg9 : memref<96x128xf32, #tpu.memory_space<vmem>>)
      %run_scoped3A = arith.constant 0 : i32
      "tpu.region"() ({
        %run_scoped3A_350 = tpu.sem_alloc : memref<!tpu.dma_semaphore, #tpu.memory_space<semaphore_mem>>
        %dma_start3A_351 = arith.constant 0 : i32
        %dma_start3A_352 = tpu.memref_slice %arg8[%run_scoped3A, %dma_start3A_351] : memref<3x96xi32, #tpu.memory_space<vmem>> -> memref<1x96xi32, #tpu.memory_space<vmem>>
        %dma_start3A_353 = tpu.memref_squeeze %dma_start3A_352 : memref<1x96xi32, #tpu.memory_space<vmem>> -> memref<96xi32, #tpu.memory_space<vmem>>
        %dma_start3A_354 = arith.constant 0 : i32
        %dma_start3A_355 = arith.constant 0 : i32
        %dma_start3A_356 = tpu.memref_slice %arg5[%dma_start3A_354, %dma_start3A_355] : memref<10016x128xf32, #tpu.memory_space<vmem_shared>> -> memref<10016x128xf32, #tpu.memory_space<vmem_shared>>
        tpu.enqueue_indirect_dma source(%arg9 : memref<96x128xf32, #tpu.memory_space<vmem>>) target(%dma_start3A_356 : memref<10016x128xf32, #tpu.memory_space<vmem_shared>>) offsets(%dma_start3A_353 : memref<96xi32, #tpu.memory_space<vmem>>) semaphore(%run_scoped3A_350 : memref<!tpu.dma_semaphore, #tpu.memory_space<semaphore_mem>>) {add = true}
        %dma_wait3A_357 = arith.constant 0 : i32
        %dma_wait3A_358 = tpu.memref_slice %arg8[%run_scoped3A, %dma_wait3A_357] : memref<3x96xi32, #tpu.memory_space<vmem>> -> memref<1x96xi32, #tpu.memory_space<vmem>>
        %dma_wait3A_359 = tpu.memref_squeeze %dma_wait3A_358 : memref<1x96xi32, #tpu.memory_space<vmem>> -> memref<96xi32, #tpu.memory_space<vmem>>
        %dma_wait3A_360 = arith.constant 0 : i32
        %dma_wait3A_361 = arith.constant 0 : i32
        %dma_wait3A_362 = tpu.memref_slice %arg5[%dma_wait3A_360, %dma_wait3A_361] : memref<10016x128xf32, #tpu.memory_space<vmem_shared>> -> memref<10016x128xf32, #tpu.memory_space<vmem_shared>>
        tpu.wait_indirect_dma semaphore(%run_scoped3A_350 : memref<!tpu.dma_semaphore, #tpu.memory_space<semaphore_mem>>) src(%arg9 : memref<96x128xf32, #tpu.memory_space<vmem>>) dst(%dma_wait3A_362 : memref<10016x128xf32, #tpu.memory_space<vmem_shared>>)
        tpu.yield
      }) : () -> ()
      %mul3A_303 = arith.constant 3 : i32
      %mul3A_304 = arith.muli %while3A_281, %mul3A_303 : i32
      %add3A_305 = arith.constant 1 : i32
      %add3A_306 = arith.addi %mul3A_304, %add3A_305 : i32
      %add3A_307 = arith.constant 3 : i32
      %add3A_308 = arith.addi %add3A_306, %add3A_307 : i32
      %sub3A_309 = arith.constant 1 : i32
      %sub3A_310 = arith.subi %add3A_308, %sub3A_309 : i32
      %lt3A_311 = arith.cmpi slt, %sub3A_310, %select_n3A_3 : i32
      %convert_element_type3A_312 = arith.extui %lt3A_311 : i1 to i32
      %cond3A_313 = arith.constant 0 : i32
      %cond3A_314 = arith.cmpi ne, %convert_element_type3A_312, %cond3A_313 : i32
      scf.if %cond3A_314 {
        %add3A_350 = arith.constant 3 : i32
        %add3A_351 = arith.addi %add3A_306, %add3A_350 : i32
        %sub3A_352 = arith.constant 1 : i32
        %sub3A_353 = arith.subi %add3A_351, %sub3A_352 : i32
        %get3A_354 = arith.index_cast %sub3A_353 : i32 to index
        %get3A_355 = arith.constant 0 : index
        %get3A_356 = tpu.vector_load %arg6[%get3A_354, %get3A_355] {strides = array<i32>} : memref<126x96xi32, #tpu.memory_space<vmem>>, vector<16xi32>,
        %and3A_357 = arith.constant 16383 : i32
        %and3A_358 = vector.broadcast %and3A_357 : i32 to vector<16xi32>
        %and3A_359 = arith.andi %get3A_356, %and3A_358 : vector<16xi32>
        %swap3A_360 = arith.constant 0 : i32
        %swap3A_361 = arith.index_cast %swap3A_360 : i32 to index
        %swap3A_362 = arith.constant 0 : index
        %swap3A_363 = tpu.vector_load %arg7[%swap3A_361, %swap3A_362] {strides = array<i32>} : memref<3x96xi32, #tpu.memory_space<vmem>>, vector<16xi32>,
        tpu.vector_store %arg7[%swap3A_361, %swap3A_362], %and3A_359 {strides = array<i32>} : memref<3x96xi32, #tpu.memory_space<vmem>>, vector<16xi32>,
        %shift_right_logical3A_364 = arith.constant 14 : i32
        %shift_right_logical3A_365 = vector.broadcast %shift_right_logical3A_364 : i32 to vector<16xi32>
        %shift_right_logical3A_366 = arith.shrui %get3A_356, %shift_right_logical3A_365 : vector<16xi32>
        %swap3A_367 = arith.constant 0 : i32
        %swap3A_368 = arith.index_cast %swap3A_367 : i32 to index
        %swap3A_369 = arith.constant 0 : index
        %swap3A_370 = tpu.vector_load %arg8[%swap3A_368, %swap3A_369] {strides = array<i32>} : memref<3x96xi32, #tpu.memory_space<vmem>>, vector<16xi32>,
        tpu.vector_store %arg8[%swap3A_368, %swap3A_369], %shift_right_logical3A_366 {strides = array<i32>} : memref<3x96xi32, #tpu.memory_space<vmem>>, vector<16xi32>,
        %get3A_371 = arith.index_cast %sub3A_353 : i32 to index
        %get3A_372 = arith.constant 16 : index
        %get3A_373 = tpu.vector_load %arg6[%get3A_371, %get3A_372] {strides = array<i32>} : memref<126x96xi32, #tpu.memory_space<vmem>>, vector<16xi32>,
        %and3A_374 = arith.constant 16383 : i32
        %and3A_375 = vector.broadcast %and3A_374 : i32 to vector<16xi32>
        %and3A_376 = arith.andi %get3A_373, %and3A_375 : vector<16xi32>
        %swap3A_377 = arith.constant 0 : i32
        %swap3A_378 = arith.index_cast %swap3A_377 : i32 to index
        %swap3A_379 = arith.constant 16 : index
        %swap3A_380 = tpu.vector_load %arg7[%swap3A_378, %swap3A_379] {strides = array<i32>} : memref<3x96xi32, #tpu.memory_space<vmem>>, vector<16xi32>,
        tpu.vector_store %arg7[%swap3A_378, %swap3A_379], %and3A_376 {strides = array<i32>} : memref<3x96xi32, #tpu.memory_space<vmem>>, vector<16xi32>,
        %shift_right_logical3A_381 = arith.constant 14 : i32
        %shift_right_logical3A_382 = vector.broadcast %shift_right_logical3A_381 : i32 to vector<16xi32>
        %shift_right_logical3A_383 = arith.shrui %get3A_373, %shift_right_logical3A_382 : vector<16xi32>
        %swap3A_384 = arith.constant 0 : i32
        %swap3A_385 = arith.index_cast %swap3A_384 : i32 to index
        %swap3A_386 = arith.constant 16 : index
        %swap3A_387 = tpu.vector_load %arg8[%swap3A_385, %swap3A_386] {strides = array<i32>} : memref<3x96xi32, #tpu.memory_space<vmem>>, vector<16xi32>,
        tpu.vector_store %arg8[%swap3A_385, %swap3A_386], %shift_right_logical3A_383 {strides = array<i32>} : memref<3x96xi32, #tpu.memory_space<vmem>>, vector<16xi32>,
        %get3A_388 = arith.index_cast %sub3A_353 : i32 to index
        %get3A_389 = arith.constant 32 : index
        %get3A_390 = tpu.vector_load %arg6[%get3A_388, %get3A_389] {strides = array<i32>} : memref<126x96xi32, #tpu.memory_space<vmem>>, vector<16xi32>,
        %and3A_391 = arith.constant 16383 : i32
        %and3A_392 = vector.broadcast %and3A_391 : i32 to vector<16xi32>
        %and3A_393 = arith.andi %get3A_390, %and3A_392 : vector<16xi32>
        %swap3A_394 = arith.constant 0 : i32
        %swap3A_395 = arith.index_cast %swap3A_394 : i32 to index
        %swap3A_396 = arith.constant 32 : index
        %swap3A_397 = tpu.vector_load %arg7[%swap3A_395, %swap3A_396] {strides = array<i32>} : memref<3x96xi32, #tpu.memory_space<vmem>>, vector<16xi32>,
        tpu.vector_store %arg7[%swap3A_395, %swap3A_396], %and3A_393 {strides = array<i32>} : memref<3x96xi32, #tpu.memory_space<vmem>>, vector<16xi32>,
        %shift_right_logical3A_398 = arith.constant 14 : i32
        %shift_right_logical3A_399 = vector.broadcast %shift_right_logical3A_398 : i32 to vector<16xi32>
        %shift_right_logical3A_400 = arith.shrui %get3A_390, %shift_right_logical3A_399 : vector<16xi32>
        %swap3A_401 = arith.constant 0 : i32
        %swap3A_402 = arith.index_cast %swap3A_401 : i32 to index
        %swap3A_403 = arith.constant 32 : index
        %swap3A_404 = tpu.vector_load %arg8[%swap3A_402, %swap3A_403] {strides = array<i32>} : memref<3x96xi32, #tpu.memory_space<vmem>>, vector<16xi32>,
        tpu.vector_store %arg8[%swap3A_402, %swap3A_403], %shift_right_logical3A_400 {strides = array<i32>} : memref<3x96xi32, #tpu.memory_space<vmem>>, vector<16xi32>,
        %get3A_405 = arith.index_cast %sub3A_353 : i32 to index
        %get3A_406 = arith.constant 48 : index
        %get3A_407 = tpu.vector_load %arg6[%get3A_405, %get3A_406] {strides = array<i32>} : memref<126x96xi32, #tpu.memory_space<vmem>>, vector<16xi32>,
        %and3A_408 = arith.constant 16383 : i32
        %and3A_409 = vector.broadcast %and3A_408 : i32 to vector<16xi32>
        %and3A_410 = arith.andi %get3A_407, %and3A_409 : vector<16xi32>
        %swap3A_411 = arith.constant 0 : i32
        %swap3A_412 = arith.index_cast %swap3A_411 : i32 to index
        %swap3A_413 = arith.constant 48 : index
        %swap3A_414 = tpu.vector_load %arg7[%swap3A_412, %swap3A_413] {strides = array<i32>} : memref<3x96xi32, #tpu.memory_space<vmem>>, vector<16xi32>,
        tpu.vector_store %arg7[%swap3A_412, %swap3A_413], %and3A_410 {strides = array<i32>} : memref<3x96xi32, #tpu.memory_space<vmem>>, vector<16xi32>,
        %shift_right_logical3A_415 = arith.constant 14 : i32
        %shift_right_logical3A_416 = vector.broadcast %shift_right_logical3A_415 : i32 to vector<16xi32>
        %shift_right_logical3A_417 = arith.shrui %get3A_407, %shift_right_logical3A_416 : vector<16xi32>
        %swap3A_418 = arith.constant 0 : i32
        %swap3A_419 = arith.index_cast %swap3A_418 : i32 to index
        %swap3A_420 = arith.constant 48 : index
        %swap3A_421 = tpu.vector_load %arg8[%swap3A_419, %swap3A_420] {strides = array<i32>} : memref<3x96xi32, #tpu.memory_space<vmem>>, vector<16xi32>,
        tpu.vector_store %arg8[%swap3A_419, %swap3A_420], %shift_right_logical3A_417 {strides = array<i32>} : memref<3x96xi32, #tpu.memory_space<vmem>>, vector<16xi32>,
        %get3A_422 = arith.index_cast %sub3A_353 : i32 to index
        %get3A_423 = arith.constant 64 : index
        %get3A_424 = tpu.vector_load %arg6[%get3A_422, %get3A_423] {strides = array<i32>} : memref<126x96xi32, #tpu.memory_space<vmem>>, vector<16xi32>,
        %and3A_425 = arith.constant 16383 : i32
        %and3A_426 = vector.broadcast %and3A_425 : i32 to vector<16xi32>
        %and3A_427 = arith.andi %get3A_424, %and3A_426 : vector<16xi32>
        %swap3A_428 = arith.constant 0 : i32
        %swap3A_429 = arith.index_cast %swap3A_428 : i32 to index
        %swap3A_430 = arith.constant 64 : index
        %swap3A_431 = tpu.vector_load %arg7[%swap3A_429, %swap3A_430] {strides = array<i32>} : memref<3x96xi32, #tpu.memory_space<vmem>>, vector<16xi32>,
        tpu.vector_store %arg7[%swap3A_429, %swap3A_430], %and3A_427 {strides = array<i32>} : memref<3x96xi32, #tpu.memory_space<vmem>>, vector<16xi32>,
        %shift_right_logical3A_432 = arith.constant 14 : i32
        %shift_right_logical3A_433 = vector.broadcast %shift_right_logical3A_432 : i32 to vector<16xi32>
        %shift_right_logical3A_434 = arith.shrui %get3A_424, %shift_right_logical3A_433 : vector<16xi32>
        %swap3A_435 = arith.constant 0 : i32
        %swap3A_436 = arith.index_cast %swap3A_435 : i32 to index
        %swap3A_437 = arith.constant 64 : index
        %swap3A_438 = tpu.vector_load %arg8[%swap3A_436, %swap3A_437] {strides = array<i32>} : memref<3x96xi32, #tpu.memory_space<vmem>>, vector<16xi32>,
        tpu.vector_store %arg8[%swap3A_436, %swap3A_437], %shift_right_logical3A_434 {strides = array<i32>} : memref<3x96xi32, #tpu.memory_space<vmem>>, vector<16xi32>,
        %get3A_439 = arith.index_cast %sub3A_353 : i32 to index
        %get3A_440 = arith.constant 80 : index
        %get3A_441 = tpu.vector_load %arg6[%get3A_439, %get3A_440] {strides = array<i32>} : memref<126x96xi32, #tpu.memory_space<vmem>>, vector<16xi32>,
        %and3A_442 = arith.constant 16383 : i32
        %and3A_443 = vector.broadcast %and3A_442 : i32 to vector<16xi32>
        %and3A_444 = arith.andi %get3A_441, %and3A_443 : vector<16xi32>
        %swap3A_445 = arith.constant 0 : i32
        %swap3A_446 = arith.index_cast %swap3A_445 : i32 to index
        %swap3A_447 = arith.constant 80 : index
        %swap3A_448 = tpu.vector_load %arg7[%swap3A_446, %swap3A_447] {strides = array<i32>} : memref<3x96xi32, #tpu.memory_space<vmem>>, vector<16xi32>,
        tpu.vector_store %arg7[%swap3A_446, %swap3A_447], %and3A_444 {strides = array<i32>} : memref<3x96xi32, #tpu.memory_space<vmem>>, vector<16xi32>,
        %shift_right_logical3A_449 = arith.constant 14 : i32
        %shift_right_logical3A_450 = vector.broadcast %shift_right_logical3A_449 : i32 to vector<16xi32>
        %shift_right_logical3A_451 = arith.shrui %get3A_441, %shift_right_logical3A_450 : vector<16xi32>
        %swap3A_452 = arith.constant 0 : i32
        %swap3A_453 = arith.index_cast %swap3A_452 : i32 to index
        %swap3A_454 = arith.constant 80 : index
        %swap3A_455 = tpu.vector_load %arg8[%swap3A_453, %swap3A_454] {strides = array<i32>} : memref<3x96xi32, #tpu.memory_space<vmem>>, vector<16xi32>,
        tpu.vector_store %arg8[%swap3A_453, %swap3A_454], %shift_right_logical3A_451 {strides = array<i32>} : memref<3x96xi32, #tpu.memory_space<vmem>>, vector<16xi32>,
        %add3A_456 = arith.constant 3 : i32
        %add3A_457 = arith.addi %add3A_306, %add3A_456 : i32
        %sub3A_458 = arith.constant 1 : i32
        %sub3A_459 = arith.subi %add3A_457, %sub3A_458 : i32
        %dma_start3A_460 = arith.constant 0 : i32
        %dma_start3A_461 = arith.constant 0 : i32
        %dma_start3A_462 = arith.constant 0 : i32
        %dma_start3A_463 = tpu.memref_slice %arg7[%dma_start3A_460, %dma_start3A_462] : memref<3x96xi32, #tpu.memory_space<vmem>> -> memref<1x96xi32, #tpu.memory_space<vmem>>
        %dma_start3A_464 = tpu.memref_squeeze %dma_start3A_463 : memref<1x96xi32, #tpu.memory_space<vmem>> -> memref<96xi32, #tpu.memory_space<vmem>>
        %dma_start3A_465 = arith.constant 0 : i32
        %dma_start3A_466 = arith.constant 0 : i32
        %dma_start3A_467 = tpu.memref_slice %arg2[%dma_start3A_465, %dma_start3A_466] : memref<10000x128xf32, #tpu.memory_space<hbm>> -> memref<10000x128xf32, #tpu.memory_space<hbm>>
        %dma_start3A_468 = tpu.memref_slice %arg12[%dma_start3A_461] : memref<3x!tpu.dma_semaphore, #tpu.memory_space<semaphore_mem>> -> memref<1x!tpu.dma_semaphore, #tpu.memory_space<semaphore_mem>>
        %dma_start3A_469 = tpu.memref_squeeze %dma_start3A_468 : memref<1x!tpu.dma_semaphore, #tpu.memory_space<semaphore_mem>> -> memref<!tpu.dma_semaphore, #tpu.memory_space<semaphore_mem>>
        tpu.enqueue_indirect_dma source(%dma_start3A_467 : memref<10000x128xf32, #tpu.memory_space<hbm>>) target(%arg9 : memref<96x128xf32, #tpu.memory_space<vmem>>) offsets(%dma_start3A_464 : memref<96xi32, #tpu.memory_space<vmem>>) semaphore(%dma_start3A_469 : memref<!tpu.dma_semaphore, #tpu.memory_space<semaphore_mem>>)
      } else {
      }
      %dma_wait3A_315 = arith.constant 1 : i32
      %dma_wait3A_316 = arith.constant 1 : i32
      %dma_wait3A_317 = arith.constant 0 : i32
      %dma_wait3A_318 = tpu.memref_slice %arg7[%dma_wait3A_315, %dma_wait3A_317] : memref<3x96xi32, #tpu.memory_space<vmem>> -> memref<1x96xi32, #tpu.memory_space<vmem>>
      %dma_wait3A_319 = tpu.memref_squeeze %dma_wait3A_318 : memref<1x96xi32, #tpu.memory_space<vmem>> -> memref<96xi32, #tpu.memory_space<vmem>>
      %dma_wait3A_320 = arith.constant 0 : i32
      %dma_wait3A_321 = arith.constant 0 : i32
      %dma_wait3A_322 = tpu.memref_slice %arg2[%dma_wait3A_320, %dma_wait3A_321] : memref<10000x128xf32, #tpu.memory_space<hbm>> -> memref<10000x128xf32, #tpu.memory_space<hbm>>
      %dma_wait3A_323 = tpu.memref_slice %arg12[%dma_wait3A_316] : memref<3x!tpu.dma_semaphore, #tpu.memory_space<semaphore_mem>> -> memref<1x!tpu.dma_semaphore, #tpu.memory_space<semaphore_mem>>
      %dma_wait3A_324 = tpu.memref_squeeze %dma_wait3A_323 : memref<1x!tpu.dma_semaphore, #tpu.memory_space<semaphore_mem>> -> memref<!tpu.dma_semaphore, #tpu.memory_space<semaphore_mem>>
      tpu.wait_indirect_dma semaphore(%dma_wait3A_324 : memref<!tpu.dma_semaphore, #tpu.memory_space<semaphore_mem>>) src(%dma_wait3A_322 : memref<10000x128xf32, #tpu.memory_space<hbm>>) dst(%arg10 : memref<96x128xf32, #tpu.memory_space<vmem>>)
      %run_scoped3A_325 = arith.constant 1 : i32
      "tpu.region"() ({
        %run_scoped3A_350 = tpu.sem_alloc : memref<!tpu.dma_semaphore, #tpu.memory_space<semaphore_mem>>
        %dma_start3A_351 = arith.constant 0 : i32
        %dma_start3A_352 = tpu.memref_slice %arg8[%run_scoped3A_325, %dma_start3A_351] : memref<3x96xi32, #tpu.memory_space<vmem>> -> memref<1x96xi32, #tpu.memory_space<vmem>>
        %dma_start3A_353 = tpu.memref_squeeze %dma_start3A_352 : memref<1x96xi32, #tpu.memory_space<vmem>> -> memref<96xi32, #tpu.memory_space<vmem>>
        %dma_start3A_354 = arith.constant 0 : i32
        %dma_start3A_355 = arith.constant 0 : i32
        %dma_start3A_356 = tpu.memref_slice %arg5[%dma_start3A_354, %dma_start3A_355] : memref<10016x128xf32, #tpu.memory_space<vmem_shared>> -> memref<10016x128xf32, #tpu.memory_space<vmem_shared>>
        tpu.enqueue_indirect_dma source(%arg10 : memref<96x128xf32, #tpu.memory_space<vmem>>) target(%dma_start3A_356 : memref<10016x128xf32, #tpu.memory_space<vmem_shared>>) offsets(%dma_start3A_353 : memref<96xi32, #tpu.memory_space<vmem>>) semaphore(%run_scoped3A_350 : memref<!tpu.dma_semaphore, #tpu.memory_space<semaphore_mem>>) {add = true}
        %dma_wait3A_357 = arith.constant 0 : i32
        %dma_wait3A_358 = tpu.memref_slice %arg8[%run_scoped3A_325, %dma_wait3A_357] : memref<3x96xi32, #tpu.memory_space<vmem>> -> memref<1x96xi32, #tpu.memory_space<vmem>>
        %dma_wait3A_359 = tpu.memref_squeeze %dma_wait3A_358 : memref<1x96xi32, #tpu.memory_space<vmem>> -> memref<96xi32, #tpu.memory_space<vmem>>
        %dma_wait3A_360 = arith.constant 0 : i32
        %dma_wait3A_361 = arith.constant 0 : i32
        %dma_wait3A_362 = tpu.memref_slice %arg5[%dma_wait3A_360, %dma_wait3A_361] : memref<10016x128xf32, #tpu.memory_space<vmem_shared>> -> memref<10016x128xf32, #tpu.memory_space<vmem_shared>>
        tpu.wait_indirect_dma semaphore(%run_scoped3A_350 : memref<!tpu.dma_semaphore, #tpu.memory_space<semaphore_mem>>) src(%arg10 : memref<96x128xf32, #tpu.memory_space<vmem>>) dst(%dma_wait3A_362 : memref<10016x128xf32, #tpu.memory_space<vmem_shared>>)
        tpu.yield
      }) : () -> ()
      %mul3A_326 = arith.constant 3 : i32
      %mul3A_327 = arith.muli %while3A_281, %mul3A_326 : i32
      %add3A_328 = arith.constant 2 : i32
      %add3A_329 = arith.addi %mul3A_327, %add3A_328 : i32
      %add3A_330 = arith.constant 3 : i32
      %add3A_331 = arith.addi %add3A_329, %add3A_330 : i32
      %sub3A_332 = arith.constant 1 : i32
      %sub3A_333 = arith.subi %add3A_331, %sub3A_332 : i32
      %lt3A_334 = arith.cmpi slt, %sub3A_333, %select_n3A_3 : i32
      %convert_element_type3A_335 = arith.extui %lt3A_334 : i1 to i32
      %cond3A_336 = arith.constant 0 : i32
      %cond3A_337 = arith.cmpi ne, %convert_element_type3A_335, %cond3A_336 : i32
      scf.if %cond3A_337 {
        %add3A_350 = arith.constant 3 : i32
        %add3A_351 = arith.addi %add3A_329, %add3A_350 : i32
        %sub3A_352 = arith.constant 1 : i32
        %sub3A_353 = arith.subi %add3A_351, %sub3A_352 : i32
        %get3A_354 = arith.index_cast %sub3A_353 : i32 to index
        %get3A_355 = arith.constant 0 : index
        %get3A_356 = tpu.vector_load %arg6[%get3A_354, %get3A_355] {strides = array<i32>} : memref<126x96xi32, #tpu.memory_space<vmem>>, vector<16xi32>,
        %and3A_357 = arith.constant 16383 : i32
        %and3A_358 = vector.broadcast %and3A_357 : i32 to vector<16xi32>
        %and3A_359 = arith.andi %get3A_356, %and3A_358 : vector<16xi32>
        %swap3A_360 = arith.constant 1 : i32
        %swap3A_361 = arith.index_cast %swap3A_360 : i32 to index
        %swap3A_362 = arith.constant 0 : index
        %swap3A_363 = tpu.vector_load %arg7[%swap3A_361, %swap3A_362] {strides = array<i32>} : memref<3x96xi32, #tpu.memory_space<vmem>>, vector<16xi32>,
        tpu.vector_store %arg7[%swap3A_361, %swap3A_362], %and3A_359 {strides = array<i32>} : memref<3x96xi32, #tpu.memory_space<vmem>>, vector<16xi32>,
        %shift_right_logical3A_364 = arith.constant 14 : i32
        %shift_right_logical3A_365 = vector.broadcast %shift_right_logical3A_364 : i32 to vector<16xi32>
        %shift_right_logical3A_366 = arith.shrui %get3A_356, %shift_right_logical3A_365 : vector<16xi32>
        %swap3A_367 = arith.constant 1 : i32
        %swap3A_368 = arith.index_cast %swap3A_367 : i32 to index
        %swap3A_369 = arith.constant 0 : index
        %swap3A_370 = tpu.vector_load %arg8[%swap3A_368, %swap3A_369] {strides = array<i32>} : memref<3x96xi32, #tpu.memory_space<vmem>>, vector<16xi32>,
        tpu.vector_store %arg8[%swap3A_368, %swap3A_369], %shift_right_logical3A_366 {strides = array<i32>} : memref<3x96xi32, #tpu.memory_space<vmem>>, vector<16xi32>,
        %get3A_371 = arith.index_cast %sub3A_353 : i32 to index
        %get3A_372 = arith.constant 16 : index
        %get3A_373 = tpu.vector_load %arg6[%get3A_371, %get3A_372] {strides = array<i32>} : memref<126x96xi32, #tpu.memory_space<vmem>>, vector<16xi32>,
        %and3A_374 = arith.constant 16383 : i32
        %and3A_375 = vector.broadcast %and3A_374 : i32 to vector<16xi32>
        %and3A_376 = arith.andi %get3A_373, %and3A_375 : vector<16xi32>
        %swap3A_377 = arith.constant 1 : i32
        %swap3A_378 = arith.index_cast %swap3A_377 : i32 to index
        %swap3A_379 = arith.constant 16 : index
        %swap3A_380 = tpu.vector_load %arg7[%swap3A_378, %swap3A_379] {strides = array<i32>} : memref<3x96xi32, #tpu.memory_space<vmem>>, vector<16xi32>,
        tpu.vector_store %arg7[%swap3A_378, %swap3A_379], %and3A_376 {strides = array<i32>} : memref<3x96xi32, #tpu.memory_space<vmem>>, vector<16xi32>,
        %shift_right_logical3A_381 = arith.constant 14 : i32
        %shift_right_logical3A_382 = vector.broadcast %shift_right_logical3A_381 : i32 to vector<16xi32>
        %shift_right_logical3A_383 = arith.shrui %get3A_373, %shift_right_logical3A_382 : vector<16xi32>
        %swap3A_384 = arith.constant 1 : i32
        %swap3A_385 = arith.index_cast %swap3A_384 : i32 to index
        %swap3A_386 = arith.constant 16 : index
        %swap3A_387 = tpu.vector_load %arg8[%swap3A_385, %swap3A_386] {strides = array<i32>} : memref<3x96xi32, #tpu.memory_space<vmem>>, vector<16xi32>,
        tpu.vector_store %arg8[%swap3A_385, %swap3A_386], %shift_right_logical3A_383 {strides = array<i32>} : memref<3x96xi32, #tpu.memory_space<vmem>>, vector<16xi32>,
        %get3A_388 = arith.index_cast %sub3A_353 : i32 to index
        %get3A_389 = arith.constant 32 : index
        %get3A_390 = tpu.vector_load %arg6[%get3A_388, %get3A_389] {strides = array<i32>} : memref<126x96xi32, #tpu.memory_space<vmem>>, vector<16xi32>,
        %and3A_391 = arith.constant 16383 : i32
        %and3A_392 = vector.broadcast %and3A_391 : i32 to vector<16xi32>
        %and3A_393 = arith.andi %get3A_390, %and3A_392 : vector<16xi32>
        %swap3A_394 = arith.constant 1 : i32
        %swap3A_395 = arith.index_cast %swap3A_394 : i32 to index
        %swap3A_396 = arith.constant 32 : index
        %swap3A_397 = tpu.vector_load %arg7[%swap3A_395, %swap3A_396] {strides = array<i32>} : memref<3x96xi32, #tpu.memory_space<vmem>>, vector<16xi32>,
        tpu.vector_store %arg7[%swap3A_395, %swap3A_396], %and3A_393 {strides = array<i32>} : memref<3x96xi32, #tpu.memory_space<vmem>>, vector<16xi32>,
        %shift_right_logical3A_398 = arith.constant 14 : i32
        %shift_right_logical3A_399 = vector.broadcast %shift_right_logical3A_398 : i32 to vector<16xi32>
        %shift_right_logical3A_400 = arith.shrui %get3A_390, %shift_right_logical3A_399 : vector<16xi32>
        %swap3A_401 = arith.constant 1 : i32
        %swap3A_402 = arith.index_cast %swap3A_401 : i32 to index
        %swap3A_403 = arith.constant 32 : index
        %swap3A_404 = tpu.vector_load %arg8[%swap3A_402, %swap3A_403] {strides = array<i32>} : memref<3x96xi32, #tpu.memory_space<vmem>>, vector<16xi32>,
        tpu.vector_store %arg8[%swap3A_402, %swap3A_403], %shift_right_logical3A_400 {strides = array<i32>} : memref<3x96xi32, #tpu.memory_space<vmem>>, vector<16xi32>,
        %get3A_405 = arith.index_cast %sub3A_353 : i32 to index
        %get3A_406 = arith.constant 48 : index
        %get3A_407 = tpu.vector_load %arg6[%get3A_405, %get3A_406] {strides = array<i32>} : memref<126x96xi32, #tpu.memory_space<vmem>>, vector<16xi32>,
        %and3A_408 = arith.constant 16383 : i32
        %and3A_409 = vector.broadcast %and3A_408 : i32 to vector<16xi32>
        %and3A_410 = arith.andi %get3A_407, %and3A_409 : vector<16xi32>
        %swap3A_411 = arith.constant 1 : i32
        %swap3A_412 = arith.index_cast %swap3A_411 : i32 to index
        %swap3A_413 = arith.constant 48 : index
        %swap3A_414 = tpu.vector_load %arg7[%swap3A_412, %swap3A_413] {strides = array<i32>} : memref<3x96xi32, #tpu.memory_space<vmem>>, vector<16xi32>,
        tpu.vector_store %arg7[%swap3A_412, %swap3A_413], %and3A_410 {strides = array<i32>} : memref<3x96xi32, #tpu.memory_space<vmem>>, vector<16xi32>,
        %shift_right_logical3A_415 = arith.constant 14 : i32
        %shift_right_logical3A_416 = vector.broadcast %shift_right_logical3A_415 : i32 to vector<16xi32>
        %shift_right_logical3A_417 = arith.shrui %get3A_407, %shift_right_logical3A_416 : vector<16xi32>
        %swap3A_418 = arith.constant 1 : i32
        %swap3A_419 = arith.index_cast %swap3A_418 : i32 to index
        %swap3A_420 = arith.constant 48 : index
        %swap3A_421 = tpu.vector_load %arg8[%swap3A_419, %swap3A_420] {strides = array<i32>} : memref<3x96xi32, #tpu.memory_space<vmem>>, vector<16xi32>,
        tpu.vector_store %arg8[%swap3A_419, %swap3A_420], %shift_right_logical3A_417 {strides = array<i32>} : memref<3x96xi32, #tpu.memory_space<vmem>>, vector<16xi32>,
        %get3A_422 = arith.index_cast %sub3A_353 : i32 to index
        %get3A_423 = arith.constant 64 : index
        %get3A_424 = tpu.vector_load %arg6[%get3A_422, %get3A_423] {strides = array<i32>} : memref<126x96xi32, #tpu.memory_space<vmem>>, vector<16xi32>,
        %and3A_425 = arith.constant 16383 : i32
        %and3A_426 = vector.broadcast %and3A_425 : i32 to vector<16xi32>
        %and3A_427 = arith.andi %get3A_424, %and3A_426 : vector<16xi32>
        %swap3A_428 = arith.constant 1 : i32
        %swap3A_429 = arith.index_cast %swap3A_428 : i32 to index
        %swap3A_430 = arith.constant 64 : index
        %swap3A_431 = tpu.vector_load %arg7[%swap3A_429, %swap3A_430] {strides = array<i32>} : memref<3x96xi32, #tpu.memory_space<vmem>>, vector<16xi32>,
        tpu.vector_store %arg7[%swap3A_429, %swap3A_430], %and3A_427 {strides = array<i32>} : memref<3x96xi32, #tpu.memory_space<vmem>>, vector<16xi32>,
        %shift_right_logical3A_432 = arith.constant 14 : i32
        %shift_right_logical3A_433 = vector.broadcast %shift_right_logical3A_432 : i32 to vector<16xi32>
        %shift_right_logical3A_434 = arith.shrui %get3A_424, %shift_right_logical3A_433 : vector<16xi32>
        %swap3A_435 = arith.constant 1 : i32
        %swap3A_436 = arith.index_cast %swap3A_435 : i32 to index
        %swap3A_437 = arith.constant 64 : index
        %swap3A_438 = tpu.vector_load %arg8[%swap3A_436, %swap3A_437] {strides = array<i32>} : memref<3x96xi32, #tpu.memory_space<vmem>>, vector<16xi32>,
        tpu.vector_store %arg8[%swap3A_436, %swap3A_437], %shift_right_logical3A_434 {strides = array<i32>} : memref<3x96xi32, #tpu.memory_space<vmem>>, vector<16xi32>,
        %get3A_439 = arith.index_cast %sub3A_353 : i32 to index
        %get3A_440 = arith.constant 80 : index
        %get3A_441 = tpu.vector_load %arg6[%get3A_439, %get3A_440] {strides = array<i32>} : memref<126x96xi32, #tpu.memory_space<vmem>>, vector<16xi32>,
        %and3A_442 = arith.constant 16383 : i32
        %and3A_443 = vector.broadcast %and3A_442 : i32 to vector<16xi32>
        %and3A_444 = arith.andi %get3A_441, %and3A_443 : vector<16xi32>
        %swap3A_445 = arith.constant 1 : i32
        %swap3A_446 = arith.index_cast %swap3A_445 : i32 to index
        %swap3A_447 = arith.constant 80 : index
        %swap3A_448 = tpu.vector_load %arg7[%swap3A_446, %swap3A_447] {strides = array<i32>} : memref<3x96xi32, #tpu.memory_space<vmem>>, vector<16xi32>,
        tpu.vector_store %arg7[%swap3A_446, %swap3A_447], %and3A_444 {strides = array<i32>} : memref<3x96xi32, #tpu.memory_space<vmem>>, vector<16xi32>,
        %shift_right_logical3A_449 = arith.constant 14 : i32
        %shift_right_logical3A_450 = vector.broadcast %shift_right_logical3A_449 : i32 to vector<16xi32>
        %shift_right_logical3A_451 = arith.shrui %get3A_441, %shift_right_logical3A_450 : vector<16xi32>
        %swap3A_452 = arith.constant 1 : i32
        %swap3A_453 = arith.index_cast %swap3A_452 : i32 to index
        %swap3A_454 = arith.constant 80 : index
        %swap3A_455 = tpu.vector_load %arg8[%swap3A_453, %swap3A_454] {strides = array<i32>} : memref<3x96xi32, #tpu.memory_space<vmem>>, vector<16xi32>,
        tpu.vector_store %arg8[%swap3A_453, %swap3A_454], %shift_right_logical3A_451 {strides = array<i32>} : memref<3x96xi32, #tpu.memory_space<vmem>>, vector<16xi32>,
        %add3A_456 = arith.constant 3 : i32
        %add3A_457 = arith.addi %add3A_329, %add3A_456 : i32
        %sub3A_458 = arith.constant 1 : i32
        %sub3A_459 = arith.subi %add3A_457, %sub3A_458 : i32
        %dma_start3A_460 = arith.constant 1 : i32
        %dma_start3A_461 = arith.constant 1 : i32
        %dma_start3A_462 = arith.constant 0 : i32
        %dma_start3A_463 = tpu.memref_slice %arg7[%dma_start3A_460, %dma_start3A_462] : memref<3x96xi32, #tpu.memory_space<vmem>> -> memref<1x96xi32, #tpu.memory_space<vmem>>
        %dma_start3A_464 = tpu.memref_squeeze %dma_start3A_463 : memref<1x96xi32, #tpu.memory_space<vmem>> -> memref<96xi32, #tpu.memory_space<vmem>>
        %dma_start3A_465 = arith.constant 0 : i32
        %dma_start3A_466 = arith.constant 0 : i32
        %dma_start3A_467 = tpu.memref_slice %arg2[%dma_start3A_465, %dma_start3A_466] : memref<10000x128xf32, #tpu.memory_space<hbm>> -> memref<10000x128xf32, #tpu.memory_space<hbm>>
        %dma_start3A_468 = tpu.memref_slice %arg12[%dma_start3A_461] : memref<3x!tpu.dma_semaphore, #tpu.memory_space<semaphore_mem>> -> memref<1x!tpu.dma_semaphore, #tpu.memory_space<semaphore_mem>>
        %dma_start3A_469 = tpu.memref_squeeze %dma_start3A_468 : memref<1x!tpu.dma_semaphore, #tpu.memory_space<semaphore_mem>> -> memref<!tpu.dma_semaphore, #tpu.memory_space<semaphore_mem>>
        tpu.enqueue_indirect_dma source(%dma_start3A_467 : memref<10000x128xf32, #tpu.memory_space<hbm>>) target(%arg10 : memref<96x128xf32, #tpu.memory_space<vmem>>) offsets(%dma_start3A_464 : memref<96xi32, #tpu.memory_space<vmem>>) semaphore(%dma_start3A_469 : memref<!tpu.dma_semaphore, #tpu.memory_space<semaphore_mem>>)
      } else {
      }
      %dma_wait3A_338 = arith.constant 2 : i32
      %dma_wait3A_339 = arith.constant 2 : i32
      %dma_wait3A_340 = arith.constant 0 : i32
      %dma_wait3A_341 = tpu.memref_slice %arg7[%dma_wait3A_338, %dma_wait3A_340] : memref<3x96xi32, #tpu.memory_space<vmem>> -> memref<1x96xi32, #tpu.memory_space<vmem>>
      %dma_wait3A_342 = tpu.memref_squeeze %dma_wait3A_341 : memref<1x96xi32, #tpu.memory_space<vmem>> -> memref<96xi32, #tpu.memory_space<vmem>>
      %dma_wait3A_343 = arith.constant 0 : i32
      %dma_wait3A_344 = arith.constant 0 : i32
      %dma_wait3A_345 = tpu.memref_slice %arg2[%dma_wait3A_343, %dma_wait3A_344] : memref<10000x128xf32, #tpu.memory_space<hbm>> -> memref<10000x128xf32, #tpu.memory_space<hbm>>
      %dma_wait3A_346 = tpu.memref_slice %arg12[%dma_wait3A_339] : memref<3x!tpu.dma_semaphore, #tpu.memory_space<semaphore_mem>> -> memref<1x!tpu.dma_semaphore, #tpu.memory_space<semaphore_mem>>
      %dma_wait3A_347 = tpu.memref_squeeze %dma_wait3A_346 : memref<1x!tpu.dma_semaphore, #tpu.memory_space<semaphore_mem>> -> memref<!tpu.dma_semaphore, #tpu.memory_space<semaphore_mem>>
      tpu.wait_indirect_dma semaphore(%dma_wait3A_347 : memref<!tpu.dma_semaphore, #tpu.memory_space<semaphore_mem>>) src(%dma_wait3A_345 : memref<10000x128xf32, #tpu.memory_space<hbm>>) dst(%arg11 : memref<96x128xf32, #tpu.memory_space<vmem>>)
      %run_scoped3A_348 = arith.constant 2 : i32
      "tpu.region"() ({
        %run_scoped3A_350 = tpu.sem_alloc : memref<!tpu.dma_semaphore, #tpu.memory_space<semaphore_mem>>
        %dma_start3A_351 = arith.constant 0 : i32
        %dma_start3A_352 = tpu.memref_slice %arg8[%run_scoped3A_348, %dma_start3A_351] : memref<3x96xi32, #tpu.memory_space<vmem>> -> memref<1x96xi32, #tpu.memory_space<vmem>>
        %dma_start3A_353 = tpu.memref_squeeze %dma_start3A_352 : memref<1x96xi32, #tpu.memory_space<vmem>> -> memref<96xi32, #tpu.memory_space<vmem>>
        %dma_start3A_354 = arith.constant 0 : i32
        %dma_start3A_355 = arith.constant 0 : i32
        %dma_start3A_356 = tpu.memref_slice %arg5[%dma_start3A_354, %dma_start3A_355] : memref<10016x128xf32, #tpu.memory_space<vmem_shared>> -> memref<10016x128xf32, #tpu.memory_space<vmem_shared>>
        tpu.enqueue_indirect_dma source(%arg11 : memref<96x128xf32, #tpu.memory_space<vmem>>) target(%dma_start3A_356 : memref<10016x128xf32, #tpu.memory_space<vmem_shared>>) offsets(%dma_start3A_353 : memref<96xi32, #tpu.memory_space<vmem>>) semaphore(%run_scoped3A_350 : memref<!tpu.dma_semaphore, #tpu.memory_space<semaphore_mem>>) {add = true}
        %dma_wait3A_357 = arith.constant 0 : i32
        %dma_wait3A_358 = tpu.memref_slice %arg8[%run_scoped3A_348, %dma_wait3A_357] : memref<3x96xi32, #tpu.memory_space<vmem>> -> memref<1x96xi32, #tpu.memory_space<vmem>>
        %dma_wait3A_359 = tpu.memref_squeeze %dma_wait3A_358 : memref<1x96xi32, #tpu.memory_space<vmem>> -> memref<96xi32, #tpu.memory_space<vmem>>
        %dma_wait3A_360 = arith.constant 0 : i32
        %dma_wait3A_361 = arith.constant 0 : i32
        %dma_wait3A_362 = tpu.memref_slice %arg5[%dma_wait3A_360, %dma_wait3A_361] : memref<10016x128xf32, #tpu.memory_space<vmem_shared>> -> memref<10016x128xf32, #tpu.memory_space<vmem_shared>>
        tpu.wait_indirect_dma semaphore(%run_scoped3A_350 : memref<!tpu.dma_semaphore, #tpu.memory_space<semaphore_mem>>) src(%arg11 : memref<96x128xf32, #tpu.memory_space<vmem>>) dst(%dma_wait3A_362 : memref<10016x128xf32, #tpu.memory_space<vmem_shared>>)
        tpu.yield
      }) : () -> ()
      %while3A_349 = arith.constant 0 : i32
      scf.yield %while3A_349 : i32
    }
    %while3A_269 = arith.constant 1 : i32
    %while3A_270 = scf.for %while3A_281 = %while3A_266 to %while3A_262 step %while3A_269 iter_args(%while3A_282 = %while3A_268) -> (i32)  : i32 {
      %mul3A_283 = arith.constant 3 : i32
      %mul3A_284 = arith.muli %while3A_281, %mul3A_283 : i32
      %add3A_285 = arith.constant 0 : i32
      %add3A_286 = arith.addi %mul3A_284, %add3A_285 : i32
      %add3A_287 = arith.constant 3 : i32
      %add3A_288 = arith.addi %add3A_286, %add3A_287 : i32
      %sub3A_289 = arith.constant 1 : i32
      %sub3A_290 = arith.subi %add3A_288, %sub3A_289 : i32
      %lt3A = arith.cmpi slt, %sub3A_290, %select_n3A_3 : i32
      %convert_element_type3A_291 = arith.extui %lt3A : i1 to i32
      %cond3A_292 = arith.constant 0 : i32
      %cond3A_293 = arith.cmpi ne, %convert_element_type3A_291, %cond3A_292 : i32
      scf.if %cond3A_293 {
        %add3A_350 = arith.constant 3 : i32
        %add3A_351 = arith.addi %add3A_286, %add3A_350 : i32
        %sub3A_352 = arith.constant 1 : i32
        %sub3A_353 = arith.subi %add3A_351, %sub3A_352 : i32
        %get3A_354 = arith.index_cast %sub3A_353 : i32 to index
        %get3A_355 = arith.constant 0 : index
        %get3A_356 = tpu.vector_load %arg6[%get3A_354, %get3A_355] {strides = array<i32>} : memref<126x96xi32, #tpu.memory_space<vmem>>, vector<16xi32>,
        %and3A_357 = arith.constant 16383 : i32
        %and3A_358 = vector.broadcast %and3A_357 : i32 to vector<16xi32>
        %and3A_359 = arith.andi %get3A_356, %and3A_358 : vector<16xi32>
        %swap3A_360 = arith.constant 2 : i32
        %swap3A_361 = arith.index_cast %swap3A_360 : i32 to index
        %swap3A_362 = arith.constant 0 : index
        %swap3A_363 = tpu.vector_load %arg7[%swap3A_361, %swap3A_362] {strides = array<i32>} : memref<3x96xi32, #tpu.memory_space<vmem>>, vector<16xi32>,
        tpu.vector_store %arg7[%swap3A_361, %swap3A_362], %and3A_359 {strides = array<i32>} : memref<3x96xi32, #tpu.memory_space<vmem>>, vector<16xi32>,
        %shift_right_logical3A_364 = arith.constant 14 : i32
        %shift_right_logical3A_365 = vector.broadcast %shift_right_logical3A_364 : i32 to vector<16xi32>
        %shift_right_logical3A_366 = arith.shrui %get3A_356, %shift_right_logical3A_365 : vector<16xi32>
        %swap3A_367 = arith.constant 2 : i32
        %swap3A_368 = arith.index_cast %swap3A_367 : i32 to index
        %swap3A_369 = arith.constant 0 : index
        %swap3A_370 = tpu.vector_load %arg8[%swap3A_368, %swap3A_369] {strides = array<i32>} : memref<3x96xi32, #tpu.memory_space<vmem>>, vector<16xi32>,
        tpu.vector_store %arg8[%swap3A_368, %swap3A_369], %shift_right_logical3A_366 {strides = array<i32>} : memref<3x96xi32, #tpu.memory_space<vmem>>, vector<16xi32>,
        %get3A_371 = arith.index_cast %sub3A_353 : i32 to index
        %get3A_372 = arith.constant 16 : index
        %get3A_373 = tpu.vector_load %arg6[%get3A_371, %get3A_372] {strides = array<i32>} : memref<126x96xi32, #tpu.memory_space<vmem>>, vector<16xi32>,
        %and3A_374 = arith.constant 16383 : i32
        %and3A_375 = vector.broadcast %and3A_374 : i32 to vector<16xi32>
        %and3A_376 = arith.andi %get3A_373, %and3A_375 : vector<16xi32>
        %swap3A_377 = arith.constant 2 : i32
        %swap3A_378 = arith.index_cast %swap3A_377 : i32 to index
        %swap3A_379 = arith.constant 16 : index
        %swap3A_380 = tpu.vector_load %arg7[%swap3A_378, %swap3A_379] {strides = array<i32>} : memref<3x96xi32, #tpu.memory_space<vmem>>, vector<16xi32>,
        tpu.vector_store %arg7[%swap3A_378, %swap3A_379], %and3A_376 {strides = array<i32>} : memref<3x96xi32, #tpu.memory_space<vmem>>, vector<16xi32>,
        %shift_right_logical3A_381 = arith.constant 14 : i32
        %shift_right_logical3A_382 = vector.broadcast %shift_right_logical3A_381 : i32 to vector<16xi32>
        %shift_right_logical3A_383 = arith.shrui %get3A_373, %shift_right_logical3A_382 : vector<16xi32>
        %swap3A_384 = arith.constant 2 : i32
        %swap3A_385 = arith.index_cast %swap3A_384 : i32 to index
        %swap3A_386 = arith.constant 16 : index
        %swap3A_387 = tpu.vector_load %arg8[%swap3A_385, %swap3A_386] {strides = array<i32>} : memref<3x96xi32, #tpu.memory_space<vmem>>, vector<16xi32>,
        tpu.vector_store %arg8[%swap3A_385, %swap3A_386], %shift_right_logical3A_383 {strides = array<i32>} : memref<3x96xi32, #tpu.memory_space<vmem>>, vector<16xi32>,
        %get3A_388 = arith.index_cast %sub3A_353 : i32 to index
        %get3A_389 = arith.constant 32 : index
        %get3A_390 = tpu.vector_load %arg6[%get3A_388, %get3A_389] {strides = array<i32>} : memref<126x96xi32, #tpu.memory_space<vmem>>, vector<16xi32>,
        %and3A_391 = arith.constant 16383 : i32
        %and3A_392 = vector.broadcast %and3A_391 : i32 to vector<16xi32>
        %and3A_393 = arith.andi %get3A_390, %and3A_392 : vector<16xi32>
        %swap3A_394 = arith.constant 2 : i32
        %swap3A_395 = arith.index_cast %swap3A_394 : i32 to index
        %swap3A_396 = arith.constant 32 : index
        %swap3A_397 = tpu.vector_load %arg7[%swap3A_395, %swap3A_396] {strides = array<i32>} : memref<3x96xi32, #tpu.memory_space<vmem>>, vector<16xi32>,
        tpu.vector_store %arg7[%swap3A_395, %swap3A_396], %and3A_393 {strides = array<i32>} : memref<3x96xi32, #tpu.memory_space<vmem>>, vector<16xi32>,
        %shift_right_logical3A_398 = arith.constant 14 : i32
        %shift_right_logical3A_399 = vector.broadcast %shift_right_logical3A_398 : i32 to vector<16xi32>
        %shift_right_logical3A_400 = arith.shrui %get3A_390, %shift_right_logical3A_399 : vector<16xi32>
        %swap3A_401 = arith.constant 2 : i32
        %swap3A_402 = arith.index_cast %swap3A_401 : i32 to index
        %swap3A_403 = arith.constant 32 : index
        %swap3A_404 = tpu.vector_load %arg8[%swap3A_402, %swap3A_403] {strides = array<i32>} : memref<3x96xi32, #tpu.memory_space<vmem>>, vector<16xi32>,
        tpu.vector_store %arg8[%swap3A_402, %swap3A_403], %shift_right_logical3A_400 {strides = array<i32>} : memref<3x96xi32, #tpu.memory_space<vmem>>, vector<16xi32>,
        %get3A_405 = arith.index_cast %sub3A_353 : i32 to index
        %get3A_406 = arith.constant 48 : index
        %get3A_407 = tpu.vector_load %arg6[%get3A_405, %get3A_406] {strides = array<i32>} : memref<126x96xi32, #tpu.memory_space<vmem>>, vector<16xi32>,
        %and3A_408 = arith.constant 16383 : i32
        %and3A_409 = vector.broadcast %and3A_408 : i32 to vector<16xi32>
        %and3A_410 = arith.andi %get3A_407, %and3A_409 : vector<16xi32>
        %swap3A_411 = arith.constant 2 : i32
        %swap3A_412 = arith.index_cast %swap3A_411 : i32 to index
        %swap3A_413 = arith.constant 48 : index
        %swap3A_414 = tpu.vector_load %arg7[%swap3A_412, %swap3A_413] {strides = array<i32>} : memref<3x96xi32, #tpu.memory_space<vmem>>, vector<16xi32>,
        tpu.vector_store %arg7[%swap3A_412, %swap3A_413], %and3A_410 {strides = array<i32>} : memref<3x96xi32, #tpu.memory_space<vmem>>, vector<16xi32>,
        %shift_right_logical3A_415 = arith.constant 14 : i32
        %shift_right_logical3A_416 = vector.broadcast %shift_right_logical3A_415 : i32 to vector<16xi32>
        %shift_right_logical3A_417 = arith.shrui %get3A_407, %shift_right_logical3A_416 : vector<16xi32>
        %swap3A_418 = arith.constant 2 : i32
        %swap3A_419 = arith.index_cast %swap3A_418 : i32 to index
        %swap3A_420 = arith.constant 48 : index
        %swap3A_421 = tpu.vector_load %arg8[%swap3A_419, %swap3A_420] {strides = array<i32>} : memref<3x96xi32, #tpu.memory_space<vmem>>, vector<16xi32>,
        tpu.vector_store %arg8[%swap3A_419, %swap3A_420], %shift_right_logical3A_417 {strides = array<i32>} : memref<3x96xi32, #tpu.memory_space<vmem>>, vector<16xi32>,
        %get3A_422 = arith.index_cast %sub3A_353 : i32 to index
        %get3A_423 = arith.constant 64 : index
        %get3A_424 = tpu.vector_load %arg6[%get3A_422, %get3A_423] {strides = array<i32>} : memref<126x96xi32, #tpu.memory_space<vmem>>, vector<16xi32>,
        %and3A_425 = arith.constant 16383 : i32
        %and3A_426 = vector.broadcast %and3A_425 : i32 to vector<16xi32>
        %and3A_427 = arith.andi %get3A_424, %and3A_426 : vector<16xi32>
        %swap3A_428 = arith.constant 2 : i32
        %swap3A_429 = arith.index_cast %swap3A_428 : i32 to index
        %swap3A_430 = arith.constant 64 : index
        %swap3A_431 = tpu.vector_load %arg7[%swap3A_429, %swap3A_430] {strides = array<i32>} : memref<3x96xi32, #tpu.memory_space<vmem>>, vector<16xi32>,
        tpu.vector_store %arg7[%swap3A_429, %swap3A_430], %and3A_427 {strides = array<i32>} : memref<3x96xi32, #tpu.memory_space<vmem>>, vector<16xi32>,
        %shift_right_logical3A_432 = arith.constant 14 : i32
        %shift_right_logical3A_433 = vector.broadcast %shift_right_logical3A_432 : i32 to vector<16xi32>
        %shift_right_logical3A_434 = arith.shrui %get3A_424, %shift_right_logical3A_433 : vector<16xi32>
        %swap3A_435 = arith.constant 2 : i32
        %swap3A_436 = arith.index_cast %swap3A_435 : i32 to index
        %swap3A_437 = arith.constant 64 : index
        %swap3A_438 = tpu.vector_load %arg8[%swap3A_436, %swap3A_437] {strides = array<i32>} : memref<3x96xi32, #tpu.memory_space<vmem>>, vector<16xi32>,
        tpu.vector_store %arg8[%swap3A_436, %swap3A_437], %shift_right_logical3A_434 {strides = array<i32>} : memref<3x96xi32, #tpu.memory_space<vmem>>, vector<16xi32>,
        %get3A_439 = arith.index_cast %sub3A_353 : i32 to index
        %get3A_440 = arith.constant 80 : index
        %get3A_441 = tpu.vector_load %arg6[%get3A_439, %get3A_440] {strides = array<i32>} : memref<126x96xi32, #tpu.memory_space<vmem>>, vector<16xi32>,
        %and3A_442 = arith.constant 16383 : i32
        %and3A_443 = vector.broadcast %and3A_442 : i32 to vector<16xi32>
        %and3A_444 = arith.andi %get3A_441, %and3A_443 : vector<16xi32>
        %swap3A_445 = arith.constant 2 : i32
        %swap3A_446 = arith.index_cast %swap3A_445 : i32 to index
        %swap3A_447 = arith.constant 80 : index
        %swap3A_448 = tpu.vector_load %arg7[%swap3A_446, %swap3A_447] {strides = array<i32>} : memref<3x96xi32, #tpu.memory_space<vmem>>, vector<16xi32>,
        tpu.vector_store %arg7[%swap3A_446, %swap3A_447], %and3A_444 {strides = array<i32>} : memref<3x96xi32, #tpu.memory_space<vmem>>, vector<16xi32>,
        %shift_right_logical3A_449 = arith.constant 14 : i32
        %shift_right_logical3A_450 = vector.broadcast %shift_right_logical3A_449 : i32 to vector<16xi32>
        %shift_right_logical3A_451 = arith.shrui %get3A_441, %shift_right_logical3A_450 : vector<16xi32>
        %swap3A_452 = arith.constant 2 : i32
        %swap3A_453 = arith.index_cast %swap3A_452 : i32 to index
        %swap3A_454 = arith.constant 80 : index
        %swap3A_455 = tpu.vector_load %arg8[%swap3A_453, %swap3A_454] {strides = array<i32>} : memref<3x96xi32, #tpu.memory_space<vmem>>, vector<16xi32>,
        tpu.vector_store %arg8[%swap3A_453, %swap3A_454], %shift_right_logical3A_451 {strides = array<i32>} : memref<3x96xi32, #tpu.memory_space<vmem>>, vector<16xi32>,
        %add3A_456 = arith.constant 3 : i32
        %add3A_457 = arith.addi %add3A_286, %add3A_456 : i32
        %sub3A_458 = arith.constant 1 : i32
        %sub3A_459 = arith.subi %add3A_457, %sub3A_458 : i32
        %dma_start3A_460 = arith.constant 2 : i32
        %dma_start3A_461 = arith.constant 2 : i32
        %dma_start3A_462 = arith.constant 0 : i32
        %dma_start3A_463 = tpu.memref_slice %arg7[%dma_start3A_460, %dma_start3A_462] : memref<3x96xi32, #tpu.memory_space<vmem>> -> memref<1x96xi32, #tpu.memory_space<vmem>>
        %dma_start3A_464 = tpu.memref_squeeze %dma_start3A_463 : memref<1x96xi32, #tpu.memory_space<vmem>> -> memref<96xi32, #tpu.memory_space<vmem>>
        %dma_start3A_465 = arith.constant 0 : i32
        %dma_start3A_466 = arith.constant 0 : i32
        %dma_start3A_467 = tpu.memref_slice %arg2[%dma_start3A_465, %dma_start3A_466] : memref<10000x128xf32, #tpu.memory_space<hbm>> -> memref<10000x128xf32, #tpu.memory_space<hbm>>
        %dma_start3A_468 = tpu.memref_slice %arg12[%dma_start3A_461] : memref<3x!tpu.dma_semaphore, #tpu.memory_space<semaphore_mem>> -> memref<1x!tpu.dma_semaphore, #tpu.memory_space<semaphore_mem>>
        %dma_start3A_469 = tpu.memref_squeeze %dma_start3A_468 : memref<1x!tpu.dma_semaphore, #tpu.memory_space<semaphore_mem>> -> memref<!tpu.dma_semaphore, #tpu.memory_space<semaphore_mem>>
        tpu.enqueue_indirect_dma source(%dma_start3A_467 : memref<10000x128xf32, #tpu.memory_space<hbm>>) target(%arg11 : memref<96x128xf32, #tpu.memory_space<vmem>>) offsets(%dma_start3A_464 : memref<96xi32, #tpu.memory_space<vmem>>) semaphore(%dma_start3A_469 : memref<!tpu.dma_semaphore, #tpu.memory_space<semaphore_mem>>)
      } else {
      }
      %dma_wait3A = arith.constant 0 : i32
      %dma_wait3A_294 = arith.constant 0 : i32
      %dma_wait3A_295 = arith.constant 0 : i32
      %dma_wait3A_296 = tpu.memref_slice %arg7[%dma_wait3A, %dma_wait3A_295] : memref<3x96xi32, #tpu.memory_space<vmem>> -> memref<1x96xi32, #tpu.memory_space<vmem>>
      %dma_wait3A_297 = tpu.memref_squeeze %dma_wait3A_296 : memref<1x96xi32, #tpu.memory_space<vmem>> -> memref<96xi32, #tpu.memory_space<vmem>>
      %dma_wait3A_298 = arith.constant 0 : i32
      %dma_wait3A_299 = arith.constant 0 : i32
      %dma_wait3A_300 = tpu.memref_slice %arg2[%dma_wait3A_298, %dma_wait3A_299] : memref<10000x128xf32, #tpu.memory_space<hbm>> -> memref<10000x128xf32, #tpu.memory_space<hbm>>
      %dma_wait3A_301 = tpu.memref_slice %arg12[%dma_wait3A_294] : memref<3x!tpu.dma_semaphore, #tpu.memory_space<semaphore_mem>> -> memref<1x!tpu.dma_semaphore, #tpu.memory_space<semaphore_mem>>
      %dma_wait3A_302 = tpu.memref_squeeze %dma_wait3A_301 : memref<1x!tpu.dma_semaphore, #tpu.memory_space<semaphore_mem>> -> memref<!tpu.dma_semaphore, #tpu.memory_space<semaphore_mem>>
      tpu.wait_indirect_dma semaphore(%dma_wait3A_302 : memref<!tpu.dma_semaphore, #tpu.memory_space<semaphore_mem>>) src(%dma_wait3A_300 : memref<10000x128xf32, #tpu.memory_space<hbm>>) dst(%arg9 : memref<96x128xf32, #tpu.memory_space<vmem>>)
      %run_scoped3A = arith.constant 0 : i32
      "tpu.region"() ({
        %run_scoped3A_350 = tpu.sem_alloc : memref<!tpu.dma_semaphore, #tpu.memory_space<semaphore_mem>>
        %dma_start3A_351 = arith.constant 0 : i32
        %dma_start3A_352 = tpu.memref_slice %arg8[%run_scoped3A, %dma_start3A_351] : memref<3x96xi32, #tpu.memory_space<vmem>> -> memref<1x96xi32, #tpu.memory_space<vmem>>
        %dma_start3A_353 = tpu.memref_squeeze %dma_start3A_352 : memref<1x96xi32, #tpu.memory_space<vmem>> -> memref<96xi32, #tpu.memory_space<vmem>>
        %dma_start3A_354 = arith.constant 0 : i32
        %dma_start3A_355 = arith.constant 0 : i32
        %dma_start3A_356 = tpu.memref_slice %arg5[%dma_start3A_354, %dma_start3A_355] : memref<10016x128xf32, #tpu.memory_space<vmem_shared>> -> memref<10016x128xf32, #tpu.memory_space<vmem_shared>>
        tpu.enqueue_indirect_dma source(%arg9 : memref<96x128xf32, #tpu.memory_space<vmem>>) target(%dma_start3A_356 : memref<10016x128xf32, #tpu.memory_space<vmem_shared>>) offsets(%dma_start3A_353 : memref<96xi32, #tpu.memory_space<vmem>>) semaphore(%run_scoped3A_350 : memref<!tpu.dma_semaphore, #tpu.memory_space<semaphore_mem>>) {add = true}
        %dma_wait3A_357 = arith.constant 0 : i32
        %dma_wait3A_358 = tpu.memref_slice %arg8[%run_scoped3A, %dma_wait3A_357] : memref<3x96xi32, #tpu.memory_space<vmem>> -> memref<1x96xi32, #tpu.memory_space<vmem>>
        %dma_wait3A_359 = tpu.memref_squeeze %dma_wait3A_358 : memref<1x96xi32, #tpu.memory_space<vmem>> -> memref<96xi32, #tpu.memory_space<vmem>>
        %dma_wait3A_360 = arith.constant 0 : i32
        %dma_wait3A_361 = arith.constant 0 : i32
        %dma_wait3A_362 = tpu.memref_slice %arg5[%dma_wait3A_360, %dma_wait3A_361] : memref<10016x128xf32, #tpu.memory_space<vmem_shared>> -> memref<10016x128xf32, #tpu.memory_space<vmem_shared>>
        tpu.wait_indirect_dma semaphore(%run_scoped3A_350 : memref<!tpu.dma_semaphore, #tpu.memory_space<semaphore_mem>>) src(%arg9 : memref<96x128xf32, #tpu.memory_space<vmem>>) dst(%dma_wait3A_362 : memref<10016x128xf32, #tpu.memory_space<vmem_shared>>)
        tpu.yield
      }) : () -> ()
      %mul3A_303 = arith.constant 3 : i32
      %mul3A_304 = arith.muli %while3A_281, %mul3A_303 : i32
      %add3A_305 = arith.constant 1 : i32
      %add3A_306 = arith.addi %mul3A_304, %add3A_305 : i32
      %add3A_307 = arith.constant 3 : i32
      %add3A_308 = arith.addi %add3A_306, %add3A_307 : i32
      %sub3A_309 = arith.constant 1 : i32
      %sub3A_310 = arith.subi %add3A_308, %sub3A_309 : i32
      %lt3A_311 = arith.cmpi slt, %sub3A_310, %select_n3A_3 : i32
      %convert_element_type3A_312 = arith.extui %lt3A_311 : i1 to i32
      %cond3A_313 = arith.constant 0 : i32
      %cond3A_314 = arith.cmpi ne, %convert_element_type3A_312, %cond3A_313 : i32
      scf.if %cond3A_314 {
        %add3A_350 = arith.constant 3 : i32
        %add3A_351 = arith.addi %add3A_306, %add3A_350 : i32
        %sub3A_352 = arith.constant 1 : i32
        %sub3A_353 = arith.subi %add3A_351, %sub3A_352 : i32
        %get3A_354 = arith.index_cast %sub3A_353 : i32 to index
        %get3A_355 = arith.constant 0 : index
        %get3A_356 = tpu.vector_load %arg6[%get3A_354, %get3A_355] {strides = array<i32>} : memref<126x96xi32, #tpu.memory_space<vmem>>, vector<16xi32>,
        %and3A_357 = arith.constant 16383 : i32
        %and3A_358 = vector.broadcast %and3A_357 : i32 to vector<16xi32>
        %and3A_359 = arith.andi %get3A_356, %and3A_358 : vector<16xi32>
        %swap3A_360 = arith.constant 0 : i32
        %swap3A_361 = arith.index_cast %swap3A_360 : i32 to index
        %swap3A_362 = arith.constant 0 : index
        %swap3A_363 = tpu.vector_load %arg7[%swap3A_361, %swap3A_362] {strides = array<i32>} : memref<3x96xi32, #tpu.memory_space<vmem>>, vector<16xi32>,
        tpu.vector_store %arg7[%swap3A_361, %swap3A_362], %and3A_359 {strides = array<i32>} : memref<3x96xi32, #tpu.memory_space<vmem>>, vector<16xi32>,
        %shift_right_logical3A_364 = arith.constant 14 : i32
        %shift_right_logical3A_365 = vector.broadcast %shift_right_logical3A_364 : i32 to vector<16xi32>
        %shift_right_logical3A_366 = arith.shrui %get3A_356, %shift_right_logical3A_365 : vector<16xi32>
        %swap3A_367 = arith.constant 0 : i32
        %swap3A_368 = arith.index_cast %swap3A_367 : i32 to index
        %swap3A_369 = arith.constant 0 : index
        %swap3A_370 = tpu.vector_load %arg8[%swap3A_368, %swap3A_369] {strides = array<i32>} : memref<3x96xi32, #tpu.memory_space<vmem>>, vector<16xi32>,
        tpu.vector_store %arg8[%swap3A_368, %swap3A_369], %shift_right_logical3A_366 {strides = array<i32>} : memref<3x96xi32, #tpu.memory_space<vmem>>, vector<16xi32>,
        %get3A_371 = arith.index_cast %sub3A_353 : i32 to index
        %get3A_372 = arith.constant 16 : index
        %get3A_373 = tpu.vector_load %arg6[%get3A_371, %get3A_372] {strides = array<i32>} : memref<126x96xi32, #tpu.memory_space<vmem>>, vector<16xi32>,
        %and3A_374 = arith.constant 16383 : i32
        %and3A_375 = vector.broadcast %and3A_374 : i32 to vector<16xi32>
        %and3A_376 = arith.andi %get3A_373, %and3A_375 : vector<16xi32>
        %swap3A_377 = arith.constant 0 : i32
        %swap3A_378 = arith.index_cast %swap3A_377 : i32 to index
        %swap3A_379 = arith.constant 16 : index
        %swap3A_380 = tpu.vector_load %arg7[%swap3A_378, %swap3A_379] {strides = array<i32>} : memref<3x96xi32, #tpu.memory_space<vmem>>, vector<16xi32>,
        tpu.vector_store %arg7[%swap3A_378, %swap3A_379], %and3A_376 {strides = array<i32>} : memref<3x96xi32, #tpu.memory_space<vmem>>, vector<16xi32>,
        %shift_right_logical3A_381 = arith.constant 14 : i32
        %shift_right_logical3A_382 = vector.broadcast %shift_right_logical3A_381 : i32 to vector<16xi32>
        %shift_right_logical3A_383 = arith.shrui %get3A_373, %shift_right_logical3A_382 : vector<16xi32>
        %swap3A_384 = arith.constant 0 : i32
        %swap3A_385 = arith.index_cast %swap3A_384 : i32 to index
        %swap3A_386 = arith.constant 16 : index
        %swap3A_387 = tpu.vector_load %arg8[%swap3A_385, %swap3A_386] {strides = array<i32>} : memref<3x96xi32, #tpu.memory_space<vmem>>, vector<16xi32>,
        tpu.vector_store %arg8[%swap3A_385, %swap3A_386], %shift_right_logical3A_383 {strides = array<i32>} : memref<3x96xi32, #tpu.memory_space<vmem>>, vector<16xi32>,
        %get3A_388 = arith.index_cast %sub3A_353 : i32 to index
        %get3A_389 = arith.constant 32 : index
        %get3A_390 = tpu.vector_load %arg6[%get3A_388, %get3A_389] {strides = array<i32>} : memref<126x96xi32, #tpu.memory_space<vmem>>, vector<16xi32>,
        %and3A_391 = arith.constant 16383 : i32
        %and3A_392 = vector.broadcast %and3A_391 : i32 to vector<16xi32>
        %and3A_393 = arith.andi %get3A_390, %and3A_392 : vector<16xi32>
        %swap3A_394 = arith.constant 0 : i32
        %swap3A_395 = arith.index_cast %swap3A_394 : i32 to index
        %swap3A_396 = arith.constant 32 : index
        %swap3A_397 = tpu.vector_load %arg7[%swap3A_395, %swap3A_396] {strides = array<i32>} : memref<3x96xi32, #tpu.memory_space<vmem>>, vector<16xi32>,
        tpu.vector_store %arg7[%swap3A_395, %swap3A_396], %and3A_393 {strides = array<i32>} : memref<3x96xi32, #tpu.memory_space<vmem>>, vector<16xi32>,
        %shift_right_logical3A_398 = arith.constant 14 : i32
        %shift_right_logical3A_399 = vector.broadcast %shift_right_logical3A_398 : i32 to vector<16xi32>
        %shift_right_logical3A_400 = arith.shrui %get3A_390, %shift_right_logical3A_399 : vector<16xi32>
        %swap3A_401 = arith.constant 0 : i32
        %swap3A_402 = arith.index_cast %swap3A_401 : i32 to index
        %swap3A_403 = arith.constant 32 : index
        %swap3A_404 = tpu.vector_load %arg8[%swap3A_402, %swap3A_403] {strides = array<i32>} : memref<3x96xi32, #tpu.memory_space<vmem>>, vector<16xi32>,
        tpu.vector_store %arg8[%swap3A_402, %swap3A_403], %shift_right_logical3A_400 {strides = array<i32>} : memref<3x96xi32, #tpu.memory_space<vmem>>, vector<16xi32>,
        %get3A_405 = arith.index_cast %sub3A_353 : i32 to index
        %get3A_406 = arith.constant 48 : index
        %get3A_407 = tpu.vector_load %arg6[%get3A_405, %get3A_406] {strides = array<i32>} : memref<126x96xi32, #tpu.memory_space<vmem>>, vector<16xi32>,
        %and3A_408 = arith.constant 16383 : i32
        %and3A_409 = vector.broadcast %and3A_408 : i32 to vector<16xi32>
        %and3A_410 = arith.andi %get3A_407, %and3A_409 : vector<16xi32>
        %swap3A_411 = arith.constant 0 : i32
        %swap3A_412 = arith.index_cast %swap3A_411 : i32 to index
        %swap3A_413 = arith.constant 48 : index
        %swap3A_414 = tpu.vector_load %arg7[%swap3A_412, %swap3A_413] {strides = array<i32>} : memref<3x96xi32, #tpu.memory_space<vmem>>, vector<16xi32>,
        tpu.vector_store %arg7[%swap3A_412, %swap3A_413], %and3A_410 {strides = array<i32>} : memref<3x96xi32, #tpu.memory_space<vmem>>, vector<16xi32>,
        %shift_right_logical3A_415 = arith.constant 14 : i32
        %shift_right_logical3A_416 = vector.broadcast %shift_right_logical3A_415 : i32 to vector<16xi32>
        %shift_right_logical3A_417 = arith.shrui %get3A_407, %shift_right_logical3A_416 : vector<16xi32>
        %swap3A_418 = arith.constant 0 : i32
        %swap3A_419 = arith.index_cast %swap3A_418 : i32 to index
        %swap3A_420 = arith.constant 48 : index
        %swap3A_421 = tpu.vector_load %arg8[%swap3A_419, %swap3A_420] {strides = array<i32>} : memref<3x96xi32, #tpu.memory_space<vmem>>, vector<16xi32>,
        tpu.vector_store %arg8[%swap3A_419, %swap3A_420], %shift_right_logical3A_417 {strides = array<i32>} : memref<3x96xi32, #tpu.memory_space<vmem>>, vector<16xi32>,
        %get3A_422 = arith.index_cast %sub3A_353 : i32 to index
        %get3A_423 = arith.constant 64 : index
        %get3A_424 = tpu.vector_load %arg6[%get3A_422, %get3A_423] {strides = array<i32>} : memref<126x96xi32, #tpu.memory_space<vmem>>, vector<16xi32>,
        %and3A_425 = arith.constant 16383 : i32
        %and3A_426 = vector.broadcast %and3A_425 : i32 to vector<16xi32>
        %and3A_427 = arith.andi %get3A_424, %and3A_426 : vector<16xi32>
        %swap3A_428 = arith.constant 0 : i32
        %swap3A_429 = arith.index_cast %swap3A_428 : i32 to index
        %swap3A_430 = arith.constant 64 : index
        %swap3A_431 = tpu.vector_load %arg7[%swap3A_429, %swap3A_430] {strides = array<i32>} : memref<3x96xi32, #tpu.memory_space<vmem>>, vector<16xi32>,
        tpu.vector_store %arg7[%swap3A_429, %swap3A_430], %and3A_427 {strides = array<i32>} : memref<3x96xi32, #tpu.memory_space<vmem>>, vector<16xi32>,
        %shift_right_logical3A_432 = arith.constant 14 : i32
        %shift_right_logical3A_433 = vector.broadcast %shift_right_logical3A_432 : i32 to vector<16xi32>
        %shift_right_logical3A_434 = arith.shrui %get3A_424, %shift_right_logical3A_433 : vector<16xi32>
        %swap3A_435 = arith.constant 0 : i32
        %swap3A_436 = arith.index_cast %swap3A_435 : i32 to index
        %swap3A_437 = arith.constant 64 : index
        %swap3A_438 = tpu.vector_load %arg8[%swap3A_436, %swap3A_437] {strides = array<i32>} : memref<3x96xi32, #tpu.memory_space<vmem>>, vector<16xi32>,
        tpu.vector_store %arg8[%swap3A_436, %swap3A_437], %shift_right_logical3A_434 {strides = array<i32>} : memref<3x96xi32, #tpu.memory_space<vmem>>, vector<16xi32>,
        %get3A_439 = arith.index_cast %sub3A_353 : i32 to index
        %get3A_440 = arith.constant 80 : index
        %get3A_441 = tpu.vector_load %arg6[%get3A_439, %get3A_440] {strides = array<i32>} : memref<126x96xi32, #tpu.memory_space<vmem>>, vector<16xi32>,
        %and3A_442 = arith.constant 16383 : i32
        %and3A_443 = vector.broadcast %and3A_442 : i32 to vector<16xi32>
        %and3A_444 = arith.andi %get3A_441, %and3A_443 : vector<16xi32>
        %swap3A_445 = arith.constant 0 : i32
        %swap3A_446 = arith.index_cast %swap3A_445 : i32 to index
        %swap3A_447 = arith.constant 80 : index
        %swap3A_448 = tpu.vector_load %arg7[%swap3A_446, %swap3A_447] {strides = array<i32>} : memref<3x96xi32, #tpu.memory_space<vmem>>, vector<16xi32>,
        tpu.vector_store %arg7[%swap3A_446, %swap3A_447], %and3A_444 {strides = array<i32>} : memref<3x96xi32, #tpu.memory_space<vmem>>, vector<16xi32>,
        %shift_right_logical3A_449 = arith.constant 14 : i32
        %shift_right_logical3A_450 = vector.broadcast %shift_right_logical3A_449 : i32 to vector<16xi32>
        %shift_right_logical3A_451 = arith.shrui %get3A_441, %shift_right_logical3A_450 : vector<16xi32>
        %swap3A_452 = arith.constant 0 : i32
        %swap3A_453 = arith.index_cast %swap3A_452 : i32 to index
        %swap3A_454 = arith.constant 80 : index
        %swap3A_455 = tpu.vector_load %arg8[%swap3A_453, %swap3A_454] {strides = array<i32>} : memref<3x96xi32, #tpu.memory_space<vmem>>, vector<16xi32>,
        tpu.vector_store %arg8[%swap3A_453, %swap3A_454], %shift_right_logical3A_451 {strides = array<i32>} : memref<3x96xi32, #tpu.memory_space<vmem>>, vector<16xi32>,
        %add3A_456 = arith.constant 3 : i32
        %add3A_457 = arith.addi %add3A_306, %add3A_456 : i32
        %sub3A_458 = arith.constant 1 : i32
        %sub3A_459 = arith.subi %add3A_457, %sub3A_458 : i32
        %dma_start3A_460 = arith.constant 0 : i32
        %dma_start3A_461 = arith.constant 0 : i32
        %dma_start3A_462 = arith.constant 0 : i32
        %dma_start3A_463 = tpu.memref_slice %arg7[%dma_start3A_460, %dma_start3A_462] : memref<3x96xi32, #tpu.memory_space<vmem>> -> memref<1x96xi32, #tpu.memory_space<vmem>>
        %dma_start3A_464 = tpu.memref_squeeze %dma_start3A_463 : memref<1x96xi32, #tpu.memory_space<vmem>> -> memref<96xi32, #tpu.memory_space<vmem>>
        %dma_start3A_465 = arith.constant 0 : i32
        %dma_start3A_466 = arith.constant 0 : i32
        %dma_start3A_467 = tpu.memref_slice %arg2[%dma_start3A_465, %dma_start3A_466] : memref<10000x128xf32, #tpu.memory_space<hbm>> -> memref<10000x128xf32, #tpu.memory_space<hbm>>
        %dma_start3A_468 = tpu.memref_slice %arg12[%dma_start3A_461] : memref<3x!tpu.dma_semaphore, #tpu.memory_space<semaphore_mem>> -> memref<1x!tpu.dma_semaphore, #tpu.memory_space<semaphore_mem>>
        %dma_start3A_469 = tpu.memref_squeeze %dma_start3A_468 : memref<1x!tpu.dma_semaphore, #tpu.memory_space<semaphore_mem>> -> memref<!tpu.dma_semaphore, #tpu.memory_space<semaphore_mem>>
        tpu.enqueue_indirect_dma source(%dma_start3A_467 : memref<10000x128xf32, #tpu.memory_space<hbm>>) target(%arg9 : memref<96x128xf32, #tpu.memory_space<vmem>>) offsets(%dma_start3A_464 : memref<96xi32, #tpu.memory_space<vmem>>) semaphore(%dma_start3A_469 : memref<!tpu.dma_semaphore, #tpu.memory_space<semaphore_mem>>)
      } else {
      }
      %dma_wait3A_315 = arith.constant 1 : i32
      %dma_wait3A_316 = arith.constant 1 : i32
      %dma_wait3A_317 = arith.constant 0 : i32
      %dma_wait3A_318 = tpu.memref_slice %arg7[%dma_wait3A_315, %dma_wait3A_317] : memref<3x96xi32, #tpu.memory_space<vmem>> -> memref<1x96xi32, #tpu.memory_space<vmem>>
      %dma_wait3A_319 = tpu.memref_squeeze %dma_wait3A_318 : memref<1x96xi32, #tpu.memory_space<vmem>> -> memref<96xi32, #tpu.memory_space<vmem>>
      %dma_wait3A_320 = arith.constant 0 : i32
      %dma_wait3A_321 = arith.constant 0 : i32
      %dma_wait3A_322 = tpu.memref_slice %arg2[%dma_wait3A_320, %dma_wait3A_321] : memref<10000x128xf32, #tpu.memory_space<hbm>> -> memref<10000x128xf32, #tpu.memory_space<hbm>>
      %dma_wait3A_323 = tpu.memref_slice %arg12[%dma_wait3A_316] : memref<3x!tpu.dma_semaphore, #tpu.memory_space<semaphore_mem>> -> memref<1x!tpu.dma_semaphore, #tpu.memory_space<semaphore_mem>>
      %dma_wait3A_324 = tpu.memref_squeeze %dma_wait3A_323 : memref<1x!tpu.dma_semaphore, #tpu.memory_space<semaphore_mem>> -> memref<!tpu.dma_semaphore, #tpu.memory_space<semaphore_mem>>
      tpu.wait_indirect_dma semaphore(%dma_wait3A_324 : memref<!tpu.dma_semaphore, #tpu.memory_space<semaphore_mem>>) src(%dma_wait3A_322 : memref<10000x128xf32, #tpu.memory_space<hbm>>) dst(%arg10 : memref<96x128xf32, #tpu.memory_space<vmem>>)
      %run_scoped3A_325 = arith.constant 1 : i32
      "tpu.region"() ({
        %run_scoped3A_350 = tpu.sem_alloc : memref<!tpu.dma_semaphore, #tpu.memory_space<semaphore_mem>>
        %dma_start3A_351 = arith.constant 0 : i32
        %dma_start3A_352 = tpu.memref_slice %arg8[%run_scoped3A_325, %dma_start3A_351] : memref<3x96xi32, #tpu.memory_space<vmem>> -> memref<1x96xi32, #tpu.memory_space<vmem>>
        %dma_start3A_353 = tpu.memref_squeeze %dma_start3A_352 : memref<1x96xi32, #tpu.memory_space<vmem>> -> memref<96xi32, #tpu.memory_space<vmem>>
        %dma_start3A_354 = arith.constant 0 : i32
        %dma_start3A_355 = arith.constant 0 : i32
        %dma_start3A_356 = tpu.memref_slice %arg5[%dma_start3A_354, %dma_start3A_355] : memref<10016x128xf32, #tpu.memory_space<vmem_shared>> -> memref<10016x128xf32, #tpu.memory_space<vmem_shared>>
        tpu.enqueue_indirect_dma source(%arg10 : memref<96x128xf32, #tpu.memory_space<vmem>>) target(%dma_start3A_356 : memref<10016x128xf32, #tpu.memory_space<vmem_shared>>) offsets(%dma_start3A_353 : memref<96xi32, #tpu.memory_space<vmem>>) semaphore(%run_scoped3A_350 : memref<!tpu.dma_semaphore, #tpu.memory_space<semaphore_mem>>) {add = true}
        %dma_wait3A_357 = arith.constant 0 : i32
        %dma_wait3A_358 = tpu.memref_slice %arg8[%run_scoped3A_325, %dma_wait3A_357] : memref<3x96xi32, #tpu.memory_space<vmem>> -> memref<1x96xi32, #tpu.memory_space<vmem>>
        %dma_wait3A_359 = tpu.memref_squeeze %dma_wait3A_358 : memref<1x96xi32, #tpu.memory_space<vmem>> -> memref<96xi32, #tpu.memory_space<vmem>>
        %dma_wait3A_360 = arith.constant 0 : i32
        %dma_wait3A_361 = arith.constant 0 : i32
        %dma_wait3A_362 = tpu.memref_slice %arg5[%dma_wait3A_360, %dma_wait3A_361] : memref<10016x128xf32, #tpu.memory_space<vmem_shared>> -> memref<10016x128xf32, #tpu.memory_space<vmem_shared>>
        tpu.wait_indirect_dma semaphore(%run_scoped3A_350 : memref<!tpu.dma_semaphore, #tpu.memory_space<semaphore_mem>>) src(%arg10 : memref<96x128xf32, #tpu.memory_space<vmem>>) dst(%dma_wait3A_362 : memref<10016x128xf32, #tpu.memory_space<vmem_shared>>)
        tpu.yield
      }) : () -> ()
      %mul3A_326 = arith.constant 3 : i32
      %mul3A_327 = arith.muli %while3A_281, %mul3A_326 : i32
      %add3A_328 = arith.constant 2 : i32
      %add3A_329 = arith.addi %mul3A_327, %add3A_328 : i32
      %add3A_330 = arith.constant 3 : i32
      %add3A_331 = arith.addi %add3A_329, %add3A_330 : i32
      %sub3A_332 = arith.constant 1 : i32
      %sub3A_333 = arith.subi %add3A_331, %sub3A_332 : i32
      %lt3A_334 = arith.cmpi slt, %sub3A_333, %select_n3A_3 : i32
      %convert_element_type3A_335 = arith.extui %lt3A_334 : i1 to i32
      %cond3A_336 = arith.constant 0 : i32
      %cond3A_337 = arith.cmpi ne, %convert_element_type3A_335, %cond3A_336 : i32
      scf.if %cond3A_337 {
        %add3A_350 = arith.constant 3 : i32
        %add3A_351 = arith.addi %add3A_329, %add3A_350 : i32
        %sub3A_352 = arith.constant 1 : i32
        %sub3A_353 = arith.subi %add3A_351, %sub3A_352 : i32
        %get3A_354 = arith.index_cast %sub3A_353 : i32 to index
        %get3A_355 = arith.constant 0 : index
        %get3A_356 = tpu.vector_load %arg6[%get3A_354, %get3A_355] {strides = array<i32>} : memref<126x96xi32, #tpu.memory_space<vmem>>, vector<16xi32>,
        %and3A_357 = arith.constant 16383 : i32
        %and3A_358 = vector.broadcast %and3A_357 : i32 to vector<16xi32>
        %and3A_359 = arith.andi %get3A_356, %and3A_358 : vector<16xi32>
        %swap3A_360 = arith.constant 1 : i32
        %swap3A_361 = arith.index_cast %swap3A_360 : i32 to index
        %swap3A_362 = arith.constant 0 : index
        %swap3A_363 = tpu.vector_load %arg7[%swap3A_361, %swap3A_362] {strides = array<i32>} : memref<3x96xi32, #tpu.memory_space<vmem>>, vector<16xi32>,
        tpu.vector_store %arg7[%swap3A_361, %swap3A_362], %and3A_359 {strides = array<i32>} : memref<3x96xi32, #tpu.memory_space<vmem>>, vector<16xi32>,
        %shift_right_logical3A_364 = arith.constant 14 : i32
        %shift_right_logical3A_365 = vector.broadcast %shift_right_logical3A_364 : i32 to vector<16xi32>
        %shift_right_logical3A_366 = arith.shrui %get3A_356, %shift_right_logical3A_365 : vector<16xi32>
        %swap3A_367 = arith.constant 1 : i32
        %swap3A_368 = arith.index_cast %swap3A_367 : i32 to index
        %swap3A_369 = arith.constant 0 : index
        %swap3A_370 = tpu.vector_load %arg8[%swap3A_368, %swap3A_369] {strides = array<i32>} : memref<3x96xi32, #tpu.memory_space<vmem>>, vector<16xi32>,
        tpu.vector_store %arg8[%swap3A_368, %swap3A_369], %shift_right_logical3A_366 {strides = array<i32>} : memref<3x96xi32, #tpu.memory_space<vmem>>, vector<16xi32>,
        %get3A_371 = arith.index_cast %sub3A_353 : i32 to index
        %get3A_372 = arith.constant 16 : index
        %get3A_373 = tpu.vector_load %arg6[%get3A_371, %get3A_372] {strides = array<i32>} : memref<126x96xi32, #tpu.memory_space<vmem>>, vector<16xi32>,
        %and3A_374 = arith.constant 16383 : i32
        %and3A_375 = vector.broadcast %and3A_374 : i32 to vector<16xi32>
        %and3A_376 = arith.andi %get3A_373, %and3A_375 : vector<16xi32>
        %swap3A_377 = arith.constant 1 : i32
        %swap3A_378 = arith.index_cast %swap3A_377 : i32 to index
        %swap3A_379 = arith.constant 16 : index
        %swap3A_380 = tpu.vector_load %arg7[%swap3A_378, %swap3A_379] {strides = array<i32>} : memref<3x96xi32, #tpu.memory_space<vmem>>, vector<16xi32>,
        tpu.vector_store %arg7[%swap3A_378, %swap3A_379], %and3A_376 {strides = array<i32>} : memref<3x96xi32, #tpu.memory_space<vmem>>, vector<16xi32>,
        %shift_right_logical3A_381 = arith.constant 14 : i32
        %shift_right_logical3A_382 = vector.broadcast %shift_right_logical3A_381 : i32 to vector<16xi32>
        %shift_right_logical3A_383 = arith.shrui %get3A_373, %shift_right_logical3A_382 : vector<16xi32>
        %swap3A_384 = arith.constant 1 : i32
        %swap3A_385 = arith.index_cast %swap3A_384 : i32 to index
        %swap3A_386 = arith.constant 16 : index
        %swap3A_387 = tpu.vector_load %arg8[%swap3A_385, %swap3A_386] {strides = array<i32>} : memref<3x96xi32, #tpu.memory_space<vmem>>, vector<16xi32>,
        tpu.vector_store %arg8[%swap3A_385, %swap3A_386], %shift_right_logical3A_383 {strides = array<i32>} : memref<3x96xi32, #tpu.memory_space<vmem>>, vector<16xi32>,
        %get3A_388 = arith.index_cast %sub3A_353 : i32 to index
        %get3A_389 = arith.constant 32 : index
        %get3A_390 = tpu.vector_load %arg6[%get3A_388, %get3A_389] {strides = array<i32>} : memref<126x96xi32, #tpu.memory_space<vmem>>, vector<16xi32>,
        %and3A_391 = arith.constant 16383 : i32
        %and3A_392 = vector.broadcast %and3A_391 : i32 to vector<16xi32>
        %and3A_393 = arith.andi %get3A_390, %and3A_392 : vector<16xi32>
        %swap3A_394 = arith.constant 1 : i32
        %swap3A_395 = arith.index_cast %swap3A_394 : i32 to index
        %swap3A_396 = arith.constant 32 : index
        %swap3A_397 = tpu.vector_load %arg7[%swap3A_395, %swap3A_396] {strides = array<i32>} : memref<3x96xi32, #tpu.memory_space<vmem>>, vector<16xi32>,
        tpu.vector_store %arg7[%swap3A_395, %swap3A_396], %and3A_393 {strides = array<i32>} : memref<3x96xi32, #tpu.memory_space<vmem>>, vector<16xi32>,
        %shift_right_logical3A_398 = arith.constant 14 : i32
        %shift_right_logical3A_399 = vector.broadcast %shift_right_logical3A_398 : i32 to vector<16xi32>
        %shift_right_logical3A_400 = arith.shrui %get3A_390, %shift_right_logical3A_399 : vector<16xi32>
        %swap3A_401 = arith.constant 1 : i32
        %swap3A_402 = arith.index_cast %swap3A_401 : i32 to index
        %swap3A_403 = arith.constant 32 : index
        %swap3A_404 = tpu.vector_load %arg8[%swap3A_402, %swap3A_403] {strides = array<i32>} : memref<3x96xi32, #tpu.memory_space<vmem>>, vector<16xi32>,
        tpu.vector_store %arg8[%swap3A_402, %swap3A_403], %shift_right_logical3A_400 {strides = array<i32>} : memref<3x96xi32, #tpu.memory_space<vmem>>, vector<16xi32>,
        %get3A_405 = arith.index_cast %sub3A_353 : i32 to index
        %get3A_406 = arith.constant 48 : index
        %get3A_407 = tpu.vector_load %arg6[%get3A_405, %get3A_406] {strides = array<i32>} : memref<126x96xi32, #tpu.memory_space<vmem>>, vector<16xi32>,
        %and3A_408 = arith.constant 16383 : i32
        %and3A_409 = vector.broadcast %and3A_408 : i32 to vector<16xi32>
        %and3A_410 = arith.andi %get3A_407, %and3A_409 : vector<16xi32>
        %swap3A_411 = arith.constant 1 : i32
        %swap3A_412 = arith.index_cast %swap3A_411 : i32 to index
        %swap3A_413 = arith.constant 48 : index
        %swap3A_414 = tpu.vector_load %arg7[%swap3A_412, %swap3A_413] {strides = array<i32>} : memref<3x96xi32, #tpu.memory_space<vmem>>, vector<16xi32>,
        tpu.vector_store %arg7[%swap3A_412, %swap3A_413], %and3A_410 {strides = array<i32>} : memref<3x96xi32, #tpu.memory_space<vmem>>, vector<16xi32>,
        %shift_right_logical3A_415 = arith.constant 14 : i32
        %shift_right_logical3A_416 = vector.broadcast %shift_right_logical3A_415 : i32 to vector<16xi32>
        %shift_right_logical3A_417 = arith.shrui %get3A_407, %shift_right_logical3A_416 : vector<16xi32>
        %swap3A_418 = arith.constant 1 : i32
        %swap3A_419 = arith.index_cast %swap3A_418 : i32 to index
        %swap3A_420 = arith.constant 48 : index
        %swap3A_421 = tpu.vector_load %arg8[%swap3A_419, %swap3A_420] {strides = array<i32>} : memref<3x96xi32, #tpu.memory_space<vmem>>, vector<16xi32>,
        tpu.vector_store %arg8[%swap3A_419, %swap3A_420], %shift_right_logical3A_417 {strides = array<i32>} : memref<3x96xi32, #tpu.memory_space<vmem>>, vector<16xi32>,
        %get3A_422 = arith.index_cast %sub3A_353 : i32 to index
        %get3A_423 = arith.constant 64 : index
        %get3A_424 = tpu.vector_load %arg6[%get3A_422, %get3A_423] {strides = array<i32>} : memref<126x96xi32, #tpu.memory_space<vmem>>, vector<16xi32>,
        %and3A_425 = arith.constant 16383 : i32
        %and3A_426 = vector.broadcast %and3A_425 : i32 to vector<16xi32>
        %and3A_427 = arith.andi %get3A_424, %and3A_426 : vector<16xi32>
        %swap3A_428 = arith.constant 1 : i32
        %swap3A_429 = arith.index_cast %swap3A_428 : i32 to index
        %swap3A_430 = arith.constant 64 : index
        %swap3A_431 = tpu.vector_load %arg7[%swap3A_429, %swap3A_430] {strides = array<i32>} : memref<3x96xi32, #tpu.memory_space<vmem>>, vector<16xi32>,
        tpu.vector_store %arg7[%swap3A_429, %swap3A_430], %and3A_427 {strides = array<i32>} : memref<3x96xi32, #tpu.memory_space<vmem>>, vector<16xi32>,
        %shift_right_logical3A_432 = arith.constant 14 : i32
        %shift_right_logical3A_433 = vector.broadcast %shift_right_logical3A_432 : i32 to vector<16xi32>
        %shift_right_logical3A_434 = arith.shrui %get3A_424, %shift_right_logical3A_433 : vector<16xi32>
        %swap3A_435 = arith.constant 1 : i32
        %swap3A_436 = arith.index_cast %swap3A_435 : i32 to index
        %swap3A_437 = arith.constant 64 : index
        %swap3A_438 = tpu.vector_load %arg8[%swap3A_436, %swap3A_437] {strides = array<i32>} : memref<3x96xi32, #tpu.memory_space<vmem>>, vector<16xi32>,
        tpu.vector_store %arg8[%swap3A_436, %swap3A_437], %shift_right_logical3A_434 {strides = array<i32>} : memref<3x96xi32, #tpu.memory_space<vmem>>, vector<16xi32>,
        %get3A_439 = arith.index_cast %sub3A_353 : i32 to index
        %get3A_440 = arith.constant 80 : index
        %get3A_441 = tpu.vector_load %arg6[%get3A_439, %get3A_440] {strides = array<i32>} : memref<126x96xi32, #tpu.memory_space<vmem>>, vector<16xi32>,
        %and3A_442 = arith.constant 16383 : i32
        %and3A_443 = vector.broadcast %and3A_442 : i32 to vector<16xi32>
        %and3A_444 = arith.andi %get3A_441, %and3A_443 : vector<16xi32>
        %swap3A_445 = arith.constant 1 : i32
        %swap3A_446 = arith.index_cast %swap3A_445 : i32 to index
        %swap3A_447 = arith.constant 80 : index
        %swap3A_448 = tpu.vector_load %arg7[%swap3A_446, %swap3A_447] {strides = array<i32>} : memref<3x96xi32, #tpu.memory_space<vmem>>, vector<16xi32>,
        tpu.vector_store %arg7[%swap3A_446, %swap3A_447], %and3A_444 {strides = array<i32>} : memref<3x96xi32, #tpu.memory_space<vmem>>, vector<16xi32>,
        %shift_right_logical3A_449 = arith.constant 14 : i32
        %shift_right_logical3A_450 = vector.broadcast %shift_right_logical3A_449 : i32 to vector<16xi32>
        %shift_right_logical3A_451 = arith.shrui %get3A_441, %shift_right_logical3A_450 : vector<16xi32>
        %swap3A_452 = arith.constant 1 : i32
        %swap3A_453 = arith.index_cast %swap3A_452 : i32 to index
        %swap3A_454 = arith.constant 80 : index
        %swap3A_455 = tpu.vector_load %arg8[%swap3A_453, %swap3A_454] {strides = array<i32>} : memref<3x96xi32, #tpu.memory_space<vmem>>, vector<16xi32>,
        tpu.vector_store %arg8[%swap3A_453, %swap3A_454], %shift_right_logical3A_451 {strides = array<i32>} : memref<3x96xi32, #tpu.memory_space<vmem>>, vector<16xi32>,
        %add3A_456 = arith.constant 3 : i32
        %add3A_457 = arith.addi %add3A_329, %add3A_456 : i32
        %sub3A_458 = arith.constant 1 : i32
        %sub3A_459 = arith.subi %add3A_457, %sub3A_458 : i32
        %dma_start3A_460 = arith.constant 1 : i32
        %dma_start3A_461 = arith.constant 1 : i32
        %dma_start3A_462 = arith.constant 0 : i32
        %dma_start3A_463 = tpu.memref_slice %arg7[%dma_start3A_460, %dma_start3A_462] : memref<3x96xi32, #tpu.memory_space<vmem>> -> memref<1x96xi32, #tpu.memory_space<vmem>>
        %dma_start3A_464 = tpu.memref_squeeze %dma_start3A_463 : memref<1x96xi32, #tpu.memory_space<vmem>> -> memref<96xi32, #tpu.memory_space<vmem>>
        %dma_start3A_465 = arith.constant 0 : i32
        %dma_start3A_466 = arith.constant 0 : i32
        %dma_start3A_467 = tpu.memref_slice %arg2[%dma_start3A_465, %dma_start3A_466] : memref<10000x128xf32, #tpu.memory_space<hbm>> -> memref<10000x128xf32, #tpu.memory_space<hbm>>
        %dma_start3A_468 = tpu.memref_slice %arg12[%dma_start3A_461] : memref<3x!tpu.dma_semaphore, #tpu.memory_space<semaphore_mem>> -> memref<1x!tpu.dma_semaphore, #tpu.memory_space<semaphore_mem>>
        %dma_start3A_469 = tpu.memref_squeeze %dma_start3A_468 : memref<1x!tpu.dma_semaphore, #tpu.memory_space<semaphore_mem>> -> memref<!tpu.dma_semaphore, #tpu.memory_space<semaphore_mem>>
        tpu.enqueue_indirect_dma source(%dma_start3A_467 : memref<10000x128xf32, #tpu.memory_space<hbm>>) target(%arg10 : memref<96x128xf32, #tpu.memory_space<vmem>>) offsets(%dma_start3A_464 : memref<96xi32, #tpu.memory_space<vmem>>) semaphore(%dma_start3A_469 : memref<!tpu.dma_semaphore, #tpu.memory_space<semaphore_mem>>)
      } else {
      }
      %dma_wait3A_338 = arith.constant 2 : i32
      %dma_wait3A_339 = arith.constant 2 : i32
      %dma_wait3A_340 = arith.constant 0 : i32
      %dma_wait3A_341 = tpu.memref_slice %arg7[%dma_wait3A_338, %dma_wait3A_340] : memref<3x96xi32, #tpu.memory_space<vmem>> -> memref<1x96xi32, #tpu.memory_space<vmem>>
      %dma_wait3A_342 = tpu.memref_squeeze %dma_wait3A_341 : memref<1x96xi32, #tpu.memory_space<vmem>> -> memref<96xi32, #tpu.memory_space<vmem>>
      %dma_wait3A_343 = arith.constant 0 : i32
      %dma_wait3A_344 = arith.constant 0 : i32
      %dma_wait3A_345 = tpu.memref_slice %arg2[%dma_wait3A_343, %dma_wait3A_344] : memref<10000x128xf32, #tpu.memory_space<hbm>> -> memref<10000x128xf32, #tpu.memory_space<hbm>>
      %dma_wait3A_346 = tpu.memref_slice %arg12[%dma_wait3A_339] : memref<3x!tpu.dma_semaphore, #tpu.memory_space<semaphore_mem>> -> memref<1x!tpu.dma_semaphore, #tpu.memory_space<semaphore_mem>>
      %dma_wait3A_347 = tpu.memref_squeeze %dma_wait3A_346 : memref<1x!tpu.dma_semaphore, #tpu.memory_space<semaphore_mem>> -> memref<!tpu.dma_semaphore, #tpu.memory_space<semaphore_mem>>
      tpu.wait_indirect_dma semaphore(%dma_wait3A_347 : memref<!tpu.dma_semaphore, #tpu.memory_space<semaphore_mem>>) src(%dma_wait3A_345 : memref<10000x128xf32, #tpu.memory_space<hbm>>) dst(%arg11 : memref<96x128xf32, #tpu.memory_space<vmem>>)
      %run_scoped3A_348 = arith.constant 2 : i32
      "tpu.region"() ({
        %run_scoped3A_350 = tpu.sem_alloc : memref<!tpu.dma_semaphore, #tpu.memory_space<semaphore_mem>>
        %dma_start3A_351 = arith.constant 0 : i32
        %dma_start3A_352 = tpu.memref_slice %arg8[%run_scoped3A_348, %dma_start3A_351] : memref<3x96xi32, #tpu.memory_space<vmem>> -> memref<1x96xi32, #tpu.memory_space<vmem>>
        %dma_start3A_353 = tpu.memref_squeeze %dma_start3A_352 : memref<1x96xi32, #tpu.memory_space<vmem>> -> memref<96xi32, #tpu.memory_space<vmem>>
        %dma_start3A_354 = arith.constant 0 : i32
        %dma_start3A_355 = arith.constant 0 : i32
        %dma_start3A_356 = tpu.memref_slice %arg5[%dma_start3A_354, %dma_start3A_355] : memref<10016x128xf32, #tpu.memory_space<vmem_shared>> -> memref<10016x128xf32, #tpu.memory_space<vmem_shared>>
        tpu.enqueue_indirect_dma source(%arg11 : memref<96x128xf32, #tpu.memory_space<vmem>>) target(%dma_start3A_356 : memref<10016x128xf32, #tpu.memory_space<vmem_shared>>) offsets(%dma_start3A_353 : memref<96xi32, #tpu.memory_space<vmem>>) semaphore(%run_scoped3A_350 : memref<!tpu.dma_semaphore, #tpu.memory_space<semaphore_mem>>) {add = true}
        %dma_wait3A_357 = arith.constant 0 : i32
        %dma_wait3A_358 = tpu.memref_slice %arg8[%run_scoped3A_348, %dma_wait3A_357] : memref<3x96xi32, #tpu.memory_space<vmem>> -> memref<1x96xi32, #tpu.memory_space<vmem>>
        %dma_wait3A_359 = tpu.memref_squeeze %dma_wait3A_358 : memref<1x96xi32, #tpu.memory_space<vmem>> -> memref<96xi32, #tpu.memory_space<vmem>>
        %dma_wait3A_360 = arith.constant 0 : i32
        %dma_wait3A_361 = arith.constant 0 : i32
        %dma_wait3A_362 = tpu.memref_slice %arg5[%dma_wait3A_360, %dma_wait3A_361] : memref<10016x128xf32, #tpu.memory_space<vmem_shared>> -> memref<10016x128xf32, #tpu.memory_space<vmem_shared>>
        tpu.wait_indirect_dma semaphore(%run_scoped3A_350 : memref<!tpu.dma_semaphore, #tpu.memory_space<semaphore_mem>>) src(%arg11 : memref<96x128xf32, #tpu.memory_space<vmem>>) dst(%dma_wait3A_362 : memref<10016x128xf32, #tpu.memory_space<vmem_shared>>)
        tpu.yield
      }) : () -> ()
      %while3A_349 = arith.constant 0 : i32
      scf.yield %while3A_349 : i32
    }
    %barrier3A_271 = arith.constant 0 : index
    tpu.barrier barrier_id(%barrier3A_271)
    %mul3A_272 = arith.constant 624 : i32
    %mul3A_273 = arith.muli %arg1, %mul3A_272 : i32
    %mul3A_274 = arith.constant 624 : i32
    %mul3A_275 = arith.muli %arg1, %mul3A_274 : i32
    "tpu.region"() ({
      %run_scoped3A = tpu.sem_alloc : memref<!tpu.dma_semaphore, #tpu.memory_space<semaphore_mem>>
      %dma_start3A_281 = arith.constant 0 : i32
      %dma_start3A_282 = tpu.memref_slice %arg4[%arg0, %mul3A_275, %dma_start3A_281] : memref<2x10000x128xf32, #tpu.memory_space<hbm>> -> memref<1x624x128xf32, #tpu.memory_space<hbm>>
      %dma_start3A_283 = tpu.memref_squeeze %dma_start3A_282 : memref<1x624x128xf32, #tpu.memory_space<hbm>> -> memref<624x128xf32, #tpu.memory_space<hbm>>
      %dma_start3A_284 = arith.constant 0 : i32
      %dma_start3A_285 = tpu.memref_slice %arg5[%mul3A_273, %dma_start3A_284] : memref<10016x128xf32, #tpu.memory_space<vmem_shared>> -> memref<624x128xf32, #tpu.memory_space<vmem_shared>>
      tpu.enqueue_dma source(%dma_start3A_285 : memref<624x128xf32, #tpu.memory_space<vmem_shared>>) target(%dma_start3A_283 : memref<624x128xf32, #tpu.memory_space<hbm>>) target_semaphore(%run_scoped3A : memref<!tpu.dma_semaphore, #tpu.memory_space<semaphore_mem>>)
      %dma_wait3A = arith.constant 0 : i32
      %dma_wait3A_286 = tpu.memref_slice %arg4[%arg0, %mul3A_275, %dma_wait3A] : memref<2x10000x128xf32, #tpu.memory_space<hbm>> -> memref<1x624x128xf32, #tpu.memory_space<hbm>>
      %dma_wait3A_287 = tpu.memref_squeeze %dma_wait3A_286 : memref<1x624x128xf32, #tpu.memory_space<hbm>> -> memref<624x128xf32, #tpu.memory_space<hbm>>
      %dma_wait3A_288 = arith.constant 0 : i32
      %dma_wait3A_289 = tpu.memref_slice %arg5[%mul3A_273, %dma_wait3A_288] : memref<10016x128xf32, #tpu.memory_space<vmem_shared>> -> memref<624x128xf32, #tpu.memory_space<vmem_shared>>
      tpu.wait_dma2 semaphore(%run_scoped3A : memref<!tpu.dma_semaphore, #tpu.memory_space<semaphore_mem>>) src(%dma_wait3A_289 : memref<624x128xf32, #tpu.memory_space<vmem_shared>>) dst(%dma_wait3A_287 : memref<624x128xf32, #tpu.memory_space<hbm>>)
      tpu.yield
    }) : () -> ()
    %eq3A_276 = arith.constant 0 : i32
    %eq3A_277 = arith.cmpi eq, %arg1, %eq3A_276 : i32
    %convert_element_type3A_278 = arith.extui %eq3A_277 : i1 to i32
    %cond3A_279 = arith.constant 0 : i32
    %cond3A_280 = arith.cmpi ne, %convert_element_type3A_278, %cond3A_279 : i32
    scf.if %cond3A_280 {
      "tpu.region"() ({
        %run_scoped3A = tpu.sem_alloc : memref<!tpu.dma_semaphore, #tpu.memory_space<semaphore_mem>>
        %dma_start3A_281 = arith.constant 9984 : i32
        %dma_start3A_282 = arith.constant 0 : i32
        %dma_start3A_283 = tpu.memref_slice %arg4[%arg0, %dma_start3A_281, %dma_start3A_282] : memref<2x10000x128xf32, #tpu.memory_space<hbm>> -> memref<1x16x128xf32, #tpu.memory_space<hbm>>
        %dma_start3A_284 = tpu.memref_squeeze %dma_start3A_283 : memref<1x16x128xf32, #tpu.memory_space<hbm>> -> memref<16x128xf32, #tpu.memory_space<hbm>>
        %dma_start3A_285 = arith.constant 9984 : i32
        %dma_start3A_286 = arith.constant 0 : i32
        %dma_start3A_287 = tpu.memref_slice %arg5[%dma_start3A_285, %dma_start3A_286] : memref<10016x128xf32, #tpu.memory_space<vmem_shared>> -> memref<16x128xf32, #tpu.memory_space<vmem_shared>>
        tpu.enqueue_dma source(%dma_start3A_287 : memref<16x128xf32, #tpu.memory_space<vmem_shared>>) target(%dma_start3A_284 : memref<16x128xf32, #tpu.memory_space<hbm>>) target_semaphore(%run_scoped3A : memref<!tpu.dma_semaphore, #tpu.memory_space<semaphore_mem>>)
        %dma_wait3A = arith.constant 9984 : i32
        %dma_wait3A_288 = arith.constant 0 : i32
        %dma_wait3A_289 = tpu.memref_slice %arg4[%arg0, %dma_wait3A, %dma_wait3A_288] : memref<2x10000x128xf32, #tpu.memory_space<hbm>> -> memref<1x16x128xf32, #tpu.memory_space<hbm>>
        %dma_wait3A_290 = tpu.memref_squeeze %dma_wait3A_289 : memref<1x16x128xf32, #tpu.memory_space<hbm>> -> memref<16x128xf32, #tpu.memory_space<hbm>>
        %dma_wait3A_291 = arith.constant 9984 : i32
        %dma_wait3A_292 = arith.constant 0 : i32
        %dma_wait3A_293 = tpu.memref_slice %arg5[%dma_wait3A_291, %dma_wait3A_292] : memref<10016x128xf32, #tpu.memory_space<vmem_shared>> -> memref<16x128xf32, #tpu.memory_space<vmem_shared>>
        tpu.wait_dma2 semaphore(%run_scoped3A : memref<!tpu.dma_semaphore, #tpu.memory_space<semaphore_mem>>) src(%dma_wait3A_293 : memref<16x128xf32, #tpu.memory_space<vmem_shared>>) dst(%dma_wait3A_290 : memref<16x128xf32, #tpu.memory_space<hbm>>)
        tpu.yield
      }) : () -> ()
    } else {
    }
    return
  }
}

#map = affine_map<(d0, d1) -> (0, 0, 0)>
#map1 = affine_map<(d0, d1) -> (0, 0)>
module attributes {stable_mosaic.version = 14 : i64} {
  func.func @deg_kernel(%arg0: i32, %arg1: i32, %arg2: memref<32x126x96xi32, #tpu.memory_space<hbm>>, %arg3: memref<32x10016xf32, #tpu.memory_space<hbm>>, %arg4: memref<10016xf32, #tpu.memory_space<vmem>>, %arg5: memref<126x96xi32, #tpu.memory_space<vmem>>) attributes {dimension_semantics = [#tpu.dimension_semantics<core_parallel>, #tpu.dimension_semantics<subcore_parallel>], iteration_bounds = array<i64: 2, 16>, scalar_prefetch = 0 : i64, scratch_operands = 2 : i64, tpu.core_type = #tpu.core_type<sc_vector_subcore>, window_params = [{transform_indices = #map}, {transform_indices = #map1}]} {
    %mul3A = arith.constant 2 : i32
    %mul3A_0 = arith.muli %arg1, %mul3A : i32
    %add3A = arith.addi %mul3A_0, %arg0 : i32
    %scan3A = arith.constant 0 : i32
    %scan3A_1 = arith.constant 0 : i32
    %scan3A_2 = arith.constant 626 : i32
    %scan3A_3 = arith.addi %scan3A_1, %scan3A_2 : i32
    %scan3A_4 = arith.constant 1 : i32
    %scan3A_5 = scf.for %scan3A_15 = %scan3A_1 to %scan3A_3 step %scan3A_4 iter_args(%scan3A_16 = %scan3A) -> (i32)  : i32 {
      %broadcast_in_dim3A_17 = arith.constant 0.000000e+00 : f32
      %broadcast_in_dim3A_18 = vector.broadcast %broadcast_in_dim3A_17 : f32 to vector<16xf32>
      %mul3A_19 = arith.constant 16 : i32
      %mul3A_20 = arith.muli %scan3A_15, %mul3A_19 : i32
      %swap3A = arith.index_cast %mul3A_20 : i32 to index
      %swap3A_21 = tpu.vector_load %arg4[%swap3A] {strides = array<i32>} : memref<10016xf32, #tpu.memory_space<vmem>>, vector<16xf32>,
      tpu.vector_store %arg4[%swap3A], %broadcast_in_dim3A_18 {strides = array<i32>} : memref<10016xf32, #tpu.memory_space<vmem>>, vector<16xf32>,
      %scan3A_22 = arith.constant 0 : i32
      scf.yield %scan3A_22 : i32
    }
    %scan3A_6 = arith.constant 626 : i32
    "tpu.region"() ({
      %run_scoped3A = tpu.sem_alloc : memref<!tpu.dma_semaphore, #tpu.memory_space<semaphore_mem>>
      %dma_start3A = arith.constant 0 : i32
      %dma_start3A_15 = arith.constant 0 : i32
      %dma_start3A_16 = tpu.memref_slice %arg2[%add3A, %dma_start3A, %dma_start3A_15] : memref<32x126x96xi32, #tpu.memory_space<hbm>> -> memref<1x126x96xi32, #tpu.memory_space<hbm>>
      %dma_start3A_17 = tpu.memref_squeeze %dma_start3A_16 : memref<1x126x96xi32, #tpu.memory_space<hbm>> -> memref<126x96xi32, #tpu.memory_space<hbm>>
      %dma_start3A_18 = arith.constant 0 : i32
      %dma_start3A_19 = arith.constant 0 : i32
      %dma_start3A_20 = tpu.memref_slice %arg2[%add3A, %dma_start3A_18, %dma_start3A_19] : memref<32x126x96xi32, #tpu.memory_space<hbm>> -> memref<1x126x96xi32, #tpu.memory_space<hbm>>
      %dma_start3A_21 = tpu.memref_squeeze %dma_start3A_20 : memref<1x126x96xi32, #tpu.memory_space<hbm>> -> memref<126x96xi32, #tpu.memory_space<hbm>>
      tpu.enqueue_dma source(%dma_start3A_21 : memref<126x96xi32, #tpu.memory_space<hbm>>) target(%arg5 : memref<126x96xi32, #tpu.memory_space<vmem>>) target_semaphore(%run_scoped3A : memref<!tpu.dma_semaphore, #tpu.memory_space<semaphore_mem>>)
      %dma_wait3A = arith.constant 0 : i32
      %dma_wait3A_22 = arith.constant 0 : i32
      %dma_wait3A_23 = tpu.memref_slice %arg2[%add3A, %dma_wait3A, %dma_wait3A_22] : memref<32x126x96xi32, #tpu.memory_space<hbm>> -> memref<1x126x96xi32, #tpu.memory_space<hbm>>
      %dma_wait3A_24 = tpu.memref_squeeze %dma_wait3A_23 : memref<1x126x96xi32, #tpu.memory_space<hbm>> -> memref<126x96xi32, #tpu.memory_space<hbm>>
      %dma_wait3A_25 = arith.constant 0 : i32
      %dma_wait3A_26 = arith.constant 0 : i32
      %dma_wait3A_27 = tpu.memref_slice %arg2[%add3A, %dma_wait3A_25, %dma_wait3A_26] : memref<32x126x96xi32, #tpu.memory_space<hbm>> -> memref<1x126x96xi32, #tpu.memory_space<hbm>>
      %dma_wait3A_28 = tpu.memref_squeeze %dma_wait3A_27 : memref<1x126x96xi32, #tpu.memory_space<hbm>> -> memref<126x96xi32, #tpu.memory_space<hbm>>
      tpu.wait_dma2 semaphore(%run_scoped3A : memref<!tpu.dma_semaphore, #tpu.memory_space<semaphore_mem>>) src(%dma_wait3A_28 : memref<126x96xi32, #tpu.memory_space<hbm>>) dst(%arg5 : memref<126x96xi32, #tpu.memory_space<vmem>>)
      tpu.yield
    }) : () -> ()
    %broadcast_in_dim3A = arith.constant 1.000000e+00 : f32
    %broadcast_in_dim3A_7 = vector.broadcast %broadcast_in_dim3A : f32 to vector<16xf32>
    %scan3A_8 = arith.constant 0 : i32
    %scan3A_9 = arith.constant 0 : i32
    %scan3A_10 = arith.constant 126 : i32
    %scan3A_11 = arith.addi %scan3A_9, %scan3A_10 : i32
    %scan3A_12 = arith.constant 1 : i32
    %scan3A_13 = scf.for %scan3A_15 = %scan3A_9 to %scan3A_11 step %scan3A_12 iter_args(%scan3A_16 = %scan3A_8) -> (i32)  : i32 {
      %get3A = arith.index_cast %scan3A_15 : i32 to index
      %get3A_17 = arith.constant 0 : index
      %get3A_18 = tpu.vector_load %arg5[%get3A, %get3A_17] {strides = array<i32>} : memref<126x96xi32, #tpu.memory_space<vmem>>, vector<16xi32>,
      %shift_right_logical3A = arith.constant 14 : i32
      %shift_right_logical3A_19 = vector.broadcast %shift_right_logical3A : i32 to vector<16xi32>
      %shift_right_logical3A_20 = arith.shrui %get3A_18, %shift_right_logical3A_19 : vector<16xi32>
      tpu.vector_store_idx %arg4[%shift_right_logical3A_20], %broadcast_in_dim3A_7 {add = true} : memref<10016xf32, #tpu.memory_space<vmem>>[vector<16xi32>], vector<16xf32>,
      %get3A_21 = arith.index_cast %scan3A_15 : i32 to index
      %get3A_22 = arith.constant 16 : index
      %get3A_23 = tpu.vector_load %arg5[%get3A_21, %get3A_22] {strides = array<i32>} : memref<126x96xi32, #tpu.memory_space<vmem>>, vector<16xi32>,
      %shift_right_logical3A_24 = arith.constant 14 : i32
      %shift_right_logical3A_25 = vector.broadcast %shift_right_logical3A_24 : i32 to vector<16xi32>
      %shift_right_logical3A_26 = arith.shrui %get3A_23, %shift_right_logical3A_25 : vector<16xi32>
      tpu.vector_store_idx %arg4[%shift_right_logical3A_26], %broadcast_in_dim3A_7 {add = true} : memref<10016xf32, #tpu.memory_space<vmem>>[vector<16xi32>], vector<16xf32>,
      %get3A_27 = arith.index_cast %scan3A_15 : i32 to index
      %get3A_28 = arith.constant 32 : index
      %get3A_29 = tpu.vector_load %arg5[%get3A_27, %get3A_28] {strides = array<i32>} : memref<126x96xi32, #tpu.memory_space<vmem>>, vector<16xi32>,
      %shift_right_logical3A_30 = arith.constant 14 : i32
      %shift_right_logical3A_31 = vector.broadcast %shift_right_logical3A_30 : i32 to vector<16xi32>
      %shift_right_logical3A_32 = arith.shrui %get3A_29, %shift_right_logical3A_31 : vector<16xi32>
      tpu.vector_store_idx %arg4[%shift_right_logical3A_32], %broadcast_in_dim3A_7 {add = true} : memref<10016xf32, #tpu.memory_space<vmem>>[vector<16xi32>], vector<16xf32>,
      %get3A_33 = arith.index_cast %scan3A_15 : i32 to index
      %get3A_34 = arith.constant 48 : index
      %get3A_35 = tpu.vector_load %arg5[%get3A_33, %get3A_34] {strides = array<i32>} : memref<126x96xi32, #tpu.memory_space<vmem>>, vector<16xi32>,
      %shift_right_logical3A_36 = arith.constant 14 : i32
      %shift_right_logical3A_37 = vector.broadcast %shift_right_logical3A_36 : i32 to vector<16xi32>
      %shift_right_logical3A_38 = arith.shrui %get3A_35, %shift_right_logical3A_37 : vector<16xi32>
      tpu.vector_store_idx %arg4[%shift_right_logical3A_38], %broadcast_in_dim3A_7 {add = true} : memref<10016xf32, #tpu.memory_space<vmem>>[vector<16xi32>], vector<16xf32>,
      %get3A_39 = arith.index_cast %scan3A_15 : i32 to index
      %get3A_40 = arith.constant 64 : index
      %get3A_41 = tpu.vector_load %arg5[%get3A_39, %get3A_40] {strides = array<i32>} : memref<126x96xi32, #tpu.memory_space<vmem>>, vector<16xi32>,
      %shift_right_logical3A_42 = arith.constant 14 : i32
      %shift_right_logical3A_43 = vector.broadcast %shift_right_logical3A_42 : i32 to vector<16xi32>
      %shift_right_logical3A_44 = arith.shrui %get3A_41, %shift_right_logical3A_43 : vector<16xi32>
      tpu.vector_store_idx %arg4[%shift_right_logical3A_44], %broadcast_in_dim3A_7 {add = true} : memref<10016xf32, #tpu.memory_space<vmem>>[vector<16xi32>], vector<16xf32>,
      %get3A_45 = arith.index_cast %scan3A_15 : i32 to index
      %get3A_46 = arith.constant 80 : index
      %get3A_47 = tpu.vector_load %arg5[%get3A_45, %get3A_46] {strides = array<i32>} : memref<126x96xi32, #tpu.memory_space<vmem>>, vector<16xi32>,
      %shift_right_logical3A_48 = arith.constant 14 : i32
      %shift_right_logical3A_49 = vector.broadcast %shift_right_logical3A_48 : i32 to vector<16xi32>
      %shift_right_logical3A_50 = arith.shrui %get3A_47, %shift_right_logical3A_49 : vector<16xi32>
      tpu.vector_store_idx %arg4[%shift_right_logical3A_50], %broadcast_in_dim3A_7 {add = true} : memref<10016xf32, #tpu.memory_space<vmem>>[vector<16xi32>], vector<16xf32>,
      %scan3A_51 = arith.constant 0 : i32
      scf.yield %scan3A_51 : i32
    }
    %scan3A_14 = arith.constant 126 : i32
    "tpu.region"() ({
      %run_scoped3A = tpu.sem_alloc : memref<!tpu.dma_semaphore, #tpu.memory_space<semaphore_mem>>
      %dma_start3A = arith.constant 0 : i32
      %dma_start3A_15 = tpu.memref_slice %arg3[%add3A, %dma_start3A] : memref<32x10016xf32, #tpu.memory_space<hbm>> -> memref<1x10016xf32, #tpu.memory_space<hbm>>
      %dma_start3A_16 = tpu.memref_squeeze %dma_start3A_15 : memref<1x10016xf32, #tpu.memory_space<hbm>> -> memref<10016xf32, #tpu.memory_space<hbm>>
      %dma_start3A_17 = arith.constant 0 : i32
      %dma_start3A_18 = tpu.memref_slice %arg3[%add3A, %dma_start3A_17] : memref<32x10016xf32, #tpu.memory_space<hbm>> -> memref<1x10016xf32, #tpu.memory_space<hbm>>
      %dma_start3A_19 = tpu.memref_squeeze %dma_start3A_18 : memref<1x10016xf32, #tpu.memory_space<hbm>> -> memref<10016xf32, #tpu.memory_space<hbm>>
      tpu.enqueue_dma source(%arg4 : memref<10016xf32, #tpu.memory_space<vmem>>) target(%dma_start3A_19 : memref<10016xf32, #tpu.memory_space<hbm>>) target_semaphore(%run_scoped3A : memref<!tpu.dma_semaphore, #tpu.memory_space<semaphore_mem>>)
      %dma_wait3A = arith.constant 0 : i32
      %dma_wait3A_20 = tpu.memref_slice %arg3[%add3A, %dma_wait3A] : memref<32x10016xf32, #tpu.memory_space<hbm>> -> memref<1x10016xf32, #tpu.memory_space<hbm>>
      %dma_wait3A_21 = tpu.memref_squeeze %dma_wait3A_20 : memref<1x10016xf32, #tpu.memory_space<hbm>> -> memref<10016xf32, #tpu.memory_space<hbm>>
      %dma_wait3A_22 = arith.constant 0 : i32
      %dma_wait3A_23 = tpu.memref_slice %arg3[%add3A, %dma_wait3A_22] : memref<32x10016xf32, #tpu.memory_space<hbm>> -> memref<1x10016xf32, #tpu.memory_space<hbm>>
      %dma_wait3A_24 = tpu.memref_squeeze %dma_wait3A_23 : memref<1x10016xf32, #tpu.memory_space<hbm>> -> memref<10016xf32, #tpu.memory_space<hbm>>
      tpu.wait_dma2 semaphore(%run_scoped3A : memref<!tpu.dma_semaphore, #tpu.memory_space<semaphore_mem>>) src(%arg4 : memref<10016xf32, #tpu.memory_space<vmem>>) dst(%dma_wait3A_24 : memref<10016xf32, #tpu.memory_space<hbm>>)
      tpu.yield
    }) : () -> ()
    return
  }
}

#map = affine_map<(d0, d1) -> (0, 0)>
#map1 = affine_map<(d0, d1) -> (0, 0, 0)>
module attributes {stable_mosaic.version = 14 : i64} {
  func.func @prop_kernel(%arg0: i32, %arg1: i32, %arg2: memref<10000x128xf32, #tpu.memory_space<hbm>>, %arg3: memref<32x126x96xi32, #tpu.memory_space<hbm>>, %arg4: memref<2x10000x128xf32, #tpu.memory_space<hbm>>, %arg5: memref<10016x128xf32, #tpu.memory_space<vmem_shared>>, %arg6: memref<126x96xi32, #tpu.memory_space<vmem>>, %arg7: memref<3x96xi32, #tpu.memory_space<vmem>>, %arg8: memref<3x96xi32, #tpu.memory_space<vmem>>, %arg9: memref<96x128xf32, #tpu.memory_space<vmem>>, %arg10: memref<96x128xf32, #tpu.memory_space<vmem>>, %arg11: memref<96x128xf32, #tpu.memory_space<vmem>>, %arg12: memref<3x!tpu.dma_semaphore, #tpu.memory_space<semaphore_mem>>) attributes {dimension_semantics = [#tpu.dimension_semantics<core_parallel>, #tpu.dimension_semantics<subcore_parallel>], iteration_bounds = array<i64: 2, 16>, scalar_prefetch = 0 : i64, scratch_operands = 8 : i64, tpu.core_type = #tpu.core_type<sc_vector_subcore>, window_params = [{transform_indices = #map}, {transform_indices = #map1}, {transform_indices = #map1}]} {
    %mul3A = arith.constant 2 : i32
    %mul3A_0 = arith.muli %arg1, %mul3A : i32
    %add3A = arith.addi %mul3A_0, %arg0 : i32
    %eq3A = arith.constant 0 : i32
    %eq3A_1 = arith.cmpi eq, %arg0, %eq3A : i32
    %select_n3A = arith.constant 126 : i32
    %select_n3A_2 = arith.constant 84 : i32
    %select_n3A_3 = arith.select %eq3A_1, %select_n3A_2, %select_n3A : i32
    %mul3A_4 = arith.constant 624 : i32
    %mul3A_5 = arith.muli %arg1, %mul3A_4 : i32
    %mul3A_6 = arith.constant 624 : i32
    %mul3A_7 = arith.muli %arg1, %mul3A_6 : i32
    "tpu.region"() ({
      %run_scoped3A = tpu.sem_alloc : memref<!tpu.dma_semaphore, #tpu.memory_space<semaphore_mem>>
      %dma_start3A_281 = arith.constant 0 : i32
      %dma_start3A_282 = tpu.memref_slice %arg5[%mul3A_7, %dma_start3A_281] : memref<10016x128xf32, #tpu.memory_space<vmem_shared>> -> memref<624x128xf32, #tpu.memory_space<vmem_shared>>
      %dma_start3A_283 = arith.constant 0 : i32
      %dma_start3A_284 = tpu.memref_slice %arg2[%mul3A_5, %dma_start3A_283] : memref<10000x128xf32, #tpu.memory_space<hbm>> -> memref<624x128xf32, #tpu.memory_space<hbm>>
      tpu.enqueue_dma source(%dma_start3A_284 : memref<624x128xf32, #tpu.memory_space<hbm>>) target(%dma_start3A_282 : memref<624x128xf32, #tpu.memory_space<vmem_shared>>) target_semaphore(%run_scoped3A : memref<!tpu.dma_semaphore, #tpu.memory_space<semaphore_mem>>)
      %dma_wait3A = arith.constant 0 : i32
      %dma_wait3A_285 = tpu.memref_slice %arg5[%mul3A_7, %dma_wait3A] : memref<10016x128xf32, #tpu.memory_space<vmem_shared>> -> memref<624x128xf32, #tpu.memory_space<vmem_shared>>
      %dma_wait3A_286 = arith.constant 0 : i32
      %dma_wait3A_287 = tpu.memref_slice %arg2[%mul3A_5, %dma_wait3A_286] : memref<10000x128xf32, #tpu.memory_space<hbm>> -> memref<624x128xf32, #tpu.memory_space<hbm>>
      tpu.wait_dma2 semaphore(%run_scoped3A : memref<!tpu.dma_semaphore, #tpu.memory_space<semaphore_mem>>) src(%dma_wait3A_287 : memref<624x128xf32, #tpu.memory_space<hbm>>) dst(%dma_wait3A_285 : memref<624x128xf32, #tpu.memory_space<vmem_shared>>)
      tpu.yield
    }) : () -> ()
    %eq3A_8 = arith.constant 0 : i32
    %eq3A_9 = arith.cmpi eq, %arg1, %eq3A_8 : i32
    %convert_element_type3A = arith.extui %eq3A_9 : i1 to i32
    %cond3A = arith.constant 0 : i32
    %cond3A_10 = arith.cmpi ne, %convert_element_type3A, %cond3A : i32
    scf.if %cond3A_10 {
      "tpu.region"() ({
        %run_scoped3A = tpu.sem_alloc : memref<!tpu.dma_semaphore, #tpu.memory_space<semaphore_mem>>
        %dma_start3A_281 = arith.constant 9984 : i32
        %dma_start3A_282 = arith.constant 0 : i32
        %dma_start3A_283 = tpu.memref_slice %arg5[%dma_start3A_281, %dma_start3A_282] : memref<10016x128xf32, #tpu.memory_space<vmem_shared>> -> memref<16x128xf32, #tpu.memory_space<vmem_shared>>
        %dma_start3A_284 = arith.constant 9984 : i32
        %dma_start3A_285 = arith.constant 0 : i32
        %dma_start3A_286 = tpu.memref_slice %arg2[%dma_start3A_284, %dma_start3A_285] : memref<10000x128xf32, #tpu.memory_space<hbm>> -> memref<16x128xf32, #tpu.memory_space<hbm>>
        tpu.enqueue_dma source(%dma_start3A_286 : memref<16x128xf32, #tpu.memory_space<hbm>>) target(%dma_start3A_283 : memref<16x128xf32, #tpu.memory_space<vmem_shared>>) target_semaphore(%run_scoped3A : memref<!tpu.dma_semaphore, #tpu.memory_space<semaphore_mem>>)
        %dma_wait3A = arith.constant 9984 : i32
        %dma_wait3A_287 = arith.constant 0 : i32
        %dma_wait3A_288 = tpu.memref_slice %arg5[%dma_wait3A, %dma_wait3A_287] : memref<10016x128xf32, #tpu.memory_space<vmem_shared>> -> memref<16x128xf32, #tpu.memory_space<vmem_shared>>
        %dma_wait3A_289 = arith.constant 9984 : i32
        %dma_wait3A_290 = arith.constant 0 : i32
        %dma_wait3A_291 = tpu.memref_slice %arg2[%dma_wait3A_289, %dma_wait3A_290] : memref<10000x128xf32, #tpu.memory_space<hbm>> -> memref<16x128xf32, #tpu.memory_space<hbm>>
        tpu.wait_dma2 semaphore(%run_scoped3A : memref<!tpu.dma_semaphore, #tpu.memory_space<semaphore_mem>>) src(%dma_wait3A_291 : memref<16x128xf32, #tpu.memory_space<hbm>>) dst(%dma_wait3A_288 : memref<16x128xf32, #tpu.memory_space<vmem_shared>>)
        tpu.yield
      }) : () -> ()
    } else {
    }
    "tpu.region"() ({
      %run_scoped3A = tpu.sem_alloc : memref<!tpu.dma_semaphore, #tpu.memory_space<semaphore_mem>>
      %dma_start3A_281 = arith.constant 0 : i32
      %dma_start3A_282 = arith.constant 0 : i32
      %dma_start3A_283 = tpu.memref_slice %arg3[%add3A, %dma_start3A_281, %dma_start3A_282] : memref<32x126x96xi32, #tpu.memory_space<hbm>> -> memref<1x126x96xi32, #tpu.memory_space<hbm>>
      %dma_start3A_284 = tpu.memref_squeeze %dma_start3A_283 : memref<1x126x96xi32, #tpu.memory_space<hbm>> -> memref<126x96xi32, #tpu.memory_space<hbm>>
      %dma_start3A_285 = arith.constant 0 : i32
      %dma_start3A_286 = arith.constant 0 : i32
      %dma_start3A_287 = tpu.memref_slice %arg3[%add3A, %dma_start3A_285, %dma_start3A_286] : memref<32x126x96xi32, #tpu.memory_space<hbm>> -> memref<1x126x96xi32, #tpu.memory_space<hbm>>
      %dma_start3A_288 = tpu.memref_squeeze %dma_start3A_287 : memref<1x126x96xi32, #tpu.memory_space<hbm>> -> memref<126x96xi32, #tpu.memory_space<hbm>>
      tpu.enqueue_dma source(%dma_start3A_288 : memref<126x96xi32, #tpu.memory_space<hbm>>) target(%arg6 : memref<126x96xi32, #tpu.memory_space<vmem>>) target_semaphore(%run_scoped3A : memref<!tpu.dma_semaphore, #tpu.memory_space<semaphore_mem>>)
      %dma_wait3A = arith.constant 0 : i32
      %dma_wait3A_289 = arith.constant 0 : i32
      %dma_wait3A_290 = tpu.memref_slice %arg3[%add3A, %dma_wait3A, %dma_wait3A_289] : memref<32x126x96xi32, #tpu.memory_space<hbm>> -> memref<1x126x96xi32, #tpu.memory_space<hbm>>
      %dma_wait3A_291 = tpu.memref_squeeze %dma_wait3A_290 : memref<1x126x96xi32, #tpu.memory_space<hbm>> -> memref<126x96xi32, #tpu.memory_space<hbm>>
      %dma_wait3A_292 = arith.constant 0 : i32
      %dma_wait3A_293 = arith.constant 0 : i32
      %dma_wait3A_294 = tpu.memref_slice %arg3[%add3A, %dma_wait3A_292, %dma_wait3A_293] : memref<32x126x96xi32, #tpu.memory_space<hbm>> -> memref<1x126x96xi32, #tpu.memory_space<hbm>>
      %dma_wait3A_295 = tpu.memref_squeeze %dma_wait3A_294 : memref<1x126x96xi32, #tpu.memory_space<hbm>> -> memref<126x96xi32, #tpu.memory_space<hbm>>
      tpu.wait_dma2 semaphore(%run_scoped3A : memref<!tpu.dma_semaphore, #tpu.memory_space<semaphore_mem>>) src(%dma_wait3A_295 : memref<126x96xi32, #tpu.memory_space<hbm>>) dst(%arg6 : memref<126x96xi32, #tpu.memory_space<vmem>>)
      tpu.yield
    }) : () -> ()
    %get3A = arith.constant 0 : i32
    %get3A_11 = arith.index_cast %get3A : i32 to index
    %get3A_12 = arith.constant 0 : index
    %get3A_13 = tpu.vector_load %arg6[%get3A_11, %get3A_12] {strides = array<i32>} : memref<126x96xi32, #tpu.memory_space<vmem>>, vector<16xi32>,
    %and3A = arith.constant 16383 : i32
    %and3A_14 = vector.broadcast %and3A : i32 to vector<16xi32>
    %and3A_15 = arith.andi %get3A_13, %and3A_14 : vector<16xi32>
    %swap3A = arith.constant 0 : i32
    %swap3A_16 = arith.index_cast %swap3A : i32 to index
    %swap3A_17 = arith.constant 0 : index
    %swap3A_18 = tpu.vector_load %arg7[%swap3A_16, %swap3A_17] {strides = array<i32>} : memref<3x96xi32, #tpu.memory_space<vmem>>, vector<16xi32>,
    tpu.vector_store %arg7[%swap3A_16, %swap3A_17], %and3A_15 {strides = array<i32>} : memref<3x96xi32, #tpu.memory_space<vmem>>, vector<16xi32>,
    %shift_right_logical3A = arith.constant 14 : i32
    %shift_right_logical3A_19 = vector.broadcast %shift_right_logical3A : i32 to vector<16xi32>
    %shift_right_logical3A_20 = arith.shrui %get3A_13, %shift_right_logical3A_19 : vector<16xi32>
    %swap3A_21 = arith.constant 0 : i32
    %swap3A_22 = arith.index_cast %swap3A_21 : i32 to index
    %swap3A_23 = arith.constant 0 : index
    %swap3A_24 = tpu.vector_load %arg8[%swap3A_22, %swap3A_23] {strides = array<i32>} : memref<3x96xi32, #tpu.memory_space<vmem>>, vector<16xi32>,
    tpu.vector_store %arg8[%swap3A_22, %swap3A_23], %shift_right_logical3A_20 {strides = array<i32>} : memref<3x96xi32, #tpu.memory_space<vmem>>, vector<16xi32>,
    %get3A_25 = arith.constant 0 : i32
    %get3A_26 = arith.index_cast %get3A_25 : i32 to index
    %get3A_27 = arith.constant 16 : index
    %get3A_28 = tpu.vector_load %arg6[%get3A_26, %get3A_27] {strides = array<i32>} : memref<126x96xi32, #tpu.memory_space<vmem>>, vector<16xi32>,
    %and3A_29 = arith.constant 16383 : i32
    %and3A_30 = vector.broadcast %and3A_29 : i32 to vector<16xi32>
    %and3A_31 = arith.andi %get3A_28, %and3A_30 : vector<16xi32>
    %swap3A_32 = arith.constant 0 : i32
    %swap3A_33 = arith.index_cast %swap3A_32 : i32 to index
    %swap3A_34 = arith.constant 16 : index
    %swap3A_35 = tpu.vector_load %arg7[%swap3A_33, %swap3A_34] {strides = array<i32>} : memref<3x96xi32, #tpu.memory_space<vmem>>, vector<16xi32>,
    tpu.vector_store %arg7[%swap3A_33, %swap3A_34], %and3A_31 {strides = array<i32>} : memref<3x96xi32, #tpu.memory_space<vmem>>, vector<16xi32>,
    %shift_right_logical3A_36 = arith.constant 14 : i32
    %shift_right_logical3A_37 = vector.broadcast %shift_right_logical3A_36 : i32 to vector<16xi32>
    %shift_right_logical3A_38 = arith.shrui %get3A_28, %shift_right_logical3A_37 : vector<16xi32>
    %swap3A_39 = arith.constant 0 : i32
    %swap3A_40 = arith.index_cast %swap3A_39 : i32 to index
    %swap3A_41 = arith.constant 16 : index
    %swap3A_42 = tpu.vector_load %arg8[%swap3A_40, %swap3A_41] {strides = array<i32>} : memref<3x96xi32, #tpu.memory_space<vmem>>, vector<16xi32>,
    tpu.vector_store %arg8[%swap3A_40, %swap3A_41], %shift_right_logical3A_38 {strides = array<i32>} : memref<3x96xi32, #tpu.memory_space<vmem>>, vector<16xi32>,
    %get3A_43 = arith.constant 0 : i32
    %get3A_44 = arith.index_cast %get3A_43 : i32 to index
    %get3A_45 = arith.constant 32 : index
    %get3A_46 = tpu.vector_load %arg6[%get3A_44, %get3A_45] {strides = array<i32>} : memref<126x96xi32, #tpu.memory_space<vmem>>, vector<16xi32>,
    %and3A_47 = arith.constant 16383 : i32
    %and3A_48 = vector.broadcast %and3A_47 : i32 to vector<16xi32>
    %and3A_49 = arith.andi %get3A_46, %and3A_48 : vector<16xi32>
    %swap3A_50 = arith.constant 0 : i32
    %swap3A_51 = arith.index_cast %swap3A_50 : i32 to index
    %swap3A_52 = arith.constant 32 : index
    %swap3A_53 = tpu.vector_load %arg7[%swap3A_51, %swap3A_52] {strides = array<i32>} : memref<3x96xi32, #tpu.memory_space<vmem>>, vector<16xi32>,
    tpu.vector_store %arg7[%swap3A_51, %swap3A_52], %and3A_49 {strides = array<i32>} : memref<3x96xi32, #tpu.memory_space<vmem>>, vector<16xi32>,
    %shift_right_logical3A_54 = arith.constant 14 : i32
    %shift_right_logical3A_55 = vector.broadcast %shift_right_logical3A_54 : i32 to vector<16xi32>
    %shift_right_logical3A_56 = arith.shrui %get3A_46, %shift_right_logical3A_55 : vector<16xi32>
    %swap3A_57 = arith.constant 0 : i32
    %swap3A_58 = arith.index_cast %swap3A_57 : i32 to index
    %swap3A_59 = arith.constant 32 : index
    %swap3A_60 = tpu.vector_load %arg8[%swap3A_58, %swap3A_59] {strides = array<i32>} : memref<3x96xi32, #tpu.memory_space<vmem>>, vector<16xi32>,
    tpu.vector_store %arg8[%swap3A_58, %swap3A_59], %shift_right_logical3A_56 {strides = array<i32>} : memref<3x96xi32, #tpu.memory_space<vmem>>, vector<16xi32>,
    %get3A_61 = arith.constant 0 : i32
    %get3A_62 = arith.index_cast %get3A_61 : i32 to index
    %get3A_63 = arith.constant 48 : index
    %get3A_64 = tpu.vector_load %arg6[%get3A_62, %get3A_63] {strides = array<i32>} : memref<126x96xi32, #tpu.memory_space<vmem>>, vector<16xi32>,
    %and3A_65 = arith.constant 16383 : i32
    %and3A_66 = vector.broadcast %and3A_65 : i32 to vector<16xi32>
    %and3A_67 = arith.andi %get3A_64, %and3A_66 : vector<16xi32>
    %swap3A_68 = arith.constant 0 : i32
    %swap3A_69 = arith.index_cast %swap3A_68 : i32 to index
    %swap3A_70 = arith.constant 48 : index
    %swap3A_71 = tpu.vector_load %arg7[%swap3A_69, %swap3A_70] {strides = array<i32>} : memref<3x96xi32, #tpu.memory_space<vmem>>, vector<16xi32>,
    tpu.vector_store %arg7[%swap3A_69, %swap3A_70], %and3A_67 {strides = array<i32>} : memref<3x96xi32, #tpu.memory_space<vmem>>, vector<16xi32>,
    %shift_right_logical3A_72 = arith.constant 14 : i32
    %shift_right_logical3A_73 = vector.broadcast %shift_right_logical3A_72 : i32 to vector<16xi32>
    %shift_right_logical3A_74 = arith.shrui %get3A_64, %shift_right_logical3A_73 : vector<16xi32>
    %swap3A_75 = arith.constant 0 : i32
    %swap3A_76 = arith.index_cast %swap3A_75 : i32 to index
    %swap3A_77 = arith.constant 48 : index
    %swap3A_78 = tpu.vector_load %arg8[%swap3A_76, %swap3A_77] {strides = array<i32>} : memref<3x96xi32, #tpu.memory_space<vmem>>, vector<16xi32>,
    tpu.vector_store %arg8[%swap3A_76, %swap3A_77], %shift_right_logical3A_74 {strides = array<i32>} : memref<3x96xi32, #tpu.memory_space<vmem>>, vector<16xi32>,
    %get3A_79 = arith.constant 0 : i32
    %get3A_80 = arith.index_cast %get3A_79 : i32 to index
    %get3A_81 = arith.constant 64 : index
    %get3A_82 = tpu.vector_load %arg6[%get3A_80, %get3A_81] {strides = array<i32>} : memref<126x96xi32, #tpu.memory_space<vmem>>, vector<16xi32>,
    %and3A_83 = arith.constant 16383 : i32
    %and3A_84 = vector.broadcast %and3A_83 : i32 to vector<16xi32>
    %and3A_85 = arith.andi %get3A_82, %and3A_84 : vector<16xi32>
    %swap3A_86 = arith.constant 0 : i32
    %swap3A_87 = arith.index_cast %swap3A_86 : i32 to index
    %swap3A_88 = arith.constant 64 : index
    %swap3A_89 = tpu.vector_load %arg7[%swap3A_87, %swap3A_88] {strides = array<i32>} : memref<3x96xi32, #tpu.memory_space<vmem>>, vector<16xi32>,
    tpu.vector_store %arg7[%swap3A_87, %swap3A_88], %and3A_85 {strides = array<i32>} : memref<3x96xi32, #tpu.memory_space<vmem>>, vector<16xi32>,
    %shift_right_logical3A_90 = arith.constant 14 : i32
    %shift_right_logical3A_91 = vector.broadcast %shift_right_logical3A_90 : i32 to vector<16xi32>
    %shift_right_logical3A_92 = arith.shrui %get3A_82, %shift_right_logical3A_91 : vector<16xi32>
    %swap3A_93 = arith.constant 0 : i32
    %swap3A_94 = arith.index_cast %swap3A_93 : i32 to index
    %swap3A_95 = arith.constant 64 : index
    %swap3A_96 = tpu.vector_load %arg8[%swap3A_94, %swap3A_95] {strides = array<i32>} : memref<3x96xi32, #tpu.memory_space<vmem>>, vector<16xi32>,
    tpu.vector_store %arg8[%swap3A_94, %swap3A_95], %shift_right_logical3A_92 {strides = array<i32>} : memref<3x96xi32, #tpu.memory_space<vmem>>, vector<16xi32>,
    %get3A_97 = arith.constant 0 : i32
    %get3A_98 = arith.index_cast %get3A_97 : i32 to index
    %get3A_99 = arith.constant 80 : index
    %get3A_100 = tpu.vector_load %arg6[%get3A_98, %get3A_99] {strides = array<i32>} : memref<126x96xi32, #tpu.memory_space<vmem>>, vector<16xi32>,
    %and3A_101 = arith.constant 16383 : i32
    %and3A_102 = vector.broadcast %and3A_101 : i32 to vector<16xi32>
    %and3A_103 = arith.andi %get3A_100, %and3A_102 : vector<16xi32>
    %swap3A_104 = arith.constant 0 : i32
    %swap3A_105 = arith.index_cast %swap3A_104 : i32 to index
    %swap3A_106 = arith.constant 80 : index
    %swap3A_107 = tpu.vector_load %arg7[%swap3A_105, %swap3A_106] {strides = array<i32>} : memref<3x96xi32, #tpu.memory_space<vmem>>, vector<16xi32>,
    tpu.vector_store %arg7[%swap3A_105, %swap3A_106], %and3A_103 {strides = array<i32>} : memref<3x96xi32, #tpu.memory_space<vmem>>, vector<16xi32>,
    %shift_right_logical3A_108 = arith.constant 14 : i32
    %shift_right_logical3A_109 = vector.broadcast %shift_right_logical3A_108 : i32 to vector<16xi32>
    %shift_right_logical3A_110 = arith.shrui %get3A_100, %shift_right_logical3A_109 : vector<16xi32>
    %swap3A_111 = arith.constant 0 : i32
    %swap3A_112 = arith.index_cast %swap3A_111 : i32 to index
    %swap3A_113 = arith.constant 80 : index
    %swap3A_114 = tpu.vector_load %arg8[%swap3A_112, %swap3A_113] {strides = array<i32>} : memref<3x96xi32, #tpu.memory_space<vmem>>, vector<16xi32>,
    tpu.vector_store %arg8[%swap3A_112, %swap3A_113], %shift_right_logical3A_110 {strides = array<i32>} : memref<3x96xi32, #tpu.memory_space<vmem>>, vector<16xi32>,
    %dma_start3A = arith.constant 0 : i32
    %dma_start3A_115 = arith.constant 0 : i32
    %dma_start3A_116 = arith.constant 0 : i32
    %dma_start3A_117 = tpu.memref_slice %arg7[%dma_start3A, %dma_start3A_116] : memref<3x96xi32, #tpu.memory_space<vmem>> -> memref<1x96xi32, #tpu.memory_space<vmem>>
    %dma_start3A_118 = tpu.memref_squeeze %dma_start3A_117 : memref<1x96xi32, #tpu.memory_space<vmem>> -> memref<96xi32, #tpu.memory_space<vmem>>
    %dma_start3A_119 = arith.constant 0 : i32
    %dma_start3A_120 = arith.constant 0 : i32
    %dma_start3A_121 = tpu.memref_slice %arg2[%dma_start3A_119, %dma_start3A_120] : memref<10000x128xf32, #tpu.memory_space<hbm>> -> memref<10000x128xf32, #tpu.memory_space<hbm>>
    %dma_start3A_122 = tpu.memref_slice %arg12[%dma_start3A_115] : memref<3x!tpu.dma_semaphore, #tpu.memory_space<semaphore_mem>> -> memref<1x!tpu.dma_semaphore, #tpu.memory_space<semaphore_mem>>
    %dma_start3A_123 = tpu.memref_squeeze %dma_start3A_122 : memref<1x!tpu.dma_semaphore, #tpu.memory_space<semaphore_mem>> -> memref<!tpu.dma_semaphore, #tpu.memory_space<semaphore_mem>>
    tpu.enqueue_indirect_dma source(%dma_start3A_121 : memref<10000x128xf32, #tpu.memory_space<hbm>>) target(%arg9 : memref<96x128xf32, #tpu.memory_space<vmem>>) offsets(%dma_start3A_118 : memref<96xi32, #tpu.memory_space<vmem>>) semaphore(%dma_start3A_123 : memref<!tpu.dma_semaphore, #tpu.memory_space<semaphore_mem>>)
    %get3A_124 = arith.constant 1 : i32
    %get3A_125 = arith.index_cast %get3A_124 : i32 to index
    %get3A_126 = arith.constant 0 : index
    %get3A_127 = tpu.vector_load %arg6[%get3A_125, %get3A_126] {strides = array<i32>} : memref<126x96xi32, #tpu.memory_space<vmem>>, vector<16xi32>,
    %and3A_128 = arith.constant 16383 : i32
    %and3A_129 = vector.broadcast %and3A_128 : i32 to vector<16xi32>
    %and3A_130 = arith.andi %get3A_127, %and3A_129 : vector<16xi32>
    %swap3A_131 = arith.constant 1 : i32
    %swap3A_132 = arith.index_cast %swap3A_131 : i32 to index
    %swap3A_133 = arith.constant 0 : index
    %swap3A_134 = tpu.vector_load %arg7[%swap3A_132, %swap3A_133] {strides = array<i32>} : memref<3x96xi32, #tpu.memory_space<vmem>>, vector<16xi32>,
    tpu.vector_store %arg7[%swap3A_132, %swap3A_133], %and3A_130 {strides = array<i32>} : memref<3x96xi32, #tpu.memory_space<vmem>>, vector<16xi32>,
    %shift_right_logical3A_135 = arith.constant 14 : i32
    %shift_right_logical3A_136 = vector.broadcast %shift_right_logical3A_135 : i32 to vector<16xi32>
    %shift_right_logical3A_137 = arith.shrui %get3A_127, %shift_right_logical3A_136 : vector<16xi32>
    %swap3A_138 = arith.constant 1 : i32
    %swap3A_139 = arith.index_cast %swap3A_138 : i32 to index
    %swap3A_140 = arith.constant 0 : index
    %swap3A_141 = tpu.vector_load %arg8[%swap3A_139, %swap3A_140] {strides = array<i32>} : memref<3x96xi32, #tpu.memory_space<vmem>>, vector<16xi32>,
    tpu.vector_store %arg8[%swap3A_139, %swap3A_140], %shift_right_logical3A_137 {strides = array<i32>} : memref<3x96xi32, #tpu.memory_space<vmem>>, vector<16xi32>,
    %get3A_142 = arith.constant 1 : i32
    %get3A_143 = arith.index_cast %get3A_142 : i32 to index
    %get3A_144 = arith.constant 16 : index
    %get3A_145 = tpu.vector_load %arg6[%get3A_143, %get3A_144] {strides = array<i32>} : memref<126x96xi32, #tpu.memory_space<vmem>>, vector<16xi32>,
    %and3A_146 = arith.constant 16383 : i32
    %and3A_147 = vector.broadcast %and3A_146 : i32 to vector<16xi32>
    %and3A_148 = arith.andi %get3A_145, %and3A_147 : vector<16xi32>
    %swap3A_149 = arith.constant 1 : i32
    %swap3A_150 = arith.index_cast %swap3A_149 : i32 to index
    %swap3A_151 = arith.constant 16 : index
    %swap3A_152 = tpu.vector_load %arg7[%swap3A_150, %swap3A_151] {strides = array<i32>} : memref<3x96xi32, #tpu.memory_space<vmem>>, vector<16xi32>,
    tpu.vector_store %arg7[%swap3A_150, %swap3A_151], %and3A_148 {strides = array<i32>} : memref<3x96xi32, #tpu.memory_space<vmem>>, vector<16xi32>,
    %shift_right_logical3A_153 = arith.constant 14 : i32
    %shift_right_logical3A_154 = vector.broadcast %shift_right_logical3A_153 : i32 to vector<16xi32>
    %shift_right_logical3A_155 = arith.shrui %get3A_145, %shift_right_logical3A_154 : vector<16xi32>
    %swap3A_156 = arith.constant 1 : i32
    %swap3A_157 = arith.index_cast %swap3A_156 : i32 to index
    %swap3A_158 = arith.constant 16 : index
    %swap3A_159 = tpu.vector_load %arg8[%swap3A_157, %swap3A_158] {strides = array<i32>} : memref<3x96xi32, #tpu.memory_space<vmem>>, vector<16xi32>,
    tpu.vector_store %arg8[%swap3A_157, %swap3A_158], %shift_right_logical3A_155 {strides = array<i32>} : memref<3x96xi32, #tpu.memory_space<vmem>>, vector<16xi32>,
    %get3A_160 = arith.constant 1 : i32
    %get3A_161 = arith.index_cast %get3A_160 : i32 to index
    %get3A_162 = arith.constant 32 : index
    %get3A_163 = tpu.vector_load %arg6[%get3A_161, %get3A_162] {strides = array<i32>} : memref<126x96xi32, #tpu.memory_space<vmem>>, vector<16xi32>,
    %and3A_164 = arith.constant 16383 : i32
    %and3A_165 = vector.broadcast %and3A_164 : i32 to vector<16xi32>
    %and3A_166 = arith.andi %get3A_163, %and3A_165 : vector<16xi32>
    %swap3A_167 = arith.constant 1 : i32
    %swap3A_168 = arith.index_cast %swap3A_167 : i32 to index
    %swap3A_169 = arith.constant 32 : index
    %swap3A_170 = tpu.vector_load %arg7[%swap3A_168, %swap3A_169] {strides = array<i32>} : memref<3x96xi32, #tpu.memory_space<vmem>>, vector<16xi32>,
    tpu.vector_store %arg7[%swap3A_168, %swap3A_169], %and3A_166 {strides = array<i32>} : memref<3x96xi32, #tpu.memory_space<vmem>>, vector<16xi32>,
    %shift_right_logical3A_171 = arith.constant 14 : i32
    %shift_right_logical3A_172 = vector.broadcast %shift_right_logical3A_171 : i32 to vector<16xi32>
    %shift_right_logical3A_173 = arith.shrui %get3A_163, %shift_right_logical3A_172 : vector<16xi32>
    %swap3A_174 = arith.constant 1 : i32
    %swap3A_175 = arith.index_cast %swap3A_174 : i32 to index
    %swap3A_176 = arith.constant 32 : index
    %swap3A_177 = tpu.vector_load %arg8[%swap3A_175, %swap3A_176] {strides = array<i32>} : memref<3x96xi32, #tpu.memory_space<vmem>>, vector<16xi32>,
    tpu.vector_store %arg8[%swap3A_175, %swap3A_176], %shift_right_logical3A_173 {strides = array<i32>} : memref<3x96xi32, #tpu.memory_space<vmem>>, vector<16xi32>,
    %get3A_178 = arith.constant 1 : i32
    %get3A_179 = arith.index_cast %get3A_178 : i32 to index
    %get3A_180 = arith.constant 48 : index
    %get3A_181 = tpu.vector_load %arg6[%get3A_179, %get3A_180] {strides = array<i32>} : memref<126x96xi32, #tpu.memory_space<vmem>>, vector<16xi32>,
    %and3A_182 = arith.constant 16383 : i32
    %and3A_183 = vector.broadcast %and3A_182 : i32 to vector<16xi32>
    %and3A_184 = arith.andi %get3A_181, %and3A_183 : vector<16xi32>
    %swap3A_185 = arith.constant 1 : i32
    %swap3A_186 = arith.index_cast %swap3A_185 : i32 to index
    %swap3A_187 = arith.constant 48 : index
    %swap3A_188 = tpu.vector_load %arg7[%swap3A_186, %swap3A_187] {strides = array<i32>} : memref<3x96xi32, #tpu.memory_space<vmem>>, vector<16xi32>,
    tpu.vector_store %arg7[%swap3A_186, %swap3A_187], %and3A_184 {strides = array<i32>} : memref<3x96xi32, #tpu.memory_space<vmem>>, vector<16xi32>,
    %shift_right_logical3A_189 = arith.constant 14 : i32
    %shift_right_logical3A_190 = vector.broadcast %shift_right_logical3A_189 : i32 to vector<16xi32>
    %shift_right_logical3A_191 = arith.shrui %get3A_181, %shift_right_logical3A_190 : vector<16xi32>
    %swap3A_192 = arith.constant 1 : i32
    %swap3A_193 = arith.index_cast %swap3A_192 : i32 to index
    %swap3A_194 = arith.constant 48 : index
    %swap3A_195 = tpu.vector_load %arg8[%swap3A_193, %swap3A_194] {strides = array<i32>} : memref<3x96xi32, #tpu.memory_space<vmem>>, vector<16xi32>,
    tpu.vector_store %arg8[%swap3A_193, %swap3A_194], %shift_right_logical3A_191 {strides = array<i32>} : memref<3x96xi32, #tpu.memory_space<vmem>>, vector<16xi32>,
    %get3A_196 = arith.constant 1 : i32
    %get3A_197 = arith.index_cast %get3A_196 : i32 to index
    %get3A_198 = arith.constant 64 : index
    %get3A_199 = tpu.vector_load %arg6[%get3A_197, %get3A_198] {strides = array<i32>} : memref<126x96xi32, #tpu.memory_space<vmem>>, vector<16xi32>,
    %and3A_200 = arith.constant 16383 : i32
    %and3A_201 = vector.broadcast %and3A_200 : i32 to vector<16xi32>
    %and3A_202 = arith.andi %get3A_199, %and3A_201 : vector<16xi32>
    %swap3A_203 = arith.constant 1 : i32
    %swap3A_204 = arith.index_cast %swap3A_203 : i32 to index
    %swap3A_205 = arith.constant 64 : index
    %swap3A_206 = tpu.vector_load %arg7[%swap3A_204, %swap3A_205] {strides = array<i32>} : memref<3x96xi32, #tpu.memory_space<vmem>>, vector<16xi32>,
    tpu.vector_store %arg7[%swap3A_204, %swap3A_205], %and3A_202 {strides = array<i32>} : memref<3x96xi32, #tpu.memory_space<vmem>>, vector<16xi32>,
    %shift_right_logical3A_207 = arith.constant 14 : i32
    %shift_right_logical3A_208 = vector.broadcast %shift_right_logical3A_207 : i32 to vector<16xi32>
    %shift_right_logical3A_209 = arith.shrui %get3A_199, %shift_right_logical3A_208 : vector<16xi32>
    %swap3A_210 = arith.constant 1 : i32
    %swap3A_211 = arith.index_cast %swap3A_210 : i32 to index
    %swap3A_212 = arith.constant 64 : index
    %swap3A_213 = tpu.vector_load %arg8[%swap3A_211, %swap3A_212] {strides = array<i32>} : memref<3x96xi32, #tpu.memory_space<vmem>>, vector<16xi32>,
    tpu.vector_store %arg8[%swap3A_211, %swap3A_212], %shift_right_logical3A_209 {strides = array<i32>} : memref<3x96xi32, #tpu.memory_space<vmem>>, vector<16xi32>,
    %get3A_214 = arith.constant 1 : i32
    %get3A_215 = arith.index_cast %get3A_214 : i32 to index
    %get3A_216 = arith.constant 80 : index
    %get3A_217 = tpu.vector_load %arg6[%get3A_215, %get3A_216] {strides = array<i32>} : memref<126x96xi32, #tpu.memory_space<vmem>>, vector<16xi32>,
    %and3A_218 = arith.constant 16383 : i32
    %and3A_219 = vector.broadcast %and3A_218 : i32 to vector<16xi32>
    %and3A_220 = arith.andi %get3A_217, %and3A_219 : vector<16xi32>
    %swap3A_221 = arith.constant 1 : i32
    %swap3A_222 = arith.index_cast %swap3A_221 : i32 to index
    %swap3A_223 = arith.constant 80 : index
    %swap3A_224 = tpu.vector_load %arg7[%swap3A_222, %swap3A_223] {strides = array<i32>} : memref<3x96xi32, #tpu.memory_space<vmem>>, vector<16xi32>,
    tpu.vector_store %arg7[%swap3A_222, %swap3A_223], %and3A_220 {strides = array<i32>} : memref<3x96xi32, #tpu.memory_space<vmem>>, vector<16xi32>,
    %shift_right_logical3A_225 = arith.constant 14 : i32
    %shift_right_logical3A_226 = vector.broadcast %shift_right_logical3A_225 : i32 to vector<16xi32>
    %shift_right_logical3A_227 = arith.shrui %get3A_217, %shift_right_logical3A_226 : vector<16xi32>
    %swap3A_228 = arith.constant 1 : i32
    %swap3A_229 = arith.index_cast %swap3A_228 : i32 to index
    %swap3A_230 = arith.constant 80 : index
    %swap3A_231 = tpu.vector_load %arg8[%swap3A_229, %swap3A_230] {strides = array<i32>} : memref<3x96xi32, #tpu.memory_space<vmem>>, vector<16xi32>,
    tpu.vector_store %arg8[%swap3A_229, %swap3A_230], %shift_right_logical3A_227 {strides = array<i32>} : memref<3x96xi32, #tpu.memory_space<vmem>>, vector<16xi32>,
    %dma_start3A_232 = arith.constant 1 : i32
    %dma_start3A_233 = arith.constant 1 : i32
    %dma_start3A_234 = arith.constant 0 : i32
    %dma_start3A_235 = tpu.memref_slice %arg7[%dma_start3A_232, %dma_start3A_234] : memref<3x96xi32, #tpu.memory_space<vmem>> -> memref<1x96xi32, #tpu.memory_space<vmem>>
    %dma_start3A_236 = tpu.memref_squeeze %dma_start3A_235 : memref<1x96xi32, #tpu.memory_space<vmem>> -> memref<96xi32, #tpu.memory_space<vmem>>
    %dma_start3A_237 = arith.constant 0 : i32
    %dma_start3A_238 = arith.constant 0 : i32
    %dma_start3A_239 = tpu.memref_slice %arg2[%dma_start3A_237, %dma_start3A_238] : memref<10000x128xf32, #tpu.memory_space<hbm>> -> memref<10000x128xf32, #tpu.memory_space<hbm>>
    %dma_start3A_240 = tpu.memref_slice %arg12[%dma_start3A_233] : memref<3x!tpu.dma_semaphore, #tpu.memory_space<semaphore_mem>> -> memref<1x!tpu.dma_semaphore, #tpu.memory_space<semaphore_mem>>
    %dma_start3A_241 = tpu.memref_squeeze %dma_start3A_240 : memref<1x!tpu.dma_semaphore, #tpu.memory_space<semaphore_mem>> -> memref<!tpu.dma_semaphore, #tpu.memory_space<semaphore_mem>>
    tpu.enqueue_indirect_dma source(%dma_start3A_239 : memref<10000x128xf32, #tpu.memory_space<hbm>>) target(%arg10 : memref<96x128xf32, #tpu.memory_space<vmem>>) offsets(%dma_start3A_236 : memref<96xi32, #tpu.memory_space<vmem>>) semaphore(%dma_start3A_241 : memref<!tpu.dma_semaphore, #tpu.memory_space<semaphore_mem>>)
    %barrier3A = arith.constant 0 : index
    tpu.barrier barrier_id(%barrier3A)
    %jit3A = arith.constant 3 : i32
    %div3A = arith.divsi %select_n3A_3, %jit3A : i32
    %sign3A = arith.constant 0 : i32
    %sign3A_242 = arith.cmpi sgt, %select_n3A_3, %sign3A : i32
    %sign3A_243 = arith.extui %sign3A_242 : i1 to i32
    %sign3A_244 = arith.constant 0 : i32
    %sign3A_245 = arith.cmpi slt, %select_n3A_3, %sign3A_244 : i32
    %sign3A_246 = arith.extui %sign3A_245 : i1 to i32
    %sign3A_247 = arith.subi %sign3A_243, %sign3A_246 : i32
    %sign3A_248 = arith.constant 0 : i32
    %sign3A_249 = arith.cmpi sgt, %jit3A, %sign3A_248 : i32
    %sign3A_250 = arith.extui %sign3A_249 : i1 to i32
    %sign3A_251 = arith.constant 0 : i32
    %sign3A_252 = arith.cmpi slt, %jit3A, %sign3A_251 : i32
    %sign3A_253 = arith.extui %sign3A_252 : i1 to i32
    %sign3A_254 = arith.subi %sign3A_250, %sign3A_253 : i32
    %ne3A = arith.cmpi ne, %sign3A_247, %sign3A_254 : i32
    %rem3A = arith.remsi %select_n3A_3, %jit3A : i32
    %ne3A_255 = arith.constant 0 : i32
    %ne3A_256 = arith.cmpi ne, %rem3A, %ne3A_255 : i32
    %and3A_257 = arith.andi %ne3A, %ne3A_256 : i1
    %sub3A = arith.constant 1 : i32
    %sub3A_258 = arith.subi %div3A, %sub3A : i32
    %select_n3A_259 = arith.select %and3A_257, %sub3A_258, %div3A : i32
    %while3A = arith.constant 0 : i32
    %while3A_260 = arith.constant 0 : i32
    %while3A_261 = arith.subi %select_n3A_259, %while3A : i32
    %while3A_262 = arith.addi %while3A, %while3A_261 : i32
    %while3A_263 = arith.constant 1 : i32
    %while3A_264 = arith.divsi %while3A_261, %while3A_263 : i32
    %while3A_265 = arith.muli %while3A_264, %while3A_263 : i32
    %while3A_266 = arith.addi %while3A, %while3A_265 : i32
    %while3A_267 = arith.constant 1 : i32
    %while3A_268 = scf.for %while3A_281 = %while3A to %while3A_266 step %while3A_267 iter_args(%while3A_282 = %while3A_260) -> (i32)  : i32 {
      %mul3A_283 = arith.constant 3 : i32
      %mul3A_284 = arith.muli %while3A_281, %mul3A_283 : i32
      %add3A_285 = arith.constant 0 : i32
      %add3A_286 = arith.addi %mul3A_284, %add3A_285 : i32
      %add3A_287 = arith.constant 3 : i32
      %add3A_288 = arith.addi %add3A_286, %add3A_287 : i32
      %sub3A_289 = arith.constant 1 : i32
      %sub3A_290 = arith.subi %add3A_288, %sub3A_289 : i32
      %lt3A = arith.cmpi slt, %sub3A_290, %select_n3A_3 : i32
      %convert_element_type3A_291 = arith.extui %lt3A : i1 to i32
      %cond3A_292 = arith.constant 0 : i32
      %cond3A_293 = arith.cmpi ne, %convert_element_type3A_291, %cond3A_292 : i32
      scf.if %cond3A_293 {
        %add3A_350 = arith.constant 3 : i32
        %add3A_351 = arith.addi %add3A_286, %add3A_350 : i32
        %sub3A_352 = arith.constant 1 : i32
        %sub3A_353 = arith.subi %add3A_351, %sub3A_352 : i32
        %get3A_354 = arith.index_cast %sub3A_353 : i32 to index
        %get3A_355 = arith.constant 0 : index
        %get3A_356 = tpu.vector_load %arg6[%get3A_354, %get3A_355] {strides = array<i32>} : memref<126x96xi32, #tpu.memory_space<vmem>>, vector<16xi32>,
        %and3A_357 = arith.constant 16383 : i32
        %and3A_358 = vector.broadcast %and3A_357 : i32 to vector<16xi32>
        %and3A_359 = arith.andi %get3A_356, %and3A_358 : vector<16xi32>
        %swap3A_360 = arith.constant 2 : i32
        %swap3A_361 = arith.index_cast %swap3A_360 : i32 to index
        %swap3A_362 = arith.constant 0 : index
        %swap3A_363 = tpu.vector_load %arg7[%swap3A_361, %swap3A_362] {strides = array<i32>} : memref<3x96xi32, #tpu.memory_space<vmem>>, vector<16xi32>,
        tpu.vector_store %arg7[%swap3A_361, %swap3A_362], %and3A_359 {strides = array<i32>} : memref<3x96xi32, #tpu.memory_space<vmem>>, vector<16xi32>,
        %shift_right_logical3A_364 = arith.constant 14 : i32
        %shift_right_logical3A_365 = vector.broadcast %shift_right_logical3A_364 : i32 to vector<16xi32>
        %shift_right_logical3A_366 = arith.shrui %get3A_356, %shift_right_logical3A_365 : vector<16xi32>
        %swap3A_367 = arith.constant 2 : i32
        %swap3A_368 = arith.index_cast %swap3A_367 : i32 to index
        %swap3A_369 = arith.constant 0 : index
        %swap3A_370 = tpu.vector_load %arg8[%swap3A_368, %swap3A_369] {strides = array<i32>} : memref<3x96xi32, #tpu.memory_space<vmem>>, vector<16xi32>,
        tpu.vector_store %arg8[%swap3A_368, %swap3A_369], %shift_right_logical3A_366 {strides = array<i32>} : memref<3x96xi32, #tpu.memory_space<vmem>>, vector<16xi32>,
        %get3A_371 = arith.index_cast %sub3A_353 : i32 to index
        %get3A_372 = arith.constant 16 : index
        %get3A_373 = tpu.vector_load %arg6[%get3A_371, %get3A_372] {strides = array<i32>} : memref<126x96xi32, #tpu.memory_space<vmem>>, vector<16xi32>,
        %and3A_374 = arith.constant 16383 : i32
        %and3A_375 = vector.broadcast %and3A_374 : i32 to vector<16xi32>
        %and3A_376 = arith.andi %get3A_373, %and3A_375 : vector<16xi32>
        %swap3A_377 = arith.constant 2 : i32
        %swap3A_378 = arith.index_cast %swap3A_377 : i32 to index
        %swap3A_379 = arith.constant 16 : index
        %swap3A_380 = tpu.vector_load %arg7[%swap3A_378, %swap3A_379] {strides = array<i32>} : memref<3x96xi32, #tpu.memory_space<vmem>>, vector<16xi32>,
        tpu.vector_store %arg7[%swap3A_378, %swap3A_379], %and3A_376 {strides = array<i32>} : memref<3x96xi32, #tpu.memory_space<vmem>>, vector<16xi32>,
        %shift_right_logical3A_381 = arith.constant 14 : i32
        %shift_right_logical3A_382 = vector.broadcast %shift_right_logical3A_381 : i32 to vector<16xi32>
        %shift_right_logical3A_383 = arith.shrui %get3A_373, %shift_right_logical3A_382 : vector<16xi32>
        %swap3A_384 = arith.constant 2 : i32
        %swap3A_385 = arith.index_cast %swap3A_384 : i32 to index
        %swap3A_386 = arith.constant 16 : index
        %swap3A_387 = tpu.vector_load %arg8[%swap3A_385, %swap3A_386] {strides = array<i32>} : memref<3x96xi32, #tpu.memory_space<vmem>>, vector<16xi32>,
        tpu.vector_store %arg8[%swap3A_385, %swap3A_386], %shift_right_logical3A_383 {strides = array<i32>} : memref<3x96xi32, #tpu.memory_space<vmem>>, vector<16xi32>,
        %get3A_388 = arith.index_cast %sub3A_353 : i32 to index
        %get3A_389 = arith.constant 32 : index
        %get3A_390 = tpu.vector_load %arg6[%get3A_388, %get3A_389] {strides = array<i32>} : memref<126x96xi32, #tpu.memory_space<vmem>>, vector<16xi32>,
        %and3A_391 = arith.constant 16383 : i32
        %and3A_392 = vector.broadcast %and3A_391 : i32 to vector<16xi32>
        %and3A_393 = arith.andi %get3A_390, %and3A_392 : vector<16xi32>
        %swap3A_394 = arith.constant 2 : i32
        %swap3A_395 = arith.index_cast %swap3A_394 : i32 to index
        %swap3A_396 = arith.constant 32 : index
        %swap3A_397 = tpu.vector_load %arg7[%swap3A_395, %swap3A_396] {strides = array<i32>} : memref<3x96xi32, #tpu.memory_space<vmem>>, vector<16xi32>,
        tpu.vector_store %arg7[%swap3A_395, %swap3A_396], %and3A_393 {strides = array<i32>} : memref<3x96xi32, #tpu.memory_space<vmem>>, vector<16xi32>,
        %shift_right_logical3A_398 = arith.constant 14 : i32
        %shift_right_logical3A_399 = vector.broadcast %shift_right_logical3A_398 : i32 to vector<16xi32>
        %shift_right_logical3A_400 = arith.shrui %get3A_390, %shift_right_logical3A_399 : vector<16xi32>
        %swap3A_401 = arith.constant 2 : i32
        %swap3A_402 = arith.index_cast %swap3A_401 : i32 to index
        %swap3A_403 = arith.constant 32 : index
        %swap3A_404 = tpu.vector_load %arg8[%swap3A_402, %swap3A_403] {strides = array<i32>} : memref<3x96xi32, #tpu.memory_space<vmem>>, vector<16xi32>,
        tpu.vector_store %arg8[%swap3A_402, %swap3A_403], %shift_right_logical3A_400 {strides = array<i32>} : memref<3x96xi32, #tpu.memory_space<vmem>>, vector<16xi32>,
        %get3A_405 = arith.index_cast %sub3A_353 : i32 to index
        %get3A_406 = arith.constant 48 : index
        %get3A_407 = tpu.vector_load %arg6[%get3A_405, %get3A_406] {strides = array<i32>} : memref<126x96xi32, #tpu.memory_space<vmem>>, vector<16xi32>,
        %and3A_408 = arith.constant 16383 : i32
        %and3A_409 = vector.broadcast %and3A_408 : i32 to vector<16xi32>
        %and3A_410 = arith.andi %get3A_407, %and3A_409 : vector<16xi32>
        %swap3A_411 = arith.constant 2 : i32
        %swap3A_412 = arith.index_cast %swap3A_411 : i32 to index
        %swap3A_413 = arith.constant 48 : index
        %swap3A_414 = tpu.vector_load %arg7[%swap3A_412, %swap3A_413] {strides = array<i32>} : memref<3x96xi32, #tpu.memory_space<vmem>>, vector<16xi32>,
        tpu.vector_store %arg7[%swap3A_412, %swap3A_413], %and3A_410 {strides = array<i32>} : memref<3x96xi32, #tpu.memory_space<vmem>>, vector<16xi32>,
        %shift_right_logical3A_415 = arith.constant 14 : i32
        %shift_right_logical3A_416 = vector.broadcast %shift_right_logical3A_415 : i32 to vector<16xi32>
        %shift_right_logical3A_417 = arith.shrui %get3A_407, %shift_right_logical3A_416 : vector<16xi32>
        %swap3A_418 = arith.constant 2 : i32
        %swap3A_419 = arith.index_cast %swap3A_418 : i32 to index
        %swap3A_420 = arith.constant 48 : index
        %swap3A_421 = tpu.vector_load %arg8[%swap3A_419, %swap3A_420] {strides = array<i32>} : memref<3x96xi32, #tpu.memory_space<vmem>>, vector<16xi32>,
        tpu.vector_store %arg8[%swap3A_419, %swap3A_420], %shift_right_logical3A_417 {strides = array<i32>} : memref<3x96xi32, #tpu.memory_space<vmem>>, vector<16xi32>,
        %get3A_422 = arith.index_cast %sub3A_353 : i32 to index
        %get3A_423 = arith.constant 64 : index
        %get3A_424 = tpu.vector_load %arg6[%get3A_422, %get3A_423] {strides = array<i32>} : memref<126x96xi32, #tpu.memory_space<vmem>>, vector<16xi32>,
        %and3A_425 = arith.constant 16383 : i32
        %and3A_426 = vector.broadcast %and3A_425 : i32 to vector<16xi32>
        %and3A_427 = arith.andi %get3A_424, %and3A_426 : vector<16xi32>
        %swap3A_428 = arith.constant 2 : i32
        %swap3A_429 = arith.index_cast %swap3A_428 : i32 to index
        %swap3A_430 = arith.constant 64 : index
        %swap3A_431 = tpu.vector_load %arg7[%swap3A_429, %swap3A_430] {strides = array<i32>} : memref<3x96xi32, #tpu.memory_space<vmem>>, vector<16xi32>,
        tpu.vector_store %arg7[%swap3A_429, %swap3A_430], %and3A_427 {strides = array<i32>} : memref<3x96xi32, #tpu.memory_space<vmem>>, vector<16xi32>,
        %shift_right_logical3A_432 = arith.constant 14 : i32
        %shift_right_logical3A_433 = vector.broadcast %shift_right_logical3A_432 : i32 to vector<16xi32>
        %shift_right_logical3A_434 = arith.shrui %get3A_424, %shift_right_logical3A_433 : vector<16xi32>
        %swap3A_435 = arith.constant 2 : i32
        %swap3A_436 = arith.index_cast %swap3A_435 : i32 to index
        %swap3A_437 = arith.constant 64 : index
        %swap3A_438 = tpu.vector_load %arg8[%swap3A_436, %swap3A_437] {strides = array<i32>} : memref<3x96xi32, #tpu.memory_space<vmem>>, vector<16xi32>,
        tpu.vector_store %arg8[%swap3A_436, %swap3A_437], %shift_right_logical3A_434 {strides = array<i32>} : memref<3x96xi32, #tpu.memory_space<vmem>>, vector<16xi32>,
        %get3A_439 = arith.index_cast %sub3A_353 : i32 to index
        %get3A_440 = arith.constant 80 : index
        %get3A_441 = tpu.vector_load %arg6[%get3A_439, %get3A_440] {strides = array<i32>} : memref<126x96xi32, #tpu.memory_space<vmem>>, vector<16xi32>,
        %and3A_442 = arith.constant 16383 : i32
        %and3A_443 = vector.broadcast %and3A_442 : i32 to vector<16xi32>
        %and3A_444 = arith.andi %get3A_441, %and3A_443 : vector<16xi32>
        %swap3A_445 = arith.constant 2 : i32
        %swap3A_446 = arith.index_cast %swap3A_445 : i32 to index
        %swap3A_447 = arith.constant 80 : index
        %swap3A_448 = tpu.vector_load %arg7[%swap3A_446, %swap3A_447] {strides = array<i32>} : memref<3x96xi32, #tpu.memory_space<vmem>>, vector<16xi32>,
        tpu.vector_store %arg7[%swap3A_446, %swap3A_447], %and3A_444 {strides = array<i32>} : memref<3x96xi32, #tpu.memory_space<vmem>>, vector<16xi32>,
        %shift_right_logical3A_449 = arith.constant 14 : i32
        %shift_right_logical3A_450 = vector.broadcast %shift_right_logical3A_449 : i32 to vector<16xi32>
        %shift_right_logical3A_451 = arith.shrui %get3A_441, %shift_right_logical3A_450 : vector<16xi32>
        %swap3A_452 = arith.constant 2 : i32
        %swap3A_453 = arith.index_cast %swap3A_452 : i32 to index
        %swap3A_454 = arith.constant 80 : index
        %swap3A_455 = tpu.vector_load %arg8[%swap3A_453, %swap3A_454] {strides = array<i32>} : memref<3x96xi32, #tpu.memory_space<vmem>>, vector<16xi32>,
        tpu.vector_store %arg8[%swap3A_453, %swap3A_454], %shift_right_logical3A_451 {strides = array<i32>} : memref<3x96xi32, #tpu.memory_space<vmem>>, vector<16xi32>,
        %add3A_456 = arith.constant 3 : i32
        %add3A_457 = arith.addi %add3A_286, %add3A_456 : i32
        %sub3A_458 = arith.constant 1 : i32
        %sub3A_459 = arith.subi %add3A_457, %sub3A_458 : i32
        %dma_start3A_460 = arith.constant 2 : i32
        %dma_start3A_461 = arith.constant 2 : i32
        %dma_start3A_462 = arith.constant 0 : i32
        %dma_start3A_463 = tpu.memref_slice %arg7[%dma_start3A_460, %dma_start3A_462] : memref<3x96xi32, #tpu.memory_space<vmem>> -> memref<1x96xi32, #tpu.memory_space<vmem>>
        %dma_start3A_464 = tpu.memref_squeeze %dma_start3A_463 : memref<1x96xi32, #tpu.memory_space<vmem>> -> memref<96xi32, #tpu.memory_space<vmem>>
        %dma_start3A_465 = arith.constant 0 : i32
        %dma_start3A_466 = arith.constant 0 : i32
        %dma_start3A_467 = tpu.memref_slice %arg2[%dma_start3A_465, %dma_start3A_466] : memref<10000x128xf32, #tpu.memory_space<hbm>> -> memref<10000x128xf32, #tpu.memory_space<hbm>>
        %dma_start3A_468 = tpu.memref_slice %arg12[%dma_start3A_461] : memref<3x!tpu.dma_semaphore, #tpu.memory_space<semaphore_mem>> -> memref<1x!tpu.dma_semaphore, #tpu.memory_space<semaphore_mem>>
        %dma_start3A_469 = tpu.memref_squeeze %dma_start3A_468 : memref<1x!tpu.dma_semaphore, #tpu.memory_space<semaphore_mem>> -> memref<!tpu.dma_semaphore, #tpu.memory_space<semaphore_mem>>
        tpu.enqueue_indirect_dma source(%dma_start3A_467 : memref<10000x128xf32, #tpu.memory_space<hbm>>) target(%arg11 : memref<96x128xf32, #tpu.memory_space<vmem>>) offsets(%dma_start3A_464 : memref<96xi32, #tpu.memory_space<vmem>>) semaphore(%dma_start3A_469 : memref<!tpu.dma_semaphore, #tpu.memory_space<semaphore_mem>>)
      } else {
      }
      %dma_wait3A = arith.constant 0 : i32
      %dma_wait3A_294 = arith.constant 0 : i32
      %dma_wait3A_295 = arith.constant 0 : i32
      %dma_wait3A_296 = tpu.memref_slice %arg7[%dma_wait3A, %dma_wait3A_295] : memref<3x96xi32, #tpu.memory_space<vmem>> -> memref<1x96xi32, #tpu.memory_space<vmem>>
      %dma_wait3A_297 = tpu.memref_squeeze %dma_wait3A_296 : memref<1x96xi32, #tpu.memory_space<vmem>> -> memref<96xi32, #tpu.memory_space<vmem>>
      %dma_wait3A_298 = arith.constant 0 : i32
      %dma_wait3A_299 = arith.constant 0 : i32
      %dma_wait3A_300 = tpu.memref_slice %arg2[%dma_wait3A_298, %dma_wait3A_299] : memref<10000x128xf32, #tpu.memory_space<hbm>> -> memref<10000x128xf32, #tpu.memory_space<hbm>>
      %dma_wait3A_301 = tpu.memref_slice %arg12[%dma_wait3A_294] : memref<3x!tpu.dma_semaphore, #tpu.memory_space<semaphore_mem>> -> memref<1x!tpu.dma_semaphore, #tpu.memory_space<semaphore_mem>>
      %dma_wait3A_302 = tpu.memref_squeeze %dma_wait3A_301 : memref<1x!tpu.dma_semaphore, #tpu.memory_space<semaphore_mem>> -> memref<!tpu.dma_semaphore, #tpu.memory_space<semaphore_mem>>
      tpu.wait_indirect_dma semaphore(%dma_wait3A_302 : memref<!tpu.dma_semaphore, #tpu.memory_space<semaphore_mem>>) src(%dma_wait3A_300 : memref<10000x128xf32, #tpu.memory_space<hbm>>) dst(%arg9 : memref<96x128xf32, #tpu.memory_space<vmem>>)
      %run_scoped3A = arith.constant 0 : i32
      "tpu.region"() ({
        %run_scoped3A_350 = tpu.sem_alloc : memref<!tpu.dma_semaphore, #tpu.memory_space<semaphore_mem>>
        %dma_start3A_351 = arith.constant 0 : i32
        %dma_start3A_352 = tpu.memref_slice %arg8[%run_scoped3A, %dma_start3A_351] : memref<3x96xi32, #tpu.memory_space<vmem>> -> memref<1x96xi32, #tpu.memory_space<vmem>>
        %dma_start3A_353 = tpu.memref_squeeze %dma_start3A_352 : memref<1x96xi32, #tpu.memory_space<vmem>> -> memref<96xi32, #tpu.memory_space<vmem>>
        %dma_start3A_354 = arith.constant 0 : i32
        %dma_start3A_355 = arith.constant 0 : i32
        %dma_start3A_356 = tpu.memref_slice %arg5[%dma_start3A_354, %dma_start3A_355] : memref<10016x128xf32, #tpu.memory_space<vmem_shared>> -> memref<10016x128xf32, #tpu.memory_space<vmem_shared>>
        tpu.enqueue_indirect_dma source(%arg9 : memref<96x128xf32, #tpu.memory_space<vmem>>) target(%dma_start3A_356 : memref<10016x128xf32, #tpu.memory_space<vmem_shared>>) offsets(%dma_start3A_353 : memref<96xi32, #tpu.memory_space<vmem>>) semaphore(%run_scoped3A_350 : memref<!tpu.dma_semaphore, #tpu.memory_space<semaphore_mem>>) {add = true}
        %dma_wait3A_357 = arith.constant 0 : i32
        %dma_wait3A_358 = tpu.memref_slice %arg8[%run_scoped3A, %dma_wait3A_357] : memref<3x96xi32, #tpu.memory_space<vmem>> -> memref<1x96xi32, #tpu.memory_space<vmem>>
        %dma_wait3A_359 = tpu.memref_squeeze %dma_wait3A_358 : memref<1x96xi32, #tpu.memory_space<vmem>> -> memref<96xi32, #tpu.memory_space<vmem>>
        %dma_wait3A_360 = arith.constant 0 : i32
        %dma_wait3A_361 = arith.constant 0 : i32
        %dma_wait3A_362 = tpu.memref_slice %arg5[%dma_wait3A_360, %dma_wait3A_361] : memref<10016x128xf32, #tpu.memory_space<vmem_shared>> -> memref<10016x128xf32, #tpu.memory_space<vmem_shared>>
        tpu.wait_indirect_dma semaphore(%run_scoped3A_350 : memref<!tpu.dma_semaphore, #tpu.memory_space<semaphore_mem>>) src(%arg9 : memref<96x128xf32, #tpu.memory_space<vmem>>) dst(%dma_wait3A_362 : memref<10016x128xf32, #tpu.memory_space<vmem_shared>>)
        tpu.yield
      }) : () -> ()
      %mul3A_303 = arith.constant 3 : i32
      %mul3A_304 = arith.muli %while3A_281, %mul3A_303 : i32
      %add3A_305 = arith.constant 1 : i32
      %add3A_306 = arith.addi %mul3A_304, %add3A_305 : i32
      %add3A_307 = arith.constant 3 : i32
      %add3A_308 = arith.addi %add3A_306, %add3A_307 : i32
      %sub3A_309 = arith.constant 1 : i32
      %sub3A_310 = arith.subi %add3A_308, %sub3A_309 : i32
      %lt3A_311 = arith.cmpi slt, %sub3A_310, %select_n3A_3 : i32
      %convert_element_type3A_312 = arith.extui %lt3A_311 : i1 to i32
      %cond3A_313 = arith.constant 0 : i32
      %cond3A_314 = arith.cmpi ne, %convert_element_type3A_312, %cond3A_313 : i32
      scf.if %cond3A_314 {
        %add3A_350 = arith.constant 3 : i32
        %add3A_351 = arith.addi %add3A_306, %add3A_350 : i32
        %sub3A_352 = arith.constant 1 : i32
        %sub3A_353 = arith.subi %add3A_351, %sub3A_352 : i32
        %get3A_354 = arith.index_cast %sub3A_353 : i32 to index
        %get3A_355 = arith.constant 0 : index
        %get3A_356 = tpu.vector_load %arg6[%get3A_354, %get3A_355] {strides = array<i32>} : memref<126x96xi32, #tpu.memory_space<vmem>>, vector<16xi32>,
        %and3A_357 = arith.constant 16383 : i32
        %and3A_358 = vector.broadcast %and3A_357 : i32 to vector<16xi32>
        %and3A_359 = arith.andi %get3A_356, %and3A_358 : vector<16xi32>
        %swap3A_360 = arith.constant 0 : i32
        %swap3A_361 = arith.index_cast %swap3A_360 : i32 to index
        %swap3A_362 = arith.constant 0 : index
        %swap3A_363 = tpu.vector_load %arg7[%swap3A_361, %swap3A_362] {strides = array<i32>} : memref<3x96xi32, #tpu.memory_space<vmem>>, vector<16xi32>,
        tpu.vector_store %arg7[%swap3A_361, %swap3A_362], %and3A_359 {strides = array<i32>} : memref<3x96xi32, #tpu.memory_space<vmem>>, vector<16xi32>,
        %shift_right_logical3A_364 = arith.constant 14 : i32
        %shift_right_logical3A_365 = vector.broadcast %shift_right_logical3A_364 : i32 to vector<16xi32>
        %shift_right_logical3A_366 = arith.shrui %get3A_356, %shift_right_logical3A_365 : vector<16xi32>
        %swap3A_367 = arith.constant 0 : i32
        %swap3A_368 = arith.index_cast %swap3A_367 : i32 to index
        %swap3A_369 = arith.constant 0 : index
        %swap3A_370 = tpu.vector_load %arg8[%swap3A_368, %swap3A_369] {strides = array<i32>} : memref<3x96xi32, #tpu.memory_space<vmem>>, vector<16xi32>,
        tpu.vector_store %arg8[%swap3A_368, %swap3A_369], %shift_right_logical3A_366 {strides = array<i32>} : memref<3x96xi32, #tpu.memory_space<vmem>>, vector<16xi32>,
        %get3A_371 = arith.index_cast %sub3A_353 : i32 to index
        %get3A_372 = arith.constant 16 : index
        %get3A_373 = tpu.vector_load %arg6[%get3A_371, %get3A_372] {strides = array<i32>} : memref<126x96xi32, #tpu.memory_space<vmem>>, vector<16xi32>,
        %and3A_374 = arith.constant 16383 : i32
        %and3A_375 = vector.broadcast %and3A_374 : i32 to vector<16xi32>
        %and3A_376 = arith.andi %get3A_373, %and3A_375 : vector<16xi32>
        %swap3A_377 = arith.constant 0 : i32
        %swap3A_378 = arith.index_cast %swap3A_377 : i32 to index
        %swap3A_379 = arith.constant 16 : index
        %swap3A_380 = tpu.vector_load %arg7[%swap3A_378, %swap3A_379] {strides = array<i32>} : memref<3x96xi32, #tpu.memory_space<vmem>>, vector<16xi32>,
        tpu.vector_store %arg7[%swap3A_378, %swap3A_379], %and3A_376 {strides = array<i32>} : memref<3x96xi32, #tpu.memory_space<vmem>>, vector<16xi32>,
        %shift_right_logical3A_381 = arith.constant 14 : i32
        %shift_right_logical3A_382 = vector.broadcast %shift_right_logical3A_381 : i32 to vector<16xi32>
        %shift_right_logical3A_383 = arith.shrui %get3A_373, %shift_right_logical3A_382 : vector<16xi32>
        %swap3A_384 = arith.constant 0 : i32
        %swap3A_385 = arith.index_cast %swap3A_384 : i32 to index
        %swap3A_386 = arith.constant 16 : index
        %swap3A_387 = tpu.vector_load %arg8[%swap3A_385, %swap3A_386] {strides = array<i32>} : memref<3x96xi32, #tpu.memory_space<vmem>>, vector<16xi32>,
        tpu.vector_store %arg8[%swap3A_385, %swap3A_386], %shift_right_logical3A_383 {strides = array<i32>} : memref<3x96xi32, #tpu.memory_space<vmem>>, vector<16xi32>,
        %get3A_388 = arith.index_cast %sub3A_353 : i32 to index
        %get3A_389 = arith.constant 32 : index
        %get3A_390 = tpu.vector_load %arg6[%get3A_388, %get3A_389] {strides = array<i32>} : memref<126x96xi32, #tpu.memory_space<vmem>>, vector<16xi32>,
        %and3A_391 = arith.constant 16383 : i32
        %and3A_392 = vector.broadcast %and3A_391 : i32 to vector<16xi32>
        %and3A_393 = arith.andi %get3A_390, %and3A_392 : vector<16xi32>
        %swap3A_394 = arith.constant 0 : i32
        %swap3A_395 = arith.index_cast %swap3A_394 : i32 to index
        %swap3A_396 = arith.constant 32 : index
        %swap3A_397 = tpu.vector_load %arg7[%swap3A_395, %swap3A_396] {strides = array<i32>} : memref<3x96xi32, #tpu.memory_space<vmem>>, vector<16xi32>,
        tpu.vector_store %arg7[%swap3A_395, %swap3A_396], %and3A_393 {strides = array<i32>} : memref<3x96xi32, #tpu.memory_space<vmem>>, vector<16xi32>,
        %shift_right_logical3A_398 = arith.constant 14 : i32
        %shift_right_logical3A_399 = vector.broadcast %shift_right_logical3A_398 : i32 to vector<16xi32>
        %shift_right_logical3A_400 = arith.shrui %get3A_390, %shift_right_logical3A_399 : vector<16xi32>
        %swap3A_401 = arith.constant 0 : i32
        %swap3A_402 = arith.index_cast %swap3A_401 : i32 to index
        %swap3A_403 = arith.constant 32 : index
        %swap3A_404 = tpu.vector_load %arg8[%swap3A_402, %swap3A_403] {strides = array<i32>} : memref<3x96xi32, #tpu.memory_space<vmem>>, vector<16xi32>,
        tpu.vector_store %arg8[%swap3A_402, %swap3A_403], %shift_right_logical3A_400 {strides = array<i32>} : memref<3x96xi32, #tpu.memory_space<vmem>>, vector<16xi32>,
        %get3A_405 = arith.index_cast %sub3A_353 : i32 to index
        %get3A_406 = arith.constant 48 : index
        %get3A_407 = tpu.vector_load %arg6[%get3A_405, %get3A_406] {strides = array<i32>} : memref<126x96xi32, #tpu.memory_space<vmem>>, vector<16xi32>,
        %and3A_408 = arith.constant 16383 : i32
        %and3A_409 = vector.broadcast %and3A_408 : i32 to vector<16xi32>
        %and3A_410 = arith.andi %get3A_407, %and3A_409 : vector<16xi32>
        %swap3A_411 = arith.constant 0 : i32
        %swap3A_412 = arith.index_cast %swap3A_411 : i32 to index
        %swap3A_413 = arith.constant 48 : index
        %swap3A_414 = tpu.vector_load %arg7[%swap3A_412, %swap3A_413] {strides = array<i32>} : memref<3x96xi32, #tpu.memory_space<vmem>>, vector<16xi32>,
        tpu.vector_store %arg7[%swap3A_412, %swap3A_413], %and3A_410 {strides = array<i32>} : memref<3x96xi32, #tpu.memory_space<vmem>>, vector<16xi32>,
        %shift_right_logical3A_415 = arith.constant 14 : i32
        %shift_right_logical3A_416 = vector.broadcast %shift_right_logical3A_415 : i32 to vector<16xi32>
        %shift_right_logical3A_417 = arith.shrui %get3A_407, %shift_right_logical3A_416 : vector<16xi32>
        %swap3A_418 = arith.constant 0 : i32
        %swap3A_419 = arith.index_cast %swap3A_418 : i32 to index
        %swap3A_420 = arith.constant 48 : index
        %swap3A_421 = tpu.vector_load %arg8[%swap3A_419, %swap3A_420] {strides = array<i32>} : memref<3x96xi32, #tpu.memory_space<vmem>>, vector<16xi32>,
        tpu.vector_store %arg8[%swap3A_419, %swap3A_420], %shift_right_logical3A_417 {strides = array<i32>} : memref<3x96xi32, #tpu.memory_space<vmem>>, vector<16xi32>,
        %get3A_422 = arith.index_cast %sub3A_353 : i32 to index
        %get3A_423 = arith.constant 64 : index
        %get3A_424 = tpu.vector_load %arg6[%get3A_422, %get3A_423] {strides = array<i32>} : memref<126x96xi32, #tpu.memory_space<vmem>>, vector<16xi32>,
        %and3A_425 = arith.constant 16383 : i32
        %and3A_426 = vector.broadcast %and3A_425 : i32 to vector<16xi32>
        %and3A_427 = arith.andi %get3A_424, %and3A_426 : vector<16xi32>
        %swap3A_428 = arith.constant 0 : i32
        %swap3A_429 = arith.index_cast %swap3A_428 : i32 to index
        %swap3A_430 = arith.constant 64 : index
        %swap3A_431 = tpu.vector_load %arg7[%swap3A_429, %swap3A_430] {strides = array<i32>} : memref<3x96xi32, #tpu.memory_space<vmem>>, vector<16xi32>,
        tpu.vector_store %arg7[%swap3A_429, %swap3A_430], %and3A_427 {strides = array<i32>} : memref<3x96xi32, #tpu.memory_space<vmem>>, vector<16xi32>,
        %shift_right_logical3A_432 = arith.constant 14 : i32
        %shift_right_logical3A_433 = vector.broadcast %shift_right_logical3A_432 : i32 to vector<16xi32>
        %shift_right_logical3A_434 = arith.shrui %get3A_424, %shift_right_logical3A_433 : vector<16xi32>
        %swap3A_435 = arith.constant 0 : i32
        %swap3A_436 = arith.index_cast %swap3A_435 : i32 to index
        %swap3A_437 = arith.constant 64 : index
        %swap3A_438 = tpu.vector_load %arg8[%swap3A_436, %swap3A_437] {strides = array<i32>} : memref<3x96xi32, #tpu.memory_space<vmem>>, vector<16xi32>,
        tpu.vector_store %arg8[%swap3A_436, %swap3A_437], %shift_right_logical3A_434 {strides = array<i32>} : memref<3x96xi32, #tpu.memory_space<vmem>>, vector<16xi32>,
        %get3A_439 = arith.index_cast %sub3A_353 : i32 to index
        %get3A_440 = arith.constant 80 : index
        %get3A_441 = tpu.vector_load %arg6[%get3A_439, %get3A_440] {strides = array<i32>} : memref<126x96xi32, #tpu.memory_space<vmem>>, vector<16xi32>,
        %and3A_442 = arith.constant 16383 : i32
        %and3A_443 = vector.broadcast %and3A_442 : i32 to vector<16xi32>
        %and3A_444 = arith.andi %get3A_441, %and3A_443 : vector<16xi32>
        %swap3A_445 = arith.constant 0 : i32
        %swap3A_446 = arith.index_cast %swap3A_445 : i32 to index
        %swap3A_447 = arith.constant 80 : index
        %swap3A_448 = tpu.vector_load %arg7[%swap3A_446, %swap3A_447] {strides = array<i32>} : memref<3x96xi32, #tpu.memory_space<vmem>>, vector<16xi32>,
        tpu.vector_store %arg7[%swap3A_446, %swap3A_447], %and3A_444 {strides = array<i32>} : memref<3x96xi32, #tpu.memory_space<vmem>>, vector<16xi32>,
        %shift_right_logical3A_449 = arith.constant 14 : i32
        %shift_right_logical3A_450 = vector.broadcast %shift_right_logical3A_449 : i32 to vector<16xi32>
        %shift_right_logical3A_451 = arith.shrui %get3A_441, %shift_right_logical3A_450 : vector<16xi32>
        %swap3A_452 = arith.constant 0 : i32
        %swap3A_453 = arith.index_cast %swap3A_452 : i32 to index
        %swap3A_454 = arith.constant 80 : index
        %swap3A_455 = tpu.vector_load %arg8[%swap3A_453, %swap3A_454] {strides = array<i32>} : memref<3x96xi32, #tpu.memory_space<vmem>>, vector<16xi32>,
        tpu.vector_store %arg8[%swap3A_453, %swap3A_454], %shift_right_logical3A_451 {strides = array<i32>} : memref<3x96xi32, #tpu.memory_space<vmem>>, vector<16xi32>,
        %add3A_456 = arith.constant 3 : i32
        %add3A_457 = arith.addi %add3A_306, %add3A_456 : i32
        %sub3A_458 = arith.constant 1 : i32
        %sub3A_459 = arith.subi %add3A_457, %sub3A_458 : i32
        %dma_start3A_460 = arith.constant 0 : i32
        %dma_start3A_461 = arith.constant 0 : i32
        %dma_start3A_462 = arith.constant 0 : i32
        %dma_start3A_463 = tpu.memref_slice %arg7[%dma_start3A_460, %dma_start3A_462] : memref<3x96xi32, #tpu.memory_space<vmem>> -> memref<1x96xi32, #tpu.memory_space<vmem>>
        %dma_start3A_464 = tpu.memref_squeeze %dma_start3A_463 : memref<1x96xi32, #tpu.memory_space<vmem>> -> memref<96xi32, #tpu.memory_space<vmem>>
        %dma_start3A_465 = arith.constant 0 : i32
        %dma_start3A_466 = arith.constant 0 : i32
        %dma_start3A_467 = tpu.memref_slice %arg2[%dma_start3A_465, %dma_start3A_466] : memref<10000x128xf32, #tpu.memory_space<hbm>> -> memref<10000x128xf32, #tpu.memory_space<hbm>>
        %dma_start3A_468 = tpu.memref_slice %arg12[%dma_start3A_461] : memref<3x!tpu.dma_semaphore, #tpu.memory_space<semaphore_mem>> -> memref<1x!tpu.dma_semaphore, #tpu.memory_space<semaphore_mem>>
        %dma_start3A_469 = tpu.memref_squeeze %dma_start3A_468 : memref<1x!tpu.dma_semaphore, #tpu.memory_space<semaphore_mem>> -> memref<!tpu.dma_semaphore, #tpu.memory_space<semaphore_mem>>
        tpu.enqueue_indirect_dma source(%dma_start3A_467 : memref<10000x128xf32, #tpu.memory_space<hbm>>) target(%arg9 : memref<96x128xf32, #tpu.memory_space<vmem>>) offsets(%dma_start3A_464 : memref<96xi32, #tpu.memory_space<vmem>>) semaphore(%dma_start3A_469 : memref<!tpu.dma_semaphore, #tpu.memory_space<semaphore_mem>>)
      } else {
      }
      %dma_wait3A_315 = arith.constant 1 : i32
      %dma_wait3A_316 = arith.constant 1 : i32
      %dma_wait3A_317 = arith.constant 0 : i32
      %dma_wait3A_318 = tpu.memref_slice %arg7[%dma_wait3A_315, %dma_wait3A_317] : memref<3x96xi32, #tpu.memory_space<vmem>> -> memref<1x96xi32, #tpu.memory_space<vmem>>
      %dma_wait3A_319 = tpu.memref_squeeze %dma_wait3A_318 : memref<1x96xi32, #tpu.memory_space<vmem>> -> memref<96xi32, #tpu.memory_space<vmem>>
      %dma_wait3A_320 = arith.constant 0 : i32
      %dma_wait3A_321 = arith.constant 0 : i32
      %dma_wait3A_322 = tpu.memref_slice %arg2[%dma_wait3A_320, %dma_wait3A_321] : memref<10000x128xf32, #tpu.memory_space<hbm>> -> memref<10000x128xf32, #tpu.memory_space<hbm>>
      %dma_wait3A_323 = tpu.memref_slice %arg12[%dma_wait3A_316] : memref<3x!tpu.dma_semaphore, #tpu.memory_space<semaphore_mem>> -> memref<1x!tpu.dma_semaphore, #tpu.memory_space<semaphore_mem>>
      %dma_wait3A_324 = tpu.memref_squeeze %dma_wait3A_323 : memref<1x!tpu.dma_semaphore, #tpu.memory_space<semaphore_mem>> -> memref<!tpu.dma_semaphore, #tpu.memory_space<semaphore_mem>>
      tpu.wait_indirect_dma semaphore(%dma_wait3A_324 : memref<!tpu.dma_semaphore, #tpu.memory_space<semaphore_mem>>) src(%dma_wait3A_322 : memref<10000x128xf32, #tpu.memory_space<hbm>>) dst(%arg10 : memref<96x128xf32, #tpu.memory_space<vmem>>)
      %run_scoped3A_325 = arith.constant 1 : i32
      "tpu.region"() ({
        %run_scoped3A_350 = tpu.sem_alloc : memref<!tpu.dma_semaphore, #tpu.memory_space<semaphore_mem>>
        %dma_start3A_351 = arith.constant 0 : i32
        %dma_start3A_352 = tpu.memref_slice %arg8[%run_scoped3A_325, %dma_start3A_351] : memref<3x96xi32, #tpu.memory_space<vmem>> -> memref<1x96xi32, #tpu.memory_space<vmem>>
        %dma_start3A_353 = tpu.memref_squeeze %dma_start3A_352 : memref<1x96xi32, #tpu.memory_space<vmem>> -> memref<96xi32, #tpu.memory_space<vmem>>
        %dma_start3A_354 = arith.constant 0 : i32
        %dma_start3A_355 = arith.constant 0 : i32
        %dma_start3A_356 = tpu.memref_slice %arg5[%dma_start3A_354, %dma_start3A_355] : memref<10016x128xf32, #tpu.memory_space<vmem_shared>> -> memref<10016x128xf32, #tpu.memory_space<vmem_shared>>
        tpu.enqueue_indirect_dma source(%arg10 : memref<96x128xf32, #tpu.memory_space<vmem>>) target(%dma_start3A_356 : memref<10016x128xf32, #tpu.memory_space<vmem_shared>>) offsets(%dma_start3A_353 : memref<96xi32, #tpu.memory_space<vmem>>) semaphore(%run_scoped3A_350 : memref<!tpu.dma_semaphore, #tpu.memory_space<semaphore_mem>>) {add = true}
        %dma_wait3A_357 = arith.constant 0 : i32
        %dma_wait3A_358 = tpu.memref_slice %arg8[%run_scoped3A_325, %dma_wait3A_357] : memref<3x96xi32, #tpu.memory_space<vmem>> -> memref<1x96xi32, #tpu.memory_space<vmem>>
        %dma_wait3A_359 = tpu.memref_squeeze %dma_wait3A_358 : memref<1x96xi32, #tpu.memory_space<vmem>> -> memref<96xi32, #tpu.memory_space<vmem>>
        %dma_wait3A_360 = arith.constant 0 : i32
        %dma_wait3A_361 = arith.constant 0 : i32
        %dma_wait3A_362 = tpu.memref_slice %arg5[%dma_wait3A_360, %dma_wait3A_361] : memref<10016x128xf32, #tpu.memory_space<vmem_shared>> -> memref<10016x128xf32, #tpu.memory_space<vmem_shared>>
        tpu.wait_indirect_dma semaphore(%run_scoped3A_350 : memref<!tpu.dma_semaphore, #tpu.memory_space<semaphore_mem>>) src(%arg10 : memref<96x128xf32, #tpu.memory_space<vmem>>) dst(%dma_wait3A_362 : memref<10016x128xf32, #tpu.memory_space<vmem_shared>>)
        tpu.yield
      }) : () -> ()
      %mul3A_326 = arith.constant 3 : i32
      %mul3A_327 = arith.muli %while3A_281, %mul3A_326 : i32
      %add3A_328 = arith.constant 2 : i32
      %add3A_329 = arith.addi %mul3A_327, %add3A_328 : i32
      %add3A_330 = arith.constant 3 : i32
      %add3A_331 = arith.addi %add3A_329, %add3A_330 : i32
      %sub3A_332 = arith.constant 1 : i32
      %sub3A_333 = arith.subi %add3A_331, %sub3A_332 : i32
      %lt3A_334 = arith.cmpi slt, %sub3A_333, %select_n3A_3 : i32
      %convert_element_type3A_335 = arith.extui %lt3A_334 : i1 to i32
      %cond3A_336 = arith.constant 0 : i32
      %cond3A_337 = arith.cmpi ne, %convert_element_type3A_335, %cond3A_336 : i32
      scf.if %cond3A_337 {
        %add3A_350 = arith.constant 3 : i32
        %add3A_351 = arith.addi %add3A_329, %add3A_350 : i32
        %sub3A_352 = arith.constant 1 : i32
        %sub3A_353 = arith.subi %add3A_351, %sub3A_352 : i32
        %get3A_354 = arith.index_cast %sub3A_353 : i32 to index
        %get3A_355 = arith.constant 0 : index
        %get3A_356 = tpu.vector_load %arg6[%get3A_354, %get3A_355] {strides = array<i32>} : memref<126x96xi32, #tpu.memory_space<vmem>>, vector<16xi32>,
        %and3A_357 = arith.constant 16383 : i32
        %and3A_358 = vector.broadcast %and3A_357 : i32 to vector<16xi32>
        %and3A_359 = arith.andi %get3A_356, %and3A_358 : vector<16xi32>
        %swap3A_360 = arith.constant 1 : i32
        %swap3A_361 = arith.index_cast %swap3A_360 : i32 to index
        %swap3A_362 = arith.constant 0 : index
        %swap3A_363 = tpu.vector_load %arg7[%swap3A_361, %swap3A_362] {strides = array<i32>} : memref<3x96xi32, #tpu.memory_space<vmem>>, vector<16xi32>,
        tpu.vector_store %arg7[%swap3A_361, %swap3A_362], %and3A_359 {strides = array<i32>} : memref<3x96xi32, #tpu.memory_space<vmem>>, vector<16xi32>,
        %shift_right_logical3A_364 = arith.constant 14 : i32
        %shift_right_logical3A_365 = vector.broadcast %shift_right_logical3A_364 : i32 to vector<16xi32>
        %shift_right_logical3A_366 = arith.shrui %get3A_356, %shift_right_logical3A_365 : vector<16xi32>
        %swap3A_367 = arith.constant 1 : i32
        %swap3A_368 = arith.index_cast %swap3A_367 : i32 to index
        %swap3A_369 = arith.constant 0 : index
        %swap3A_370 = tpu.vector_load %arg8[%swap3A_368, %swap3A_369] {strides = array<i32>} : memref<3x96xi32, #tpu.memory_space<vmem>>, vector<16xi32>,
        tpu.vector_store %arg8[%swap3A_368, %swap3A_369], %shift_right_logical3A_366 {strides = array<i32>} : memref<3x96xi32, #tpu.memory_space<vmem>>, vector<16xi32>,
        %get3A_371 = arith.index_cast %sub3A_353 : i32 to index
        %get3A_372 = arith.constant 16 : index
        %get3A_373 = tpu.vector_load %arg6[%get3A_371, %get3A_372] {strides = array<i32>} : memref<126x96xi32, #tpu.memory_space<vmem>>, vector<16xi32>,
        %and3A_374 = arith.constant 16383 : i32
        %and3A_375 = vector.broadcast %and3A_374 : i32 to vector<16xi32>
        %and3A_376 = arith.andi %get3A_373, %and3A_375 : vector<16xi32>
        %swap3A_377 = arith.constant 1 : i32
        %swap3A_378 = arith.index_cast %swap3A_377 : i32 to index
        %swap3A_379 = arith.constant 16 : index
        %swap3A_380 = tpu.vector_load %arg7[%swap3A_378, %swap3A_379] {strides = array<i32>} : memref<3x96xi32, #tpu.memory_space<vmem>>, vector<16xi32>,
        tpu.vector_store %arg7[%swap3A_378, %swap3A_379], %and3A_376 {strides = array<i32>} : memref<3x96xi32, #tpu.memory_space<vmem>>, vector<16xi32>,
        %shift_right_logical3A_381 = arith.constant 14 : i32
        %shift_right_logical3A_382 = vector.broadcast %shift_right_logical3A_381 : i32 to vector<16xi32>
        %shift_right_logical3A_383 = arith.shrui %get3A_373, %shift_right_logical3A_382 : vector<16xi32>
        %swap3A_384 = arith.constant 1 : i32
        %swap3A_385 = arith.index_cast %swap3A_384 : i32 to index
        %swap3A_386 = arith.constant 16 : index
        %swap3A_387 = tpu.vector_load %arg8[%swap3A_385, %swap3A_386] {strides = array<i32>} : memref<3x96xi32, #tpu.memory_space<vmem>>, vector<16xi32>,
        tpu.vector_store %arg8[%swap3A_385, %swap3A_386], %shift_right_logical3A_383 {strides = array<i32>} : memref<3x96xi32, #tpu.memory_space<vmem>>, vector<16xi32>,
        %get3A_388 = arith.index_cast %sub3A_353 : i32 to index
        %get3A_389 = arith.constant 32 : index
        %get3A_390 = tpu.vector_load %arg6[%get3A_388, %get3A_389] {strides = array<i32>} : memref<126x96xi32, #tpu.memory_space<vmem>>, vector<16xi32>,
        %and3A_391 = arith.constant 16383 : i32
        %and3A_392 = vector.broadcast %and3A_391 : i32 to vector<16xi32>
        %and3A_393 = arith.andi %get3A_390, %and3A_392 : vector<16xi32>
        %swap3A_394 = arith.constant 1 : i32
        %swap3A_395 = arith.index_cast %swap3A_394 : i32 to index
        %swap3A_396 = arith.constant 32 : index
        %swap3A_397 = tpu.vector_load %arg7[%swap3A_395, %swap3A_396] {strides = array<i32>} : memref<3x96xi32, #tpu.memory_space<vmem>>, vector<16xi32>,
        tpu.vector_store %arg7[%swap3A_395, %swap3A_396], %and3A_393 {strides = array<i32>} : memref<3x96xi32, #tpu.memory_space<vmem>>, vector<16xi32>,
        %shift_right_logical3A_398 = arith.constant 14 : i32
        %shift_right_logical3A_399 = vector.broadcast %shift_right_logical3A_398 : i32 to vector<16xi32>
        %shift_right_logical3A_400 = arith.shrui %get3A_390, %shift_right_logical3A_399 : vector<16xi32>
        %swap3A_401 = arith.constant 1 : i32
        %swap3A_402 = arith.index_cast %swap3A_401 : i32 to index
        %swap3A_403 = arith.constant 32 : index
        %swap3A_404 = tpu.vector_load %arg8[%swap3A_402, %swap3A_403] {strides = array<i32>} : memref<3x96xi32, #tpu.memory_space<vmem>>, vector<16xi32>,
        tpu.vector_store %arg8[%swap3A_402, %swap3A_403], %shift_right_logical3A_400 {strides = array<i32>} : memref<3x96xi32, #tpu.memory_space<vmem>>, vector<16xi32>,
        %get3A_405 = arith.index_cast %sub3A_353 : i32 to index
        %get3A_406 = arith.constant 48 : index
        %get3A_407 = tpu.vector_load %arg6[%get3A_405, %get3A_406] {strides = array<i32>} : memref<126x96xi32, #tpu.memory_space<vmem>>, vector<16xi32>,
        %and3A_408 = arith.constant 16383 : i32
        %and3A_409 = vector.broadcast %and3A_408 : i32 to vector<16xi32>
        %and3A_410 = arith.andi %get3A_407, %and3A_409 : vector<16xi32>
        %swap3A_411 = arith.constant 1 : i32
        %swap3A_412 = arith.index_cast %swap3A_411 : i32 to index
        %swap3A_413 = arith.constant 48 : index
        %swap3A_414 = tpu.vector_load %arg7[%swap3A_412, %swap3A_413] {strides = array<i32>} : memref<3x96xi32, #tpu.memory_space<vmem>>, vector<16xi32>,
        tpu.vector_store %arg7[%swap3A_412, %swap3A_413], %and3A_410 {strides = array<i32>} : memref<3x96xi32, #tpu.memory_space<vmem>>, vector<16xi32>,
        %shift_right_logical3A_415 = arith.constant 14 : i32
        %shift_right_logical3A_416 = vector.broadcast %shift_right_logical3A_415 : i32 to vector<16xi32>
        %shift_right_logical3A_417 = arith.shrui %get3A_407, %shift_right_logical3A_416 : vector<16xi32>
        %swap3A_418 = arith.constant 1 : i32
        %swap3A_419 = arith.index_cast %swap3A_418 : i32 to index
        %swap3A_420 = arith.constant 48 : index
        %swap3A_421 = tpu.vector_load %arg8[%swap3A_419, %swap3A_420] {strides = array<i32>} : memref<3x96xi32, #tpu.memory_space<vmem>>, vector<16xi32>,
        tpu.vector_store %arg8[%swap3A_419, %swap3A_420], %shift_right_logical3A_417 {strides = array<i32>} : memref<3x96xi32, #tpu.memory_space<vmem>>, vector<16xi32>,
        %get3A_422 = arith.index_cast %sub3A_353 : i32 to index
        %get3A_423 = arith.constant 64 : index
        %get3A_424 = tpu.vector_load %arg6[%get3A_422, %get3A_423] {strides = array<i32>} : memref<126x96xi32, #tpu.memory_space<vmem>>, vector<16xi32>,
        %and3A_425 = arith.constant 16383 : i32
        %and3A_426 = vector.broadcast %and3A_425 : i32 to vector<16xi32>
        %and3A_427 = arith.andi %get3A_424, %and3A_426 : vector<16xi32>
        %swap3A_428 = arith.constant 1 : i32
        %swap3A_429 = arith.index_cast %swap3A_428 : i32 to index
        %swap3A_430 = arith.constant 64 : index
        %swap3A_431 = tpu.vector_load %arg7[%swap3A_429, %swap3A_430] {strides = array<i32>} : memref<3x96xi32, #tpu.memory_space<vmem>>, vector<16xi32>,
        tpu.vector_store %arg7[%swap3A_429, %swap3A_430], %and3A_427 {strides = array<i32>} : memref<3x96xi32, #tpu.memory_space<vmem>>, vector<16xi32>,
        %shift_right_logical3A_432 = arith.constant 14 : i32
        %shift_right_logical3A_433 = vector.broadcast %shift_right_logical3A_432 : i32 to vector<16xi32>
        %shift_right_logical3A_434 = arith.shrui %get3A_424, %shift_right_logical3A_433 : vector<16xi32>
        %swap3A_435 = arith.constant 1 : i32
        %swap3A_436 = arith.index_cast %swap3A_435 : i32 to index
        %swap3A_437 = arith.constant 64 : index
        %swap3A_438 = tpu.vector_load %arg8[%swap3A_436, %swap3A_437] {strides = array<i32>} : memref<3x96xi32, #tpu.memory_space<vmem>>, vector<16xi32>,
        tpu.vector_store %arg8[%swap3A_436, %swap3A_437], %shift_right_logical3A_434 {strides = array<i32>} : memref<3x96xi32, #tpu.memory_space<vmem>>, vector<16xi32>,
        %get3A_439 = arith.index_cast %sub3A_353 : i32 to index
        %get3A_440 = arith.constant 80 : index
        %get3A_441 = tpu.vector_load %arg6[%get3A_439, %get3A_440] {strides = array<i32>} : memref<126x96xi32, #tpu.memory_space<vmem>>, vector<16xi32>,
        %and3A_442 = arith.constant 16383 : i32
        %and3A_443 = vector.broadcast %and3A_442 : i32 to vector<16xi32>
        %and3A_444 = arith.andi %get3A_441, %and3A_443 : vector<16xi32>
        %swap3A_445 = arith.constant 1 : i32
        %swap3A_446 = arith.index_cast %swap3A_445 : i32 to index
        %swap3A_447 = arith.constant 80 : index
        %swap3A_448 = tpu.vector_load %arg7[%swap3A_446, %swap3A_447] {strides = array<i32>} : memref<3x96xi32, #tpu.memory_space<vmem>>, vector<16xi32>,
        tpu.vector_store %arg7[%swap3A_446, %swap3A_447], %and3A_444 {strides = array<i32>} : memref<3x96xi32, #tpu.memory_space<vmem>>, vector<16xi32>,
        %shift_right_logical3A_449 = arith.constant 14 : i32
        %shift_right_logical3A_450 = vector.broadcast %shift_right_logical3A_449 : i32 to vector<16xi32>
        %shift_right_logical3A_451 = arith.shrui %get3A_441, %shift_right_logical3A_450 : vector<16xi32>
        %swap3A_452 = arith.constant 1 : i32
        %swap3A_453 = arith.index_cast %swap3A_452 : i32 to index
        %swap3A_454 = arith.constant 80 : index
        %swap3A_455 = tpu.vector_load %arg8[%swap3A_453, %swap3A_454] {strides = array<i32>} : memref<3x96xi32, #tpu.memory_space<vmem>>, vector<16xi32>,
        tpu.vector_store %arg8[%swap3A_453, %swap3A_454], %shift_right_logical3A_451 {strides = array<i32>} : memref<3x96xi32, #tpu.memory_space<vmem>>, vector<16xi32>,
        %add3A_456 = arith.constant 3 : i32
        %add3A_457 = arith.addi %add3A_329, %add3A_456 : i32
        %sub3A_458 = arith.constant 1 : i32
        %sub3A_459 = arith.subi %add3A_457, %sub3A_458 : i32
        %dma_start3A_460 = arith.constant 1 : i32
        %dma_start3A_461 = arith.constant 1 : i32
        %dma_start3A_462 = arith.constant 0 : i32
        %dma_start3A_463 = tpu.memref_slice %arg7[%dma_start3A_460, %dma_start3A_462] : memref<3x96xi32, #tpu.memory_space<vmem>> -> memref<1x96xi32, #tpu.memory_space<vmem>>
        %dma_start3A_464 = tpu.memref_squeeze %dma_start3A_463 : memref<1x96xi32, #tpu.memory_space<vmem>> -> memref<96xi32, #tpu.memory_space<vmem>>
        %dma_start3A_465 = arith.constant 0 : i32
        %dma_start3A_466 = arith.constant 0 : i32
        %dma_start3A_467 = tpu.memref_slice %arg2[%dma_start3A_465, %dma_start3A_466] : memref<10000x128xf32, #tpu.memory_space<hbm>> -> memref<10000x128xf32, #tpu.memory_space<hbm>>
        %dma_start3A_468 = tpu.memref_slice %arg12[%dma_start3A_461] : memref<3x!tpu.dma_semaphore, #tpu.memory_space<semaphore_mem>> -> memref<1x!tpu.dma_semaphore, #tpu.memory_space<semaphore_mem>>
        %dma_start3A_469 = tpu.memref_squeeze %dma_start3A_468 : memref<1x!tpu.dma_semaphore, #tpu.memory_space<semaphore_mem>> -> memref<!tpu.dma_semaphore, #tpu.memory_space<semaphore_mem>>
        tpu.enqueue_indirect_dma source(%dma_start3A_467 : memref<10000x128xf32, #tpu.memory_space<hbm>>) target(%arg10 : memref<96x128xf32, #tpu.memory_space<vmem>>) offsets(%dma_start3A_464 : memref<96xi32, #tpu.memory_space<vmem>>) semaphore(%dma_start3A_469 : memref<!tpu.dma_semaphore, #tpu.memory_space<semaphore_mem>>)
      } else {
      }
      %dma_wait3A_338 = arith.constant 2 : i32
      %dma_wait3A_339 = arith.constant 2 : i32
      %dma_wait3A_340 = arith.constant 0 : i32
      %dma_wait3A_341 = tpu.memref_slice %arg7[%dma_wait3A_338, %dma_wait3A_340] : memref<3x96xi32, #tpu.memory_space<vmem>> -> memref<1x96xi32, #tpu.memory_space<vmem>>
      %dma_wait3A_342 = tpu.memref_squeeze %dma_wait3A_341 : memref<1x96xi32, #tpu.memory_space<vmem>> -> memref<96xi32, #tpu.memory_space<vmem>>
      %dma_wait3A_343 = arith.constant 0 : i32
      %dma_wait3A_344 = arith.constant 0 : i32
      %dma_wait3A_345 = tpu.memref_slice %arg2[%dma_wait3A_343, %dma_wait3A_344] : memref<10000x128xf32, #tpu.memory_space<hbm>> -> memref<10000x128xf32, #tpu.memory_space<hbm>>
      %dma_wait3A_346 = tpu.memref_slice %arg12[%dma_wait3A_339] : memref<3x!tpu.dma_semaphore, #tpu.memory_space<semaphore_mem>> -> memref<1x!tpu.dma_semaphore, #tpu.memory_space<semaphore_mem>>
      %dma_wait3A_347 = tpu.memref_squeeze %dma_wait3A_346 : memref<1x!tpu.dma_semaphore, #tpu.memory_space<semaphore_mem>> -> memref<!tpu.dma_semaphore, #tpu.memory_space<semaphore_mem>>
      tpu.wait_indirect_dma semaphore(%dma_wait3A_347 : memref<!tpu.dma_semaphore, #tpu.memory_space<semaphore_mem>>) src(%dma_wait3A_345 : memref<10000x128xf32, #tpu.memory_space<hbm>>) dst(%arg11 : memref<96x128xf32, #tpu.memory_space<vmem>>)
      %run_scoped3A_348 = arith.constant 2 : i32
      "tpu.region"() ({
        %run_scoped3A_350 = tpu.sem_alloc : memref<!tpu.dma_semaphore, #tpu.memory_space<semaphore_mem>>
        %dma_start3A_351 = arith.constant 0 : i32
        %dma_start3A_352 = tpu.memref_slice %arg8[%run_scoped3A_348, %dma_start3A_351] : memref<3x96xi32, #tpu.memory_space<vmem>> -> memref<1x96xi32, #tpu.memory_space<vmem>>
        %dma_start3A_353 = tpu.memref_squeeze %dma_start3A_352 : memref<1x96xi32, #tpu.memory_space<vmem>> -> memref<96xi32, #tpu.memory_space<vmem>>
        %dma_start3A_354 = arith.constant 0 : i32
        %dma_start3A_355 = arith.constant 0 : i32
        %dma_start3A_356 = tpu.memref_slice %arg5[%dma_start3A_354, %dma_start3A_355] : memref<10016x128xf32, #tpu.memory_space<vmem_shared>> -> memref<10016x128xf32, #tpu.memory_space<vmem_shared>>
        tpu.enqueue_indirect_dma source(%arg11 : memref<96x128xf32, #tpu.memory_space<vmem>>) target(%dma_start3A_356 : memref<10016x128xf32, #tpu.memory_space<vmem_shared>>) offsets(%dma_start3A_353 : memref<96xi32, #tpu.memory_space<vmem>>) semaphore(%run_scoped3A_350 : memref<!tpu.dma_semaphore, #tpu.memory_space<semaphore_mem>>) {add = true}
        %dma_wait3A_357 = arith.constant 0 : i32
        %dma_wait3A_358 = tpu.memref_slice %arg8[%run_scoped3A_348, %dma_wait3A_357] : memref<3x96xi32, #tpu.memory_space<vmem>> -> memref<1x96xi32, #tpu.memory_space<vmem>>
        %dma_wait3A_359 = tpu.memref_squeeze %dma_wait3A_358 : memref<1x96xi32, #tpu.memory_space<vmem>> -> memref<96xi32, #tpu.memory_space<vmem>>
        %dma_wait3A_360 = arith.constant 0 : i32
        %dma_wait3A_361 = arith.constant 0 : i32
        %dma_wait3A_362 = tpu.memref_slice %arg5[%dma_wait3A_360, %dma_wait3A_361] : memref<10016x128xf32, #tpu.memory_space<vmem_shared>> -> memref<10016x128xf32, #tpu.memory_space<vmem_shared>>
        tpu.wait_indirect_dma semaphore(%run_scoped3A_350 : memref<!tpu.dma_semaphore, #tpu.memory_space<semaphore_mem>>) src(%arg11 : memref<96x128xf32, #tpu.memory_space<vmem>>) dst(%dma_wait3A_362 : memref<10016x128xf32, #tpu.memory_space<vmem_shared>>)
        tpu.yield
      }) : () -> ()
      %while3A_349 = arith.constant 0 : i32
      scf.yield %while3A_349 : i32
    }
    %while3A_269 = arith.constant 1 : i32
    %while3A_270 = scf.for %while3A_281 = %while3A_266 to %while3A_262 step %while3A_269 iter_args(%while3A_282 = %while3A_268) -> (i32)  : i32 {
      %mul3A_283 = arith.constant 3 : i32
      %mul3A_284 = arith.muli %while3A_281, %mul3A_283 : i32
      %add3A_285 = arith.constant 0 : i32
      %add3A_286 = arith.addi %mul3A_284, %add3A_285 : i32
      %add3A_287 = arith.constant 3 : i32
      %add3A_288 = arith.addi %add3A_286, %add3A_287 : i32
      %sub3A_289 = arith.constant 1 : i32
      %sub3A_290 = arith.subi %add3A_288, %sub3A_289 : i32
      %lt3A = arith.cmpi slt, %sub3A_290, %select_n3A_3 : i32
      %convert_element_type3A_291 = arith.extui %lt3A : i1 to i32
      %cond3A_292 = arith.constant 0 : i32
      %cond3A_293 = arith.cmpi ne, %convert_element_type3A_291, %cond3A_292 : i32
      scf.if %cond3A_293 {
        %add3A_350 = arith.constant 3 : i32
        %add3A_351 = arith.addi %add3A_286, %add3A_350 : i32
        %sub3A_352 = arith.constant 1 : i32
        %sub3A_353 = arith.subi %add3A_351, %sub3A_352 : i32
        %get3A_354 = arith.index_cast %sub3A_353 : i32 to index
        %get3A_355 = arith.constant 0 : index
        %get3A_356 = tpu.vector_load %arg6[%get3A_354, %get3A_355] {strides = array<i32>} : memref<126x96xi32, #tpu.memory_space<vmem>>, vector<16xi32>,
        %and3A_357 = arith.constant 16383 : i32
        %and3A_358 = vector.broadcast %and3A_357 : i32 to vector<16xi32>
        %and3A_359 = arith.andi %get3A_356, %and3A_358 : vector<16xi32>
        %swap3A_360 = arith.constant 2 : i32
        %swap3A_361 = arith.index_cast %swap3A_360 : i32 to index
        %swap3A_362 = arith.constant 0 : index
        %swap3A_363 = tpu.vector_load %arg7[%swap3A_361, %swap3A_362] {strides = array<i32>} : memref<3x96xi32, #tpu.memory_space<vmem>>, vector<16xi32>,
        tpu.vector_store %arg7[%swap3A_361, %swap3A_362], %and3A_359 {strides = array<i32>} : memref<3x96xi32, #tpu.memory_space<vmem>>, vector<16xi32>,
        %shift_right_logical3A_364 = arith.constant 14 : i32
        %shift_right_logical3A_365 = vector.broadcast %shift_right_logical3A_364 : i32 to vector<16xi32>
        %shift_right_logical3A_366 = arith.shrui %get3A_356, %shift_right_logical3A_365 : vector<16xi32>
        %swap3A_367 = arith.constant 2 : i32
        %swap3A_368 = arith.index_cast %swap3A_367 : i32 to index
        %swap3A_369 = arith.constant 0 : index
        %swap3A_370 = tpu.vector_load %arg8[%swap3A_368, %swap3A_369] {strides = array<i32>} : memref<3x96xi32, #tpu.memory_space<vmem>>, vector<16xi32>,
        tpu.vector_store %arg8[%swap3A_368, %swap3A_369], %shift_right_logical3A_366 {strides = array<i32>} : memref<3x96xi32, #tpu.memory_space<vmem>>, vector<16xi32>,
        %get3A_371 = arith.index_cast %sub3A_353 : i32 to index
        %get3A_372 = arith.constant 16 : index
        %get3A_373 = tpu.vector_load %arg6[%get3A_371, %get3A_372] {strides = array<i32>} : memref<126x96xi32, #tpu.memory_space<vmem>>, vector<16xi32>,
        %and3A_374 = arith.constant 16383 : i32
        %and3A_375 = vector.broadcast %and3A_374 : i32 to vector<16xi32>
        %and3A_376 = arith.andi %get3A_373, %and3A_375 : vector<16xi32>
        %swap3A_377 = arith.constant 2 : i32
        %swap3A_378 = arith.index_cast %swap3A_377 : i32 to index
        %swap3A_379 = arith.constant 16 : index
        %swap3A_380 = tpu.vector_load %arg7[%swap3A_378, %swap3A_379] {strides = array<i32>} : memref<3x96xi32, #tpu.memory_space<vmem>>, vector<16xi32>,
        tpu.vector_store %arg7[%swap3A_378, %swap3A_379], %and3A_376 {strides = array<i32>} : memref<3x96xi32, #tpu.memory_space<vmem>>, vector<16xi32>,
        %shift_right_logical3A_381 = arith.constant 14 : i32
        %shift_right_logical3A_382 = vector.broadcast %shift_right_logical3A_381 : i32 to vector<16xi32>
        %shift_right_logical3A_383 = arith.shrui %get3A_373, %shift_right_logical3A_382 : vector<16xi32>
        %swap3A_384 = arith.constant 2 : i32
        %swap3A_385 = arith.index_cast %swap3A_384 : i32 to index
        %swap3A_386 = arith.constant 16 : index
        %swap3A_387 = tpu.vector_load %arg8[%swap3A_385, %swap3A_386] {strides = array<i32>} : memref<3x96xi32, #tpu.memory_space<vmem>>, vector<16xi32>,
        tpu.vector_store %arg8[%swap3A_385, %swap3A_386], %shift_right_logical3A_383 {strides = array<i32>} : memref<3x96xi32, #tpu.memory_space<vmem>>, vector<16xi32>,
        %get3A_388 = arith.index_cast %sub3A_353 : i32 to index
        %get3A_389 = arith.constant 32 : index
        %get3A_390 = tpu.vector_load %arg6[%get3A_388, %get3A_389] {strides = array<i32>} : memref<126x96xi32, #tpu.memory_space<vmem>>, vector<16xi32>,
        %and3A_391 = arith.constant 16383 : i32
        %and3A_392 = vector.broadcast %and3A_391 : i32 to vector<16xi32>
        %and3A_393 = arith.andi %get3A_390, %and3A_392 : vector<16xi32>
        %swap3A_394 = arith.constant 2 : i32
        %swap3A_395 = arith.index_cast %swap3A_394 : i32 to index
        %swap3A_396 = arith.constant 32 : index
        %swap3A_397 = tpu.vector_load %arg7[%swap3A_395, %swap3A_396] {strides = array<i32>} : memref<3x96xi32, #tpu.memory_space<vmem>>, vector<16xi32>,
        tpu.vector_store %arg7[%swap3A_395, %swap3A_396], %and3A_393 {strides = array<i32>} : memref<3x96xi32, #tpu.memory_space<vmem>>, vector<16xi32>,
        %shift_right_logical3A_398 = arith.constant 14 : i32
        %shift_right_logical3A_399 = vector.broadcast %shift_right_logical3A_398 : i32 to vector<16xi32>
        %shift_right_logical3A_400 = arith.shrui %get3A_390, %shift_right_logical3A_399 : vector<16xi32>
        %swap3A_401 = arith.constant 2 : i32
        %swap3A_402 = arith.index_cast %swap3A_401 : i32 to index
        %swap3A_403 = arith.constant 32 : index
        %swap3A_404 = tpu.vector_load %arg8[%swap3A_402, %swap3A_403] {strides = array<i32>} : memref<3x96xi32, #tpu.memory_space<vmem>>, vector<16xi32>,
        tpu.vector_store %arg8[%swap3A_402, %swap3A_403], %shift_right_logical3A_400 {strides = array<i32>} : memref<3x96xi32, #tpu.memory_space<vmem>>, vector<16xi32>,
        %get3A_405 = arith.index_cast %sub3A_353 : i32 to index
        %get3A_406 = arith.constant 48 : index
        %get3A_407 = tpu.vector_load %arg6[%get3A_405, %get3A_406] {strides = array<i32>} : memref<126x96xi32, #tpu.memory_space<vmem>>, vector<16xi32>,
        %and3A_408 = arith.constant 16383 : i32
        %and3A_409 = vector.broadcast %and3A_408 : i32 to vector<16xi32>
        %and3A_410 = arith.andi %get3A_407, %and3A_409 : vector<16xi32>
        %swap3A_411 = arith.constant 2 : i32
        %swap3A_412 = arith.index_cast %swap3A_411 : i32 to index
        %swap3A_413 = arith.constant 48 : index
        %swap3A_414 = tpu.vector_load %arg7[%swap3A_412, %swap3A_413] {strides = array<i32>} : memref<3x96xi32, #tpu.memory_space<vmem>>, vector<16xi32>,
        tpu.vector_store %arg7[%swap3A_412, %swap3A_413], %and3A_410 {strides = array<i32>} : memref<3x96xi32, #tpu.memory_space<vmem>>, vector<16xi32>,
        %shift_right_logical3A_415 = arith.constant 14 : i32
        %shift_right_logical3A_416 = vector.broadcast %shift_right_logical3A_415 : i32 to vector<16xi32>
        %shift_right_logical3A_417 = arith.shrui %get3A_407, %shift_right_logical3A_416 : vector<16xi32>
        %swap3A_418 = arith.constant 2 : i32
        %swap3A_419 = arith.index_cast %swap3A_418 : i32 to index
        %swap3A_420 = arith.constant 48 : index
        %swap3A_421 = tpu.vector_load %arg8[%swap3A_419, %swap3A_420] {strides = array<i32>} : memref<3x96xi32, #tpu.memory_space<vmem>>, vector<16xi32>,
        tpu.vector_store %arg8[%swap3A_419, %swap3A_420], %shift_right_logical3A_417 {strides = array<i32>} : memref<3x96xi32, #tpu.memory_space<vmem>>, vector<16xi32>,
        %get3A_422 = arith.index_cast %sub3A_353 : i32 to index
        %get3A_423 = arith.constant 64 : index
        %get3A_424 = tpu.vector_load %arg6[%get3A_422, %get3A_423] {strides = array<i32>} : memref<126x96xi32, #tpu.memory_space<vmem>>, vector<16xi32>,
        %and3A_425 = arith.constant 16383 : i32
        %and3A_426 = vector.broadcast %and3A_425 : i32 to vector<16xi32>
        %and3A_427 = arith.andi %get3A_424, %and3A_426 : vector<16xi32>
        %swap3A_428 = arith.constant 2 : i32
        %swap3A_429 = arith.index_cast %swap3A_428 : i32 to index
        %swap3A_430 = arith.constant 64 : index
        %swap3A_431 = tpu.vector_load %arg7[%swap3A_429, %swap3A_430] {strides = array<i32>} : memref<3x96xi32, #tpu.memory_space<vmem>>, vector<16xi32>,
        tpu.vector_store %arg7[%swap3A_429, %swap3A_430], %and3A_427 {strides = array<i32>} : memref<3x96xi32, #tpu.memory_space<vmem>>, vector<16xi32>,
        %shift_right_logical3A_432 = arith.constant 14 : i32
        %shift_right_logical3A_433 = vector.broadcast %shift_right_logical3A_432 : i32 to vector<16xi32>
        %shift_right_logical3A_434 = arith.shrui %get3A_424, %shift_right_logical3A_433 : vector<16xi32>
        %swap3A_435 = arith.constant 2 : i32
        %swap3A_436 = arith.index_cast %swap3A_435 : i32 to index
        %swap3A_437 = arith.constant 64 : index
        %swap3A_438 = tpu.vector_load %arg8[%swap3A_436, %swap3A_437] {strides = array<i32>} : memref<3x96xi32, #tpu.memory_space<vmem>>, vector<16xi32>,
        tpu.vector_store %arg8[%swap3A_436, %swap3A_437], %shift_right_logical3A_434 {strides = array<i32>} : memref<3x96xi32, #tpu.memory_space<vmem>>, vector<16xi32>,
        %get3A_439 = arith.index_cast %sub3A_353 : i32 to index
        %get3A_440 = arith.constant 80 : index
        %get3A_441 = tpu.vector_load %arg6[%get3A_439, %get3A_440] {strides = array<i32>} : memref<126x96xi32, #tpu.memory_space<vmem>>, vector<16xi32>,
        %and3A_442 = arith.constant 16383 : i32
        %and3A_443 = vector.broadcast %and3A_442 : i32 to vector<16xi32>
        %and3A_444 = arith.andi %get3A_441, %and3A_443 : vector<16xi32>
        %swap3A_445 = arith.constant 2 : i32
        %swap3A_446 = arith.index_cast %swap3A_445 : i32 to index
        %swap3A_447 = arith.constant 80 : index
        %swap3A_448 = tpu.vector_load %arg7[%swap3A_446, %swap3A_447] {strides = array<i32>} : memref<3x96xi32, #tpu.memory_space<vmem>>, vector<16xi32>,
        tpu.vector_store %arg7[%swap3A_446, %swap3A_447], %and3A_444 {strides = array<i32>} : memref<3x96xi32, #tpu.memory_space<vmem>>, vector<16xi32>,
        %shift_right_logical3A_449 = arith.constant 14 : i32
        %shift_right_logical3A_450 = vector.broadcast %shift_right_logical3A_449 : i32 to vector<16xi32>
        %shift_right_logical3A_451 = arith.shrui %get3A_441, %shift_right_logical3A_450 : vector<16xi32>
        %swap3A_452 = arith.constant 2 : i32
        %swap3A_453 = arith.index_cast %swap3A_452 : i32 to index
        %swap3A_454 = arith.constant 80 : index
        %swap3A_455 = tpu.vector_load %arg8[%swap3A_453, %swap3A_454] {strides = array<i32>} : memref<3x96xi32, #tpu.memory_space<vmem>>, vector<16xi32>,
        tpu.vector_store %arg8[%swap3A_453, %swap3A_454], %shift_right_logical3A_451 {strides = array<i32>} : memref<3x96xi32, #tpu.memory_space<vmem>>, vector<16xi32>,
        %add3A_456 = arith.constant 3 : i32
        %add3A_457 = arith.addi %add3A_286, %add3A_456 : i32
        %sub3A_458 = arith.constant 1 : i32
        %sub3A_459 = arith.subi %add3A_457, %sub3A_458 : i32
        %dma_start3A_460 = arith.constant 2 : i32
        %dma_start3A_461 = arith.constant 2 : i32
        %dma_start3A_462 = arith.constant 0 : i32
        %dma_start3A_463 = tpu.memref_slice %arg7[%dma_start3A_460, %dma_start3A_462] : memref<3x96xi32, #tpu.memory_space<vmem>> -> memref<1x96xi32, #tpu.memory_space<vmem>>
        %dma_start3A_464 = tpu.memref_squeeze %dma_start3A_463 : memref<1x96xi32, #tpu.memory_space<vmem>> -> memref<96xi32, #tpu.memory_space<vmem>>
        %dma_start3A_465 = arith.constant 0 : i32
        %dma_start3A_466 = arith.constant 0 : i32
        %dma_start3A_467 = tpu.memref_slice %arg2[%dma_start3A_465, %dma_start3A_466] : memref<10000x128xf32, #tpu.memory_space<hbm>> -> memref<10000x128xf32, #tpu.memory_space<hbm>>
        %dma_start3A_468 = tpu.memref_slice %arg12[%dma_start3A_461] : memref<3x!tpu.dma_semaphore, #tpu.memory_space<semaphore_mem>> -> memref<1x!tpu.dma_semaphore, #tpu.memory_space<semaphore_mem>>
        %dma_start3A_469 = tpu.memref_squeeze %dma_start3A_468 : memref<1x!tpu.dma_semaphore, #tpu.memory_space<semaphore_mem>> -> memref<!tpu.dma_semaphore, #tpu.memory_space<semaphore_mem>>
        tpu.enqueue_indirect_dma source(%dma_start3A_467 : memref<10000x128xf32, #tpu.memory_space<hbm>>) target(%arg11 : memref<96x128xf32, #tpu.memory_space<vmem>>) offsets(%dma_start3A_464 : memref<96xi32, #tpu.memory_space<vmem>>) semaphore(%dma_start3A_469 : memref<!tpu.dma_semaphore, #tpu.memory_space<semaphore_mem>>)
      } else {
      }
      %dma_wait3A = arith.constant 0 : i32
      %dma_wait3A_294 = arith.constant 0 : i32
      %dma_wait3A_295 = arith.constant 0 : i32
      %dma_wait3A_296 = tpu.memref_slice %arg7[%dma_wait3A, %dma_wait3A_295] : memref<3x96xi32, #tpu.memory_space<vmem>> -> memref<1x96xi32, #tpu.memory_space<vmem>>
      %dma_wait3A_297 = tpu.memref_squeeze %dma_wait3A_296 : memref<1x96xi32, #tpu.memory_space<vmem>> -> memref<96xi32, #tpu.memory_space<vmem>>
      %dma_wait3A_298 = arith.constant 0 : i32
      %dma_wait3A_299 = arith.constant 0 : i32
      %dma_wait3A_300 = tpu.memref_slice %arg2[%dma_wait3A_298, %dma_wait3A_299] : memref<10000x128xf32, #tpu.memory_space<hbm>> -> memref<10000x128xf32, #tpu.memory_space<hbm>>
      %dma_wait3A_301 = tpu.memref_slice %arg12[%dma_wait3A_294] : memref<3x!tpu.dma_semaphore, #tpu.memory_space<semaphore_mem>> -> memref<1x!tpu.dma_semaphore, #tpu.memory_space<semaphore_mem>>
      %dma_wait3A_302 = tpu.memref_squeeze %dma_wait3A_301 : memref<1x!tpu.dma_semaphore, #tpu.memory_space<semaphore_mem>> -> memref<!tpu.dma_semaphore, #tpu.memory_space<semaphore_mem>>
      tpu.wait_indirect_dma semaphore(%dma_wait3A_302 : memref<!tpu.dma_semaphore, #tpu.memory_space<semaphore_mem>>) src(%dma_wait3A_300 : memref<10000x128xf32, #tpu.memory_space<hbm>>) dst(%arg9 : memref<96x128xf32, #tpu.memory_space<vmem>>)
      %run_scoped3A = arith.constant 0 : i32
      "tpu.region"() ({
        %run_scoped3A_350 = tpu.sem_alloc : memref<!tpu.dma_semaphore, #tpu.memory_space<semaphore_mem>>
        %dma_start3A_351 = arith.constant 0 : i32
        %dma_start3A_352 = tpu.memref_slice %arg8[%run_scoped3A, %dma_start3A_351] : memref<3x96xi32, #tpu.memory_space<vmem>> -> memref<1x96xi32, #tpu.memory_space<vmem>>
        %dma_start3A_353 = tpu.memref_squeeze %dma_start3A_352 : memref<1x96xi32, #tpu.memory_space<vmem>> -> memref<96xi32, #tpu.memory_space<vmem>>
        %dma_start3A_354 = arith.constant 0 : i32
        %dma_start3A_355 = arith.constant 0 : i32
        %dma_start3A_356 = tpu.memref_slice %arg5[%dma_start3A_354, %dma_start3A_355] : memref<10016x128xf32, #tpu.memory_space<vmem_shared>> -> memref<10016x128xf32, #tpu.memory_space<vmem_shared>>
        tpu.enqueue_indirect_dma source(%arg9 : memref<96x128xf32, #tpu.memory_space<vmem>>) target(%dma_start3A_356 : memref<10016x128xf32, #tpu.memory_space<vmem_shared>>) offsets(%dma_start3A_353 : memref<96xi32, #tpu.memory_space<vmem>>) semaphore(%run_scoped3A_350 : memref<!tpu.dma_semaphore, #tpu.memory_space<semaphore_mem>>) {add = true}
        %dma_wait3A_357 = arith.constant 0 : i32
        %dma_wait3A_358 = tpu.memref_slice %arg8[%run_scoped3A, %dma_wait3A_357] : memref<3x96xi32, #tpu.memory_space<vmem>> -> memref<1x96xi32, #tpu.memory_space<vmem>>
        %dma_wait3A_359 = tpu.memref_squeeze %dma_wait3A_358 : memref<1x96xi32, #tpu.memory_space<vmem>> -> memref<96xi32, #tpu.memory_space<vmem>>
        %dma_wait3A_360 = arith.constant 0 : i32
        %dma_wait3A_361 = arith.constant 0 : i32
        %dma_wait3A_362 = tpu.memref_slice %arg5[%dma_wait3A_360, %dma_wait3A_361] : memref<10016x128xf32, #tpu.memory_space<vmem_shared>> -> memref<10016x128xf32, #tpu.memory_space<vmem_shared>>
        tpu.wait_indirect_dma semaphore(%run_scoped3A_350 : memref<!tpu.dma_semaphore, #tpu.memory_space<semaphore_mem>>) src(%arg9 : memref<96x128xf32, #tpu.memory_space<vmem>>) dst(%dma_wait3A_362 : memref<10016x128xf32, #tpu.memory_space<vmem_shared>>)
        tpu.yield
      }) : () -> ()
      %mul3A_303 = arith.constant 3 : i32
      %mul3A_304 = arith.muli %while3A_281, %mul3A_303 : i32
      %add3A_305 = arith.constant 1 : i32
      %add3A_306 = arith.addi %mul3A_304, %add3A_305 : i32
      %add3A_307 = arith.constant 3 : i32
      %add3A_308 = arith.addi %add3A_306, %add3A_307 : i32
      %sub3A_309 = arith.constant 1 : i32
      %sub3A_310 = arith.subi %add3A_308, %sub3A_309 : i32
      %lt3A_311 = arith.cmpi slt, %sub3A_310, %select_n3A_3 : i32
      %convert_element_type3A_312 = arith.extui %lt3A_311 : i1 to i32
      %cond3A_313 = arith.constant 0 : i32
      %cond3A_314 = arith.cmpi ne, %convert_element_type3A_312, %cond3A_313 : i32
      scf.if %cond3A_314 {
        %add3A_350 = arith.constant 3 : i32
        %add3A_351 = arith.addi %add3A_306, %add3A_350 : i32
        %sub3A_352 = arith.constant 1 : i32
        %sub3A_353 = arith.subi %add3A_351, %sub3A_352 : i32
        %get3A_354 = arith.index_cast %sub3A_353 : i32 to index
        %get3A_355 = arith.constant 0 : index
        %get3A_356 = tpu.vector_load %arg6[%get3A_354, %get3A_355] {strides = array<i32>} : memref<126x96xi32, #tpu.memory_space<vmem>>, vector<16xi32>,
        %and3A_357 = arith.constant 16383 : i32
        %and3A_358 = vector.broadcast %and3A_357 : i32 to vector<16xi32>
        %and3A_359 = arith.andi %get3A_356, %and3A_358 : vector<16xi32>
        %swap3A_360 = arith.constant 0 : i32
        %swap3A_361 = arith.index_cast %swap3A_360 : i32 to index
        %swap3A_362 = arith.constant 0 : index
        %swap3A_363 = tpu.vector_load %arg7[%swap3A_361, %swap3A_362] {strides = array<i32>} : memref<3x96xi32, #tpu.memory_space<vmem>>, vector<16xi32>,
        tpu.vector_store %arg7[%swap3A_361, %swap3A_362], %and3A_359 {strides = array<i32>} : memref<3x96xi32, #tpu.memory_space<vmem>>, vector<16xi32>,
        %shift_right_logical3A_364 = arith.constant 14 : i32
        %shift_right_logical3A_365 = vector.broadcast %shift_right_logical3A_364 : i32 to vector<16xi32>
        %shift_right_logical3A_366 = arith.shrui %get3A_356, %shift_right_logical3A_365 : vector<16xi32>
        %swap3A_367 = arith.constant 0 : i32
        %swap3A_368 = arith.index_cast %swap3A_367 : i32 to index
        %swap3A_369 = arith.constant 0 : index
        %swap3A_370 = tpu.vector_load %arg8[%swap3A_368, %swap3A_369] {strides = array<i32>} : memref<3x96xi32, #tpu.memory_space<vmem>>, vector<16xi32>,
        tpu.vector_store %arg8[%swap3A_368, %swap3A_369], %shift_right_logical3A_366 {strides = array<i32>} : memref<3x96xi32, #tpu.memory_space<vmem>>, vector<16xi32>,
        %get3A_371 = arith.index_cast %sub3A_353 : i32 to index
        %get3A_372 = arith.constant 16 : index
        %get3A_373 = tpu.vector_load %arg6[%get3A_371, %get3A_372] {strides = array<i32>} : memref<126x96xi32, #tpu.memory_space<vmem>>, vector<16xi32>,
        %and3A_374 = arith.constant 16383 : i32
        %and3A_375 = vector.broadcast %and3A_374 : i32 to vector<16xi32>
        %and3A_376 = arith.andi %get3A_373, %and3A_375 : vector<16xi32>
        %swap3A_377 = arith.constant 0 : i32
        %swap3A_378 = arith.index_cast %swap3A_377 : i32 to index
        %swap3A_379 = arith.constant 16 : index
        %swap3A_380 = tpu.vector_load %arg7[%swap3A_378, %swap3A_379] {strides = array<i32>} : memref<3x96xi32, #tpu.memory_space<vmem>>, vector<16xi32>,
        tpu.vector_store %arg7[%swap3A_378, %swap3A_379], %and3A_376 {strides = array<i32>} : memref<3x96xi32, #tpu.memory_space<vmem>>, vector<16xi32>,
        %shift_right_logical3A_381 = arith.constant 14 : i32
        %shift_right_logical3A_382 = vector.broadcast %shift_right_logical3A_381 : i32 to vector<16xi32>
        %shift_right_logical3A_383 = arith.shrui %get3A_373, %shift_right_logical3A_382 : vector<16xi32>
        %swap3A_384 = arith.constant 0 : i32
        %swap3A_385 = arith.index_cast %swap3A_384 : i32 to index
        %swap3A_386 = arith.constant 16 : index
        %swap3A_387 = tpu.vector_load %arg8[%swap3A_385, %swap3A_386] {strides = array<i32>} : memref<3x96xi32, #tpu.memory_space<vmem>>, vector<16xi32>,
        tpu.vector_store %arg8[%swap3A_385, %swap3A_386], %shift_right_logical3A_383 {strides = array<i32>} : memref<3x96xi32, #tpu.memory_space<vmem>>, vector<16xi32>,
        %get3A_388 = arith.index_cast %sub3A_353 : i32 to index
        %get3A_389 = arith.constant 32 : index
        %get3A_390 = tpu.vector_load %arg6[%get3A_388, %get3A_389] {strides = array<i32>} : memref<126x96xi32, #tpu.memory_space<vmem>>, vector<16xi32>,
        %and3A_391 = arith.constant 16383 : i32
        %and3A_392 = vector.broadcast %and3A_391 : i32 to vector<16xi32>
        %and3A_393 = arith.andi %get3A_390, %and3A_392 : vector<16xi32>
        %swap3A_394 = arith.constant 0 : i32
        %swap3A_395 = arith.index_cast %swap3A_394 : i32 to index
        %swap3A_396 = arith.constant 32 : index
        %swap3A_397 = tpu.vector_load %arg7[%swap3A_395, %swap3A_396] {strides = array<i32>} : memref<3x96xi32, #tpu.memory_space<vmem>>, vector<16xi32>,
        tpu.vector_store %arg7[%swap3A_395, %swap3A_396], %and3A_393 {strides = array<i32>} : memref<3x96xi32, #tpu.memory_space<vmem>>, vector<16xi32>,
        %shift_right_logical3A_398 = arith.constant 14 : i32
        %shift_right_logical3A_399 = vector.broadcast %shift_right_logical3A_398 : i32 to vector<16xi32>
        %shift_right_logical3A_400 = arith.shrui %get3A_390, %shift_right_logical3A_399 : vector<16xi32>
        %swap3A_401 = arith.constant 0 : i32
        %swap3A_402 = arith.index_cast %swap3A_401 : i32 to index
        %swap3A_403 = arith.constant 32 : index
        %swap3A_404 = tpu.vector_load %arg8[%swap3A_402, %swap3A_403] {strides = array<i32>} : memref<3x96xi32, #tpu.memory_space<vmem>>, vector<16xi32>,
        tpu.vector_store %arg8[%swap3A_402, %swap3A_403], %shift_right_logical3A_400 {strides = array<i32>} : memref<3x96xi32, #tpu.memory_space<vmem>>, vector<16xi32>,
        %get3A_405 = arith.index_cast %sub3A_353 : i32 to index
        %get3A_406 = arith.constant 48 : index
        %get3A_407 = tpu.vector_load %arg6[%get3A_405, %get3A_406] {strides = array<i32>} : memref<126x96xi32, #tpu.memory_space<vmem>>, vector<16xi32>,
        %and3A_408 = arith.constant 16383 : i32
        %and3A_409 = vector.broadcast %and3A_408 : i32 to vector<16xi32>
        %and3A_410 = arith.andi %get3A_407, %and3A_409 : vector<16xi32>
        %swap3A_411 = arith.constant 0 : i32
        %swap3A_412 = arith.index_cast %swap3A_411 : i32 to index
        %swap3A_413 = arith.constant 48 : index
        %swap3A_414 = tpu.vector_load %arg7[%swap3A_412, %swap3A_413] {strides = array<i32>} : memref<3x96xi32, #tpu.memory_space<vmem>>, vector<16xi32>,
        tpu.vector_store %arg7[%swap3A_412, %swap3A_413], %and3A_410 {strides = array<i32>} : memref<3x96xi32, #tpu.memory_space<vmem>>, vector<16xi32>,
        %shift_right_logical3A_415 = arith.constant 14 : i32
        %shift_right_logical3A_416 = vector.broadcast %shift_right_logical3A_415 : i32 to vector<16xi32>
        %shift_right_logical3A_417 = arith.shrui %get3A_407, %shift_right_logical3A_416 : vector<16xi32>
        %swap3A_418 = arith.constant 0 : i32
        %swap3A_419 = arith.index_cast %swap3A_418 : i32 to index
        %swap3A_420 = arith.constant 48 : index
        %swap3A_421 = tpu.vector_load %arg8[%swap3A_419, %swap3A_420] {strides = array<i32>} : memref<3x96xi32, #tpu.memory_space<vmem>>, vector<16xi32>,
        tpu.vector_store %arg8[%swap3A_419, %swap3A_420], %shift_right_logical3A_417 {strides = array<i32>} : memref<3x96xi32, #tpu.memory_space<vmem>>, vector<16xi32>,
        %get3A_422 = arith.index_cast %sub3A_353 : i32 to index
        %get3A_423 = arith.constant 64 : index
        %get3A_424 = tpu.vector_load %arg6[%get3A_422, %get3A_423] {strides = array<i32>} : memref<126x96xi32, #tpu.memory_space<vmem>>, vector<16xi32>,
        %and3A_425 = arith.constant 16383 : i32
        %and3A_426 = vector.broadcast %and3A_425 : i32 to vector<16xi32>
        %and3A_427 = arith.andi %get3A_424, %and3A_426 : vector<16xi32>
        %swap3A_428 = arith.constant 0 : i32
        %swap3A_429 = arith.index_cast %swap3A_428 : i32 to index
        %swap3A_430 = arith.constant 64 : index
        %swap3A_431 = tpu.vector_load %arg7[%swap3A_429, %swap3A_430] {strides = array<i32>} : memref<3x96xi32, #tpu.memory_space<vmem>>, vector<16xi32>,
        tpu.vector_store %arg7[%swap3A_429, %swap3A_430], %and3A_427 {strides = array<i32>} : memref<3x96xi32, #tpu.memory_space<vmem>>, vector<16xi32>,
        %shift_right_logical3A_432 = arith.constant 14 : i32
        %shift_right_logical3A_433 = vector.broadcast %shift_right_logical3A_432 : i32 to vector<16xi32>
        %shift_right_logical3A_434 = arith.shrui %get3A_424, %shift_right_logical3A_433 : vector<16xi32>
        %swap3A_435 = arith.constant 0 : i32
        %swap3A_436 = arith.index_cast %swap3A_435 : i32 to index
        %swap3A_437 = arith.constant 64 : index
        %swap3A_438 = tpu.vector_load %arg8[%swap3A_436, %swap3A_437] {strides = array<i32>} : memref<3x96xi32, #tpu.memory_space<vmem>>, vector<16xi32>,
        tpu.vector_store %arg8[%swap3A_436, %swap3A_437], %shift_right_logical3A_434 {strides = array<i32>} : memref<3x96xi32, #tpu.memory_space<vmem>>, vector<16xi32>,
        %get3A_439 = arith.index_cast %sub3A_353 : i32 to index
        %get3A_440 = arith.constant 80 : index
        %get3A_441 = tpu.vector_load %arg6[%get3A_439, %get3A_440] {strides = array<i32>} : memref<126x96xi32, #tpu.memory_space<vmem>>, vector<16xi32>,
        %and3A_442 = arith.constant 16383 : i32
        %and3A_443 = vector.broadcast %and3A_442 : i32 to vector<16xi32>
        %and3A_444 = arith.andi %get3A_441, %and3A_443 : vector<16xi32>
        %swap3A_445 = arith.constant 0 : i32
        %swap3A_446 = arith.index_cast %swap3A_445 : i32 to index
        %swap3A_447 = arith.constant 80 : index
        %swap3A_448 = tpu.vector_load %arg7[%swap3A_446, %swap3A_447] {strides = array<i32>} : memref<3x96xi32, #tpu.memory_space<vmem>>, vector<16xi32>,
        tpu.vector_store %arg7[%swap3A_446, %swap3A_447], %and3A_444 {strides = array<i32>} : memref<3x96xi32, #tpu.memory_space<vmem>>, vector<16xi32>,
        %shift_right_logical3A_449 = arith.constant 14 : i32
        %shift_right_logical3A_450 = vector.broadcast %shift_right_logical3A_449 : i32 to vector<16xi32>
        %shift_right_logical3A_451 = arith.shrui %get3A_441, %shift_right_logical3A_450 : vector<16xi32>
        %swap3A_452 = arith.constant 0 : i32
        %swap3A_453 = arith.index_cast %swap3A_452 : i32 to index
        %swap3A_454 = arith.constant 80 : index
        %swap3A_455 = tpu.vector_load %arg8[%swap3A_453, %swap3A_454] {strides = array<i32>} : memref<3x96xi32, #tpu.memory_space<vmem>>, vector<16xi32>,
        tpu.vector_store %arg8[%swap3A_453, %swap3A_454], %shift_right_logical3A_451 {strides = array<i32>} : memref<3x96xi32, #tpu.memory_space<vmem>>, vector<16xi32>,
        %add3A_456 = arith.constant 3 : i32
        %add3A_457 = arith.addi %add3A_306, %add3A_456 : i32
        %sub3A_458 = arith.constant 1 : i32
        %sub3A_459 = arith.subi %add3A_457, %sub3A_458 : i32
        %dma_start3A_460 = arith.constant 0 : i32
        %dma_start3A_461 = arith.constant 0 : i32
        %dma_start3A_462 = arith.constant 0 : i32
        %dma_start3A_463 = tpu.memref_slice %arg7[%dma_start3A_460, %dma_start3A_462] : memref<3x96xi32, #tpu.memory_space<vmem>> -> memref<1x96xi32, #tpu.memory_space<vmem>>
        %dma_start3A_464 = tpu.memref_squeeze %dma_start3A_463 : memref<1x96xi32, #tpu.memory_space<vmem>> -> memref<96xi32, #tpu.memory_space<vmem>>
        %dma_start3A_465 = arith.constant 0 : i32
        %dma_start3A_466 = arith.constant 0 : i32
        %dma_start3A_467 = tpu.memref_slice %arg2[%dma_start3A_465, %dma_start3A_466] : memref<10000x128xf32, #tpu.memory_space<hbm>> -> memref<10000x128xf32, #tpu.memory_space<hbm>>
        %dma_start3A_468 = tpu.memref_slice %arg12[%dma_start3A_461] : memref<3x!tpu.dma_semaphore, #tpu.memory_space<semaphore_mem>> -> memref<1x!tpu.dma_semaphore, #tpu.memory_space<semaphore_mem>>
        %dma_start3A_469 = tpu.memref_squeeze %dma_start3A_468 : memref<1x!tpu.dma_semaphore, #tpu.memory_space<semaphore_mem>> -> memref<!tpu.dma_semaphore, #tpu.memory_space<semaphore_mem>>
        tpu.enqueue_indirect_dma source(%dma_start3A_467 : memref<10000x128xf32, #tpu.memory_space<hbm>>) target(%arg9 : memref<96x128xf32, #tpu.memory_space<vmem>>) offsets(%dma_start3A_464 : memref<96xi32, #tpu.memory_space<vmem>>) semaphore(%dma_start3A_469 : memref<!tpu.dma_semaphore, #tpu.memory_space<semaphore_mem>>)
      } else {
      }
      %dma_wait3A_315 = arith.constant 1 : i32
      %dma_wait3A_316 = arith.constant 1 : i32
      %dma_wait3A_317 = arith.constant 0 : i32
      %dma_wait3A_318 = tpu.memref_slice %arg7[%dma_wait3A_315, %dma_wait3A_317] : memref<3x96xi32, #tpu.memory_space<vmem>> -> memref<1x96xi32, #tpu.memory_space<vmem>>
      %dma_wait3A_319 = tpu.memref_squeeze %dma_wait3A_318 : memref<1x96xi32, #tpu.memory_space<vmem>> -> memref<96xi32, #tpu.memory_space<vmem>>
      %dma_wait3A_320 = arith.constant 0 : i32
      %dma_wait3A_321 = arith.constant 0 : i32
      %dma_wait3A_322 = tpu.memref_slice %arg2[%dma_wait3A_320, %dma_wait3A_321] : memref<10000x128xf32, #tpu.memory_space<hbm>> -> memref<10000x128xf32, #tpu.memory_space<hbm>>
      %dma_wait3A_323 = tpu.memref_slice %arg12[%dma_wait3A_316] : memref<3x!tpu.dma_semaphore, #tpu.memory_space<semaphore_mem>> -> memref<1x!tpu.dma_semaphore, #tpu.memory_space<semaphore_mem>>
      %dma_wait3A_324 = tpu.memref_squeeze %dma_wait3A_323 : memref<1x!tpu.dma_semaphore, #tpu.memory_space<semaphore_mem>> -> memref<!tpu.dma_semaphore, #tpu.memory_space<semaphore_mem>>
      tpu.wait_indirect_dma semaphore(%dma_wait3A_324 : memref<!tpu.dma_semaphore, #tpu.memory_space<semaphore_mem>>) src(%dma_wait3A_322 : memref<10000x128xf32, #tpu.memory_space<hbm>>) dst(%arg10 : memref<96x128xf32, #tpu.memory_space<vmem>>)
      %run_scoped3A_325 = arith.constant 1 : i32
      "tpu.region"() ({
        %run_scoped3A_350 = tpu.sem_alloc : memref<!tpu.dma_semaphore, #tpu.memory_space<semaphore_mem>>
        %dma_start3A_351 = arith.constant 0 : i32
        %dma_start3A_352 = tpu.memref_slice %arg8[%run_scoped3A_325, %dma_start3A_351] : memref<3x96xi32, #tpu.memory_space<vmem>> -> memref<1x96xi32, #tpu.memory_space<vmem>>
        %dma_start3A_353 = tpu.memref_squeeze %dma_start3A_352 : memref<1x96xi32, #tpu.memory_space<vmem>> -> memref<96xi32, #tpu.memory_space<vmem>>
        %dma_start3A_354 = arith.constant 0 : i32
        %dma_start3A_355 = arith.constant 0 : i32
        %dma_start3A_356 = tpu.memref_slice %arg5[%dma_start3A_354, %dma_start3A_355] : memref<10016x128xf32, #tpu.memory_space<vmem_shared>> -> memref<10016x128xf32, #tpu.memory_space<vmem_shared>>
        tpu.enqueue_indirect_dma source(%arg10 : memref<96x128xf32, #tpu.memory_space<vmem>>) target(%dma_start3A_356 : memref<10016x128xf32, #tpu.memory_space<vmem_shared>>) offsets(%dma_start3A_353 : memref<96xi32, #tpu.memory_space<vmem>>) semaphore(%run_scoped3A_350 : memref<!tpu.dma_semaphore, #tpu.memory_space<semaphore_mem>>) {add = true}
        %dma_wait3A_357 = arith.constant 0 : i32
        %dma_wait3A_358 = tpu.memref_slice %arg8[%run_scoped3A_325, %dma_wait3A_357] : memref<3x96xi32, #tpu.memory_space<vmem>> -> memref<1x96xi32, #tpu.memory_space<vmem>>
        %dma_wait3A_359 = tpu.memref_squeeze %dma_wait3A_358 : memref<1x96xi32, #tpu.memory_space<vmem>> -> memref<96xi32, #tpu.memory_space<vmem>>
        %dma_wait3A_360 = arith.constant 0 : i32
        %dma_wait3A_361 = arith.constant 0 : i32
        %dma_wait3A_362 = tpu.memref_slice %arg5[%dma_wait3A_360, %dma_wait3A_361] : memref<10016x128xf32, #tpu.memory_space<vmem_shared>> -> memref<10016x128xf32, #tpu.memory_space<vmem_shared>>
        tpu.wait_indirect_dma semaphore(%run_scoped3A_350 : memref<!tpu.dma_semaphore, #tpu.memory_space<semaphore_mem>>) src(%arg10 : memref<96x128xf32, #tpu.memory_space<vmem>>) dst(%dma_wait3A_362 : memref<10016x128xf32, #tpu.memory_space<vmem_shared>>)
        tpu.yield
      }) : () -> ()
      %mul3A_326 = arith.constant 3 : i32
      %mul3A_327 = arith.muli %while3A_281, %mul3A_326 : i32
      %add3A_328 = arith.constant 2 : i32
      %add3A_329 = arith.addi %mul3A_327, %add3A_328 : i32
      %add3A_330 = arith.constant 3 : i32
      %add3A_331 = arith.addi %add3A_329, %add3A_330 : i32
      %sub3A_332 = arith.constant 1 : i32
      %sub3A_333 = arith.subi %add3A_331, %sub3A_332 : i32
      %lt3A_334 = arith.cmpi slt, %sub3A_333, %select_n3A_3 : i32
      %convert_element_type3A_335 = arith.extui %lt3A_334 : i1 to i32
      %cond3A_336 = arith.constant 0 : i32
      %cond3A_337 = arith.cmpi ne, %convert_element_type3A_335, %cond3A_336 : i32
      scf.if %cond3A_337 {
        %add3A_350 = arith.constant 3 : i32
        %add3A_351 = arith.addi %add3A_329, %add3A_350 : i32
        %sub3A_352 = arith.constant 1 : i32
        %sub3A_353 = arith.subi %add3A_351, %sub3A_352 : i32
        %get3A_354 = arith.index_cast %sub3A_353 : i32 to index
        %get3A_355 = arith.constant 0 : index
        %get3A_356 = tpu.vector_load %arg6[%get3A_354, %get3A_355] {strides = array<i32>} : memref<126x96xi32, #tpu.memory_space<vmem>>, vector<16xi32>,
        %and3A_357 = arith.constant 16383 : i32
        %and3A_358 = vector.broadcast %and3A_357 : i32 to vector<16xi32>
        %and3A_359 = arith.andi %get3A_356, %and3A_358 : vector<16xi32>
        %swap3A_360 = arith.constant 1 : i32
        %swap3A_361 = arith.index_cast %swap3A_360 : i32 to index
        %swap3A_362 = arith.constant 0 : index
        %swap3A_363 = tpu.vector_load %arg7[%swap3A_361, %swap3A_362] {strides = array<i32>} : memref<3x96xi32, #tpu.memory_space<vmem>>, vector<16xi32>,
        tpu.vector_store %arg7[%swap3A_361, %swap3A_362], %and3A_359 {strides = array<i32>} : memref<3x96xi32, #tpu.memory_space<vmem>>, vector<16xi32>,
        %shift_right_logical3A_364 = arith.constant 14 : i32
        %shift_right_logical3A_365 = vector.broadcast %shift_right_logical3A_364 : i32 to vector<16xi32>
        %shift_right_logical3A_366 = arith.shrui %get3A_356, %shift_right_logical3A_365 : vector<16xi32>
        %swap3A_367 = arith.constant 1 : i32
        %swap3A_368 = arith.index_cast %swap3A_367 : i32 to index
        %swap3A_369 = arith.constant 0 : index
        %swap3A_370 = tpu.vector_load %arg8[%swap3A_368, %swap3A_369] {strides = array<i32>} : memref<3x96xi32, #tpu.memory_space<vmem>>, vector<16xi32>,
        tpu.vector_store %arg8[%swap3A_368, %swap3A_369], %shift_right_logical3A_366 {strides = array<i32>} : memref<3x96xi32, #tpu.memory_space<vmem>>, vector<16xi32>,
        %get3A_371 = arith.index_cast %sub3A_353 : i32 to index
        %get3A_372 = arith.constant 16 : index
        %get3A_373 = tpu.vector_load %arg6[%get3A_371, %get3A_372] {strides = array<i32>} : memref<126x96xi32, #tpu.memory_space<vmem>>, vector<16xi32>,
        %and3A_374 = arith.constant 16383 : i32
        %and3A_375 = vector.broadcast %and3A_374 : i32 to vector<16xi32>
        %and3A_376 = arith.andi %get3A_373, %and3A_375 : vector<16xi32>
        %swap3A_377 = arith.constant 1 : i32
        %swap3A_378 = arith.index_cast %swap3A_377 : i32 to index
        %swap3A_379 = arith.constant 16 : index
        %swap3A_380 = tpu.vector_load %arg7[%swap3A_378, %swap3A_379] {strides = array<i32>} : memref<3x96xi32, #tpu.memory_space<vmem>>, vector<16xi32>,
        tpu.vector_store %arg7[%swap3A_378, %swap3A_379], %and3A_376 {strides = array<i32>} : memref<3x96xi32, #tpu.memory_space<vmem>>, vector<16xi32>,
        %shift_right_logical3A_381 = arith.constant 14 : i32
        %shift_right_logical3A_382 = vector.broadcast %shift_right_logical3A_381 : i32 to vector<16xi32>
        %shift_right_logical3A_383 = arith.shrui %get3A_373, %shift_right_logical3A_382 : vector<16xi32>
        %swap3A_384 = arith.constant 1 : i32
        %swap3A_385 = arith.index_cast %swap3A_384 : i32 to index
        %swap3A_386 = arith.constant 16 : index
        %swap3A_387 = tpu.vector_load %arg8[%swap3A_385, %swap3A_386] {strides = array<i32>} : memref<3x96xi32, #tpu.memory_space<vmem>>, vector<16xi32>,
        tpu.vector_store %arg8[%swap3A_385, %swap3A_386], %shift_right_logical3A_383 {strides = array<i32>} : memref<3x96xi32, #tpu.memory_space<vmem>>, vector<16xi32>,
        %get3A_388 = arith.index_cast %sub3A_353 : i32 to index
        %get3A_389 = arith.constant 32 : index
        %get3A_390 = tpu.vector_load %arg6[%get3A_388, %get3A_389] {strides = array<i32>} : memref<126x96xi32, #tpu.memory_space<vmem>>, vector<16xi32>,
        %and3A_391 = arith.constant 16383 : i32
        %and3A_392 = vector.broadcast %and3A_391 : i32 to vector<16xi32>
        %and3A_393 = arith.andi %get3A_390, %and3A_392 : vector<16xi32>
        %swap3A_394 = arith.constant 1 : i32
        %swap3A_395 = arith.index_cast %swap3A_394 : i32 to index
        %swap3A_396 = arith.constant 32 : index
        %swap3A_397 = tpu.vector_load %arg7[%swap3A_395, %swap3A_396] {strides = array<i32>} : memref<3x96xi32, #tpu.memory_space<vmem>>, vector<16xi32>,
        tpu.vector_store %arg7[%swap3A_395, %swap3A_396], %and3A_393 {strides = array<i32>} : memref<3x96xi32, #tpu.memory_space<vmem>>, vector<16xi32>,
        %shift_right_logical3A_398 = arith.constant 14 : i32
        %shift_right_logical3A_399 = vector.broadcast %shift_right_logical3A_398 : i32 to vector<16xi32>
        %shift_right_logical3A_400 = arith.shrui %get3A_390, %shift_right_logical3A_399 : vector<16xi32>
        %swap3A_401 = arith.constant 1 : i32
        %swap3A_402 = arith.index_cast %swap3A_401 : i32 to index
        %swap3A_403 = arith.constant 32 : index
        %swap3A_404 = tpu.vector_load %arg8[%swap3A_402, %swap3A_403] {strides = array<i32>} : memref<3x96xi32, #tpu.memory_space<vmem>>, vector<16xi32>,
        tpu.vector_store %arg8[%swap3A_402, %swap3A_403], %shift_right_logical3A_400 {strides = array<i32>} : memref<3x96xi32, #tpu.memory_space<vmem>>, vector<16xi32>,
        %get3A_405 = arith.index_cast %sub3A_353 : i32 to index
        %get3A_406 = arith.constant 48 : index
        %get3A_407 = tpu.vector_load %arg6[%get3A_405, %get3A_406] {strides = array<i32>} : memref<126x96xi32, #tpu.memory_space<vmem>>, vector<16xi32>,
        %and3A_408 = arith.constant 16383 : i32
        %and3A_409 = vector.broadcast %and3A_408 : i32 to vector<16xi32>
        %and3A_410 = arith.andi %get3A_407, %and3A_409 : vector<16xi32>
        %swap3A_411 = arith.constant 1 : i32
        %swap3A_412 = arith.index_cast %swap3A_411 : i32 to index
        %swap3A_413 = arith.constant 48 : index
        %swap3A_414 = tpu.vector_load %arg7[%swap3A_412, %swap3A_413] {strides = array<i32>} : memref<3x96xi32, #tpu.memory_space<vmem>>, vector<16xi32>,
        tpu.vector_store %arg7[%swap3A_412, %swap3A_413], %and3A_410 {strides = array<i32>} : memref<3x96xi32, #tpu.memory_space<vmem>>, vector<16xi32>,
        %shift_right_logical3A_415 = arith.constant 14 : i32
        %shift_right_logical3A_416 = vector.broadcast %shift_right_logical3A_415 : i32 to vector<16xi32>
        %shift_right_logical3A_417 = arith.shrui %get3A_407, %shift_right_logical3A_416 : vector<16xi32>
        %swap3A_418 = arith.constant 1 : i32
        %swap3A_419 = arith.index_cast %swap3A_418 : i32 to index
        %swap3A_420 = arith.constant 48 : index
        %swap3A_421 = tpu.vector_load %arg8[%swap3A_419, %swap3A_420] {strides = array<i32>} : memref<3x96xi32, #tpu.memory_space<vmem>>, vector<16xi32>,
        tpu.vector_store %arg8[%swap3A_419, %swap3A_420], %shift_right_logical3A_417 {strides = array<i32>} : memref<3x96xi32, #tpu.memory_space<vmem>>, vector<16xi32>,
        %get3A_422 = arith.index_cast %sub3A_353 : i32 to index
        %get3A_423 = arith.constant 64 : index
        %get3A_424 = tpu.vector_load %arg6[%get3A_422, %get3A_423] {strides = array<i32>} : memref<126x96xi32, #tpu.memory_space<vmem>>, vector<16xi32>,
        %and3A_425 = arith.constant 16383 : i32
        %and3A_426 = vector.broadcast %and3A_425 : i32 to vector<16xi32>
        %and3A_427 = arith.andi %get3A_424, %and3A_426 : vector<16xi32>
        %swap3A_428 = arith.constant 1 : i32
        %swap3A_429 = arith.index_cast %swap3A_428 : i32 to index
        %swap3A_430 = arith.constant 64 : index
        %swap3A_431 = tpu.vector_load %arg7[%swap3A_429, %swap3A_430] {strides = array<i32>} : memref<3x96xi32, #tpu.memory_space<vmem>>, vector<16xi32>,
        tpu.vector_store %arg7[%swap3A_429, %swap3A_430], %and3A_427 {strides = array<i32>} : memref<3x96xi32, #tpu.memory_space<vmem>>, vector<16xi32>,
        %shift_right_logical3A_432 = arith.constant 14 : i32
        %shift_right_logical3A_433 = vector.broadcast %shift_right_logical3A_432 : i32 to vector<16xi32>
        %shift_right_logical3A_434 = arith.shrui %get3A_424, %shift_right_logical3A_433 : vector<16xi32>
        %swap3A_435 = arith.constant 1 : i32
        %swap3A_436 = arith.index_cast %swap3A_435 : i32 to index
        %swap3A_437 = arith.constant 64 : index
        %swap3A_438 = tpu.vector_load %arg8[%swap3A_436, %swap3A_437] {strides = array<i32>} : memref<3x96xi32, #tpu.memory_space<vmem>>, vector<16xi32>,
        tpu.vector_store %arg8[%swap3A_436, %swap3A_437], %shift_right_logical3A_434 {strides = array<i32>} : memref<3x96xi32, #tpu.memory_space<vmem>>, vector<16xi32>,
        %get3A_439 = arith.index_cast %sub3A_353 : i32 to index
        %get3A_440 = arith.constant 80 : index
        %get3A_441 = tpu.vector_load %arg6[%get3A_439, %get3A_440] {strides = array<i32>} : memref<126x96xi32, #tpu.memory_space<vmem>>, vector<16xi32>,
        %and3A_442 = arith.constant 16383 : i32
        %and3A_443 = vector.broadcast %and3A_442 : i32 to vector<16xi32>
        %and3A_444 = arith.andi %get3A_441, %and3A_443 : vector<16xi32>
        %swap3A_445 = arith.constant 1 : i32
        %swap3A_446 = arith.index_cast %swap3A_445 : i32 to index
        %swap3A_447 = arith.constant 80 : index
        %swap3A_448 = tpu.vector_load %arg7[%swap3A_446, %swap3A_447] {strides = array<i32>} : memref<3x96xi32, #tpu.memory_space<vmem>>, vector<16xi32>,
        tpu.vector_store %arg7[%swap3A_446, %swap3A_447], %and3A_444 {strides = array<i32>} : memref<3x96xi32, #tpu.memory_space<vmem>>, vector<16xi32>,
        %shift_right_logical3A_449 = arith.constant 14 : i32
        %shift_right_logical3A_450 = vector.broadcast %shift_right_logical3A_449 : i32 to vector<16xi32>
        %shift_right_logical3A_451 = arith.shrui %get3A_441, %shift_right_logical3A_450 : vector<16xi32>
        %swap3A_452 = arith.constant 1 : i32
        %swap3A_453 = arith.index_cast %swap3A_452 : i32 to index
        %swap3A_454 = arith.constant 80 : index
        %swap3A_455 = tpu.vector_load %arg8[%swap3A_453, %swap3A_454] {strides = array<i32>} : memref<3x96xi32, #tpu.memory_space<vmem>>, vector<16xi32>,
        tpu.vector_store %arg8[%swap3A_453, %swap3A_454], %shift_right_logical3A_451 {strides = array<i32>} : memref<3x96xi32, #tpu.memory_space<vmem>>, vector<16xi32>,
        %add3A_456 = arith.constant 3 : i32
        %add3A_457 = arith.addi %add3A_329, %add3A_456 : i32
        %sub3A_458 = arith.constant 1 : i32
        %sub3A_459 = arith.subi %add3A_457, %sub3A_458 : i32
        %dma_start3A_460 = arith.constant 1 : i32
        %dma_start3A_461 = arith.constant 1 : i32
        %dma_start3A_462 = arith.constant 0 : i32
        %dma_start3A_463 = tpu.memref_slice %arg7[%dma_start3A_460, %dma_start3A_462] : memref<3x96xi32, #tpu.memory_space<vmem>> -> memref<1x96xi32, #tpu.memory_space<vmem>>
        %dma_start3A_464 = tpu.memref_squeeze %dma_start3A_463 : memref<1x96xi32, #tpu.memory_space<vmem>> -> memref<96xi32, #tpu.memory_space<vmem>>
        %dma_start3A_465 = arith.constant 0 : i32
        %dma_start3A_466 = arith.constant 0 : i32
        %dma_start3A_467 = tpu.memref_slice %arg2[%dma_start3A_465, %dma_start3A_466] : memref<10000x128xf32, #tpu.memory_space<hbm>> -> memref<10000x128xf32, #tpu.memory_space<hbm>>
        %dma_start3A_468 = tpu.memref_slice %arg12[%dma_start3A_461] : memref<3x!tpu.dma_semaphore, #tpu.memory_space<semaphore_mem>> -> memref<1x!tpu.dma_semaphore, #tpu.memory_space<semaphore_mem>>
        %dma_start3A_469 = tpu.memref_squeeze %dma_start3A_468 : memref<1x!tpu.dma_semaphore, #tpu.memory_space<semaphore_mem>> -> memref<!tpu.dma_semaphore, #tpu.memory_space<semaphore_mem>>
        tpu.enqueue_indirect_dma source(%dma_start3A_467 : memref<10000x128xf32, #tpu.memory_space<hbm>>) target(%arg10 : memref<96x128xf32, #tpu.memory_space<vmem>>) offsets(%dma_start3A_464 : memref<96xi32, #tpu.memory_space<vmem>>) semaphore(%dma_start3A_469 : memref<!tpu.dma_semaphore, #tpu.memory_space<semaphore_mem>>)
      } else {
      }
      %dma_wait3A_338 = arith.constant 2 : i32
      %dma_wait3A_339 = arith.constant 2 : i32
      %dma_wait3A_340 = arith.constant 0 : i32
      %dma_wait3A_341 = tpu.memref_slice %arg7[%dma_wait3A_338, %dma_wait3A_340] : memref<3x96xi32, #tpu.memory_space<vmem>> -> memref<1x96xi32, #tpu.memory_space<vmem>>
      %dma_wait3A_342 = tpu.memref_squeeze %dma_wait3A_341 : memref<1x96xi32, #tpu.memory_space<vmem>> -> memref<96xi32, #tpu.memory_space<vmem>>
      %dma_wait3A_343 = arith.constant 0 : i32
      %dma_wait3A_344 = arith.constant 0 : i32
      %dma_wait3A_345 = tpu.memref_slice %arg2[%dma_wait3A_343, %dma_wait3A_344] : memref<10000x128xf32, #tpu.memory_space<hbm>> -> memref<10000x128xf32, #tpu.memory_space<hbm>>
      %dma_wait3A_346 = tpu.memref_slice %arg12[%dma_wait3A_339] : memref<3x!tpu.dma_semaphore, #tpu.memory_space<semaphore_mem>> -> memref<1x!tpu.dma_semaphore, #tpu.memory_space<semaphore_mem>>
      %dma_wait3A_347 = tpu.memref_squeeze %dma_wait3A_346 : memref<1x!tpu.dma_semaphore, #tpu.memory_space<semaphore_mem>> -> memref<!tpu.dma_semaphore, #tpu.memory_space<semaphore_mem>>
      tpu.wait_indirect_dma semaphore(%dma_wait3A_347 : memref<!tpu.dma_semaphore, #tpu.memory_space<semaphore_mem>>) src(%dma_wait3A_345 : memref<10000x128xf32, #tpu.memory_space<hbm>>) dst(%arg11 : memref<96x128xf32, #tpu.memory_space<vmem>>)
      %run_scoped3A_348 = arith.constant 2 : i32
      "tpu.region"() ({
        %run_scoped3A_350 = tpu.sem_alloc : memref<!tpu.dma_semaphore, #tpu.memory_space<semaphore_mem>>
        %dma_start3A_351 = arith.constant 0 : i32
        %dma_start3A_352 = tpu.memref_slice %arg8[%run_scoped3A_348, %dma_start3A_351] : memref<3x96xi32, #tpu.memory_space<vmem>> -> memref<1x96xi32, #tpu.memory_space<vmem>>
        %dma_start3A_353 = tpu.memref_squeeze %dma_start3A_352 : memref<1x96xi32, #tpu.memory_space<vmem>> -> memref<96xi32, #tpu.memory_space<vmem>>
        %dma_start3A_354 = arith.constant 0 : i32
        %dma_start3A_355 = arith.constant 0 : i32
        %dma_start3A_356 = tpu.memref_slice %arg5[%dma_start3A_354, %dma_start3A_355] : memref<10016x128xf32, #tpu.memory_space<vmem_shared>> -> memref<10016x128xf32, #tpu.memory_space<vmem_shared>>
        tpu.enqueue_indirect_dma source(%arg11 : memref<96x128xf32, #tpu.memory_space<vmem>>) target(%dma_start3A_356 : memref<10016x128xf32, #tpu.memory_space<vmem_shared>>) offsets(%dma_start3A_353 : memref<96xi32, #tpu.memory_space<vmem>>) semaphore(%run_scoped3A_350 : memref<!tpu.dma_semaphore, #tpu.memory_space<semaphore_mem>>) {add = true}
        %dma_wait3A_357 = arith.constant 0 : i32
        %dma_wait3A_358 = tpu.memref_slice %arg8[%run_scoped3A_348, %dma_wait3A_357] : memref<3x96xi32, #tpu.memory_space<vmem>> -> memref<1x96xi32, #tpu.memory_space<vmem>>
        %dma_wait3A_359 = tpu.memref_squeeze %dma_wait3A_358 : memref<1x96xi32, #tpu.memory_space<vmem>> -> memref<96xi32, #tpu.memory_space<vmem>>
        %dma_wait3A_360 = arith.constant 0 : i32
        %dma_wait3A_361 = arith.constant 0 : i32
        %dma_wait3A_362 = tpu.memref_slice %arg5[%dma_wait3A_360, %dma_wait3A_361] : memref<10016x128xf32, #tpu.memory_space<vmem_shared>> -> memref<10016x128xf32, #tpu.memory_space<vmem_shared>>
        tpu.wait_indirect_dma semaphore(%run_scoped3A_350 : memref<!tpu.dma_semaphore, #tpu.memory_space<semaphore_mem>>) src(%arg11 : memref<96x128xf32, #tpu.memory_space<vmem>>) dst(%dma_wait3A_362 : memref<10016x128xf32, #tpu.memory_space<vmem_shared>>)
        tpu.yield
      }) : () -> ()
      %while3A_349 = arith.constant 0 : i32
      scf.yield %while3A_349 : i32
    }
    %barrier3A_271 = arith.constant 0 : index
    tpu.barrier barrier_id(%barrier3A_271)
    %mul3A_272 = arith.constant 624 : i32
    %mul3A_273 = arith.muli %arg1, %mul3A_272 : i32
    %mul3A_274 = arith.constant 624 : i32
    %mul3A_275 = arith.muli %arg1, %mul3A_274 : i32
    "tpu.region"() ({
      %run_scoped3A = tpu.sem_alloc : memref<!tpu.dma_semaphore, #tpu.memory_space<semaphore_mem>>
      %dma_start3A_281 = arith.constant 0 : i32
      %dma_start3A_282 = tpu.memref_slice %arg4[%arg0, %mul3A_275, %dma_start3A_281] : memref<2x10000x128xf32, #tpu.memory_space<hbm>> -> memref<1x624x128xf32, #tpu.memory_space<hbm>>
      %dma_start3A_283 = tpu.memref_squeeze %dma_start3A_282 : memref<1x624x128xf32, #tpu.memory_space<hbm>> -> memref<624x128xf32, #tpu.memory_space<hbm>>
      %dma_start3A_284 = arith.constant 0 : i32
      %dma_start3A_285 = tpu.memref_slice %arg5[%mul3A_273, %dma_start3A_284] : memref<10016x128xf32, #tpu.memory_space<vmem_shared>> -> memref<624x128xf32, #tpu.memory_space<vmem_shared>>
      tpu.enqueue_dma source(%dma_start3A_285 : memref<624x128xf32, #tpu.memory_space<vmem_shared>>) target(%dma_start3A_283 : memref<624x128xf32, #tpu.memory_space<hbm>>) target_semaphore(%run_scoped3A : memref<!tpu.dma_semaphore, #tpu.memory_space<semaphore_mem>>)
      %dma_wait3A = arith.constant 0 : i32
      %dma_wait3A_286 = tpu.memref_slice %arg4[%arg0, %mul3A_275, %dma_wait3A] : memref<2x10000x128xf32, #tpu.memory_space<hbm>> -> memref<1x624x128xf32, #tpu.memory_space<hbm>>
      %dma_wait3A_287 = tpu.memref_squeeze %dma_wait3A_286 : memref<1x624x128xf32, #tpu.memory_space<hbm>> -> memref<624x128xf32, #tpu.memory_space<hbm>>
      %dma_wait3A_288 = arith.constant 0 : i32
      %dma_wait3A_289 = tpu.memref_slice %arg5[%mul3A_273, %dma_wait3A_288] : memref<10016x128xf32, #tpu.memory_space<vmem_shared>> -> memref<624x128xf32, #tpu.memory_space<vmem_shared>>
      tpu.wait_dma2 semaphore(%run_scoped3A : memref<!tpu.dma_semaphore, #tpu.memory_space<semaphore_mem>>) src(%dma_wait3A_289 : memref<624x128xf32, #tpu.memory_space<vmem_shared>>) dst(%dma_wait3A_287 : memref<624x128xf32, #tpu.memory_space<hbm>>)
      tpu.yield
    }) : () -> ()
    %eq3A_276 = arith.constant 0 : i32
    %eq3A_277 = arith.cmpi eq, %arg1, %eq3A_276 : i32
    %convert_element_type3A_278 = arith.extui %eq3A_277 : i1 to i32
    %cond3A_279 = arith.constant 0 : i32
    %cond3A_280 = arith.cmpi ne, %convert_element_type3A_278, %cond3A_279 : i32
    scf.if %cond3A_280 {
      "tpu.region"() ({
        %run_scoped3A = tpu.sem_alloc : memref<!tpu.dma_semaphore, #tpu.memory_space<semaphore_mem>>
        %dma_start3A_281 = arith.constant 9984 : i32
        %dma_start3A_282 = arith.constant 0 : i32
        %dma_start3A_283 = tpu.memref_slice %arg4[%arg0, %dma_start3A_281, %dma_start3A_282] : memref<2x10000x128xf32, #tpu.memory_space<hbm>> -> memref<1x16x128xf32, #tpu.memory_space<hbm>>
        %dma_start3A_284 = tpu.memref_squeeze %dma_start3A_283 : memref<1x16x128xf32, #tpu.memory_space<hbm>> -> memref<16x128xf32, #tpu.memory_space<hbm>>
        %dma_start3A_285 = arith.constant 9984 : i32
        %dma_start3A_286 = arith.constant 0 : i32
        %dma_start3A_287 = tpu.memref_slice %arg5[%dma_start3A_285, %dma_start3A_286] : memref<10016x128xf32, #tpu.memory_space<vmem_shared>> -> memref<16x128xf32, #tpu.memory_space<vmem_shared>>
        tpu.enqueue_dma source(%dma_start3A_287 : memref<16x128xf32, #tpu.memory_space<vmem_shared>>) target(%dma_start3A_284 : memref<16x128xf32, #tpu.memory_space<hbm>>) target_semaphore(%run_scoped3A : memref<!tpu.dma_semaphore, #tpu.memory_space<semaphore_mem>>)
        %dma_wait3A = arith.constant 9984 : i32
        %dma_wait3A_288 = arith.constant 0 : i32
        %dma_wait3A_289 = tpu.memref_slice %arg4[%arg0, %dma_wait3A, %dma_wait3A_288] : memref<2x10000x128xf32, #tpu.memory_space<hbm>> -> memref<1x16x128xf32, #tpu.memory_space<hbm>>
        %dma_wait3A_290 = tpu.memref_squeeze %dma_wait3A_289 : memref<1x16x128xf32, #tpu.memory_space<hbm>> -> memref<16x128xf32, #tpu.memory_space<hbm>>
        %dma_wait3A_291 = arith.constant 9984 : i32
        %dma_wait3A_292 = arith.constant 0 : i32
        %dma_wait3A_293 = tpu.memref_slice %arg5[%dma_wait3A_291, %dma_wait3A_292] : memref<10016x128xf32, #tpu.memory_space<vmem_shared>> -> memref<16x128xf32, #tpu.memory_space<vmem_shared>>
        tpu.wait_dma2 semaphore(%run_scoped3A : memref<!tpu.dma_semaphore, #tpu.memory_space<semaphore_mem>>) src(%dma_wait3A_293 : memref<16x128xf32, #tpu.memory_space<vmem_shared>>) dst(%dma_wait3A_290 : memref<16x128xf32, #tpu.memory_space<hbm>>)
        tpu.yield
      }) : () -> ()
    } else {
    }
    return
  }
}

module attributes {stable_mosaic.version = 14 : i64} {
  func.func @_deg_reduce_body(%arg0: i32, %arg1: memref<32x10016xf32, #tpu.memory_space<vmem>>, %arg2: memref<1x10016xf32, #tpu.memory_space<vmem>>) attributes {dimension_semantics = [#tpu.dimension_semantics<arbitrary>], iteration_bounds = array<i64: 1>, scalar_prefetch = 0 : i64, scratch_operands = 0 : i64, tpu.core_type = #tpu.core_type<tc>, window_params = [{pipeline_mode = #tpu.pipeline_mode<synchronous>, transform_indices = @transform_0, window_bounds = array<i64: 32, 10016>}, {pipeline_mode = #tpu.pipeline_mode<synchronous>, transform_indices = @transform_1, window_bounds = array<i64: 1, 10016>}]} {
    %get3A = arith.constant 0 : index
    %get3A_0 = arith.constant 0 : index
    %get3A_1 = vector.load %arg1[%get3A, %get3A_0] : memref<32x10016xf32, #tpu.memory_space<vmem>>, vector<32x10016xf32>
    %reduce_sum3A = arith.constant dense<0.000000e+00> : vector<10016xf32>
    %reduce_sum3A_2 = vector.multi_reduction <add>, %get3A_1, %reduce_sum3A [0] : vector<32x10016xf32> to vector<10016xf32>
    %broadcast_in_dim3A = vector.shape_cast %reduce_sum3A_2 : vector<10016xf32> to vector<1x10016xf32>
    %add3A = arith.constant 1.000000e+00 : f32
    %add3A_3 = vector.broadcast %add3A : f32 to vector<1x10016xf32>
    %add3A_4 = arith.addf %add3A_3, %broadcast_in_dim3A : vector<1x10016xf32>
    %rsqrt3A = math.rsqrt %add3A_4 : vector<1x10016xf32>
    %swap3A = arith.constant 0 : index
    %swap3A_5 = arith.constant 0 : index
    %swap3A_6 = vector.load %arg2[%swap3A, %swap3A_5] : memref<1x10016xf32, #tpu.memory_space<vmem>>, vector<1x10016xf32>
    tpu.vector_store %arg2[%swap3A, %swap3A_5], %rsqrt3A {strides = array<i32>} : memref<1x10016xf32, #tpu.memory_space<vmem>>, vector<1x10016xf32>,
    return
  }
  func.func @transform_0(%arg0: i32) -> (i32, i32) {
    %c0_i32 = arith.constant 0 : i32
    %c0_i32_0 = arith.constant 0 : i32
    %c0_i32_1 = arith.constant 0 : i32
    return %c0_i32, %c0_i32_0 : i32, i32
  }
  func.func @transform_1(%arg0: i32) -> (i32, i32) {
    %c0_i32 = arith.constant 0 : i32
    %c0_i32_0 = arith.constant 0 : i32
    %c0_i32_1 = arith.constant 0 : i32
    return %c0_i32, %c0_i32_0 : i32, i32
  }
}

module attributes {stable_mosaic.version = 14 : i64} {
  func.func @_t0_body(%arg0: i32, %arg1: memref<400x128xf32, #tpu.memory_space<vmem>>, %arg2: memref<400x1xf32, #tpu.memory_space<vmem>>, %arg3: memref<128x128xf32, #tpu.memory_space<vmem>>, %arg4: memref<400x128xf32, #tpu.memory_space<vmem>>) attributes {dimension_semantics = [#tpu.dimension_semantics<arbitrary>], iteration_bounds = array<i64: 25>, scalar_prefetch = 0 : i64, scratch_operands = 0 : i64, tpu.core_type = #tpu.core_type<tc>, window_params = [{transform_indices = @transform_0, window_bounds = array<i64: 400, 128>}, {transform_indices = @transform_1, window_bounds = array<i64: 400, 1>}, {pipeline_mode = #tpu.pipeline_mode<synchronous>, transform_indices = @transform_2, window_bounds = array<i64: 128, 128>}, {transform_indices = @transform_3, window_bounds = array<i64: 400, 128>}]} {
    %get3A = arith.constant 0 : index
    %get3A_0 = arith.constant 0 : index
    %get3A_1 = vector.load %arg1[%get3A, %get3A_0] : memref<400x128xf32, #tpu.memory_space<vmem>>, vector<400x128xf32>
    %get3A_2 = arith.constant 0 : index
    %get3A_3 = arith.constant 0 : index
    %get3A_4 = vector.load %arg3[%get3A_2, %get3A_3] : memref<128x128xf32, #tpu.memory_space<vmem>>, vector<128x128xf32>
    %dot_general3A = arith.constant dense<0.000000e+00> : vector<400x128xf32>
    %dot_general3A_5 = tpu.matmul %get3A_1, %get3A_4, %dot_general3A {dimension_numbers = #tpu.dot_dimension_numbers<[1], [0], [0], [1], [0, 0, 1, 1], [], []>, transpose_lhs_hint = false} : vector<400x128xf32>, vector<128x128xf32>, vector<400x128xf32> -> vector<400x128xf32>
    %get3A_6 = arith.constant 0 : index
    %get3A_7 = arith.constant 0 : index
    %get3A_8 = vector.load %arg2[%get3A_6, %get3A_7] : memref<400x1xf32, #tpu.memory_space<vmem>>, vector<400x1xf32>
    %mul3A = vector.broadcast %get3A_8 : vector<400x1xf32> to vector<400x128xf32>
    %mul3A_9 = arith.mulf %dot_general3A_5, %mul3A : vector<400x128xf32>
    %swap3A = arith.constant 0 : index
    %swap3A_10 = arith.constant 0 : index
    %swap3A_11 = vector.load %arg4[%swap3A, %swap3A_10] : memref<400x128xf32, #tpu.memory_space<vmem>>, vector<400x128xf32>
    tpu.vector_store %arg4[%swap3A, %swap3A_10], %mul3A_9 {strides = array<i32>} : memref<400x128xf32, #tpu.memory_space<vmem>>, vector<400x128xf32>,
    return
  }
  func.func @transform_0(%arg0: i32) -> (i32, i32) {
    %c0_i32 = arith.constant 0 : i32
    %c0_i32_0 = arith.constant 0 : i32
    return %arg0, %c0_i32 : i32, i32
  }
  func.func @transform_1(%arg0: i32) -> (i32, i32) {
    %c0_i32 = arith.constant 0 : i32
    %c0_i32_0 = arith.constant 0 : i32
    return %arg0, %c0_i32 : i32, i32
  }
  func.func @transform_2(%arg0: i32) -> (i32, i32) {
    %c0_i32 = arith.constant 0 : i32
    %c0_i32_0 = arith.constant 0 : i32
    %c0_i32_1 = arith.constant 0 : i32
    return %c0_i32, %c0_i32_0 : i32, i32
  }
  func.func @transform_3(%arg0: i32) -> (i32, i32) {
    %c0_i32 = arith.constant 0 : i32
    %c0_i32_0 = arith.constant 0 : i32
    return %arg0, %c0_i32 : i32, i32
  }
}

module attributes {stable_mosaic.version = 14 : i64} {
  func.func @_t_mid_body(%arg0: i32, %arg1: memref<2x400x128xf32, #tpu.memory_space<vmem>>, %arg2: memref<400x128xf32, #tpu.memory_space<vmem>>, %arg3: memref<400x1xf32, #tpu.memory_space<vmem>>, %arg4: memref<1x128xf32, #tpu.memory_space<vmem>>, %arg5: memref<128x128xf32, #tpu.memory_space<vmem>>, %arg6: memref<400x128xf32, #tpu.memory_space<vmem>>) attributes {dimension_semantics = [#tpu.dimension_semantics<arbitrary>], iteration_bounds = array<i64: 25>, scalar_prefetch = 0 : i64, scratch_operands = 0 : i64, tpu.core_type = #tpu.core_type<tc>, window_params = [{transform_indices = @transform_0, window_bounds = array<i64: 2, 400, 128>}, {transform_indices = @transform_1, window_bounds = array<i64: 400, 128>}, {transform_indices = @transform_2, window_bounds = array<i64: 400, 1>}, {pipeline_mode = #tpu.pipeline_mode<synchronous>, transform_indices = @transform_3, window_bounds = array<i64: 1, 128>}, {pipeline_mode = #tpu.pipeline_mode<synchronous>, transform_indices = @transform_4, window_bounds = array<i64: 128, 128>}, {transform_indices = @transform_5, window_bounds = array<i64: 400, 128>}]} {
    %get3A = arith.constant 0 : index
    %get3A_0 = arith.constant 0 : index
    %get3A_1 = vector.load %arg3[%get3A, %get3A_0] : memref<400x1xf32, #tpu.memory_space<vmem>>, vector<400x1xf32>
    %get3A_2 = arith.constant 0 : index
    %get3A_3 = arith.constant 0 : index
    %get3A_4 = arith.constant 0 : index
    %get3A_5 = vector.load %arg1[%get3A_2, %get3A_3, %get3A_4] : memref<2x400x128xf32, #tpu.memory_space<vmem>>, vector<2x400x128xf32>
    %slice3A = vector.extract_strided_slice %get3A_5 {offsets = [0, 0, 0], sizes = [1, 400, 128], strides = [1, 1, 1]} : vector<2x400x128xf32> to vector<1x400x128xf32>
    %squeeze3A = vector.shape_cast %slice3A : vector<1x400x128xf32> to vector<400x128xf32>
    %slice3A_6 = vector.extract_strided_slice %get3A_5 {offsets = [1, 0, 0], sizes = [1, 400, 128], strides = [1, 1, 1]} : vector<2x400x128xf32> to vector<1x400x128xf32>
    %squeeze3A_7 = vector.shape_cast %slice3A_6 : vector<1x400x128xf32> to vector<400x128xf32>
    %add3A = arith.addf %squeeze3A, %squeeze3A_7 : vector<400x128xf32>
    %get3A_8 = arith.constant 0 : index
    %get3A_9 = arith.constant 0 : index
    %get3A_10 = vector.load %arg2[%get3A_8, %get3A_9] : memref<400x128xf32, #tpu.memory_space<vmem>>, vector<400x128xf32>
    %sub3A = arith.subf %add3A, %get3A_10 : vector<400x128xf32>
    %mul3A = vector.broadcast %get3A_1 : vector<400x1xf32> to vector<400x128xf32>
    %mul3A_11 = arith.mulf %sub3A, %mul3A : vector<400x128xf32>
    %get3A_12 = arith.constant 0 : index
    %get3A_13 = arith.constant 0 : index
    %get3A_14 = vector.load %arg4[%get3A_12, %get3A_13] : memref<1x128xf32, #tpu.memory_space<vmem>>, vector<1x128xf32>
    %add3A_15 = vector.broadcast %get3A_14 : vector<1x128xf32> to vector<400x128xf32>
    %add3A_16 = arith.addf %mul3A_11, %add3A_15 : vector<400x128xf32>
    %max3A = arith.constant 0.000000e+00 : f32
    %max3A_17 = vector.broadcast %max3A : f32 to vector<400x128xf32>
    %max3A_18 = arith.maximumf %add3A_16, %max3A_17 : vector<400x128xf32>
    %get3A_19 = arith.constant 0 : index
    %get3A_20 = arith.constant 0 : index
    %get3A_21 = vector.load %arg5[%get3A_19, %get3A_20] : memref<128x128xf32, #tpu.memory_space<vmem>>, vector<128x128xf32>
    %dot_general3A = arith.constant dense<0.000000e+00> : vector<400x128xf32>
    %dot_general3A_22 = tpu.matmul %max3A_18, %get3A_21, %dot_general3A {dimension_numbers = #tpu.dot_dimension_numbers<[1], [0], [0], [1], [0, 0, 1, 1], [], []>, transpose_lhs_hint = false} : vector<400x128xf32>, vector<128x128xf32>, vector<400x128xf32> -> vector<400x128xf32>
    %mul3A_23 = vector.broadcast %get3A_1 : vector<400x1xf32> to vector<400x128xf32>
    %mul3A_24 = arith.mulf %dot_general3A_22, %mul3A_23 : vector<400x128xf32>
    %swap3A = arith.constant 0 : index
    %swap3A_25 = arith.constant 0 : index
    %swap3A_26 = vector.load %arg6[%swap3A, %swap3A_25] : memref<400x128xf32, #tpu.memory_space<vmem>>, vector<400x128xf32>
    tpu.vector_store %arg6[%swap3A, %swap3A_25], %mul3A_24 {strides = array<i32>} : memref<400x128xf32, #tpu.memory_space<vmem>>, vector<400x128xf32>,
    return
  }
  func.func @transform_0(%arg0: i32) -> (i32, i32, i32) {
    %c0_i32 = arith.constant 0 : i32
    %c0_i32_0 = arith.constant 0 : i32
    %c0_i32_1 = arith.constant 0 : i32
    return %c0_i32, %arg0, %c0_i32_0 : i32, i32, i32
  }
  func.func @transform_1(%arg0: i32) -> (i32, i32) {
    %c0_i32 = arith.constant 0 : i32
    %c0_i32_0 = arith.constant 0 : i32
    return %arg0, %c0_i32 : i32, i32
  }
  func.func @transform_2(%arg0: i32) -> (i32, i32) {
    %c0_i32 = arith.constant 0 : i32
    %c0_i32_0 = arith.constant 0 : i32
    return %arg0, %c0_i32 : i32, i32
  }
  func.func @transform_3(%arg0: i32) -> (i32, i32) {
    %c0_i32 = arith.constant 0 : i32
    %c0_i32_0 = arith.constant 0 : i32
    %c0_i32_1 = arith.constant 0 : i32
    return %c0_i32, %c0_i32_0 : i32, i32
  }
  func.func @transform_4(%arg0: i32) -> (i32, i32) {
    %c0_i32 = arith.constant 0 : i32
    %c0_i32_0 = arith.constant 0 : i32
    %c0_i32_1 = arith.constant 0 : i32
    return %c0_i32, %c0_i32_0 : i32, i32
  }
  func.func @transform_5(%arg0: i32) -> (i32, i32) {
    %c0_i32 = arith.constant 0 : i32
    %c0_i32_0 = arith.constant 0 : i32
    return %arg0, %c0_i32 : i32, i32
  }
}

module attributes {stable_mosaic.version = 14 : i64} {
  func.func @_t_mid_body(%arg0: i32, %arg1: memref<2x400x128xf32, #tpu.memory_space<vmem>>, %arg2: memref<400x128xf32, #tpu.memory_space<vmem>>, %arg3: memref<400x1xf32, #tpu.memory_space<vmem>>, %arg4: memref<1x128xf32, #tpu.memory_space<vmem>>, %arg5: memref<128x16xf32, #tpu.memory_space<vmem>>, %arg6: memref<400x16xf32, #tpu.memory_space<vmem>>) attributes {dimension_semantics = [#tpu.dimension_semantics<arbitrary>], iteration_bounds = array<i64: 25>, scalar_prefetch = 0 : i64, scratch_operands = 0 : i64, tpu.core_type = #tpu.core_type<tc>, window_params = [{transform_indices = @transform_0, window_bounds = array<i64: 2, 400, 128>}, {transform_indices = @transform_1, window_bounds = array<i64: 400, 128>}, {transform_indices = @transform_2, window_bounds = array<i64: 400, 1>}, {pipeline_mode = #tpu.pipeline_mode<synchronous>, transform_indices = @transform_3, window_bounds = array<i64: 1, 128>}, {pipeline_mode = #tpu.pipeline_mode<synchronous>, transform_indices = @transform_4, window_bounds = array<i64: 128, 16>}, {transform_indices = @transform_5, window_bounds = array<i64: 400, 16>}]} {
    %get3A = arith.constant 0 : index
    %get3A_0 = arith.constant 0 : index
    %get3A_1 = vector.load %arg3[%get3A, %get3A_0] : memref<400x1xf32, #tpu.memory_space<vmem>>, vector<400x1xf32>
    %get3A_2 = arith.constant 0 : index
    %get3A_3 = arith.constant 0 : index
    %get3A_4 = arith.constant 0 : index
    %get3A_5 = vector.load %arg1[%get3A_2, %get3A_3, %get3A_4] : memref<2x400x128xf32, #tpu.memory_space<vmem>>, vector<2x400x128xf32>
    %slice3A = vector.extract_strided_slice %get3A_5 {offsets = [0, 0, 0], sizes = [1, 400, 128], strides = [1, 1, 1]} : vector<2x400x128xf32> to vector<1x400x128xf32>
    %squeeze3A = vector.shape_cast %slice3A : vector<1x400x128xf32> to vector<400x128xf32>
    %slice3A_6 = vector.extract_strided_slice %get3A_5 {offsets = [1, 0, 0], sizes = [1, 400, 128], strides = [1, 1, 1]} : vector<2x400x128xf32> to vector<1x400x128xf32>
    %squeeze3A_7 = vector.shape_cast %slice3A_6 : vector<1x400x128xf32> to vector<400x128xf32>
    %add3A = arith.addf %squeeze3A, %squeeze3A_7 : vector<400x128xf32>
    %get3A_8 = arith.constant 0 : index
    %get3A_9 = arith.constant 0 : index
    %get3A_10 = vector.load %arg2[%get3A_8, %get3A_9] : memref<400x128xf32, #tpu.memory_space<vmem>>, vector<400x128xf32>
    %sub3A = arith.subf %add3A, %get3A_10 : vector<400x128xf32>
    %mul3A = vector.broadcast %get3A_1 : vector<400x1xf32> to vector<400x128xf32>
    %mul3A_11 = arith.mulf %sub3A, %mul3A : vector<400x128xf32>
    %get3A_12 = arith.constant 0 : index
    %get3A_13 = arith.constant 0 : index
    %get3A_14 = vector.load %arg4[%get3A_12, %get3A_13] : memref<1x128xf32, #tpu.memory_space<vmem>>, vector<1x128xf32>
    %add3A_15 = vector.broadcast %get3A_14 : vector<1x128xf32> to vector<400x128xf32>
    %add3A_16 = arith.addf %mul3A_11, %add3A_15 : vector<400x128xf32>
    %max3A = arith.constant 0.000000e+00 : f32
    %max3A_17 = vector.broadcast %max3A : f32 to vector<400x128xf32>
    %max3A_18 = arith.maximumf %add3A_16, %max3A_17 : vector<400x128xf32>
    %get3A_19 = arith.constant 0 : index
    %get3A_20 = arith.constant 0 : index
    %get3A_21 = vector.load %arg5[%get3A_19, %get3A_20] : memref<128x16xf32, #tpu.memory_space<vmem>>, vector<128x16xf32>
    %dot_general3A = arith.constant dense<0.000000e+00> : vector<400x16xf32>
    %dot_general3A_22 = tpu.matmul %max3A_18, %get3A_21, %dot_general3A {dimension_numbers = #tpu.dot_dimension_numbers<[1], [0], [0], [1], [0, 0, 1, 1], [], []>, transpose_lhs_hint = false} : vector<400x128xf32>, vector<128x16xf32>, vector<400x16xf32> -> vector<400x16xf32>
    %mul3A_23 = vector.broadcast %get3A_1 : vector<400x1xf32> to vector<400x16xf32>
    %mul3A_24 = arith.mulf %dot_general3A_22, %mul3A_23 : vector<400x16xf32>
    %swap3A = arith.constant 0 : index
    %swap3A_25 = arith.constant 0 : index
    %swap3A_26 = vector.load %arg6[%swap3A, %swap3A_25] : memref<400x16xf32, #tpu.memory_space<vmem>>, vector<400x16xf32>
    tpu.vector_store %arg6[%swap3A, %swap3A_25], %mul3A_24 {strides = array<i32>} : memref<400x16xf32, #tpu.memory_space<vmem>>, vector<400x16xf32>,
    return
  }
  func.func @transform_0(%arg0: i32) -> (i32, i32, i32) {
    %c0_i32 = arith.constant 0 : i32
    %c0_i32_0 = arith.constant 0 : i32
    %c0_i32_1 = arith.constant 0 : i32
    return %c0_i32, %arg0, %c0_i32_0 : i32, i32, i32
  }
  func.func @transform_1(%arg0: i32) -> (i32, i32) {
    %c0_i32 = arith.constant 0 : i32
    %c0_i32_0 = arith.constant 0 : i32
    return %arg0, %c0_i32 : i32, i32
  }
  func.func @transform_2(%arg0: i32) -> (i32, i32) {
    %c0_i32 = arith.constant 0 : i32
    %c0_i32_0 = arith.constant 0 : i32
    return %arg0, %c0_i32 : i32, i32
  }
  func.func @transform_3(%arg0: i32) -> (i32, i32) {
    %c0_i32 = arith.constant 0 : i32
    %c0_i32_0 = arith.constant 0 : i32
    %c0_i32_1 = arith.constant 0 : i32
    return %c0_i32, %c0_i32_0 : i32, i32
  }
  func.func @transform_4(%arg0: i32) -> (i32, i32) {
    %c0_i32 = arith.constant 0 : i32
    %c0_i32_0 = arith.constant 0 : i32
    %c0_i32_1 = arith.constant 0 : i32
    return %c0_i32, %c0_i32_0 : i32, i32
  }
  func.func @transform_5(%arg0: i32) -> (i32, i32) {
    %c0_i32 = arith.constant 0 : i32
    %c0_i32_0 = arith.constant 0 : i32
    return %arg0, %c0_i32 : i32, i32
  }
}

module attributes {stable_mosaic.version = 14 : i64} {
  func.func @_t_final_body(%arg0: i32, %arg1: memref<2x400x16xf32, #tpu.memory_space<vmem>>, %arg2: memref<400x16xf32, #tpu.memory_space<vmem>>, %arg3: memref<400x1xf32, #tpu.memory_space<vmem>>, %arg4: memref<1x16xf32, #tpu.memory_space<vmem>>, %arg5: memref<400x16xf32, #tpu.memory_space<vmem>>) attributes {dimension_semantics = [#tpu.dimension_semantics<arbitrary>], iteration_bounds = array<i64: 25>, scalar_prefetch = 0 : i64, scratch_operands = 0 : i64, tpu.core_type = #tpu.core_type<tc>, window_params = [{transform_indices = @transform_0, window_bounds = array<i64: 2, 400, 16>}, {transform_indices = @transform_1, window_bounds = array<i64: 400, 16>}, {transform_indices = @transform_2, window_bounds = array<i64: 400, 1>}, {pipeline_mode = #tpu.pipeline_mode<synchronous>, transform_indices = @transform_3, window_bounds = array<i64: 1, 16>}, {transform_indices = @transform_4, window_bounds = array<i64: 400, 16>}]} {
    %get3A = arith.constant 0 : index
    %get3A_0 = arith.constant 0 : index
    %get3A_1 = arith.constant 0 : index
    %get3A_2 = vector.load %arg1[%get3A, %get3A_0, %get3A_1] : memref<2x400x16xf32, #tpu.memory_space<vmem>>, vector<2x400x16xf32>
    %slice3A = vector.extract_strided_slice %get3A_2 {offsets = [0, 0, 0], sizes = [1, 400, 16], strides = [1, 1, 1]} : vector<2x400x16xf32> to vector<1x400x16xf32>
    %squeeze3A = vector.shape_cast %slice3A : vector<1x400x16xf32> to vector<400x16xf32>
    %slice3A_3 = vector.extract_strided_slice %get3A_2 {offsets = [1, 0, 0], sizes = [1, 400, 16], strides = [1, 1, 1]} : vector<2x400x16xf32> to vector<1x400x16xf32>
    %squeeze3A_4 = vector.shape_cast %slice3A_3 : vector<1x400x16xf32> to vector<400x16xf32>
    %add3A = arith.addf %squeeze3A, %squeeze3A_4 : vector<400x16xf32>
    %get3A_5 = arith.constant 0 : index
    %get3A_6 = arith.constant 0 : index
    %get3A_7 = vector.load %arg2[%get3A_5, %get3A_6] : memref<400x16xf32, #tpu.memory_space<vmem>>, vector<400x16xf32>
    %sub3A = arith.subf %add3A, %get3A_7 : vector<400x16xf32>
    %get3A_8 = arith.constant 0 : index
    %get3A_9 = arith.constant 0 : index
    %get3A_10 = vector.load %arg3[%get3A_8, %get3A_9] : memref<400x1xf32, #tpu.memory_space<vmem>>, vector<400x1xf32>
    %mul3A = vector.broadcast %get3A_10 : vector<400x1xf32> to vector<400x16xf32>
    %mul3A_11 = arith.mulf %sub3A, %mul3A : vector<400x16xf32>
    %get3A_12 = arith.constant 0 : index
    %get3A_13 = arith.constant 0 : index
    %get3A_14 = vector.load %arg4[%get3A_12, %get3A_13] : memref<1x16xf32, #tpu.memory_space<vmem>>, vector<1x16xf32>
    %add3A_15 = vector.broadcast %get3A_14 : vector<1x16xf32> to vector<400x16xf32>
    %add3A_16 = arith.addf %mul3A_11, %add3A_15 : vector<400x16xf32>
    %swap3A = arith.constant 0 : index
    %swap3A_17 = arith.constant 0 : index
    %swap3A_18 = vector.load %arg5[%swap3A, %swap3A_17] : memref<400x16xf32, #tpu.memory_space<vmem>>, vector<400x16xf32>
    tpu.vector_store %arg5[%swap3A, %swap3A_17], %add3A_16 {strides = array<i32>} : memref<400x16xf32, #tpu.memory_space<vmem>>, vector<400x16xf32>,
    return
  }
  func.func @transform_0(%arg0: i32) -> (i32, i32, i32) {
    %c0_i32 = arith.constant 0 : i32
    %c0_i32_0 = arith.constant 0 : i32
    %c0_i32_1 = arith.constant 0 : i32
    return %c0_i32, %arg0, %c0_i32_0 : i32, i32, i32
  }
  func.func @transform_1(%arg0: i32) -> (i32, i32) {
    %c0_i32 = arith.constant 0 : i32
    %c0_i32_0 = arith.constant 0 : i32
    return %arg0, %c0_i32 : i32, i32
  }
  func.func @transform_2(%arg0: i32) -> (i32, i32) {
    %c0_i32 = arith.constant 0 : i32
    %c0_i32_0 = arith.constant 0 : i32
    return %arg0, %c0_i32 : i32, i32
  }
  func.func @transform_3(%arg0: i32) -> (i32, i32) {
    %c0_i32 = arith.constant 0 : i32
    %c0_i32_0 = arith.constant 0 : i32
    %c0_i32_1 = arith.constant 0 : i32
    return %c0_i32, %c0_i32_0 : i32, i32
  }
  func.func @transform_4(%arg0: i32) -> (i32, i32) {
    %c0_i32 = arith.constant 0 : i32
    %c0_i32_0 = arith.constant 0 : i32
    return %arg0, %c0_i32 : i32, i32
  }
}

</mosaic_0001>

<sc_bundles>
// kernel: kernel.11.cloned.1.call-start
scs
__scs_entry_jumppad:
0x0: {  	(pc) =	sbr.rel $0x88, $3  }
0x1: {  	(tag) =	ssettag $0x0;
	lr =	simm.s32 $0x1  }
0x2: {  	[smem:$0x3F99] =	sst lr;
	_ =	strace $0xD0000000  }
0x3: {  	_ = 	snop  }
0x4: {  	_ = 	snop  }
0x5: {  	_ = 	snop  }
0x6: {  	_ = 	snop  }
0x7: {  	_ = 	snop  }
__scs_overlays_trampoline_lowered:
0x8: {  	[smem:$0x3FA8] =	sst s0  }
0x9: {  	[smem:$0x3FA9] =	sst s1  }
0xa: {  	[smem:$0x3FAA] =	sst s2  }
0xb: {  	[smem:$0x3FAB] =	sst s3  }
0xc: {  	[smem:$0x3FAC] =	sst s4  }
0xd: {  	[smem:$0x3FAD] =	sst s5  }
0xe: {  	[smem:$0x3FAE] =	sst s6  }
0xf: {  	[smem:$0x3FAF] =	sst s7  }
0x10: {  	[smem:$0x3FB0] =	sst s8  }
0x11: {  	[smem:$0x3FB1] =	sst s9;
	s0 =	simm.s32 @!p0 $0x0  }
0x12: {  	s1 =	sld [smem:$0x3F97];
	s0 =	simm.s32 @p0 $0x1  }
0x13: {  	[smem:$0x3FB2] =	sst s0;
	s0 =	simm.s32 @!p1 $0x0  }
0x14: {  	s2 =	sld [smem:$0x3F96];
	s0 =	simm.s32 @p1 $0x1  }
0x15: {  	[smem:$0x3FB3] =	sst s0;
	s0 =	simm.s32 @!p2 $0x0  }
0x16: {  	s3 =	sld [smem:$0x3FDB];
	s0 =	simm.s32 @p2 $0x1  }
0x17: {  	s4 =	simm.s32 $0x1BF5;
	[smem:$0x3FB5] =	sst s0  }
0x18: {  	s0 =	sld [smem:$0x3F98];
	_ =	swait.ge [sflag:s4], $0x0  }
0x19: {  	s7 =	sld [smem:$0x3F99]  }
0x1a: {  	s8 =	sadd.s32 $0xFFFFE003, lr  }
0x1b: {  	s9 =	sadd.s32 $0xFFFFFEF7, lr;
	s5 =	simm.s32 $0xFFFFFFFF;
	p2 =	slt.u32 s8, $0xFFFFF086  }
0x1c: {  	p1 =	slt.u32 s9, $0xF7A;
	s5 =	simm.s32 @!p2 $0x0  }
0x1d: {  	s5 =	simm.s32 @p1 $0x1;
	p0 =	seq.s32 s7, s2  }
0x1e: {  	s7 =	smul.u32 @!p0 $0xF7A, s2;
	p2 =	seq.s32 @!p0 s5, $0x0  }
0x1f: {  	s9 =	smul.u32 $0xF7A, s1;
	s8 =	simm.s32 @!p0 $0x1BF5;
	p2 =	por !p2, p0  }
0x20: {  	[sflag:s8] =	ssyncset.s32 @!p0 $0xFFFFF086;
	s6 =	sadd.s32 @!p0 s3, s7;
	s7 =	simm.s32 @!p0 $0x108  }
0x21: {  	s3 =	sadd.s32 s3, s9;
	s6 =	sadd.s32 @!p0 $0x88, s6;
	s7 =	simm.s32 @p2 $0x1082  }
0x22: {  	[simem:s7], [sflag:s8] =	dma.local @!p0 [hbm:s6], $0xF7A  }
0x23: {  	s9 =	sor.u32 $0xD0000000, s2;
	s6 =	simm.s32 $0x108;
	_ =	swait.ge @!p0 [sflag:s8], $0x0  }
0x24: {  	s3 =	sadd.s32 $0x88, s3;
	s6 =	simm.s32 @!p1 $0x1082;
	[sflag:s4] =	ssyncset.s32 $0xFFFFF086  }
0x25: {  	[simem:s6], [sflag:s4] =	dma.local [hbm:s3], $0xF7A  }
0x26: {  	[smem:$0x3F99] =	sst s1;
	(tag) =	ssettag s2;
	_ =	strace s9  }
0x27: {  	s1 =	sld [smem:$0x3FA9]  }
0x28: {  	s2 =	sld [smem:$0x3FAA]  }
0x29: {  	s4 =	sld [smem:$0x3FAC]  }
0x2a: {  	p0 =	seq.s32 s5, $0x0;
	s5 =	sld [smem:$0x3FAD]  }
0x2b: {  	s6 =	sld [smem:$0x3FAE]  }
0x2c: {  	s7 =	sld [smem:$0x3FAF]  }
0x2d: {  	s3 =	simm.s32 $0x108;
	s8 =	sld [smem:$0x3FB0]  }
0x2e: {  	s3 =	simm.s32 @!p0 $0x1082;
	s9 =	sld [smem:$0x3FB1]  }
0x2f: {  	lr =	sadd.s32 s0, s3;
	s0 =	sld [smem:$0x3FA8]  }
0x30: {  	s3 =	sld [smem:$0x3FAB]  }
0x31: {  	[smem:$0x3FB4] =	sst s10  }
0x32: {  	s10 =	sld [smem:$0x3FB2];
	_ =	sdelay $0x3  }
0x33: {  	p0 =	seq.s32 s10, $0x1;
	s10 =	sld [smem:$0x3FB4];
	_ =	sdelay $0x3  }
0x34: {  	[smem:$0x3FB4] =	sst s10  }
0x35: {  	s10 =	sld [smem:$0x3FB3];
	_ =	sdelay $0x3  }
0x36: {  	p1 =	seq.s32 s10, $0x1;
	s10 =	sld [smem:$0x3FB4];
	_ =	sdelay $0x3  }
0x37: {  	[smem:$0x3FB4] =	sst s10  }
0x38: {  	s10 =	sld [smem:$0x3FB5]  }
0x39: {  	_ = 	snop;
	(pc) =	sbr.ind lr, $3  }
0x3a: {  	_ = 	snop  }
0x3b: {  	_ = 	snop  }
0x3c: {  	p2 =	seq.s32 s10, $0x1;
	s10 =	sld [smem:$0x3FB4]  }
0x3d: {  	_ =	shalt  }
0x3e: {  	_ =	shalt  }
0x3f: {  	_ =	shalt  }
0x40: {  	_ =	shalt  }
0x41: {  	_ =	shalt  }
0x42: {  	_ =	shalt  }
0x43: {  	_ =	shalt  }
0x44: {  	_ =	shalt  }
0x45: {  	_ =	shalt  }
0x46: {  	_ =	shalt  }
0x47: {  	_ =	shalt  }
0x48: {  	_ =	shalt  }
0x49: {  	_ =	shalt  }
0x4a: {  	_ =	shalt  }
0x4b: {  	_ =	shalt  }
0x4c: {  	_ =	shalt  }
0x4d: {  	_ =	shalt  }
0x4e: {  	_ =	shalt  }
0x4f: {  	_ =	shalt  }
0x50: {  	_ =	shalt  }
0x51: {  	_ =	shalt  }
0x52: {  	_ =	shalt  }
0x53: {  	_ =	shalt  }
0x54: {  	_ =	shalt  }
0x55: {  	_ =	shalt  }
0x56: {  	_ =	shalt  }
0x57: {  	_ =	shalt  }
0x58: {  	_ =	shalt  }
0x59: {  	_ =	shalt  }
0x5a: {  	_ =	shalt  }
0x5b: {  	_ =	shalt  }
0x5c: {  	_ =	shalt  }
0x5d: {  	_ =	shalt  }
0x5e: {  	_ =	shalt  }
0x5f: {  	_ =	shalt  }
0x60: {  	_ =	shalt  }
0x61: {  	_ =	shalt  }
0x62: {  	_ =	shalt  }
0x63: {  	_ =	shalt  }
0x64: {  	_ =	shalt  }
0x65: {  	_ =	shalt  }
0x66: {  	_ =	shalt  }
0x67: {  	_ =	shalt  }
0x68: {  	_ =	shalt  }
0x69: {  	_ =	shalt  }
0x6a: {  	_ =	shalt  }
0x6b: {  	_ =	shalt  }
0x6c: {  	_ =	shalt  }
0x6d: {  	_ =	shalt  }
0x6e: {  	_ =	shalt  }
0x6f: {  	_ =	shalt  }
0x70: {  	_ =	shalt  }
0x71: {  	_ =	shalt  }
0x72: {  	_ =	shalt  }
0x73: {  	_ =	shalt  }
0x74: {  	_ =	shalt  }
0x75: {  	_ =	shalt  }
0x76: {  	_ =	shalt  }
0x77: {  	_ =	shalt  }
0x78: {  	_ =	shalt  }
0x79: {  	_ =	shalt  }
0x7a: {  	_ =	shalt  }
0x7b: {  	_ =	shalt  }
0x7c: {  	_ =	shalt  }
0x7d: {  	_ =	shalt  }
0x7e: {  	_ =	shalt  }
0x7f: {  	_ =	shalt  }
0x80: {  	_ =	shalt  }
0x81: {  	_ =	shalt  }
0x82: {  	_ =	shalt  }
0x83: {  	_ =	shalt  }
0x84: {  	_ =	shalt  }
0x85: {  	_ =	shalt  }
0x86: {  	_ =	shalt  }
0x87: {  	_ =	shalt  }
.Lfunc_end0:
.L_simem_size_0:
called_computation_lowered:
.L_overlay_start_0:
0x88: {  	s2 =	sld [smem:$0x3FD9]  }
0x89: {  	s3 =	sld [smem:$0x3FFE];
	_ =	sdelay $0x1  }
0x8a: {  	s1 =	srdreg.scid  }
0x8b: {  	s0 =	sand.u32 $0x1, s1  }
0x8c: {  	s16 =	sshll.u32 s0, $0xA;
	s2 =	sadd.s32 s3, s2  }
0x8d: {  	s2 =	sadd.s32 s2, s16  }
0x8e: {  	[smem:$0x3FC0] =	sst s2  }
0x8f: {  	_ = 	snop  }
0x90: {  	(tm) =	ssettm $0x1  }
0x91: {  	s17 =	sld [smem:$0x3FFB];
	_ =	sdelay $0x3  }
0x92: {  	_ =	strace s17  }
0x93: {  	s2 =	sld [smem:$0x3FFC];
	_ =	sdelay $0x3  }
0x94: {  	_ =	strace s2  }
0x95: {  	s2 =	sld [smem:$0x3FFD];
	_ =	sdelay $0x3  }
0x96: {  	_ =	strace s2  }
0x97: {  	_ =	strace $0x8FFFFFFF  }
0x98: {  	s18 =	sld [smem:$0x3FDB];
	_ =	sdelay $0x1  }
0x99: {  	s19 =	simm.s32 $_scs_section_size  }
0x9a: {  	s4 =	simm.s32 $_size__tile_overlayer_lowered;
	s5 =	simm.s32 $_tile_overlayer_lowered  }
0x9b: {  	s22 =	simm.s32 $0x1BFF;
	s21 =	sshll.u32 s5, $0x1;
	s2 =	sadd.s32 s19, s18  }
0x9c: {  	s6 =	simm.s32 $0x0;
	s20 =	sshll.u32 s4, $0x1;
	s4 =	sadd.s32 s21, s2  }
0x9d: {  	[timem:s6], [sflag:s22] =	dma.local [hbm:s4], s20  }
0x9e: {  	_ =	swait.ge [sflag:s22], s20  }
0x9f: {  	s3 =	ssub.s32 $0x0, s20;
	[sflag:s22] =	ssyncset.done $0x0  }
0xa0: {  	[sflag:s22] =	ssyncadd.s32 s3;
	_ =	sdelay $0x1  }
0xa1: {  	s23 =	simm.s32 $0x1B8B  }
0xa2: {  	_ =	swait.ge [sflag:s23], $0x1  }
0xa3: {  	[sflag:s23] =	ssyncset.done $0x0  }
0xa4: {  	s25 =	simm.s32 $0x1B8E;
	s24 =	sld [smem:$0x3FFE];
	[sflag:s23] =	ssyncadd.s32 $0xFFFFFFFF  }
0xa5: {  	s26 =	simm.s32 $execute0_lowered;
	[smem:$0x3FD2] =	sst s25  }
0xa6: {  	s4 =	sshll.u32 s26, $0x1;
	_ =	strace $0x80000046;
	[dreg:$0x1] =	wrdreg $0xFFFFFFFF  }
0xa7: {  	s28 =	simm.s32 $_size_execute0_lowered;
	s2 =	sadd.s32 s2, s4;
	[dreg:$0x0] =	wrdreg $0x0  }
0xa8: {  	s4 =	sshll.u32 s28, $0x1;
	[dreg:$0x2] =	wrdreg s2  }
0xa9: {  	[dreg:$0x3] =	wrdreg s4  }
0xaa: {  	[dreg:$0x4] =	wrdreg $0xC0  }
0xab: {  	_ =	task [dreg:s6], $0x5FFFF  }
0xac: {  	[dreg:$0x1] =	wrdreg $0xFFFFFFFF  }
0xad: {  	[dreg:$0x0] =	wrdreg $0x60  }
0xae: {  	[dreg:$0x2] =	wrdreg s24  }
0xaf: {  	[dreg:$0x3] =	wrdreg $0x9  }
0xb0: {  	_ =	task.clear_ibuf [dreg:s6], $0x4FFFF;
	_ =	strace $0x90000046  }
0xb1: {  	s29 =	simm.s32 $0x9;
	_ =	strace $0x80000048  }
0xb2: {  	_ =	swait.ge [sflag:s29], $0x1  }
0xb3: {  	[sflag:s29] =	ssyncadd.s32 $0xFFFFFFFF  }
0xb4: {  	_ =	strace $0x90000048  }
0xb5: {  	_ =	sfence  }
0xb6: {  	s30 =	sld [smem:$0x0];
	_ =	sdelay $0x2  }
0xb7: {  	s31 =	sshll.u32 s1, $0xD;
	s1 =	sshrl.u32 s1, $0x2  }
0xb8: {  	s3 =	sand.u32 $0x4000, s31;
	s1 =	sadd.s32 s1, s30  }
0xb9: {  	s0 =	sor.u32 s3, s0;
	s1 =	sshll.u32 s1, $0x11  }
0xba: {  	s0 =	sor.u32 s1, s0  }
0xbb: {  	s0 =	sadd.s32 $0x8F2B, s0  }
0xbc: {  	[sflag:s0] =	ssyncadd.remote.s32 $0x1  }
0xbd: {  	_ =	sfence.sel $0xFFFF  }
0xbe: {  	[dreg:$0x0] =	wrdreg $0xFFFFFFFF;
	(pc) =	sbr.abs _section_cstart, $3  }
0xbf: {  	[dreg:$0x1] =	wrdreg $0xFFFFFFFF  }
0xc0: {  	_ =	task.clear_ibuf [dreg:s6], $0x2FFFF;
	_ =	strace $0x9FFFFFFF  }
0xc1: {  	(tm) =	ssettm $0x7FFFFFFF  }
tec
execute0_lowered:
.L_overlay_start_1:
0x0: {  	(tag) =	ssettag $0x1  }
0x1: {  	s1 =	srdreg.scid;
	s0 =	stileid.u32  }
0x2: {  	s4 =	rddreg [dreg:$0x0];
	s3 =	sand.u32 $0x1, s1;
	s30 =	sshll.u32 s0, $0x1  }
0x3: {  	s2 =	simm.s32 $0x0;
	s8 =	simm.s32 $0x0;
	s5 =	sor.u32 s3, s30  }
0x4: {  	s1 =	rddreg [dreg:$0x1];
	s3 =	ssub.s32 $0x2, s3;
	s6 =	smul.u32 $0x5E8, s5  }
0x5: {  	[smem:$0x7FF] =	sst s2;
	s5 =	smul.u32 $0x4E4, s5;
	s7 =	sshrl.u32 s3, $0x1  }
0x6: {  	_ =	strace $0x80000047;
	s31 =	ssub.s32 s3, s7;
	s7 =	simm.s32 $0x1  }
0x7: {  	s6 =	sadd.s32 s6, s4;
	s4 =	sadd.s32 s5, s4;
	s5 =	smax.u32 s31, $0x1  }
0x8: {  	v0 =	vimm.f32 $0.0e+00;
	v1 =	vimm.f32 $1.000000000e+00;
	s3 =	sadd.s32 $0x3000, s6;
	s4 =	sadd.s32 $0xEE00, s4;
	s6 =	simm.s32 $0x2720  }
.LBB2_1:
0x9: {  	s9 =	simm.s32 $0x40;
	s10 =	simm.s32 $0x0  }
.LBB2_2:
0xa: {  	p0 =	sne.s32 s9, $0x9C40;
	[tilespmem:s10+$0x0] =	vst v0;
	s10 =	smov.u32 s9;
	s9 =	sadd.s32 $0x40, s9  }
.Ltmp0:
0xb: {  	(pc) =	sbr.rel @p0 .LBB2_2-.Ltmp0, $2  }
0xc: {  	_ =	sdelay $0x2  }
0xd: {  	s10 =	sshra.s32 s10, $0x2  }
0xe: {  	[tilespmem:s10+$0x0] =	vst v0;
	s9 =	simm.s32 $0x0  }
0xf: {  	[tilespmem:s6], [sflag:$0x1] =	stream.linear.gather [hbm4b:s3+s9], $0x2F40, $0x38;
	[tilespmem:$0x5660] =	vst v63  }
0x10: {  	_ =	swait.ge [sflag:s7], $0x2F40  }
0x11: {  	[sflag:s7] =	ssyncset.done $0x0  }
0x12: {  	[sflag:s7] =	ssyncadd.s32 $0xFFFFD0C0  }
.LBB2_4:
0x13: {  	s10 =	sshra.s32 s9, $0x2  }
0x14: {  	v2 =	vld [tilespmem:s10+$0x2720];
	_ =	sdelay $0x4  }
0x15: {  	v2 =	vshrl.u32 v2, $0xE;
	_ =	sdelay $0x4  }
0x16: {  	[tilespmem:v2+s2+$0x0] =	vst.idx.add.f32.msk $0xffff, v1  }
0x17: {  	v2 =	vld [tilespmem:s10+$0x2730];
	_ =	sdelay $0x4  }
0x18: {  	v2 =	vshrl.u32 v2, $0xE;
	_ =	sdelay $0x4  }
0x19: {  	[tilespmem:v2+s2+$0x0] =	vst.idx.add.f32.msk $0xffff, v1  }
0x1a: {  	v2 =	vld [tilespmem:s10+$0x2740];
	_ =	sdelay $0x4  }
0x1b: {  	v2 =	vshrl.u32 v2, $0xE;
	_ =	sdelay $0x4  }
0x1c: {  	[tilespmem:v2+s2+$0x0] =	vst.idx.add.f32.msk $0xffff, v1  }
0x1d: {  	v2 =	vld [tilespmem:s10+$0x2750];
	_ =	sdelay $0x4  }
0x1e: {  	v2 =	vshrl.u32 v2, $0xE;
	_ =	sdelay $0x4  }
0x1f: {  	[tilespmem:v2+s2+$0x0] =	vst.idx.add.f32.msk $0xffff, v1  }
0x20: {  	v2 =	vld [tilespmem:s10+$0x2760];
	_ =	sdelay $0x4  }
0x21: {  	v2 =	vshrl.u32 v2, $0xE;
	_ =	sdelay $0x4  }
0x22: {  	[tilespmem:v2+s2+$0x0] =	vst.idx.add.f32.msk $0xffff, v1  }
0x23: {  	v2 =	vld [tilespmem:s10+$0x2770];
	_ =	sdelay $0x4  }
0x24: {  	p0 =	sne.s32 s9, $0xBB80;
	v2 =	vshrl.u32 v2, $0xE  }
.Ltmp1:
0x25: {  	_ = 	snop;
	(pc) =	sbr.rel @p0 .LBB2_4-.Ltmp1, $2  }
0x26: {  	_ =	sdelay $0x2  }
0x27: {  	s9 =	sadd.s32 $0x180, s9;
	[tilespmem:v2+s2+$0x0] =	vst.idx.add.f32.msk $0xffff, v1  }
0x28: {  	s8 =	sadd.s32 $0x1, s8  }
0x29: {  	p0 =	sne.s32 s8, s5  }
.Ltmp2:
0x2a: {  	_ = 	snop;
	(pc) =	sbr.rel @p0 .LBB2_1-.Ltmp2, $4  }
0x2b: {  	[hbm4b:s4+s2] =	stream.linear.scatter [tilespmem:s2], [sflag:$0x1], $0x2720, $0x38;
	[tilespmem:$0x5660] =	vst v63  }
0x2c: {  	_ =	swait.ge [sflag:s7], $0x2720  }
0x2d: {  	[sflag:s7] =	ssyncset.done $0x0  }
0x2e: {  	[sflag:s7] =	ssyncadd.s32 $0xFFFFD8E0  }
0x2f: {  	_ =	sfence.sel $0x180000  }
0x30: {  	[bflag:$0x0] =	sbarrier.arrive $0xFFFF  }
0x31: {  	p0 =	sne.s32 s0, $0x0;
	_ =	strace $0x90000047  }
0x32: {  	s0 =	sadd.s32 @!p0 $0x100000, s1;
	[bflag:$0x2] =	sbarrier.arrive $0xFFFF  }
0x33: {  	[sflag:s0] =	ssyncadd.tile.s32 @!p0 $0x1;
	_ =	shalt  }
.Lfunc_end2:
_tile_overlayer_lowered:
.L_overlay_start_2:
0x34: {  	(tag) =	ssettag $0x2  }
0x35: {  	s0 =	rddreg [dreg:$0x0];
	s2 =	stileid.u32  }
0x36: {  	s1 =	rddreg [dreg:$0x1];
	p0 =	sne.s32 s2, $0x0  }
0x37: {  	s3 =	rddreg [dreg:$0x2];
	[bflag:$0x3] =	sbarrier.arrive $0xFFFF;
	s2 =	simm.s32 @!p0 $0x1C01  }
0x38: {  	[timem:s3], [sflag:s2] =	dma.local @!p0 [hbm:s0], s1  }
0x39: {  	s0 =	simm.s32 @!p0 $0x1  }
0x3a: {  	_ =	swait.ge @!p0 [sflag:s0], s1  }
0x3b: {  	s1 =	ssub.s32 @!p0 $0x0, s1;
	[sflag:s0] =	ssyncset.done @!p0 $0x0  }
0x3c: {  	[sflag:s0] =	ssyncadd.s32 @!p0 s1  }
0x3d: {  	[bflag:$0x3] =	sbarrier.arrive $0xFFFF  }
0x3e: {  	_ =	shalt  }

// kernel: kernel.14.cloned.1.call-start
scs
__scs_entry_jumppad:
0x0: {  	(pc) =	sbr.rel $0x88, $3  }
0x1: {  	(tag) =	ssettag $0x0;
	lr =	simm.s32 $0x1  }
0x2: {  	[smem:$0x3F99] =	sst lr;
	_ =	strace $0xD0000000  }
0x3: {  	_ = 	snop  }
0x4: {  	_ = 	snop  }
0x5: {  	_ = 	snop  }
0x6: {  	_ = 	snop  }
0x7: {  	_ = 	snop  }
__scs_overlays_trampoline_lowered:
0x8: {  	[smem:$0x3FA8] =	sst s0  }
0x9: {  	[smem:$0x3FA9] =	sst s1  }
0xa: {  	[smem:$0x3FAA] =	sst s2  }
0xb: {  	[smem:$0x3FAB] =	sst s3  }
0xc: {  	[smem:$0x3FAC] =	sst s4  }
0xd: {  	[smem:$0x3FAD] =	sst s5  }
0xe: {  	[smem:$0x3FAE] =	sst s6  }
0xf: {  	[smem:$0x3FAF] =	sst s7  }
0x10: {  	[smem:$0x3FB0] =	sst s8  }
0x11: {  	[smem:$0x3FB1] =	sst s9;
	s0 =	simm.s32 @!p0 $0x0  }
0x12: {  	s1 =	sld [smem:$0x3F97];
	s0 =	simm.s32 @p0 $0x1  }
0x13: {  	[smem:$0x3FB2] =	sst s0;
	s0 =	simm.s32 @!p1 $0x0  }
0x14: {  	s2 =	sld [smem:$0x3F96];
	s0 =	simm.s32 @p1 $0x1  }
0x15: {  	[smem:$0x3FB3] =	sst s0;
	s0 =	simm.s32 @!p2 $0x0  }
0x16: {  	s3 =	sld [smem:$0x3FDB];
	s0 =	simm.s32 @p2 $0x1  }
0x17: {  	s4 =	simm.s32 $0x1BF5;
	[smem:$0x3FB5] =	sst s0  }
0x18: {  	s0 =	sld [smem:$0x3F98];
	_ =	swait.ge [sflag:s4], $0x0  }
0x19: {  	s7 =	sld [smem:$0x3F99]  }
0x1a: {  	s8 =	sadd.s32 $0xFFFFE003, lr  }
0x1b: {  	s9 =	sadd.s32 $0xFFFFFEF7, lr;
	s5 =	simm.s32 $0xFFFFFFFF;
	p2 =	slt.u32 s8, $0xFFFFF086  }
0x1c: {  	p1 =	slt.u32 s9, $0xF7A;
	s5 =	simm.s32 @!p2 $0x0  }
0x1d: {  	s5 =	simm.s32 @p1 $0x1;
	p0 =	seq.s32 s7, s2  }
0x1e: {  	s7 =	smul.u32 @!p0 $0xF7A, s2;
	p2 =	seq.s32 @!p0 s5, $0x0  }
0x1f: {  	s9 =	smul.u32 $0xF7A, s1;
	s8 =	simm.s32 @!p0 $0x1BF5;
	p2 =	por !p2, p0  }
0x20: {  	[sflag:s8] =	ssyncset.s32 @!p0 $0xFFFFF086;
	s6 =	sadd.s32 @!p0 s3, s7;
	s7 =	simm.s32 @!p0 $0x108  }
0x21: {  	s3 =	sadd.s32 s3, s9;
	s6 =	sadd.s32 @!p0 $0x88, s6;
	s7 =	simm.s32 @p2 $0x1082  }
0x22: {  	[simem:s7], [sflag:s8] =	dma.local @!p0 [hbm:s6], $0xF7A  }
0x23: {  	s9 =	sor.u32 $0xD0000000, s2;
	s6 =	simm.s32 $0x108;
	_ =	swait.ge @!p0 [sflag:s8], $0x0  }
0x24: {  	s3 =	sadd.s32 $0x88, s3;
	s6 =	simm.s32 @!p1 $0x1082;
	[sflag:s4] =	ssyncset.s32 $0xFFFFF086  }
0x25: {  	[simem:s6], [sflag:s4] =	dma.local [hbm:s3], $0xF7A  }
0x26: {  	[smem:$0x3F99] =	sst s1;
	(tag) =	ssettag s2;
	_ =	strace s9  }
0x27: {  	s1 =	sld [smem:$0x3FA9]  }
0x28: {  	s2 =	sld [smem:$0x3FAA]  }
0x29: {  	s4 =	sld [smem:$0x3FAC]  }
0x2a: {  	p0 =	seq.s32 s5, $0x0;
	s5 =	sld [smem:$0x3FAD]  }
0x2b: {  	s6 =	sld [smem:$0x3FAE]  }
0x2c: {  	s7 =	sld [smem:$0x3FAF]  }
0x2d: {  	s3 =	simm.s32 $0x108;
	s8 =	sld [smem:$0x3FB0]  }
0x2e: {  	s3 =	simm.s32 @!p0 $0x1082;
	s9 =	sld [smem:$0x3FB1]  }
0x2f: {  	lr =	sadd.s32 s0, s3;
	s0 =	sld [smem:$0x3FA8]  }
0x30: {  	s3 =	sld [smem:$0x3FAB]  }
0x31: {  	[smem:$0x3FB4] =	sst s10  }
0x32: {  	s10 =	sld [smem:$0x3FB2];
	_ =	sdelay $0x3  }
0x33: {  	p0 =	seq.s32 s10, $0x1;
	s10 =	sld [smem:$0x3FB4];
	_ =	sdelay $0x3  }
0x34: {  	[smem:$0x3FB4] =	sst s10  }
0x35: {  	s10 =	sld [smem:$0x3FB3];
	_ =	sdelay $0x3  }
0x36: {  	p1 =	seq.s32 s10, $0x1;
	s10 =	sld [smem:$0x3FB4];
	_ =	sdelay $0x3  }
0x37: {  	[smem:$0x3FB4] =	sst s10  }
0x38: {  	s10 =	sld [smem:$0x3FB5]  }
0x39: {  	_ = 	snop;
	(pc) =	sbr.ind lr, $3  }
0x3a: {  	_ = 	snop  }
0x3b: {  	_ = 	snop  }
0x3c: {  	p2 =	seq.s32 s10, $0x1;
	s10 =	sld [smem:$0x3FB4]  }
0x3d: {  	_ =	shalt  }
0x3e: {  	_ =	shalt  }
0x3f: {  	_ =	shalt  }
0x40: {  	_ =	shalt  }
0x41: {  	_ =	shalt  }
0x42: {  	_ =	shalt  }
0x43: {  	_ =	shalt  }
0x44: {  	_ =	shalt  }
0x45: {  	_ =	shalt  }
0x46: {  	_ =	shalt  }
0x47: {  	_ =	shalt  }
0x48: {  	_ =	shalt  }
0x49: {  	_ =	shalt  }
0x4a: {  	_ =	shalt  }
0x4b: {  	_ =	shalt  }
0x4c: {  	_ =	shalt  }
0x4d: {  	_ =	shalt  }
0x4e: {  	_ =	shalt  }
0x4f: {  	_ =	shalt  }
0x50: {  	_ =	shalt  }
0x51: {  	_ =	shalt  }
0x52: {  	_ =	shalt  }
0x53: {  	_ =	shalt  }
0x54: {  	_ =	shalt  }
0x55: {  	_ =	shalt  }
0x56: {  	_ =	shalt  }
0x57: {  	_ =	shalt  }
0x58: {  	_ =	shalt  }
0x59: {  	_ =	shalt  }
0x5a: {  	_ =	shalt  }
0x5b: {  	_ =	shalt  }
0x5c: {  	_ =	shalt  }
0x5d: {  	_ =	shalt  }
0x5e: {  	_ =	shalt  }
0x5f: {  	_ =	shalt  }
0x60: {  	_ =	shalt  }
0x61: {  	_ =	shalt  }
0x62: {  	_ =	shalt  }
0x63: {  	_ =	shalt  }
0x64: {  	_ =	shalt  }
0x65: {  	_ =	shalt  }
0x66: {  	_ =	shalt  }
0x67: {  	_ =	shalt  }
0x68: {  	_ =	shalt  }
0x69: {  	_ =	shalt  }
0x6a: {  	_ =	shalt  }
0x6b: {  	_ =	shalt  }
0x6c: {  	_ =	shalt  }
0x6d: {  	_ =	shalt  }
0x6e: {  	_ =	shalt  }
0x6f: {  	_ =	shalt  }
0x70: {  	_ =	shalt  }
0x71: {  	_ =	shalt  }
0x72: {  	_ =	shalt  }
0x73: {  	_ =	shalt  }
0x74: {  	_ =	shalt  }
0x75: {  	_ =	shalt  }
0x76: {  	_ =	shalt  }
0x77: {  	_ =	shalt  }
0x78: {  	_ =	shalt  }
0x79: {  	_ =	shalt  }
0x7a: {  	_ =	shalt  }
0x7b: {  	_ =	shalt  }
0x7c: {  	_ =	shalt  }
0x7d: {  	_ =	shalt  }
0x7e: {  	_ =	shalt  }
0x7f: {  	_ =	shalt  }
0x80: {  	_ =	shalt  }
0x81: {  	_ =	shalt  }
0x82: {  	_ =	shalt  }
0x83: {  	_ =	shalt  }
0x84: {  	_ =	shalt  }
0x85: {  	_ =	shalt  }
0x86: {  	_ =	shalt  }
0x87: {  	_ =	shalt  }
.Lfunc_end0:
.L_simem_size_0:
called_computation.1_lowered:
.L_overlay_start_0:
0x88: {  	s2 =	sld [smem:$0x3FD9]  }
0x89: {  	s3 =	sld [smem:$0x3FFE];
	_ =	sdelay $0x1  }
0x8a: {  	s1 =	srdreg.scid  }
0x8b: {  	s0 =	sand.u32 $0x1, s1  }
0x8c: {  	s16 =	sshll.u32 s0, $0xA;
	s2 =	sadd.s32 s3, s2  }
0x8d: {  	s2 =	sadd.s32 s2, s16  }
0x8e: {  	[smem:$0x3FC0] =	sst s2  }
0x8f: {  	_ = 	snop  }
0x90: {  	(tm) =	ssettm $0x1  }
0x91: {  	s17 =	sld [smem:$0x3FFB];
	_ =	sdelay $0x3  }
0x92: {  	_ =	strace s17  }
0x93: {  	s2 =	sld [smem:$0x3FFC];
	_ =	sdelay $0x3  }
0x94: {  	_ =	strace s2  }
0x95: {  	s2 =	sld [smem:$0x3FFD];
	_ =	sdelay $0x3  }
0x96: {  	_ =	strace s2  }
0x97: {  	_ =	strace $0x8FFFFFFF  }
0x98: {  	s18 =	sld [smem:$0x3FDB];
	_ =	sdelay $0x1  }
0x99: {  	s19 =	simm.s32 $_scs_section_size  }
0x9a: {  	s4 =	simm.s32 $_size__tile_overlayer_lowered;
	s5 =	simm.s32 $_tile_overlayer_lowered  }
0x9b: {  	s22 =	simm.s32 $0x1BFF;
	s21 =	sshll.u32 s5, $0x1;
	s2 =	sadd.s32 s19, s18  }
0x9c: {  	s6 =	simm.s32 $0x0;
	s20 =	sshll.u32 s4, $0x1;
	s4 =	sadd.s32 s21, s2  }
0x9d: {  	[timem:s6], [sflag:s22] =	dma.local [hbm:s4], s20  }
0x9e: {  	_ =	swait.ge [sflag:s22], s20  }
0x9f: {  	s3 =	ssub.s32 $0x0, s20;
	[sflag:s22] =	ssyncset.done $0x0  }
0xa0: {  	[sflag:s22] =	ssyncadd.s32 s3;
	_ =	sdelay $0x1  }
0xa1: {  	s23 =	simm.s32 $0x1B8B  }
0xa2: {  	_ =	swait.ge [sflag:s23], $0x1  }
0xa3: {  	[sflag:s23] =	ssyncset.done $0x0  }
0xa4: {  	s25 =	simm.s32 $0x1B8E;
	s24 =	sld [smem:$0x3FFE];
	[sflag:s23] =	ssyncadd.s32 $0xFFFFFFFF  }
0xa5: {  	s26 =	simm.s32 $execute0_lowered;
	[smem:$0x3FD2] =	sst s25  }
0xa6: {  	s4 =	sshll.u32 s26, $0x1;
	_ =	strace $0x80000049;
	[dreg:$0x1] =	wrdreg $0xFFFFFFFF  }
0xa7: {  	s28 =	simm.s32 $_size_execute0_lowered;
	s2 =	sadd.s32 s2, s4;
	[dreg:$0x0] =	wrdreg $0x0  }
0xa8: {  	s4 =	sshll.u32 s28, $0x1;
	[dreg:$0x2] =	wrdreg s2  }
0xa9: {  	[dreg:$0x3] =	wrdreg s4  }
0xaa: {  	[dreg:$0x4] =	wrdreg $0xC0  }
0xab: {  	_ =	task [dreg:s6], $0x5FFFF  }
0xac: {  	[dreg:$0x1] =	wrdreg $0xFFFFFFFF  }
0xad: {  	[dreg:$0x0] =	wrdreg $0x60  }
0xae: {  	[dreg:$0x2] =	wrdreg s24  }
0xaf: {  	[dreg:$0x3] =	wrdreg $0x0  }
0xb0: {  	[dreg:$0x4] =	wrdreg $0x9  }
0xb1: {  	_ =	task.clear_ibuf [dreg:s6], $0x5FFFF;
	_ =	strace $0x90000049  }
0xb2: {  	s29 =	simm.s32 $0x9;
	_ =	strace $0x8000004B  }
0xb3: {  	_ =	swait.ge [sflag:s29], $0x1  }
0xb4: {  	[sflag:s29] =	ssyncadd.s32 $0xFFFFFFFF  }
0xb5: {  	_ =	strace $0x9000004B  }
0xb6: {  	_ =	sfence  }
0xb7: {  	s30 =	sld [smem:$0x0];
	_ =	sdelay $0x2  }
0xb8: {  	s31 =	sshll.u32 s1, $0xD;
	s1 =	sshrl.u32 s1, $0x2  }
0xb9: {  	s3 =	sand.u32 $0x4000, s31;
	s1 =	sadd.s32 s1, s30  }
0xba: {  	s0 =	sor.u32 s3, s0;
	s1 =	sshll.u32 s1, $0x11  }
0xbb: {  	s0 =	sor.u32 s1, s0  }
0xbc: {  	s0 =	sadd.s32 $0x8F2B, s0  }
0xbd: {  	[sflag:s0] =	ssyncadd.remote.s32 $0x1  }
0xbe: {  	_ =	sfence.sel $0xFFFF  }
0xbf: {  	[dreg:$0x0] =	wrdreg $0xFFFFFFFF;
	(pc) =	sbr.abs _section_cstart, $3  }
0xc0: {  	[dreg:$0x1] =	wrdreg $0xFFFFFFFF  }
0xc1: {  	_ =	task.clear_ibuf [dreg:s6], $0x2FFFF;
	_ =	strace $0x9FFFFFFF  }
0xc2: {  	(tm) =	ssettm $0x7FFFFFFF  }
0xc3: {  	_ =	shalt  }
tec
execute0_lowered:
.L_overlay_start_1:
0x0: {  	(tag) =	ssettag $0x1  }
0x1: {  	s0 =	srdreg.scid  }
0x2: {  	s2 =	stileid.u32;
	s5 =	rddreg [dreg:$0x0]  }
0x3: {  	s1 =	rddreg [dreg:$0x1];
	s6 =	simm.s32 $0x0;
	s14 =	simm.s32 $0x4  }
0x4: {  	s17 =	simm.s32 $0x60;
	s19 =	simm.s32 $0x16A80;
	s21 =	simm.s32 $0x19A80  }
0x5: {  	s28 =	simm.s32 $0x16A20;
	s29 =	simm.s32 $0x1CA80;
	s30 =	simm.s32 $0x0  }
0x6: {  	s0 =	sand.u32 $0x1, s0;
	s3 =	sshll.u32 s2, $0x1;
	[smem:$0x7FF] =	sst s6  }
0x7: {  	s10 =	sadd.s32 $0x36000, s5;
	s8 =	smul.u32 $0x13800, s2;
	s24 =	sshll.u32 s2, $0x6  }
0x8: {  	s15 =	sadd.s32 $0x138000, s1;
	s3 =	sor.u32 s0, s3;
	_ =	strace $0x8000004A  }
0x9: {  	s22 =	ssub.s32 $0x2, s0;
	p0 =	seq.s32 s0, $0x0;
	s0 =	smul.u32 $0x138800, s0  }
0xa: {  	s4 =	smul.u32 $0x5E8, s3;
	s3 =	sadd.s32 $0xEE00, s5;
	s9 =	sshrl.u32 s22, $0x1  }
0xb: {  	s13 =	sadd.s32 s8, s1;
	s23 =	sshrl.u32 s8, $0x3;
	s11 =	ssub.s32 s22, s9  }
0xc: {  	s6 =	sadd.s32 s3, s23;
	s26 =	sadd.s32 s8, s0;
	s0 =	sshrl.u32 s0, $0x3  }
0xd: {  	s13 =	sshrl.u32 s13, $0x3;
	s22 =	simm.s32 $0x1;
	s23 =	simm.s32 $0x16960  }
0xe: {  	s7 =	sadd.s32 s4, s5;
	s4 =	simm.s32 $0x54;
	[dreg:$0x3] =	wrdreg s6  }
0xf: {  	s6 =	sor.u32 $0x1C04, s24;
	s5 =	sadd.s32 $0x35E00, s5;
	s31 =	sshrl.u32 s26, $0x3  }
0x10: {  	s0 =	sadd.s32 s10, s0;
	s11 =	smax.u32 s11, $0x1;
	s4 =	simm.s32 @!p0 $0x7E  }
0x11: {  	s24 =	simm.s32 $0x2;
	s26 =	simm.s32 $0x3;
	s25 =	smul.u32 $0x56, s4  }
0x12: {  	[dreg:$0x4] =	wrdreg s5;
	s8 =	sadd.s32 $0x3000, s7;
	s9 =	sadd.s32 s10, s31  }
0x13: {  	s10 =	sadd.s32 $0x27000, s0;
	p0 =	sne.s32 s2, $0x0;
	s5 =	sshrl.u32 s25, $0x8  }
0x14: {  	s15 =	sshrl.u32 @!p0 s15, $0x3;
	s25 =	simm.s32 $0x169C0;
	s12 =	smul.u32 $0x3, s5  }
.LBB2_1:
0x15: {  	s0 =	rddreg [dreg:$0x3]  }
0x16: {  	[spmem:s13], [sflag:s6] =	dma.local [hbm:s0], $0x2700  }
0x17: {  	_ =	swait.ge [sflag:s14], $0x2700  }
0x18: {  	[sflag:s14] =	ssyncset.done $0x0  }
0x19: {  	s31 =	simm.s32 @!p0 $0x4;
	s0 =	rddreg [dreg:$0x4];
	[sflag:s14] =	ssyncadd.s32 $0xFFFFD900  }
0x1a: {  	[spmem:s15], [sflag:s6] =	dma.local @!p0 [hbm:s0], $0x100  }
0x1b: {  	_ =	swait.ge @!p0 [sflag:s31], $0x100  }
0x1c: {  	[sflag:s31] =	ssyncset.done @!p0 $0x0  }
0x1d: {  	s16 =	simm.s32 $0x0;
	s2 =	simm.s32 $0x13900;
	[sflag:s31] =	ssyncadd.s32 @!p0 $0xFFFFFF00  }
0x1e: {  	[tilespmem:s2], [sflag:$0x4] =	stream.linear.gather [hbm4b:s8+s16], $0x2F40, $0x38;
	[tilespmem:$0x1FA80] =	vst v63  }
0x1f: {  	_ =	swait.ge [sflag:s14], $0x2F40  }
0x20: {  	[sflag:s14] =	ssyncset.done $0x0  }
0x21: {  	[sflag:s14] =	ssyncadd.s32 $0xFFFFD0C0  }
0x22: {  	v0 =	vld [tilespmem:$0x13900];
	_ =	sdelay $0x1  }
0x23: {  	v1 =	vld [tilespmem:$0x13910];
	_ =	sdelay $0x1  }
0x24: {  	v2 =	vld [tilespmem:$0x13920]  }
0x25: {  	v3 =	vand.u32 $0x3FFF, v0  }
0x26: {  	v0 =	vshrl.u32 v0, $0xE;
	[tilespmem:$0x16840] =	vst v3;
	v3 =	vld [tilespmem:$0x13930]  }
0x27: {  	[tilespmem:$0x16960] =	vst v0;
	v0 =	vand.u32 $0x3FFF, v1  }
0x28: {  	[tilespmem:$0x16850] =	vst v0;
	v0 =	vshrl.u32 v1, $0xE;
	v1 =	vld [tilespmem:$0x13940]  }
0x29: {  	[tilespmem:$0x16970] =	vst v0;
	v0 =	vand.u32 $0x3FFF, v2  }
0x2a: {  	[tilespmem:$0x16860] =	vst v0;
	v0 =	vshrl.u32 v2, $0xE;
	v2 =	vld [tilespmem:$0x13950]  }
0x2b: {  	[tilespmem:$0x16980] =	vst v0;
	v0 =	vand.u32 $0x3FFF, v3  }
0x2c: {  	[tilespmem:$0x16870] =	vst v0;
	v0 =	vshrl.u32 v3, $0xE  }
0x2d: {  	[tilespmem:$0x16990] =	vst v0;
	v0 =	vand.u32 $0x3FFF, v1  }
0x2e: {  	[tilespmem:$0x16880] =	vst v0;
	v0 =	vshrl.u32 v1, $0xE  }
0x2f: {  	[tilespmem:$0x169A0] =	vst v0;
	v0 =	vand.u32 $0x3FFF, v2  }
0x30: {  	[tilespmem:$0x16890] =	vst v0;
	v0 =	vshrl.u32 v2, $0xE  }
0x31: {  	s18 =	simm.s32 $0x16840;
	[tilespmem:$0x169B0] =	vst v0  }
0x32: {  	[tilespmem:s19], [sflag:$0x1] =	stream.indirect.gather [hbm4b:s3+s17], $0x80, s18, s17, $0xb8;
	[tilespmem:$0x1FA80] =	vst v63  }
0x33: {  	v0 =	vld [tilespmem:$0x13960];
	_ =	sdelay $0x1  }
0x34: {  	v1 =	vld [tilespmem:$0x13970];
	_ =	sdelay $0x1  }
0x35: {  	v2 =	vld [tilespmem:$0x13980]  }
0x36: {  	v3 =	vand.u32 $0x3FFF, v0  }
0x37: {  	v0 =	vshrl.u32 v0, $0xE;
	[tilespmem:$0x168A0] =	vst v3;
	v3 =	vld [tilespmem:$0x13990]  }
0x38: {  	[tilespmem:$0x169C0] =	vst v0;
	v0 =	vand.u32 $0x3FFF, v1  }
0x39: {  	[tilespmem:$0x168B0] =	vst v0;
	v0 =	vshrl.u32 v1, $0xE;
	v1 =	vld [tilespmem:$0x139A0]  }
0x3a: {  	[tilespmem:$0x169D0] =	vst v0;
	v0 =	vand.u32 $0x3FFF, v2  }
0x3b: {  	[tilespmem:$0x168C0] =	vst v0;
	v0 =	vshrl.u32 v2, $0xE;
	v2 =	vld [tilespmem:$0x139B0]  }
0x3c: {  	[tilespmem:$0x169E0] =	vst v0;
	v0 =	vand.u32 $0x3FFF, v3  }
0x3d: {  	[tilespmem:$0x168D0] =	vst v0;
	v0 =	vshrl.u32 v3, $0xE  }
0x3e: {  	[tilespmem:$0x169F0] =	vst v0;
	v0 =	vand.u32 $0x3FFF, v1  }
0x3f: {  	[tilespmem:$0x168E0] =	vst v0;
	v0 =	vshrl.u32 v1, $0xE  }
0x40: {  	[tilespmem:$0x16A00] =	vst v0;
	v0 =	vand.u32 $0x3FFF, v2  }
0x41: {  	[tilespmem:$0x168F0] =	vst v0;
	v0 =	vshrl.u32 v2, $0xE  }
0x42: {  	s20 =	simm.s32 $0x168A0;
	[tilespmem:$0x16A10] =	vst v0  }
0x43: {  	[tilespmem:s21], [sflag:$0x2] =	stream.indirect.gather [hbm4b:s3+s17], $0x80, s20, s17, $0xb8;
	[tilespmem:$0x1FA80] =	vst v63  }
0x44: {  	p1 =	sle.u32 s4, $0x2;
	s0 =	simm.s32 $0x139F0;
	[bflag:$0x0] =	sbarrier.arrive $0xFFFF  }
0x45: {  	v0 =	vld @!p1 [tilespmem:s0+$0xFFFFFFD0];
	_ =	sdelay $0x4  }
0x46: {  	v1 =	vand.u32 @!p1 $0x3FFF, v0  }
0x47: {  	v0 =	vshrl.u32 @!p1 v0, $0xE;
	[tilespmem:$0x16900] =	vst @!p1 v1  }
0x48: {  	[tilespmem:$0x16A20] =	vst @!p1 v0  }
0x49: {  	v0 =	vld @!p1 [tilespmem:s0+$0xFFFFFFE0];
	_ =	sdelay $0x4  }
0x4a: {  	v1 =	vand.u32 @!p1 $0x3FFF, v0  }
0x4b: {  	v0 =	vshrl.u32 @!p1 v0, $0xE;
	[tilespmem:$0x16910] =	vst @!p1 v1  }
0x4c: {  	[tilespmem:$0x16A30] =	vst @!p1 v0  }
0x4d: {  	v0 =	vld @!p1 [tilespmem:s0+$0xFFFFFFF0];
	_ =	sdelay $0x4  }
0x4e: {  	v1 =	vand.u32 @!p1 $0x3FFF, v0  }
0x4f: {  	v0 =	vshrl.u32 @!p1 v0, $0xE;
	[tilespmem:$0x16920] =	vst @!p1 v1  }
0x50: {  	[tilespmem:$0x16A40] =	vst @!p1 v0  }
0x51: {  	v0 =	vld @!p1 [tilespmem:s0+$0x0];
	_ =	sdelay $0x4  }
0x52: {  	v1 =	vand.u32 @!p1 $0x3FFF, v0  }
0x53: {  	v0 =	vshrl.u32 @!p1 v0, $0xE;
	[tilespmem:$0x16930] =	vst @!p1 v1  }
0x54: {  	[tilespmem:$0x16A50] =	vst @!p1 v0  }
0x55: {  	v0 =	vld @!p1 [tilespmem:s0+$0x10];
	_ =	sdelay $0x4  }
0x56: {  	v1 =	vand.u32 @!p1 $0x3FFF, v0  }
0x57: {  	v0 =	vshrl.u32 @!p1 v0, $0xE;
	[tilespmem:$0x16940] =	vst @!p1 v1  }
0x58: {  	[tilespmem:$0x16A60] =	vst @!p1 v0  }
0x59: {  	v0 =	vld @!p1 [tilespmem:s0+$0x20];
	_ =	sdelay $0x4  }
0x5a: {  	v1 =	vand.u32 @!p1 $0x3FFF, v0  }
0x5b: {  	v0 =	vshrl.u32 @!p1 v0, $0xE;
	[tilespmem:$0x16950] =	vst @!p1 v1  }
0x5c: {  	s5 =	simm.s32 @!p1 $0x16900;
	s7 =	simm.s32 @!p1 $0x1CA80;
	s2 =	simm.s32 @!p1 $0x60;
	[tilespmem:$0x16A70] =	vst @!p1 v0  }
0x5d: {  	[tilespmem:s7], [sflag:$0x3] =	stream.indirect.gather @!p1 [hbm4b:s3+s2], $0x80, s5, s2, $0xb8;
	[tilespmem:$0x1FA80] =	vst v63  }
0x5e: {  	_ =	swait.ge [sflag:s22], $0x3000  }
0x5f: {  	[sflag:s22] =	ssyncset.done $0x0  }
0x60: {  	[sflag:s22] =	ssyncadd.s32 $0xFFFFD000  }
0x61: {  	[spmem:s1] =	stream.indirect.scatter.add.f32 [tilespmem:s19], [sflag:$0x4], $0x80, s23, s17, $0xb8;
	[tilespmem:$0x1FA80] =	vst v63  }
0x62: {  	_ =	swait.ge [sflag:s14], $0x3000  }
0x63: {  	[sflag:s14] =	ssyncset.done $0x0  }
0x64: {  	p1 =	sle.u32 s4, $0x3;
	[sflag:s14] =	ssyncadd.s32 $0xFFFFD000  }
0x65: {  	v0 =	vld @!p1 [tilespmem:s0+$0x30];
	_ =	sdelay $0x4  }
0x66: {  	v1 =	vand.u32 @!p1 $0x3FFF, v0  }
0x67: {  	v0 =	vshrl.u32 @!p1 v0, $0xE;
	[tilespmem:$0x16840] =	vst @!p1 v1  }
0x68: {  	[tilespmem:$0x16960] =	vst @!p1 v0  }
0x69: {  	v0 =	vld @!p1 [tilespmem:s0+$0x40];
	_ =	sdelay $0x4  }
0x6a: {  	v1 =	vand.u32 @!p1 $0x3FFF, v0  }
0x6b: {  	v0 =	vshrl.u32 @!p1 v0, $0xE;
	[tilespmem:$0x16850] =	vst @!p1 v1  }
0x6c: {  	[tilespmem:$0x16970] =	vst @!p1 v0  }
0x6d: {  	v0 =	vld @!p1 [tilespmem:s0+$0x50];
	_ =	sdelay $0x4  }
0x6e: {  	v1 =	vand.u32 @!p1 $0x3FFF, v0  }
0x6f: {  	v0 =	vshrl.u32 @!p1 v0, $0xE;
	[tilespmem:$0x16860] =	vst @!p1 v1  }
0x70: {  	[tilespmem:$0x16980] =	vst @!p1 v0  }
0x71: {  	v0 =	vld @!p1 [tilespmem:s0+$0x60];
	_ =	sdelay $0x4  }
0x72: {  	v1 =	vand.u32 @!p1 $0x3FFF, v0  }
0x73: {  	v0 =	vshrl.u32 @!p1 v0, $0xE;
	[tilespmem:$0x16870] =	vst @!p1 v1  }
0x74: {  	[tilespmem:$0x16990] =	vst @!p1 v0  }
0x75: {  	v0 =	vld @!p1 [tilespmem:s0+$0x70];
	_ =	sdelay $0x4  }
0x76: {  	v1 =	vand.u32 @!p1 $0x3FFF, v0  }
0x77: {  	v0 =	vshrl.u32 @!p1 v0, $0xE;
	[tilespmem:$0x16880] =	vst @!p1 v1  }
0x78: {  	[tilespmem:$0x169A0] =	vst @!p1 v0  }
0x79: {  	v0 =	vld @!p1 [tilespmem:s0+$0x80];
	_ =	sdelay $0x4  }
0x7a: {  	v1 =	vand.u32 @!p1 $0x3FFF, v0  }
0x7b: {  	v0 =	vshrl.u32 @!p1 v0, $0xE;
	[tilespmem:$0x16890] =	vst @!p1 v1  }
0x7c: {  	s2 =	simm.s32 @!p1 $0x60;
	s5 =	simm.s32 @!p1 $0x16840;
	s7 =	simm.s32 @!p1 $0x16A80;
	[tilespmem:$0x169B0] =	vst @!p1 v0  }
0x7d: {  	[tilespmem:s7], [sflag:$0x1] =	stream.indirect.gather @!p1 [hbm4b:s3+s2], $0x80, s5, s2, $0xb8;
	[tilespmem:$0x1FA80] =	vst v63  }
0x7e: {  	_ =	swait.ge [sflag:s24], $0x3000  }
0x7f: {  	[sflag:s24] =	ssyncset.done $0x0  }
0x80: {  	[sflag:s24] =	ssyncadd.s32 $0xFFFFD000  }
0x81: {  	[spmem:s1] =	stream.indirect.scatter.add.f32 [tilespmem:s21], [sflag:$0x4], $0x80, s25, s17, $0xb8;
	[tilespmem:$0x1FA80] =	vst v63  }
0x82: {  	_ =	swait.ge [sflag:s14], $0x3000  }
0x83: {  	[sflag:s14] =	ssyncset.done $0x0  }
0x84: {  	p2 =	sle.u32 s4, $0x4;
	[sflag:s14] =	ssyncadd.s32 $0xFFFFD000  }
0x85: {  	v0 =	vld @!p2 [tilespmem:s0+$0x90];
	_ =	sdelay $0x4  }
0x86: {  	v1 =	vand.u32 @!p2 $0x3FFF, v0  }
0x87: {  	v0 =	vshrl.u32 @!p2 v0, $0xE;
	[tilespmem:$0x168A0] =	vst @!p2 v1  }
0x88: {  	[tilespmem:$0x169C0] =	vst @!p2 v0  }
0x89: {  	v0 =	vld @!p2 [tilespmem:s0+$0xA0];
	_ =	sdelay $0x4  }
0x8a: {  	v1 =	vand.u32 @!p2 $0x3FFF, v0  }
0x8b: {  	v0 =	vshrl.u32 @!p2 v0, $0xE;
	[tilespmem:$0x168B0] =	vst @!p2 v1  }
0x8c: {  	[tilespmem:$0x169D0] =	vst @!p2 v0  }
0x8d: {  	v0 =	vld @!p2 [tilespmem:s0+$0xB0];
	_ =	sdelay $0x4  }
0x8e: {  	v1 =	vand.u32 @!p2 $0x3FFF, v0  }
0x8f: {  	v0 =	vshrl.u32 @!p2 v0, $0xE;
	[tilespmem:$0x168C0] =	vst @!p2 v1  }
0x90: {  	[tilespmem:$0x169E0] =	vst @!p2 v0  }
0x91: {  	v0 =	vld @!p2 [tilespmem:s0+$0xC0];
	_ =	sdelay $0x2  }
0x92: {  	p1 =	sne.s32 s12, $0x3  }
.Ltmp0:
0x93: {  	_ = 	snop;
	(pc) =	sbr.rel @!p1 .LBB2_3-.Ltmp0, $4  }
0x94: {  	v1 =	vand.u32 @!p2 $0x3FFF, v0  }
0x95: {  	v0 =	vshrl.u32 @!p2 v0, $0xE;
	[tilespmem:$0x168D0] =	vst @!p2 v1  }
0x96: {  	s16 =	simm.s32 $0x139F0;
	s20 =	simm.s32 @!p2 $0x60;
	[tilespmem:$0x169F0] =	vst @!p2 v0  }
0x97: {  	s2 =	simm.s32 $0x3;
	s5 =	simm.s32 @!p2 $0x168A0;
	s7 =	simm.s32 @!p2 $0x19A80;
	v0 =	vld @!p2 [tilespmem:s0+$0xD0]  }
.LBB2_2:
0x98: {  	_ =	sdelay $0x3  }
0x99: {  	s16 =	sadd.s32 $0x120, s16;
	s18 =	smov.u32 s2;
	s2 =	sadd.s32 $0x3, s2;
	v1 =	vand.u32 @!p2 $0x3FFF, v0;
	v0 =	vshrl.u32 @!p2 v0, $0xE  }
0x9a: {  	p1 =	sne.s32 s12, s2;
	[tilespmem:$0x168E0] =	vst @!p2 v1  }
0x9b: {  	[tilespmem:$0x16A00] =	vst @!p2 v0  }
0x9c: {  	v0 =	vld @!p2 [tilespmem:s0+$0xE0];
	s0 =	smov.u32 s16;
	_ =	sdelay $0x4  }
0x9d: {  	v1 =	vand.u32 @!p2 $0x3FFF, v0;
	v0 =	vshrl.u32 @!p2 v0, $0xE  }
0x9e: {  	[tilespmem:$0x168F0] =	vst @!p2 v1  }
0x9f: {  	[tilespmem:$0x16A10] =	vst @!p2 v0  }
0xa0: {  	[tilespmem:s7], [sflag:$0x2] =	stream.indirect.gather @!p2 [hbm4b:s3+s20], $0x80, s5, s20, $0xb8;
	[tilespmem:$0x1FA80] =	vst v63  }
0xa1: {  	_ =	swait.ge [sflag:s26], $0x3000  }
0xa2: {  	[sflag:s26] =	ssyncset.done $0x0  }
0xa3: {  	[sflag:s26] =	ssyncadd.s32 $0xFFFFD000  }
0xa4: {  	[spmem:s1] =	stream.indirect.scatter.add.f32 [tilespmem:s29], [sflag:$0x4], $0x80, s28, s17, $0xb8;
	[tilespmem:$0x1FA80] =	vst v63  }
0xa5: {  	_ =	swait.ge [sflag:s14], $0x3000  }
0xa6: {  	s5 =	sadd.s32 $0x2, s18;
	[sflag:s14] =	ssyncset.done $0x0  }
0xa7: {  	p2 =	sge.u32 s5, s4;
	[sflag:s14] =	ssyncadd.s32 $0xFFFFD000  }
0xa8: {  	v0 =	vld @!p2 [tilespmem:s16+$0xFFFFFFD0];
	_ =	sdelay $0x4  }
0xa9: {  	v1 =	vand.u32 @!p2 $0x3FFF, v0;
	v0 =	vshrl.u32 @!p2 v0, $0xE  }
0xaa: {  	[tilespmem:$0x16900] =	vst @!p2 v1  }
0xab: {  	[tilespmem:$0x16A20] =	vst @!p2 v0  }
0xac: {  	v0 =	vld @!p2 [tilespmem:s16+$0xFFFFFFE0];
	_ =	sdelay $0x4  }
0xad: {  	v1 =	vand.u32 @!p2 $0x3FFF, v0;
	v0 =	vshrl.u32 @!p2 v0, $0xE  }
0xae: {  	[tilespmem:$0x16910] =	vst @!p2 v1  }
0xaf: {  	[tilespmem:$0x16A30] =	vst @!p2 v0  }
0xb0: {  	v0 =	vld @!p2 [tilespmem:s16+$0xFFFFFFF0];
	_ =	sdelay $0x4  }
0xb1: {  	v1 =	vand.u32 @!p2 $0x3FFF, v0;
	v0 =	vshrl.u32 @!p2 v0, $0xE  }
0xb2: {  	[tilespmem:$0x16920] =	vst @!p2 v1  }
0xb3: {  	[tilespmem:$0x16A40] =	vst @!p2 v0  }
0xb4: {  	v0 =	vld @!p2 [tilespmem:s16+$0x0];
	_ =	sdelay $0x4  }
0xb5: {  	v1 =	vand.u32 @!p2 $0x3FFF, v0;
	v0 =	vshrl.u32 @!p2 v0, $0xE  }
0xb6: {  	[tilespmem:$0x16930] =	vst @!p2 v1  }
0xb7: {  	[tilespmem:$0x16A50] =	vst @!p2 v0  }
0xb8: {  	v0 =	vld @!p2 [tilespmem:s16+$0x10];
	_ =	sdelay $0x4  }
0xb9: {  	v1 =	vand.u32 @!p2 $0x3FFF, v0;
	v0 =	vshrl.u32 @!p2 v0, $0xE  }
0xba: {  	[tilespmem:$0x16940] =	vst @!p2 v1  }
0xbb: {  	[tilespmem:$0x16A60] =	vst @!p2 v0  }
0xbc: {  	v0 =	vld @!p2 [tilespmem:s16+$0x20]  }
0xbd: {  	s5 =	simm.s32 @!p2 $0x60;
	s7 =	simm.s32 @!p2 $0x16900;
	s20 =	simm.s32 @!p2 $0x1CA80  }
0xbe: {  	_ =	sdelay $0x2  }
0xbf: {  	v1 =	vand.u32 @!p2 $0x3FFF, v0;
	v0 =	vshrl.u32 @!p2 v0, $0xE  }
0xc0: {  	[tilespmem:$0x16950] =	vst @!p2 v1  }
0xc1: {  	[tilespmem:$0x16A70] =	vst @!p2 v0  }
0xc2: {  	[tilespmem:s20], [sflag:$0x3] =	stream.indirect.gather @!p2 [hbm4b:s3+s5], $0x80, s7, s5, $0xb8;
	[tilespmem:$0x1FA80] =	vst v63  }
0xc3: {  	_ =	swait.ge [sflag:s22], $0x3000  }
0xc4: {  	[sflag:s22] =	ssyncset.done $0x0  }
0xc5: {  	[sflag:s22] =	ssyncadd.s32 $0xFFFFD000  }
0xc6: {  	[spmem:s1] =	stream.indirect.scatter.add.f32 [tilespmem:s19], [sflag:$0x4], $0x80, s23, s17, $0xb8;
	[tilespmem:$0x1FA80] =	vst v63  }
0xc7: {  	_ =	swait.ge [sflag:s14], $0x3000  }
0xc8: {  	[sflag:s14] =	ssyncset.done $0x0  }
0xc9: {  	p2 =	sge.u32 s2, s4;
	[sflag:s14] =	ssyncadd.s32 $0xFFFFD000  }
0xca: {  	v0 =	vld @!p2 [tilespmem:s16+$0x30];
	_ =	sdelay $0x4  }
0xcb: {  	v1 =	vand.u32 @!p2 $0x3FFF, v0;
	v0 =	vshrl.u32 @!p2 v0, $0xE  }
0xcc: {  	[tilespmem:$0x16840] =	vst @!p2 v1  }
0xcd: {  	[tilespmem:$0x16960] =	vst @!p2 v0  }
0xce: {  	v0 =	vld @!p2 [tilespmem:s16+$0x40];
	_ =	sdelay $0x4  }
0xcf: {  	v1 =	vand.u32 @!p2 $0x3FFF, v0;
	v0 =	vshrl.u32 @!p2 v0, $0xE  }
0xd0: {  	[tilespmem:$0x16850] =	vst @!p2 v1  }
0xd1: {  	[tilespmem:$0x16970] =	vst @!p2 v0  }
0xd2: {  	v0 =	vld @!p2 [tilespmem:s16+$0x50];
	_ =	sdelay $0x4  }
0xd3: {  	v1 =	vand.u32 @!p2 $0x3FFF, v0;
	v0 =	vshrl.u32 @!p2 v0, $0xE  }
0xd4: {  	[tilespmem:$0x16860] =	vst @!p2 v1  }
0xd5: {  	[tilespmem:$0x16980] =	vst @!p2 v0  }
0xd6: {  	v0 =	vld @!p2 [tilespmem:s16+$0x60];
	_ =	sdelay $0x4  }
0xd7: {  	v1 =	vand.u32 @!p2 $0x3FFF, v0;
	v0 =	vshrl.u32 @!p2 v0, $0xE  }
0xd8: {  	[tilespmem:$0x16870] =	vst @!p2 v1  }
0xd9: {  	[tilespmem:$0x16990] =	vst @!p2 v0  }
0xda: {  	v0 =	vld @!p2 [tilespmem:s16+$0x70];
	_ =	sdelay $0x2  }
0xdb: {  	s5 =	simm.s32 @!p2 $0x60;
	s7 =	simm.s32 @!p2 $0x16840;
	s20 =	simm.s32 @!p2 $0x16A80  }
0xdc: {  	_ = 	snop  }
0xdd: {  	v1 =	vand.u32 @!p2 $0x3FFF, v0;
	v0 =	vshrl.u32 @!p2 v0, $0xE  }
0xde: {  	[tilespmem:$0x16880] =	vst @!p2 v1  }
0xdf: {  	[tilespmem:$0x169A0] =	vst @!p2 v0  }
0xe0: {  	v0 =	vld @!p2 [tilespmem:s16+$0x80];
	_ =	sdelay $0x4  }
0xe1: {  	v1 =	vand.u32 @!p2 $0x3FFF, v0;
	v0 =	vshrl.u32 @!p2 v0, $0xE  }
0xe2: {  	[tilespmem:$0x16890] =	vst @!p2 v1  }
0xe3: {  	[tilespmem:$0x169B0] =	vst @!p2 v0  }
0xe4: {  	[tilespmem:s20], [sflag:$0x1] =	stream.indirect.gather @!p2 [hbm4b:s3+s5], $0x80, s7, s5, $0xb8;
	[tilespmem:$0x1FA80] =	vst v63  }
0xe5: {  	_ =	swait.ge [sflag:s24], $0x3000  }
0xe6: {  	[sflag:s24] =	ssyncset.done $0x0  }
0xe7: {  	[sflag:s24] =	ssyncadd.s32 $0xFFFFD000  }
0xe8: {  	[spmem:s1] =	stream.indirect.scatter.add.f32 [tilespmem:s21], [sflag:$0x4], $0x80, s25, s17, $0xb8;
	[tilespmem:$0x1FA80] =	vst v63  }
0xe9: {  	_ =	swait.ge [sflag:s14], $0x3000  }
0xea: {  	s5 =	sadd.s32 $0x4, s18;
	[sflag:s14] =	ssyncset.done $0x0  }
0xeb: {  	p2 =	sge.u32 s5, s4;
	[sflag:s14] =	ssyncadd.s32 $0xFFFFD000  }
0xec: {  	v0 =	vld @!p2 [tilespmem:s16+$0x90];
	_ =	sdelay $0x4  }
0xed: {  	v1 =	vand.u32 @!p2 $0x3FFF, v0;
	v0 =	vshrl.u32 @!p2 v0, $0xE  }
0xee: {  	[tilespmem:$0x168A0] =	vst @!p2 v1  }
0xef: {  	[tilespmem:$0x169C0] =	vst @!p2 v0  }
0xf0: {  	v0 =	vld @!p2 [tilespmem:s16+$0xA0];
	_ =	sdelay $0x4  }
0xf1: {  	v1 =	vand.u32 @!p2 $0x3FFF, v0;
	v0 =	vshrl.u32 @!p2 v0, $0xE  }
0xf2: {  	[tilespmem:$0x168B0] =	vst @!p2 v1  }
0xf3: {  	[tilespmem:$0x169D0] =	vst @!p2 v0  }
0xf4: {  	v0 =	vld @!p2 [tilespmem:s16+$0xB0];
	_ =	sdelay $0x4  }
0xf5: {  	v1 =	vand.u32 @!p2 $0x3FFF, v0;
	v0 =	vshrl.u32 @!p2 v0, $0xE  }
0xf6: {  	[tilespmem:$0x168C0] =	vst @!p2 v1  }
0xf7: {  	[tilespmem:$0x169E0] =	vst @!p2 v0  }
0xf8: {  	v0 =	vld @!p2 [tilespmem:s16+$0xC0];
	_ =	sdelay $0x3  }
.Ltmp1:
0xf9: {  	(pc) =	sbr.rel @p1 .LBB2_2-.Ltmp1, $4  }
0xfa: {  	s20 =	simm.s32 @!p2 $0x60;
	s5 =	simm.s32 @!p2 $0x168A0;
	s7 =	simm.s32 @!p2 $0x19A80;
	v1 =	vand.u32 @!p2 $0x3FFF, v0;
	v0 =	vshrl.u32 @!p2 v0, $0xE  }
0xfb: {  	[tilespmem:$0x168D0] =	vst @!p2 v1  }
0xfc: {  	[tilespmem:$0x169F0] =	vst @!p2 v0  }
0xfd: {  	v0 =	vld @!p2 [tilespmem:s16+$0xD0]  }
.LBB2_3:
0xfe: {  	_ =	sdelay $0x3  }
0xff: {  	v1 =	vand.u32 @!p2 $0x3FFF, v0  }
0x100: {  	v0 =	vshrl.u32 @!p2 v0, $0xE;
	[tilespmem:$0x168E0] =	vst @!p2 v1  }
0x101: {  	[tilespmem:$0x16A00] =	vst @!p2 v0  }
0x102: {  	v0 =	vld @!p2 [tilespmem:s0+$0xE0];
	_ =	sdelay $0x4  }
0x103: {  	v1 =	vand.u32 @!p2 $0x3FFF, v0  }
0x104: {  	v0 =	vshrl.u32 @!p2 v0, $0xE;
	[tilespmem:$0x168F0] =	vst @!p2 v1  }
0x105: {  	[tilespmem:$0x16A10] =	vst @!p2 v0  }
0x106: {  	[tilespmem:s7], [sflag:$0x2] =	stream.indirect.gather @!p2 [hbm4b:s3+s20], $0x80, s5, s20, $0xb8;
	[tilespmem:$0x1FA80] =	vst v63  }
0x107: {  	_ =	swait.ge [sflag:s26], $0x3000  }
0x108: {  	[sflag:s26] =	ssyncset.done $0x0  }
0x109: {  	[sflag:s26] =	ssyncadd.s32 $0xFFFFD000  }
0x10a: {  	[spmem:s1] =	stream.indirect.scatter.add.f32 [tilespmem:s29], [sflag:$0x4], $0x80, s28, s17, $0xb8;
	[tilespmem:$0x1FA80] =	vst v63  }
0x10b: {  	_ =	swait.ge [sflag:s14], $0x3000  }
0x10c: {  	[sflag:s14] =	ssyncset.done $0x0  }
0x10d: {  	[sflag:s14] =	ssyncadd.s32 $0xFFFFD000  }
0x10e: {  	[bflag:$0x0] =	sbarrier.arrive $0xFFFF  }
0x10f: {  	[hbm:s9], [sflag:s6] =	dma.local [spmem:s13], $0x2700  }
0x110: {  	s30 =	sadd.s32 $0x1, s30;
	_ =	swait.ge [sflag:s14], $0x2700  }
0x111: {  	p1 =	sne.s32 s30, s11;
	[sflag:s14] =	ssyncset.done $0x0  }
.Ltmp2:
0x112: {  	[sflag:s14] =	ssyncadd.s32 $0xFFFFD900;
	(pc) =	sbr.rel @p1 .LBB2_1-.Ltmp2, $4  }
0x113: {  	[hbm:s10], [sflag:s6] =	dma.local @!p0 [spmem:s15], $0x100  }
0x114: {  	_ =	swait.ge @!p0 [sflag:s31], $0x100  }
0x115: {  	[sflag:s31] =	ssyncset.done @!p0 $0x0  }
0x116: {  	[sflag:s31] =	ssyncadd.s32 @!p0 $0xFFFFFF00  }
0x117: {  	_ =	sfence.sel $0x180000  }
0x118: {  	[bflag:$0x0] =	sbarrier.arrive $0xFFFF  }
0x119: {  	_ =	strace $0x9000004A  }
0x11a: {  	[bflag:$0x2] =	sbarrier.arrive $0xFFFF  }
0x11b: {  	s0 =	rddreg [dreg:$0x2]  }
0x11c: {  	s0 =	sadd.s32 @!p0 $0x100000, s0  }
0x11d: {  	[sflag:s0] =	ssyncadd.tile.s32 @!p0 $0x1;
	_ =	shalt  }
.Lfunc_end2:
_tile_overlayer_lowered:
.L_overlay_start_2:
0x11e: {  	(tag) =	ssettag $0x2  }
0x11f: {  	s0 =	rddreg [dreg:$0x0];
	s2 =	stileid.u32  }
0x120: {  	s1 =	rddreg [dreg:$0x1];
	p0 =	sne.s32 s2, $0x0  }
0x121: {  	s3 =	rddreg [dreg:$0x2];
	[bflag:$0x3] =	sbarrier.arrive $0xFFFF;
	s2 =	simm.s32 @!p0 $0x1C04  }
0x122: {  	[timem:s3], [sflag:s2] =	dma.local @!p0 [hbm:s0], s1  }
0x123: {  	s0 =	simm.s32 @!p0 $0x4  }
0x124: {  	_ =	swait.ge @!p0 [sflag:s0], s1  }
0x125: {  	s1 =	ssub.s32 @!p0 $0x0, s1;
	[sflag:s0] =	ssyncset.done @!p0 $0x0  }
0x126: {  	[sflag:s0] =	ssyncadd.s32 @!p0 s1  }
0x127: {  	[bflag:$0x3] =	sbarrier.arrive $0xFFFF  }
0x128: {  	_ =	shalt  }

// kernel: kernel.17.cloned.1.call-start
scs
__scs_entry_jumppad:
0x0: {  	(pc) =	sbr.rel $0x88, $3  }
0x1: {  	(tag) =	ssettag $0x0;
	lr =	simm.s32 $0x1  }
0x2: {  	[smem:$0x3F99] =	sst lr;
	_ =	strace $0xD0000000  }
0x3: {  	_ = 	snop  }
0x4: {  	_ = 	snop  }
0x5: {  	_ = 	snop  }
0x6: {  	_ = 	snop  }
0x7: {  	_ = 	snop  }
__scs_overlays_trampoline_lowered:
0x8: {  	[smem:$0x3FA8] =	sst s0  }
0x9: {  	[smem:$0x3FA9] =	sst s1  }
0xa: {  	[smem:$0x3FAA] =	sst s2  }
0xb: {  	[smem:$0x3FAB] =	sst s3  }
0xc: {  	[smem:$0x3FAC] =	sst s4  }
0xd: {  	[smem:$0x3FAD] =	sst s5  }
0xe: {  	[smem:$0x3FAE] =	sst s6  }
0xf: {  	[smem:$0x3FAF] =	sst s7  }
0x10: {  	[smem:$0x3FB0] =	sst s8  }
0x11: {  	[smem:$0x3FB1] =	sst s9;
	s0 =	simm.s32 @!p0 $0x0  }
0x12: {  	s1 =	sld [smem:$0x3F97];
	s0 =	simm.s32 @p0 $0x1  }
0x13: {  	[smem:$0x3FB2] =	sst s0;
	s0 =	simm.s32 @!p1 $0x0  }
0x14: {  	s2 =	sld [smem:$0x3F96];
	s0 =	simm.s32 @p1 $0x1  }
0x15: {  	[smem:$0x3FB3] =	sst s0;
	s0 =	simm.s32 @!p2 $0x0  }
0x16: {  	s3 =	sld [smem:$0x3FDB];
	s0 =	simm.s32 @p2 $0x1  }
0x17: {  	s4 =	simm.s32 $0x1BF5;
	[smem:$0x3FB5] =	sst s0  }
0x18: {  	s0 =	sld [smem:$0x3F98];
	_ =	swait.ge [sflag:s4], $0x0  }
0x19: {  	s7 =	sld [smem:$0x3F99]  }
0x1a: {  	s8 =	sadd.s32 $0xFFFFE003, lr  }
0x1b: {  	s9 =	sadd.s32 $0xFFFFFEF7, lr;
	s5 =	simm.s32 $0xFFFFFFFF;
	p2 =	slt.u32 s8, $0xFFFFF086  }
0x1c: {  	p1 =	slt.u32 s9, $0xF7A;
	s5 =	simm.s32 @!p2 $0x0  }
0x1d: {  	s5 =	simm.s32 @p1 $0x1;
	p0 =	seq.s32 s7, s2  }
0x1e: {  	s7 =	smul.u32 @!p0 $0xF7A, s2;
	p2 =	seq.s32 @!p0 s5, $0x0  }
0x1f: {  	s9 =	smul.u32 $0xF7A, s1;
	s8 =	simm.s32 @!p0 $0x1BF5;
	p2 =	por !p2, p0  }
0x20: {  	[sflag:s8] =	ssyncset.s32 @!p0 $0xFFFFF086;
	s6 =	sadd.s32 @!p0 s3, s7;
	s7 =	simm.s32 @!p0 $0x108  }
0x21: {  	s3 =	sadd.s32 s3, s9;
	s6 =	sadd.s32 @!p0 $0x88, s6;
	s7 =	simm.s32 @p2 $0x1082  }
0x22: {  	[simem:s7], [sflag:s8] =	dma.local @!p0 [hbm:s6], $0xF7A  }
0x23: {  	s9 =	sor.u32 $0xD0000000, s2;
	s6 =	simm.s32 $0x108;
	_ =	swait.ge @!p0 [sflag:s8], $0x0  }
0x24: {  	s3 =	sadd.s32 $0x88, s3;
	s6 =	simm.s32 @!p1 $0x1082;
	[sflag:s4] =	ssyncset.s32 $0xFFFFF086  }
0x25: {  	[simem:s6], [sflag:s4] =	dma.local [hbm:s3], $0xF7A  }
0x26: {  	[smem:$0x3F99] =	sst s1;
	(tag) =	ssettag s2;
	_ =	strace s9  }
0x27: {  	s1 =	sld [smem:$0x3FA9]  }
0x28: {  	s2 =	sld [smem:$0x3FAA]  }
0x29: {  	s4 =	sld [smem:$0x3FAC]  }
0x2a: {  	p0 =	seq.s32 s5, $0x0;
	s5 =	sld [smem:$0x3FAD]  }
0x2b: {  	s6 =	sld [smem:$0x3FAE]  }
0x2c: {  	s7 =	sld [smem:$0x3FAF]  }
0x2d: {  	s3 =	simm.s32 $0x108;
	s8 =	sld [smem:$0x3FB0]  }
0x2e: {  	s3 =	simm.s32 @!p0 $0x1082;
	s9 =	sld [smem:$0x3FB1]  }
0x2f: {  	lr =	sadd.s32 s0, s3;
	s0 =	sld [smem:$0x3FA8]  }
0x30: {  	s3 =	sld [smem:$0x3FAB]  }
0x31: {  	[smem:$0x3FB4] =	sst s10  }
0x32: {  	s10 =	sld [smem:$0x3FB2];
	_ =	sdelay $0x3  }
0x33: {  	p0 =	seq.s32 s10, $0x1;
	s10 =	sld [smem:$0x3FB4];
	_ =	sdelay $0x3  }
0x34: {  	[smem:$0x3FB4] =	sst s10  }
0x35: {  	s10 =	sld [smem:$0x3FB3];
	_ =	sdelay $0x3  }
0x36: {  	p1 =	seq.s32 s10, $0x1;
	s10 =	sld [smem:$0x3FB4];
	_ =	sdelay $0x3  }
0x37: {  	[smem:$0x3FB4] =	sst s10  }
0x38: {  	s10 =	sld [smem:$0x3FB5]  }
0x39: {  	_ = 	snop;
	(pc) =	sbr.ind lr, $3  }
0x3a: {  	_ = 	snop  }
0x3b: {  	_ = 	snop  }
0x3c: {  	p2 =	seq.s32 s10, $0x1;
	s10 =	sld [smem:$0x3FB4]  }
0x3d: {  	_ =	shalt  }
0x3e: {  	_ =	shalt  }
0x3f: {  	_ =	shalt  }
0x40: {  	_ =	shalt  }
0x41: {  	_ =	shalt  }
0x42: {  	_ =	shalt  }
0x43: {  	_ =	shalt  }
0x44: {  	_ =	shalt  }
0x45: {  	_ =	shalt  }
0x46: {  	_ =	shalt  }
0x47: {  	_ =	shalt  }
0x48: {  	_ =	shalt  }
0x49: {  	_ =	shalt  }
0x4a: {  	_ =	shalt  }
0x4b: {  	_ =	shalt  }
0x4c: {  	_ =	shalt  }
0x4d: {  	_ =	shalt  }
0x4e: {  	_ =	shalt  }
0x4f: {  	_ =	shalt  }
0x50: {  	_ =	shalt  }
0x51: {  	_ =	shalt  }
0x52: {  	_ =	shalt  }
0x53: {  	_ =	shalt  }
0x54: {  	_ =	shalt  }
0x55: {  	_ =	shalt  }
0x56: {  	_ =	shalt  }
0x57: {  	_ =	shalt  }
0x58: {  	_ =	shalt  }
0x59: {  	_ =	shalt  }
0x5a: {  	_ =	shalt  }
0x5b: {  	_ =	shalt  }
0x5c: {  	_ =	shalt  }
0x5d: {  	_ =	shalt  }
0x5e: {  	_ =	shalt  }
0x5f: {  	_ =	shalt  }
0x60: {  	_ =	shalt  }
0x61: {  	_ =	shalt  }
0x62: {  	_ =	shalt  }
0x63: {  	_ =	shalt  }
0x64: {  	_ =	shalt  }
0x65: {  	_ =	shalt  }
0x66: {  	_ =	shalt  }
0x67: {  	_ =	shalt  }
0x68: {  	_ =	shalt  }
0x69: {  	_ =	shalt  }
0x6a: {  	_ =	shalt  }
0x6b: {  	_ =	shalt  }
0x6c: {  	_ =	shalt  }
0x6d: {  	_ =	shalt  }
0x6e: {  	_ =	shalt  }
0x6f: {  	_ =	shalt  }
0x70: {  	_ =	shalt  }
0x71: {  	_ =	shalt  }
0x72: {  	_ =	shalt  }
0x73: {  	_ =	shalt  }
0x74: {  	_ =	shalt  }
0x75: {  	_ =	shalt  }
0x76: {  	_ =	shalt  }
0x77: {  	_ =	shalt  }
0x78: {  	_ =	shalt  }
0x79: {  	_ =	shalt  }
0x7a: {  	_ =	shalt  }
0x7b: {  	_ =	shalt  }
0x7c: {  	_ =	shalt  }
0x7d: {  	_ =	shalt  }
0x7e: {  	_ =	shalt  }
0x7f: {  	_ =	shalt  }
0x80: {  	_ =	shalt  }
0x81: {  	_ =	shalt  }
0x82: {  	_ =	shalt  }
0x83: {  	_ =	shalt  }
0x84: {  	_ =	shalt  }
0x85: {  	_ =	shalt  }
0x86: {  	_ =	shalt  }
0x87: {  	_ =	shalt  }
.Lfunc_end0:
.L_simem_size_0:
called_computation.2_lowered:
.L_overlay_start_0:
0x88: {  	s2 =	sld [smem:$0x3FD9]  }
0x89: {  	s3 =	sld [smem:$0x3FFE];
	_ =	sdelay $0x1  }
0x8a: {  	s1 =	srdreg.scid  }
0x8b: {  	s0 =	sand.u32 $0x1, s1  }
0x8c: {  	s16 =	sshll.u32 s0, $0xA;
	s2 =	sadd.s32 s3, s2  }
0x8d: {  	s2 =	sadd.s32 s2, s16  }
0x8e: {  	[smem:$0x3FC0] =	sst s2  }
0x8f: {  	_ = 	snop  }
0x90: {  	(tm) =	ssettm $0x1  }
0x91: {  	s17 =	sld [smem:$0x3FFB];
	_ =	sdelay $0x3  }
0x92: {  	_ =	strace s17  }
0x93: {  	s2 =	sld [smem:$0x3FFC];
	_ =	sdelay $0x3  }
0x94: {  	_ =	strace s2  }
0x95: {  	s2 =	sld [smem:$0x3FFD];
	_ =	sdelay $0x3  }
0x96: {  	_ =	strace s2  }
0x97: {  	_ =	strace $0x8FFFFFFF  }
0x98: {  	s18 =	sld [smem:$0x3FDB];
	_ =	sdelay $0x1  }
0x99: {  	s19 =	simm.s32 $_scs_section_size  }
0x9a: {  	s4 =	simm.s32 $_size__tile_overlayer_lowered;
	s5 =	simm.s32 $_tile_overlayer_lowered  }
0x9b: {  	s22 =	simm.s32 $0x1BFF;
	s21 =	sshll.u32 s5, $0x1;
	s2 =	sadd.s32 s19, s18  }
0x9c: {  	s6 =	simm.s32 $0x0;
	s20 =	sshll.u32 s4, $0x1;
	s4 =	sadd.s32 s21, s2  }
0x9d: {  	[timem:s6], [sflag:s22] =	dma.local [hbm:s4], s20  }
0x9e: {  	_ =	swait.ge [sflag:s22], s20  }
0x9f: {  	s3 =	ssub.s32 $0x0, s20;
	[sflag:s22] =	ssyncset.done $0x0  }
0xa0: {  	[sflag:s22] =	ssyncadd.s32 s3;
	_ =	sdelay $0x1  }
0xa1: {  	s23 =	simm.s32 $0x1B8B  }
0xa2: {  	_ =	swait.ge [sflag:s23], $0x1  }
0xa3: {  	[sflag:s23] =	ssyncset.done $0x0  }
0xa4: {  	s25 =	simm.s32 $0x1B8E;
	s24 =	sld [smem:$0x3FFE];
	[sflag:s23] =	ssyncadd.s32 $0xFFFFFFFF  }
0xa5: {  	s26 =	simm.s32 $execute0_lowered;
	[smem:$0x3FD2] =	sst s25  }
0xa6: {  	s4 =	sshll.u32 s26, $0x1;
	_ =	strace $0x8000004C;
	[dreg:$0x1] =	wrdreg $0xFFFFFFFF  }
0xa7: {  	s28 =	simm.s32 $_size_execute0_lowered;
	s2 =	sadd.s32 s2, s4;
	[dreg:$0x0] =	wrdreg $0x0  }
0xa8: {  	s4 =	sshll.u32 s28, $0x1;
	[dreg:$0x2] =	wrdreg s2  }
0xa9: {  	[dreg:$0x3] =	wrdreg s4  }
0xaa: {  	[dreg:$0x4] =	wrdreg $0xC0  }
0xab: {  	_ =	task [dreg:s6], $0x5FFFF  }
0xac: {  	[dreg:$0x1] =	wrdreg $0xFFFFFFFF  }
0xad: {  	[dreg:$0x0] =	wrdreg $0x60  }
0xae: {  	[dreg:$0x2] =	wrdreg s24  }
0xaf: {  	[dreg:$0x3] =	wrdreg $0x0  }
0xb0: {  	[dreg:$0x4] =	wrdreg $0x9  }
0xb1: {  	_ =	task.clear_ibuf [dreg:s6], $0x5FFFF;
	_ =	strace $0x9000004C  }
0xb2: {  	s29 =	simm.s32 $0x9;
	_ =	strace $0x8000004E  }
0xb3: {  	_ =	swait.ge [sflag:s29], $0x1  }
0xb4: {  	[sflag:s29] =	ssyncadd.s32 $0xFFFFFFFF  }
0xb5: {  	_ =	strace $0x9000004E  }
0xb6: {  	_ =	sfence  }
0xb7: {  	s30 =	sld [smem:$0x0];
	_ =	sdelay $0x2  }
0xb8: {  	s31 =	sshll.u32 s1, $0xD;
	s1 =	sshrl.u32 s1, $0x2  }
0xb9: {  	s3 =	sand.u32 $0x4000, s31;
	s1 =	sadd.s32 s1, s30  }
0xba: {  	s0 =	sor.u32 s3, s0;
	s1 =	sshll.u32 s1, $0x11  }
0xbb: {  	s0 =	sor.u32 s1, s0  }
0xbc: {  	s0 =	sadd.s32 $0x8F2B, s0  }
0xbd: {  	[sflag:s0] =	ssyncadd.remote.s32 $0x1  }
0xbe: {  	_ =	sfence.sel $0xFFFF  }
0xbf: {  	[dreg:$0x0] =	wrdreg $0xFFFFFFFF;
	(pc) =	sbr.abs _section_cstart, $3  }
0xc0: {  	[dreg:$0x1] =	wrdreg $0xFFFFFFFF  }
0xc1: {  	_ =	task.clear_ibuf [dreg:s6], $0x2FFFF;
	_ =	strace $0x9FFFFFFF  }
0xc2: {  	(tm) =	ssettm $0x7FFFFFFF  }
0xc3: {  	_ =	shalt  }
tec
execute0_lowered:
.L_overlay_start_1:
0x0: {  	(tag) =	ssettag $0x1  }
0x1: {  	s0 =	srdreg.scid  }
0x2: {  	s2 =	stileid.u32;
	s5 =	rddreg [dreg:$0x0]  }
0x3: {  	s1 =	rddreg [dreg:$0x1];
	s6 =	simm.s32 $0x0;
	s14 =	simm.s32 $0x4  }
0x4: {  	s17 =	simm.s32 $0x60;
	s19 =	simm.s32 $0x16A80;
	s21 =	simm.s32 $0x19A80  }
0x5: {  	s28 =	simm.s32 $0x16A20;
	s29 =	simm.s32 $0x1CA80;
	s30 =	simm.s32 $0x0  }
0x6: {  	s0 =	sand.u32 $0x1, s0;
	s3 =	sshll.u32 s2, $0x1;
	[smem:$0x7FF] =	sst s6  }
0x7: {  	s10 =	sadd.s32 $0x36000, s5;
	s8 =	smul.u32 $0x13800, s2;
	s24 =	sshll.u32 s2, $0x6  }
0x8: {  	s15 =	sadd.s32 $0x138000, s1;
	s3 =	sor.u32 s0, s3;
	_ =	strace $0x8000004D  }
0x9: {  	s22 =	ssub.s32 $0x2, s0;
	p0 =	seq.s32 s0, $0x0;
	s0 =	smul.u32 $0x138800, s0  }
0xa: {  	s4 =	smul.u32 $0x5E8, s3;
	s3 =	sadd.s32 $0xEE00, s5;
	s9 =	sshrl.u32 s22, $0x1  }
0xb: {  	s13 =	sadd.s32 s8, s1;
	s23 =	sshrl.u32 s8, $0x3;
	s11 =	ssub.s32 s22, s9  }
0xc: {  	s6 =	sadd.s32 s3, s23;
	s26 =	sadd.s32 s8, s0;
	s0 =	sshrl.u32 s0, $0x3  }
0xd: {  	s13 =	sshrl.u32 s13, $0x3;
	s22 =	simm.s32 $0x1;
	s23 =	simm.s32 $0x16960  }
0xe: {  	s7 =	sadd.s32 s4, s5;
	s4 =	simm.s32 $0x54;
	[dreg:$0x3] =	wrdreg s6  }
0xf: {  	s6 =	sor.u32 $0x1C04, s24;
	s5 =	sadd.s32 $0x35E00, s5;
	s31 =	sshrl.u32 s26, $0x3  }
0x10: {  	s0 =	sadd.s32 s10, s0;
	s11 =	smax.u32 s11, $0x1;
	s4 =	simm.s32 @!p0 $0x7E  }
0x11: {  	s24 =	simm.s32 $0x2;
	s26 =	simm.s32 $0x3;
	s25 =	smul.u32 $0x56, s4  }
0x12: {  	[dreg:$0x4] =	wrdreg s5;
	s8 =	sadd.s32 $0x3000, s7;
	s9 =	sadd.s32 s10, s31  }
0x13: {  	s10 =	sadd.s32 $0x27000, s0;
	p0 =	sne.s32 s2, $0x0;
	s5 =	sshrl.u32 s25, $0x8  }
0x14: {  	s15 =	sshrl.u32 @!p0 s15, $0x3;
	s25 =	simm.s32 $0x169C0;
	s12 =	smul.u32 $0x3, s5  }
.LBB2_1:
0x15: {  	s0 =	rddreg [dreg:$0x3]  }
0x16: {  	[spmem:s13], [sflag:s6] =	dma.local [hbm:s0], $0x2700  }
0x17: {  	_ =	swait.ge [sflag:s14], $0x2700  }
0x18: {  	[sflag:s14] =	ssyncset.done $0x0  }
0x19: {  	s31 =	simm.s32 @!p0 $0x4;
	s0 =	rddreg [dreg:$0x4];
	[sflag:s14] =	ssyncadd.s32 $0xFFFFD900  }
0x1a: {  	[spmem:s15], [sflag:s6] =	dma.local @!p0 [hbm:s0], $0x100  }
0x1b: {  	_ =	swait.ge @!p0 [sflag:s31], $0x100  }
0x1c: {  	[sflag:s31] =	ssyncset.done @!p0 $0x0  }
0x1d: {  	s16 =	simm.s32 $0x0;
	s2 =	simm.s32 $0x13900;
	[sflag:s31] =	ssyncadd.s32 @!p0 $0xFFFFFF00  }
0x1e: {  	[tilespmem:s2], [sflag:$0x4] =	stream.linear.gather [hbm4b:s8+s16], $0x2F40, $0x38;
	[tilespmem:$0x1FA80] =	vst v63  }
0x1f: {  	_ =	swait.ge [sflag:s14], $0x2F40  }
0x20: {  	[sflag:s14] =	ssyncset.done $0x0  }
0x21: {  	[sflag:s14] =	ssyncadd.s32 $0xFFFFD0C0  }
0x22: {  	v0 =	vld [tilespmem:$0x13900];
	_ =	sdelay $0x1  }
0x23: {  	v1 =	vld [tilespmem:$0x13910];
	_ =	sdelay $0x1  }
0x24: {  	v2 =	vld [tilespmem:$0x13920]  }
0x25: {  	v3 =	vand.u32 $0x3FFF, v0  }
0x26: {  	v0 =	vshrl.u32 v0, $0xE;
	[tilespmem:$0x16840] =	vst v3;
	v3 =	vld [tilespmem:$0x13930]  }
0x27: {  	[tilespmem:$0x16960] =	vst v0;
	v0 =	vand.u32 $0x3FFF, v1  }
0x28: {  	[tilespmem:$0x16850] =	vst v0;
	v0 =	vshrl.u32 v1, $0xE;
	v1 =	vld [tilespmem:$0x13940]  }
0x29: {  	[tilespmem:$0x16970] =	vst v0;
	v0 =	vand.u32 $0x3FFF, v2  }
0x2a: {  	[tilespmem:$0x16860] =	vst v0;
	v0 =	vshrl.u32 v2, $0xE;
	v2 =	vld [tilespmem:$0x13950]  }
0x2b: {  	[tilespmem:$0x16980] =	vst v0;
	v0 =	vand.u32 $0x3FFF, v3  }
0x2c: {  	[tilespmem:$0x16870] =	vst v0;
	v0 =	vshrl.u32 v3, $0xE  }
0x2d: {  	[tilespmem:$0x16990] =	vst v0;
	v0 =	vand.u32 $0x3FFF, v1  }
0x2e: {  	[tilespmem:$0x16880] =	vst v0;
	v0 =	vshrl.u32 v1, $0xE  }
0x2f: {  	[tilespmem:$0x169A0] =	vst v0;
	v0 =	vand.u32 $0x3FFF, v2  }
0x30: {  	[tilespmem:$0x16890] =	vst v0;
	v0 =	vshrl.u32 v2, $0xE  }
0x31: {  	s18 =	simm.s32 $0x16840;
	[tilespmem:$0x169B0] =	vst v0  }
0x32: {  	[tilespmem:s19], [sflag:$0x1] =	stream.indirect.gather [hbm4b:s3+s17], $0x80, s18, s17, $0xb8;
	[tilespmem:$0x1FA80] =	vst v63  }
0x33: {  	v0 =	vld [tilespmem:$0x13960];
	_ =	sdelay $0x1  }
0x34: {  	v1 =	vld [tilespmem:$0x13970];
	_ =	sdelay $0x1  }
0x35: {  	v2 =	vld [tilespmem:$0x13980]  }
0x36: {  	v3 =	vand.u32 $0x3FFF, v0  }
0x37: {  	v0 =	vshrl.u32 v0, $0xE;
	[tilespmem:$0x168A0] =	vst v3;
	v3 =	vld [tilespmem:$0x13990]  }
0x38: {  	[tilespmem:$0x169C0] =	vst v0;
	v0 =	vand.u32 $0x3FFF, v1  }
0x39: {  	[tilespmem:$0x168B0] =	vst v0;
	v0 =	vshrl.u32 v1, $0xE;
	v1 =	vld [tilespmem:$0x139A0]  }
0x3a: {  	[tilespmem:$0x169D0] =	vst v0;
	v0 =	vand.u32 $0x3FFF, v2  }
0x3b: {  	[tilespmem:$0x168C0] =	vst v0;
	v0 =	vshrl.u32 v2, $0xE;
	v2 =	vld [tilespmem:$0x139B0]  }
0x3c: {  	[tilespmem:$0x169E0] =	vst v0;
	v0 =	vand.u32 $0x3FFF, v3  }
0x3d: {  	[tilespmem:$0x168D0] =	vst v0;
	v0 =	vshrl.u32 v3, $0xE  }
0x3e: {  	[tilespmem:$0x169F0] =	vst v0;
	v0 =	vand.u32 $0x3FFF, v1  }
0x3f: {  	[tilespmem:$0x168E0] =	vst v0;
	v0 =	vshrl.u32 v1, $0xE  }
0x40: {  	[tilespmem:$0x16A00] =	vst v0;
	v0 =	vand.u32 $0x3FFF, v2  }
0x41: {  	[tilespmem:$0x168F0] =	vst v0;
	v0 =	vshrl.u32 v2, $0xE  }
0x42: {  	s20 =	simm.s32 $0x168A0;
	[tilespmem:$0x16A10] =	vst v0  }
0x43: {  	[tilespmem:s21], [sflag:$0x2] =	stream.indirect.gather [hbm4b:s3+s17], $0x80, s20, s17, $0xb8;
	[tilespmem:$0x1FA80] =	vst v63  }
0x44: {  	p1 =	sle.u32 s4, $0x2;
	s0 =	simm.s32 $0x139F0;
	[bflag:$0x0] =	sbarrier.arrive $0xFFFF  }
0x45: {  	v0 =	vld @!p1 [tilespmem:s0+$0xFFFFFFD0];
	_ =	sdelay $0x4  }
0x46: {  	v1 =	vand.u32 @!p1 $0x3FFF, v0  }
0x47: {  	v0 =	vshrl.u32 @!p1 v0, $0xE;
	[tilespmem:$0x16900] =	vst @!p1 v1  }
0x48: {  	[tilespmem:$0x16A20] =	vst @!p1 v0  }
0x49: {  	v0 =	vld @!p1 [tilespmem:s0+$0xFFFFFFE0];
	_ =	sdelay $0x4  }
0x4a: {  	v1 =	vand.u32 @!p1 $0x3FFF, v0  }
0x4b: {  	v0 =	vshrl.u32 @!p1 v0, $0xE;
	[tilespmem:$0x16910] =	vst @!p1 v1  }
0x4c: {  	[tilespmem:$0x16A30] =	vst @!p1 v0  }
0x4d: {  	v0 =	vld @!p1 [tilespmem:s0+$0xFFFFFFF0];
	_ =	sdelay $0x4  }
0x4e: {  	v1 =	vand.u32 @!p1 $0x3FFF, v0  }
0x4f: {  	v0 =	vshrl.u32 @!p1 v0, $0xE;
	[tilespmem:$0x16920] =	vst @!p1 v1  }
0x50: {  	[tilespmem:$0x16A40] =	vst @!p1 v0  }
0x51: {  	v0 =	vld @!p1 [tilespmem:s0+$0x0];
	_ =	sdelay $0x4  }
0x52: {  	v1 =	vand.u32 @!p1 $0x3FFF, v0  }
0x53: {  	v0 =	vshrl.u32 @!p1 v0, $0xE;
	[tilespmem:$0x16930] =	vst @!p1 v1  }
0x54: {  	[tilespmem:$0x16A50] =	vst @!p1 v0  }
0x55: {  	v0 =	vld @!p1 [tilespmem:s0+$0x10];
	_ =	sdelay $0x4  }
0x56: {  	v1 =	vand.u32 @!p1 $0x3FFF, v0  }
0x57: {  	v0 =	vshrl.u32 @!p1 v0, $0xE;
	[tilespmem:$0x16940] =	vst @!p1 v1  }
0x58: {  	[tilespmem:$0x16A60] =	vst @!p1 v0  }
0x59: {  	v0 =	vld @!p1 [tilespmem:s0+$0x20];
	_ =	sdelay $0x4  }
0x5a: {  	v1 =	vand.u32 @!p1 $0x3FFF, v0  }
0x5b: {  	v0 =	vshrl.u32 @!p1 v0, $0xE;
	[tilespmem:$0x16950] =	vst @!p1 v1  }
0x5c: {  	s5 =	simm.s32 @!p1 $0x16900;
	s7 =	simm.s32 @!p1 $0x1CA80;
	s2 =	simm.s32 @!p1 $0x60;
	[tilespmem:$0x16A70] =	vst @!p1 v0  }
0x5d: {  	[tilespmem:s7], [sflag:$0x3] =	stream.indirect.gather @!p1 [hbm4b:s3+s2], $0x80, s5, s2, $0xb8;
	[tilespmem:$0x1FA80] =	vst v63  }
0x5e: {  	_ =	swait.ge [sflag:s22], $0x3000  }
0x5f: {  	[sflag:s22] =	ssyncset.done $0x0  }
0x60: {  	[sflag:s22] =	ssyncadd.s32 $0xFFFFD000  }
0x61: {  	[spmem:s1] =	stream.indirect.scatter.add.f32 [tilespmem:s19], [sflag:$0x4], $0x80, s23, s17, $0xb8;
	[tilespmem:$0x1FA80] =	vst v63  }
0x62: {  	_ =	swait.ge [sflag:s14], $0x3000  }
0x63: {  	[sflag:s14] =	ssyncset.done $0x0  }
0x64: {  	p1 =	sle.u32 s4, $0x3;
	[sflag:s14] =	ssyncadd.s32 $0xFFFFD000  }
0x65: {  	v0 =	vld @!p1 [tilespmem:s0+$0x30];
	_ =	sdelay $0x4  }
0x66: {  	v1 =	vand.u32 @!p1 $0x3FFF, v0  }
0x67: {  	v0 =	vshrl.u32 @!p1 v0, $0xE;
	[tilespmem:$0x16840] =	vst @!p1 v1  }
0x68: {  	[tilespmem:$0x16960] =	vst @!p1 v0  }
0x69: {  	v0 =	vld @!p1 [tilespmem:s0+$0x40];
	_ =	sdelay $0x4  }
0x6a: {  	v1 =	vand.u32 @!p1 $0x3FFF, v0  }
0x6b: {  	v0 =	vshrl.u32 @!p1 v0, $0xE;
	[tilespmem:$0x16850] =	vst @!p1 v1  }
0x6c: {  	[tilespmem:$0x16970] =	vst @!p1 v0  }
0x6d: {  	v0 =	vld @!p1 [tilespmem:s0+$0x50];
	_ =	sdelay $0x4  }
0x6e: {  	v1 =	vand.u32 @!p1 $0x3FFF, v0  }
0x6f: {  	v0 =	vshrl.u32 @!p1 v0, $0xE;
	[tilespmem:$0x16860] =	vst @!p1 v1  }
0x70: {  	[tilespmem:$0x16980] =	vst @!p1 v0  }
0x71: {  	v0 =	vld @!p1 [tilespmem:s0+$0x60];
	_ =	sdelay $0x4  }
0x72: {  	v1 =	vand.u32 @!p1 $0x3FFF, v0  }
0x73: {  	v0 =	vshrl.u32 @!p1 v0, $0xE;
	[tilespmem:$0x16870] =	vst @!p1 v1  }
0x74: {  	[tilespmem:$0x16990] =	vst @!p1 v0  }
0x75: {  	v0 =	vld @!p1 [tilespmem:s0+$0x70];
	_ =	sdelay $0x4  }
0x76: {  	v1 =	vand.u32 @!p1 $0x3FFF, v0  }
0x77: {  	v0 =	vshrl.u32 @!p1 v0, $0xE;
	[tilespmem:$0x16880] =	vst @!p1 v1  }
0x78: {  	[tilespmem:$0x169A0] =	vst @!p1 v0  }
0x79: {  	v0 =	vld @!p1 [tilespmem:s0+$0x80];
	_ =	sdelay $0x4  }
0x7a: {  	v1 =	vand.u32 @!p1 $0x3FFF, v0  }
0x7b: {  	v0 =	vshrl.u32 @!p1 v0, $0xE;
	[tilespmem:$0x16890] =	vst @!p1 v1  }
0x7c: {  	s2 =	simm.s32 @!p1 $0x60;
	s5 =	simm.s32 @!p1 $0x16840;
	s7 =	simm.s32 @!p1 $0x16A80;
	[tilespmem:$0x169B0] =	vst @!p1 v0  }
0x7d: {  	[tilespmem:s7], [sflag:$0x1] =	stream.indirect.gather @!p1 [hbm4b:s3+s2], $0x80, s5, s2, $0xb8;
	[tilespmem:$0x1FA80] =	vst v63  }
0x7e: {  	_ =	swait.ge [sflag:s24], $0x3000  }
0x7f: {  	[sflag:s24] =	ssyncset.done $0x0  }
0x80: {  	[sflag:s24] =	ssyncadd.s32 $0xFFFFD000  }
0x81: {  	[spmem:s1] =	stream.indirect.scatter.add.f32 [tilespmem:s21], [sflag:$0x4], $0x80, s25, s17, $0xb8;
	[tilespmem:$0x1FA80] =	vst v63  }
0x82: {  	_ =	swait.ge [sflag:s14], $0x3000  }
0x83: {  	[sflag:s14] =	ssyncset.done $0x0  }
0x84: {  	p2 =	sle.u32 s4, $0x4;
	[sflag:s14] =	ssyncadd.s32 $0xFFFFD000  }
0x85: {  	v0 =	vld @!p2 [tilespmem:s0+$0x90];
	_ =	sdelay $0x4  }
0x86: {  	v1 =	vand.u32 @!p2 $0x3FFF, v0  }
0x87: {  	v0 =	vshrl.u32 @!p2 v0, $0xE;
	[tilespmem:$0x168A0] =	vst @!p2 v1  }
0x88: {  	[tilespmem:$0x169C0] =	vst @!p2 v0  }
0x89: {  	v0 =	vld @!p2 [tilespmem:s0+$0xA0];
	_ =	sdelay $0x4  }
0x8a: {  	v1 =	vand.u32 @!p2 $0x3FFF, v0  }
0x8b: {  	v0 =	vshrl.u32 @!p2 v0, $0xE;
	[tilespmem:$0x168B0] =	vst @!p2 v1  }
0x8c: {  	[tilespmem:$0x169D0] =	vst @!p2 v0  }
0x8d: {  	v0 =	vld @!p2 [tilespmem:s0+$0xB0];
	_ =	sdelay $0x4  }
0x8e: {  	v1 =	vand.u32 @!p2 $0x3FFF, v0  }
0x8f: {  	v0 =	vshrl.u32 @!p2 v0, $0xE;
	[tilespmem:$0x168C0] =	vst @!p2 v1  }
0x90: {  	[tilespmem:$0x169E0] =	vst @!p2 v0  }
0x91: {  	v0 =	vld @!p2 [tilespmem:s0+$0xC0];
	_ =	sdelay $0x2  }
0x92: {  	p1 =	sne.s32 s12, $0x3  }
.Ltmp0:
0x93: {  	_ = 	snop;
	(pc) =	sbr.rel @!p1 .LBB2_3-.Ltmp0, $4  }
0x94: {  	v1 =	vand.u32 @!p2 $0x3FFF, v0  }
0x95: {  	v0 =	vshrl.u32 @!p2 v0, $0xE;
	[tilespmem:$0x168D0] =	vst @!p2 v1  }
0x96: {  	s16 =	simm.s32 $0x139F0;
	s20 =	simm.s32 @!p2 $0x60;
	[tilespmem:$0x169F0] =	vst @!p2 v0  }
0x97: {  	s2 =	simm.s32 $0x3;
	s5 =	simm.s32 @!p2 $0x168A0;
	s7 =	simm.s32 @!p2 $0x19A80;
	v0 =	vld @!p2 [tilespmem:s0+$0xD0]  }
.LBB2_2:
0x98: {  	_ =	sdelay $0x3  }
0x99: {  	s16 =	sadd.s32 $0x120, s16;
	s18 =	smov.u32 s2;
	s2 =	sadd.s32 $0x3, s2;
	v1 =	vand.u32 @!p2 $0x3FFF, v0;
	v0 =	vshrl.u32 @!p2 v0, $0xE  }
0x9a: {  	p1 =	sne.s32 s12, s2;
	[tilespmem:$0x168E0] =	vst @!p2 v1  }
0x9b: {  	[tilespmem:$0x16A00] =	vst @!p2 v0  }
0x9c: {  	v0 =	vld @!p2 [tilespmem:s0+$0xE0];
	s0 =	smov.u32 s16;
	_ =	sdelay $0x4  }
0x9d: {  	v1 =	vand.u32 @!p2 $0x3FFF, v0;
	v0 =	vshrl.u32 @!p2 v0, $0xE  }
0x9e: {  	[tilespmem:$0x168F0] =	vst @!p2 v1  }
0x9f: {  	[tilespmem:$0x16A10] =	vst @!p2 v0  }
0xa0: {  	[tilespmem:s7], [sflag:$0x2] =	stream.indirect.gather @!p2 [hbm4b:s3+s20], $0x80, s5, s20, $0xb8;
	[tilespmem:$0x1FA80] =	vst v63  }
0xa1: {  	_ =	swait.ge [sflag:s26], $0x3000  }
0xa2: {  	[sflag:s26] =	ssyncset.done $0x0  }
0xa3: {  	[sflag:s26] =	ssyncadd.s32 $0xFFFFD000  }
0xa4: {  	[spmem:s1] =	stream.indirect.scatter.add.f32 [tilespmem:s29], [sflag:$0x4], $0x80, s28, s17, $0xb8;
	[tilespmem:$0x1FA80] =	vst v63  }
0xa5: {  	_ =	swait.ge [sflag:s14], $0x3000  }
0xa6: {  	s5 =	sadd.s32 $0x2, s18;
	[sflag:s14] =	ssyncset.done $0x0  }
0xa7: {  	p2 =	sge.u32 s5, s4;
	[sflag:s14] =	ssyncadd.s32 $0xFFFFD000  }
0xa8: {  	v0 =	vld @!p2 [tilespmem:s16+$0xFFFFFFD0];
	_ =	sdelay $0x4  }
0xa9: {  	v1 =	vand.u32 @!p2 $0x3FFF, v0;
	v0 =	vshrl.u32 @!p2 v0, $0xE  }
0xaa: {  	[tilespmem:$0x16900] =	vst @!p2 v1  }
0xab: {  	[tilespmem:$0x16A20] =	vst @!p2 v0  }
0xac: {  	v0 =	vld @!p2 [tilespmem:s16+$0xFFFFFFE0];
	_ =	sdelay $0x4  }
0xad: {  	v1 =	vand.u32 @!p2 $0x3FFF, v0;
	v0 =	vshrl.u32 @!p2 v0, $0xE  }
0xae: {  	[tilespmem:$0x16910] =	vst @!p2 v1  }
0xaf: {  	[tilespmem:$0x16A30] =	vst @!p2 v0  }
0xb0: {  	v0 =	vld @!p2 [tilespmem:s16+$0xFFFFFFF0];
	_ =	sdelay $0x4  }
0xb1: {  	v1 =	vand.u32 @!p2 $0x3FFF, v0;
	v0 =	vshrl.u32 @!p2 v0, $0xE  }
0xb2: {  	[tilespmem:$0x16920] =	vst @!p2 v1  }
0xb3: {  	[tilespmem:$0x16A40] =	vst @!p2 v0  }
0xb4: {  	v0 =	vld @!p2 [tilespmem:s16+$0x0];
	_ =	sdelay $0x4  }
0xb5: {  	v1 =	vand.u32 @!p2 $0x3FFF, v0;
	v0 =	vshrl.u32 @!p2 v0, $0xE  }
0xb6: {  	[tilespmem:$0x16930] =	vst @!p2 v1  }
0xb7: {  	[tilespmem:$0x16A50] =	vst @!p2 v0  }
0xb8: {  	v0 =	vld @!p2 [tilespmem:s16+$0x10];
	_ =	sdelay $0x4  }
0xb9: {  	v1 =	vand.u32 @!p2 $0x3FFF, v0;
	v0 =	vshrl.u32 @!p2 v0, $0xE  }
0xba: {  	[tilespmem:$0x16940] =	vst @!p2 v1  }
0xbb: {  	[tilespmem:$0x16A60] =	vst @!p2 v0  }
0xbc: {  	v0 =	vld @!p2 [tilespmem:s16+$0x20]  }
0xbd: {  	s5 =	simm.s32 @!p2 $0x60;
	s7 =	simm.s32 @!p2 $0x16900;
	s20 =	simm.s32 @!p2 $0x1CA80  }
0xbe: {  	_ =	sdelay $0x2  }
0xbf: {  	v1 =	vand.u32 @!p2 $0x3FFF, v0;
	v0 =	vshrl.u32 @!p2 v0, $0xE  }
0xc0: {  	[tilespmem:$0x16950] =	vst @!p2 v1  }
0xc1: {  	[tilespmem:$0x16A70] =	vst @!p2 v0  }
0xc2: {  	[tilespmem:s20], [sflag:$0x3] =	stream.indirect.gather @!p2 [hbm4b:s3+s5], $0x80, s7, s5, $0xb8;
	[tilespmem:$0x1FA80] =	vst v63  }
0xc3: {  	_ =	swait.ge [sflag:s22], $0x3000  }
0xc4: {  	[sflag:s22] =	ssyncset.done $0x0  }
0xc5: {  	[sflag:s22] =	ssyncadd.s32 $0xFFFFD000  }
0xc6: {  	[spmem:s1] =	stream.indirect.scatter.add.f32 [tilespmem:s19], [sflag:$0x4], $0x80, s23, s17, $0xb8;
	[tilespmem:$0x1FA80] =	vst v63  }
0xc7: {  	_ =	swait.ge [sflag:s14], $0x3000  }
0xc8: {  	[sflag:s14] =	ssyncset.done $0x0  }
0xc9: {  	p2 =	sge.u32 s2, s4;
	[sflag:s14] =	ssyncadd.s32 $0xFFFFD000  }
0xca: {  	v0 =	vld @!p2 [tilespmem:s16+$0x30];
	_ =	sdelay $0x4  }
0xcb: {  	v1 =	vand.u32 @!p2 $0x3FFF, v0;
	v0 =	vshrl.u32 @!p2 v0, $0xE  }
0xcc: {  	[tilespmem:$0x16840] =	vst @!p2 v1  }
0xcd: {  	[tilespmem:$0x16960] =	vst @!p2 v0  }
0xce: {  	v0 =	vld @!p2 [tilespmem:s16+$0x40];
	_ =	sdelay $0x4  }
0xcf: {  	v1 =	vand.u32 @!p2 $0x3FFF, v0;
	v0 =	vshrl.u32 @!p2 v0, $0xE  }
0xd0: {  	[tilespmem:$0x16850] =	vst @!p2 v1  }
0xd1: {  	[tilespmem:$0x16970] =	vst @!p2 v0  }
0xd2: {  	v0 =	vld @!p2 [tilespmem:s16+$0x50];
	_ =	sdelay $0x4  }
0xd3: {  	v1 =	vand.u32 @!p2 $0x3FFF, v0;
	v0 =	vshrl.u32 @!p2 v0, $0xE  }
0xd4: {  	[tilespmem:$0x16860] =	vst @!p2 v1  }
0xd5: {  	[tilespmem:$0x16980] =	vst @!p2 v0  }
0xd6: {  	v0 =	vld @!p2 [tilespmem:s16+$0x60];
	_ =	sdelay $0x4  }
0xd7: {  	v1 =	vand.u32 @!p2 $0x3FFF, v0;
	v0 =	vshrl.u32 @!p2 v0, $0xE  }
0xd8: {  	[tilespmem:$0x16870] =	vst @!p2 v1  }
0xd9: {  	[tilespmem:$0x16990] =	vst @!p2 v0  }
0xda: {  	v0 =	vld @!p2 [tilespmem:s16+$0x70];
	_ =	sdelay $0x2  }
0xdb: {  	s5 =	simm.s32 @!p2 $0x60;
	s7 =	simm.s32 @!p2 $0x16840;
	s20 =	simm.s32 @!p2 $0x16A80  }
0xdc: {  	_ = 	snop  }
0xdd: {  	v1 =	vand.u32 @!p2 $0x3FFF, v0;
	v0 =	vshrl.u32 @!p2 v0, $0xE  }
0xde: {  	[tilespmem:$0x16880] =	vst @!p2 v1  }
0xdf: {  	[tilespmem:$0x169A0] =	vst @!p2 v0  }
0xe0: {  	v0 =	vld @!p2 [tilespmem:s16+$0x80];
	_ =	sdelay $0x4  }
0xe1: {  	v1 =	vand.u32 @!p2 $0x3FFF, v0;
	v0 =	vshrl.u32 @!p2 v0, $0xE  }
0xe2: {  	[tilespmem:$0x16890] =	vst @!p2 v1  }
0xe3: {  	[tilespmem:$0x169B0] =	vst @!p2 v0  }
0xe4: {  	[tilespmem:s20], [sflag:$0x1] =	stream.indirect.gather @!p2 [hbm4b:s3+s5], $0x80, s7, s5, $0xb8;
	[tilespmem:$0x1FA80] =	vst v63  }
0xe5: {  	_ =	swait.ge [sflag:s24], $0x3000  }
0xe6: {  	[sflag:s24] =	ssyncset.done $0x0  }
0xe7: {  	[sflag:s24] =	ssyncadd.s32 $0xFFFFD000  }
0xe8: {  	[spmem:s1] =	stream.indirect.scatter.add.f32 [tilespmem:s21], [sflag:$0x4], $0x80, s25, s17, $0xb8;
	[tilespmem:$0x1FA80] =	vst v63  }
0xe9: {  	_ =	swait.ge [sflag:s14], $0x3000  }
0xea: {  	s5 =	sadd.s32 $0x4, s18;
	[sflag:s14] =	ssyncset.done $0x0  }
0xeb: {  	p2 =	sge.u32 s5, s4;
	[sflag:s14] =	ssyncadd.s32 $0xFFFFD000  }
0xec: {  	v0 =	vld @!p2 [tilespmem:s16+$0x90];
	_ =	sdelay $0x4  }
0xed: {  	v1 =	vand.u32 @!p2 $0x3FFF, v0;
	v0 =	vshrl.u32 @!p2 v0, $0xE  }
0xee: {  	[tilespmem:$0x168A0] =	vst @!p2 v1  }
0xef: {  	[tilespmem:$0x169C0] =	vst @!p2 v0  }
0xf0: {  	v0 =	vld @!p2 [tilespmem:s16+$0xA0];
	_ =	sdelay $0x4  }
0xf1: {  	v1 =	vand.u32 @!p2 $0x3FFF, v0;
	v0 =	vshrl.u32 @!p2 v0, $0xE  }
0xf2: {  	[tilespmem:$0x168B0] =	vst @!p2 v1  }
0xf3: {  	[tilespmem:$0x169D0] =	vst @!p2 v0  }
0xf4: {  	v0 =	vld @!p2 [tilespmem:s16+$0xB0];
	_ =	sdelay $0x4  }
0xf5: {  	v1 =	vand.u32 @!p2 $0x3FFF, v0;
	v0 =	vshrl.u32 @!p2 v0, $0xE  }
0xf6: {  	[tilespmem:$0x168C0] =	vst @!p2 v1  }
0xf7: {  	[tilespmem:$0x169E0] =	vst @!p2 v0  }
0xf8: {  	v0 =	vld @!p2 [tilespmem:s16+$0xC0];
	_ =	sdelay $0x3  }
.Ltmp1:
0xf9: {  	(pc) =	sbr.rel @p1 .LBB2_2-.Ltmp1, $4  }
0xfa: {  	s20 =	simm.s32 @!p2 $0x60;
	s5 =	simm.s32 @!p2 $0x168A0;
	s7 =	simm.s32 @!p2 $0x19A80;
	v1 =	vand.u32 @!p2 $0x3FFF, v0;
	v0 =	vshrl.u32 @!p2 v0, $0xE  }
0xfb: {  	[tilespmem:$0x168D0] =	vst @!p2 v1  }
0xfc: {  	[tilespmem:$0x169F0] =	vst @!p2 v0  }
0xfd: {  	v0 =	vld @!p2 [tilespmem:s16+$0xD0]  }
.LBB2_3:
0xfe: {  	_ =	sdelay $0x3  }
0xff: {  	v1 =	vand.u32 @!p2 $0x3FFF, v0  }
0x100: {  	v0 =	vshrl.u32 @!p2 v0, $0xE;
	[tilespmem:$0x168E0] =	vst @!p2 v1  }
0x101: {  	[tilespmem:$0x16A00] =	vst @!p2 v0  }
0x102: {  	v0 =	vld @!p2 [tilespmem:s0+$0xE0];
	_ =	sdelay $0x4  }
0x103: {  	v1 =	vand.u32 @!p2 $0x3FFF, v0  }
0x104: {  	v0 =	vshrl.u32 @!p2 v0, $0xE;
	[tilespmem:$0x168F0] =	vst @!p2 v1  }
0x105: {  	[tilespmem:$0x16A10] =	vst @!p2 v0  }
0x106: {  	[tilespmem:s7], [sflag:$0x2] =	stream.indirect.gather @!p2 [hbm4b:s3+s20], $0x80, s5, s20, $0xb8;
	[tilespmem:$0x1FA80] =	vst v63  }
0x107: {  	_ =	swait.ge [sflag:s26], $0x3000  }
0x108: {  	[sflag:s26] =	ssyncset.done $0x0  }
0x109: {  	[sflag:s26] =	ssyncadd.s32 $0xFFFFD000  }
0x10a: {  	[spmem:s1] =	stream.indirect.scatter.add.f32 [tilespmem:s29], [sflag:$0x4], $0x80, s28, s17, $0xb8;
	[tilespmem:$0x1FA80] =	vst v63  }
0x10b: {  	_ =	swait.ge [sflag:s14], $0x3000  }
0x10c: {  	[sflag:s14] =	ssyncset.done $0x0  }
0x10d: {  	[sflag:s14] =	ssyncadd.s32 $0xFFFFD000  }
0x10e: {  	[bflag:$0x0] =	sbarrier.arrive $0xFFFF  }
0x10f: {  	[hbm:s9], [sflag:s6] =	dma.local [spmem:s13], $0x2700  }
0x110: {  	s30 =	sadd.s32 $0x1, s30;
	_ =	swait.ge [sflag:s14], $0x2700  }
0x111: {  	p1 =	sne.s32 s30, s11;
	[sflag:s14] =	ssyncset.done $0x0  }
.Ltmp2:
0x112: {  	[sflag:s14] =	ssyncadd.s32 $0xFFFFD900;
	(pc) =	sbr.rel @p1 .LBB2_1-.Ltmp2, $4  }
0x113: {  	[hbm:s10], [sflag:s6] =	dma.local @!p0 [spmem:s15], $0x100  }
0x114: {  	_ =	swait.ge @!p0 [sflag:s31], $0x100  }
0x115: {  	[sflag:s31] =	ssyncset.done @!p0 $0x0  }
0x116: {  	[sflag:s31] =	ssyncadd.s32 @!p0 $0xFFFFFF00  }
0x117: {  	_ =	sfence.sel $0x180000  }
0x118: {  	[bflag:$0x0] =	sbarrier.arrive $0xFFFF  }
0x119: {  	_ =	strace $0x9000004D  }
0x11a: {  	[bflag:$0x2] =	sbarrier.arrive $0xFFFF  }
0x11b: {  	s0 =	rddreg [dreg:$0x2]  }
0x11c: {  	s0 =	sadd.s32 @!p0 $0x100000, s0  }
0x11d: {  	[sflag:s0] =	ssyncadd.tile.s32 @!p0 $0x1;
	_ =	shalt  }
.Lfunc_end2:
_tile_overlayer_lowered:
.L_overlay_start_2:
0x11e: {  	(tag) =	ssettag $0x2  }
0x11f: {  	s0 =	rddreg [dreg:$0x0];
	s2 =	stileid.u32  }
0x120: {  	s1 =	rddreg [dreg:$0x1];
	p0 =	sne.s32 s2, $0x0  }
0x121: {  	s3 =	rddreg [dreg:$0x2];
	[bflag:$0x3] =	sbarrier.arrive $0xFFFF;
	s2 =	simm.s32 @!p0 $0x1C04  }
0x122: {  	[timem:s3], [sflag:s2] =	dma.local @!p0 [hbm:s0], s1  }
0x123: {  	s0 =	simm.s32 @!p0 $0x4  }
0x124: {  	_ =	swait.ge @!p0 [sflag:s0], s1  }
0x125: {  	s1 =	ssub.s32 @!p0 $0x0, s1;
	[sflag:s0] =	ssyncset.done @!p0 $0x0  }
0x126: {  	[sflag:s0] =	ssyncadd.s32 @!p0 s1  }
0x127: {  	[bflag:$0x3] =	sbarrier.arrive $0xFFFF  }
0x128: {  	_ =	shalt  }

// kernel: kernel.20.cloned.1.call-start
scs
__scs_entry_jumppad:
0x0: {  	(pc) =	sbr.rel $0x88, $3  }
0x1: {  	(tag) =	ssettag $0x0;
	lr =	simm.s32 $0x1  }
0x2: {  	[smem:$0x3F99] =	sst lr;
	_ =	strace $0xD0000000  }
0x3: {  	_ = 	snop  }
0x4: {  	_ = 	snop  }
0x5: {  	_ = 	snop  }
0x6: {  	_ = 	snop  }
0x7: {  	_ = 	snop  }
__scs_overlays_trampoline_lowered:
0x8: {  	[smem:$0x3FA8] =	sst s0  }
0x9: {  	[smem:$0x3FA9] =	sst s1  }
0xa: {  	[smem:$0x3FAA] =	sst s2  }
0xb: {  	[smem:$0x3FAB] =	sst s3  }
0xc: {  	[smem:$0x3FAC] =	sst s4  }
0xd: {  	[smem:$0x3FAD] =	sst s5  }
0xe: {  	[smem:$0x3FAE] =	sst s6  }
0xf: {  	[smem:$0x3FAF] =	sst s7  }
0x10: {  	[smem:$0x3FB0] =	sst s8  }
0x11: {  	[smem:$0x3FB1] =	sst s9;
	s0 =	simm.s32 @!p0 $0x0  }
0x12: {  	s1 =	sld [smem:$0x3F97];
	s0 =	simm.s32 @p0 $0x1  }
0x13: {  	[smem:$0x3FB2] =	sst s0;
	s0 =	simm.s32 @!p1 $0x0  }
0x14: {  	s2 =	sld [smem:$0x3F96];
	s0 =	simm.s32 @p1 $0x1  }
0x15: {  	[smem:$0x3FB3] =	sst s0;
	s0 =	simm.s32 @!p2 $0x0  }
0x16: {  	s3 =	sld [smem:$0x3FDB];
	s0 =	simm.s32 @p2 $0x1  }
0x17: {  	s4 =	simm.s32 $0x1BF5;
	[smem:$0x3FB5] =	sst s0  }
0x18: {  	s0 =	sld [smem:$0x3F98];
	_ =	swait.ge [sflag:s4], $0x0  }
0x19: {  	s7 =	sld [smem:$0x3F99]  }
0x1a: {  	s8 =	sadd.s32 $0xFFFFE003, lr  }
0x1b: {  	s9 =	sadd.s32 $0xFFFFFEF7, lr;
	s5 =	simm.s32 $0xFFFFFFFF;
	p2 =	slt.u32 s8, $0xFFFFF086  }
0x1c: {  	p1 =	slt.u32 s9, $0xF7A;
	s5 =	simm.s32 @!p2 $0x0  }
0x1d: {  	s5 =	simm.s32 @p1 $0x1;
	p0 =	seq.s32 s7, s2  }
0x1e: {  	s7 =	smul.u32 @!p0 $0xF7A, s2;
	p2 =	seq.s32 @!p0 s5, $0x0  }
0x1f: {  	s9 =	smul.u32 $0xF7A, s1;
	s8 =	simm.s32 @!p0 $0x1BF5;
	p2 =	por !p2, p0  }
0x20: {  	[sflag:s8] =	ssyncset.s32 @!p0 $0xFFFFF086;
	s6 =	sadd.s32 @!p0 s3, s7;
	s7 =	simm.s32 @!p0 $0x108  }
0x21: {  	s3 =	sadd.s32 s3, s9;
	s6 =	sadd.s32 @!p0 $0x88, s6;
	s7 =	simm.s32 @p2 $0x1082  }
0x22: {  	[simem:s7], [sflag:s8] =	dma.local @!p0 [hbm:s6], $0xF7A  }
0x23: {  	s9 =	sor.u32 $0xD0000000, s2;
	s6 =	simm.s32 $0x108;
	_ =	swait.ge @!p0 [sflag:s8], $0x0  }
0x24: {  	s3 =	sadd.s32 $0x88, s3;
	s6 =	simm.s32 @!p1 $0x1082;
	[sflag:s4] =	ssyncset.s32 $0xFFFFF086  }
0x25: {  	[simem:s6], [sflag:s4] =	dma.local [hbm:s3], $0xF7A  }
0x26: {  	[smem:$0x3F99] =	sst s1;
	(tag) =	ssettag s2;
	_ =	strace s9  }
0x27: {  	s1 =	sld [smem:$0x3FA9]  }
0x28: {  	s2 =	sld [smem:$0x3FAA]  }
0x29: {  	s4 =	sld [smem:$0x3FAC]  }
0x2a: {  	p0 =	seq.s32 s5, $0x0;
	s5 =	sld [smem:$0x3FAD]  }
0x2b: {  	s6 =	sld [smem:$0x3FAE]  }
0x2c: {  	s7 =	sld [smem:$0x3FAF]  }
0x2d: {  	s3 =	simm.s32 $0x108;
	s8 =	sld [smem:$0x3FB0]  }
0x2e: {  	s3 =	simm.s32 @!p0 $0x1082;
	s9 =	sld [smem:$0x3FB1]  }
0x2f: {  	lr =	sadd.s32 s0, s3;
	s0 =	sld [smem:$0x3FA8]  }
0x30: {  	s3 =	sld [smem:$0x3FAB]  }
0x31: {  	[smem:$0x3FB4] =	sst s10  }
0x32: {  	s10 =	sld [smem:$0x3FB2];
	_ =	sdelay $0x3  }
0x33: {  	p0 =	seq.s32 s10, $0x1;
	s10 =	sld [smem:$0x3FB4];
	_ =	sdelay $0x3  }
0x34: {  	[smem:$0x3FB4] =	sst s10  }
0x35: {  	s10 =	sld [smem:$0x3FB3];
	_ =	sdelay $0x3  }
0x36: {  	p1 =	seq.s32 s10, $0x1;
	s10 =	sld [smem:$0x3FB4];
	_ =	sdelay $0x3  }
0x37: {  	[smem:$0x3FB4] =	sst s10  }
0x38: {  	s10 =	sld [smem:$0x3FB5]  }
0x39: {  	_ = 	snop;
	(pc) =	sbr.ind lr, $3  }
0x3a: {  	_ = 	snop  }
0x3b: {  	_ = 	snop  }
0x3c: {  	p2 =	seq.s32 s10, $0x1;
	s10 =	sld [smem:$0x3FB4]  }
0x3d: {  	_ =	shalt  }
0x3e: {  	_ =	shalt  }
0x3f: {  	_ =	shalt  }
0x40: {  	_ =	shalt  }
0x41: {  	_ =	shalt  }
0x42: {  	_ =	shalt  }
0x43: {  	_ =	shalt  }
0x44: {  	_ =	shalt  }
0x45: {  	_ =	shalt  }
0x46: {  	_ =	shalt  }
0x47: {  	_ =	shalt  }
0x48: {  	_ =	shalt  }
0x49: {  	_ =	shalt  }
0x4a: {  	_ =	shalt  }
0x4b: {  	_ =	shalt  }
0x4c: {  	_ =	shalt  }
0x4d: {  	_ =	shalt  }
0x4e: {  	_ =	shalt  }
0x4f: {  	_ =	shalt  }
0x50: {  	_ =	shalt  }
0x51: {  	_ =	shalt  }
0x52: {  	_ =	shalt  }
0x53: {  	_ =	shalt  }
0x54: {  	_ =	shalt  }
0x55: {  	_ =	shalt  }
0x56: {  	_ =	shalt  }
0x57: {  	_ =	shalt  }
0x58: {  	_ =	shalt  }
0x59: {  	_ =	shalt  }
0x5a: {  	_ =	shalt  }
0x5b: {  	_ =	shalt  }
0x5c: {  	_ =	shalt  }
0x5d: {  	_ =	shalt  }
0x5e: {  	_ =	shalt  }
0x5f: {  	_ =	shalt  }
0x60: {  	_ =	shalt  }
0x61: {  	_ =	shalt  }
0x62: {  	_ =	shalt  }
0x63: {  	_ =	shalt  }
0x64: {  	_ =	shalt  }
0x65: {  	_ =	shalt  }
0x66: {  	_ =	shalt  }
0x67: {  	_ =	shalt  }
0x68: {  	_ =	shalt  }
0x69: {  	_ =	shalt  }
0x6a: {  	_ =	shalt  }
0x6b: {  	_ =	shalt  }
0x6c: {  	_ =	shalt  }
0x6d: {  	_ =	shalt  }
0x6e: {  	_ =	shalt  }
0x6f: {  	_ =	shalt  }
0x70: {  	_ =	shalt  }
0x71: {  	_ =	shalt  }
0x72: {  	_ =	shalt  }
0x73: {  	_ =	shalt  }
0x74: {  	_ =	shalt  }
0x75: {  	_ =	shalt  }
0x76: {  	_ =	shalt  }
0x77: {  	_ =	shalt  }
0x78: {  	_ =	shalt  }
0x79: {  	_ =	shalt  }
0x7a: {  	_ =	shalt  }
0x7b: {  	_ =	shalt  }
0x7c: {  	_ =	shalt  }
0x7d: {  	_ =	shalt  }
0x7e: {  	_ =	shalt  }
0x7f: {  	_ =	shalt  }
0x80: {  	_ =	shalt  }
0x81: {  	_ =	shalt  }
0x82: {  	_ =	shalt  }
0x83: {  	_ =	shalt  }
0x84: {  	_ =	shalt  }
0x85: {  	_ =	shalt  }
0x86: {  	_ =	shalt  }
0x87: {  	_ =	shalt  }
.Lfunc_end0:
.L_simem_size_0:
called_computation.3_lowered:
.L_overlay_start_0:
0x88: {  	s2 =	sld [smem:$0x3FD9]  }
0x89: {  	s3 =	sld [smem:$0x3FFE];
	_ =	sdelay $0x1  }
0x8a: {  	s1 =	srdreg.scid  }
0x8b: {  	s0 =	sand.u32 $0x1, s1  }
0x8c: {  	s17 =	sshll.u32 s0, $0xA;
	s2 =	sadd.s32 s3, s2  }
0x8d: {  	s2 =	sadd.s32 s2, s17  }
0x8e: {  	[smem:$0x3FC0] =	sst s2  }
0x8f: {  	_ = 	snop  }
0x90: {  	s2 =	sld [smem:$0x3FD0];
	(tm) =	ssettm $0x1  }
0x91: {  	s18 =	sld [smem:$0x3FFB];
	_ =	sdelay $0x3  }
0x92: {  	_ =	strace s18  }
0x93: {  	s3 =	sld [smem:$0x3FFC];
	_ =	sdelay $0x3  }
0x94: {  	_ =	strace s3  }
0x95: {  	s3 =	sld [smem:$0x3FFD];
	_ =	sdelay $0x3  }
0x96: {  	_ =	strace s3  }
0x97: {  	_ =	strace $0x8FFFFFFF  }
0x98: {  	s19 =	sld [smem:$0x3FDB];
	_ =	sdelay $0x1  }
0x99: {  	s4 =	simm.s32 $_scs_section_size  }
0x9a: {  	s5 =	simm.s32 $_size__tile_overlayer_lowered;
	s6 =	simm.s32 $_tile_overlayer_lowered  }
0x9b: {  	s22 =	simm.s32 $0x1BFF;
	s21 =	sshll.u32 s6, $0x1;
	s3 =	sadd.s32 s4, s19  }
0x9c: {  	s7 =	simm.s32 $0x0;
	s20 =	sshll.u32 s5, $0x1;
	s5 =	sadd.s32 s21, s3  }
0x9d: {  	[timem:s7], [sflag:s22] =	dma.local [hbm:s5], s20  }
0x9e: {  	_ =	swait.ge [sflag:s22], s20  }
0x9f: {  	s4 =	ssub.s32 $0x0, s20;
	[sflag:s22] =	ssyncset.done $0x0  }
0xa0: {  	[sflag:s22] =	ssyncadd.s32 s4;
	_ =	sdelay $0x1  }
0xa1: {  	s23 =	simm.s32 $0x1B8B  }
0xa2: {  	_ =	swait.ge [sflag:s23], $0x1  }
0xa3: {  	[sflag:s23] =	ssyncset.done $0x0  }
0xa4: {  	s25 =	simm.s32 $0x1B8E;
	s24 =	sld [smem:$0x3FFE];
	[sflag:s23] =	ssyncadd.s32 $0xFFFFFFFF  }
0xa5: {  	s26 =	simm.s32 $execute0_lowered;
	[smem:$0x3FD2] =	sst s25  }
0xa6: {  	s5 =	sshll.u32 s26, $0x1;
	_ =	strace $0x8000004F;
	[dreg:$0x1] =	wrdreg $0xFFFFFFFF  }
0xa7: {  	s28 =	simm.s32 $_size_execute0_lowered;
	s3 =	sadd.s32 s3, s5;
	[dreg:$0x0] =	wrdreg $0x0  }
0xa8: {  	s5 =	sshll.u32 s28, $0x1;
	[dreg:$0x2] =	wrdreg s3  }
0xa9: {  	[dreg:$0x3] =	wrdreg s5  }
0xaa: {  	[dreg:$0x4] =	wrdreg $0xC0  }
0xab: {  	_ =	task [dreg:s7], $0x5FFFF  }
0xac: {  	[dreg:$0x1] =	wrdreg $0xFFFFFFFF  }
0xad: {  	[dreg:$0x0] =	wrdreg $0x60  }
0xae: {  	[dreg:$0x2] =	wrdreg s2  }
0xaf: {  	[dreg:$0x3] =	wrdreg s24  }
0xb0: {  	[dreg:$0x4] =	wrdreg $0x0  }
0xb1: {  	[dreg:$0x5] =	wrdreg $0x9  }
0xb2: {  	_ =	task.clear_ibuf [dreg:s7], $0x6FFFF;
	_ =	strace $0x9000004F  }
0xb3: {  	s29 =	simm.s32 $0x9;
	_ =	strace $0x80000051  }
0xb4: {  	_ =	swait.ge [sflag:s29], $0x1  }
0xb5: {  	[sflag:s29] =	ssyncadd.s32 $0xFFFFFFFF  }
0xb6: {  	_ =	strace $0x90000051  }
0xb7: {  	_ =	sfence  }
0xb8: {  	s30 =	sld [smem:$0x0];
	_ =	sdelay $0x2  }
0xb9: {  	s31 =	sshll.u32 s1, $0xD;
	s1 =	sshrl.u32 s1, $0x2  }
0xba: {  	s3 =	sand.u32 $0x4000, s31;
	s1 =	sadd.s32 s1, s30  }
0xbb: {  	s0 =	sor.u32 s3, s0;
	s1 =	sshll.u32 s1, $0x11  }
0xbc: {  	s0 =	sor.u32 s1, s0  }
0xbd: {  	s0 =	sadd.s32 $0x8F2B, s0  }
0xbe: {  	[sflag:s0] =	ssyncadd.remote.s32 $0x1  }
0xbf: {  	_ =	sfence.sel $0xFFFF  }
0xc0: {  	[dreg:$0x0] =	wrdreg $0xFFFFFFFF;
	(pc) =	sbr.abs _section_cstart, $3  }
0xc1: {  	[dreg:$0x1] =	wrdreg $0xFFFFFFFF  }
0xc2: {  	_ =	task.clear_ibuf [dreg:s7], $0x2FFFF;
	_ =	strace $0x9FFFFFFF  }
0xc3: {  	(tm) =	ssettm $0x7FFFFFFF  }
tec
execute0_lowered:
.L_overlay_start_1:
0x0: {  	(tag) =	ssettag $0x1  }
0x1: {  	s0 =	rddreg [dreg:$0x0]  }
0x2: {  	s1 =	srdreg.scid;
	s4 =	rddreg [dreg:$0x1]  }
0x3: {  	s3 =	stileid.u32;
	s2 =	rddreg [dreg:$0x2];
	s6 =	simm.s32 $0x0  }
0x4: {  	s14 =	simm.s32 $0x4;
	s17 =	simm.s32 $0x60;
	s19 =	simm.s32 $0x58A0  }
0x5: {  	s21 =	simm.s32 $0x5EA0;
	s28 =	simm.s32 $0x5840;
	s29 =	simm.s32 $0x64A0  }
0x6: {  	s30 =	simm.s32 $0x0;
	s1 =	sand.u32 $0x1, s1;
	s5 =	sshll.u32 s3, $0x1  }
0x7: {  	[smem:$0x7FF] =	sst s6;
	s7 =	sadd.s32 $0xEE00, s4;
	s8 =	smul.u32 $0x2700, s3  }
0x8: {  	s24 =	sshll.u32 s3, $0x6;
	s15 =	sadd.s32 $0x27000, s2;
	s25 =	sadd.s32 $0x4E00, s0  }
0x9: {  	s5 =	sor.u32 s1, s5;
	_ =	strace $0x80000050;
	s22 =	ssub.s32 $0x2, s1  }
0xa: {  	p0 =	seq.s32 s1, $0x0;
	s1 =	smul.u32 $0x27100, s1;
	[dreg:$0x5] =	wrdreg s25  }
0xb: {  	s25 =	simm.s32 $0x57E0;
	s5 =	smul.u32 $0x5E8, s5;
	s9 =	sshrl.u32 s22, $0x1  }
0xc: {  	s13 =	sadd.s32 s8, s2;
	s23 =	sshrl.u32 s8, $0x3;
	s11 =	ssub.s32 s22, s9  }
0xd: {  	s6 =	sadd.s32 s0, s23;
	s10 =	sadd.s32 s8, s1;
	s1 =	sshrl.u32 s1, $0x3  }
0xe: {  	s13 =	sshrl.u32 s13, $0x3;
	s22 =	simm.s32 $0x1;
	s23 =	simm.s32 $0x5780  }
0xf: {  	s5 =	sadd.s32 s5, s4;
	s4 =	simm.s32 $0x54;
	[dreg:$0x4] =	wrdreg s6  }
0x10: {  	s6 =	sor.u32 $0x1C04, s24;
	s31 =	sshrl.u32 s10, $0x3;
	s4 =	simm.s32 @!p0 $0x7E  }
0x11: {  	s1 =	sadd.s32 s7, s1;
	s11 =	smax.u32 s11, $0x1;
	s26 =	smul.u32 $0x56, s4  }
0x12: {  	s24 =	simm.s32 $0x2;
	s8 =	sadd.s32 $0x3000, s5;
	s9 =	sadd.s32 s7, s31  }
0x13: {  	s10 =	sadd.s32 $0x4E00, s1;
	p0 =	sne.s32 s3, $0x0;
	s12 =	sshrl.u32 s26, $0x8  }
0x14: {  	s15 =	sshrl.u32 @!p0 s15, $0x3;
	s26 =	simm.s32 $0x3;
	s12 =	smul.u32 $0x3, s12  }
.LBB2_1:
0x15: {  	s1 =	rddreg [dreg:$0x4]  }
0x16: {  	[spmem:s13], [sflag:s6] =	dma.local [hbm:s1], $0x4E0  }
0x17: {  	_ =	swait.ge [sflag:s14], $0x4E0  }
0x18: {  	[sflag:s14] =	ssyncset.done $0x0  }
0x19: {  	s31 =	simm.s32 @!p0 $0x4;
	s1 =	rddreg [dreg:$0x5];
	[sflag:s14] =	ssyncadd.s32 $0xFFFFFB20  }
0x1a: {  	[spmem:s15], [sflag:s6] =	dma.local @!p0 [hbm:s1], $0x20  }
0x1b: {  	_ =	swait.ge @!p0 [sflag:s31], $0x20  }
0x1c: {  	[sflag:s31] =	ssyncset.done @!p0 $0x0  }
0x1d: {  	s16 =	simm.s32 $0x0;
	s3 =	simm.s32 $0x2720;
	[sflag:s31] =	ssyncadd.s32 @!p0 $0xFFFFFFE0  }
0x1e: {  	[tilespmem:s3], [sflag:$0x4] =	stream.linear.gather [hbm4b:s8+s16], $0x2F40, $0x38;
	[tilespmem:$0x6AA0] =	vst v63  }
0x1f: {  	_ =	swait.ge [sflag:s14], $0x2F40  }
0x20: {  	[sflag:s14] =	ssyncset.done $0x0  }
0x21: {  	[sflag:s14] =	ssyncadd.s32 $0xFFFFD0C0  }
0x22: {  	v0 =	vld [tilespmem:$0x2720];
	_ =	sdelay $0x1  }
0x23: {  	v1 =	vld [tilespmem:$0x2730];
	_ =	sdelay $0x1  }
0x24: {  	v2 =	vld [tilespmem:$0x2740]  }
0x25: {  	v3 =	vand.u32 $0x3FFF, v0  }
0x26: {  	v0 =	vshrl.u32 v0, $0xE;
	[tilespmem:$0x5660] =	vst v3;
	v3 =	vld [tilespmem:$0x2750]  }
0x27: {  	[tilespmem:$0x5780] =	vst v0;
	v0 =	vand.u32 $0x3FFF, v1  }
0x28: {  	[tilespmem:$0x5670] =	vst v0;
	v0 =	vshrl.u32 v1, $0xE;
	v1 =	vld [tilespmem:$0x2760]  }
0x29: {  	[tilespmem:$0x5790] =	vst v0;
	v0 =	vand.u32 $0x3FFF, v2  }
0x2a: {  	[tilespmem:$0x5680] =	vst v0;
	v0 =	vshrl.u32 v2, $0xE;
	v2 =	vld [tilespmem:$0x2770]  }
0x2b: {  	[tilespmem:$0x57A0] =	vst v0;
	v0 =	vand.u32 $0x3FFF, v3  }
0x2c: {  	[tilespmem:$0x5690] =	vst v0;
	v0 =	vshrl.u32 v3, $0xE  }
0x2d: {  	[tilespmem:$0x57B0] =	vst v0;
	v0 =	vand.u32 $0x3FFF, v1  }
0x2e: {  	[tilespmem:$0x56A0] =	vst v0;
	v0 =	vshrl.u32 v1, $0xE  }
0x2f: {  	[tilespmem:$0x57C0] =	vst v0;
	v0 =	vand.u32 $0x3FFF, v2  }
0x30: {  	[tilespmem:$0x56B0] =	vst v0;
	v0 =	vshrl.u32 v2, $0xE  }
0x31: {  	s18 =	simm.s32 $0x5660;
	[tilespmem:$0x57D0] =	vst v0  }
0x32: {  	[tilespmem:s19], [sflag:$0x1] =	stream.indirect.gather [hbm4b:s0+s17], $0x10, s18, s17, $0xb8;
	[tilespmem:$0x6AA0] =	vst v63  }
0x33: {  	v0 =	vld [tilespmem:$0x2780];
	_ =	sdelay $0x1  }
0x34: {  	v1 =	vld [tilespmem:$0x2790];
	_ =	sdelay $0x1  }
0x35: {  	v2 =	vld [tilespmem:$0x27A0]  }
0x36: {  	v3 =	vand.u32 $0x3FFF, v0  }
0x37: {  	v0 =	vshrl.u32 v0, $0xE;
	[tilespmem:$0x56C0] =	vst v3;
	v3 =	vld [tilespmem:$0x27B0]  }
0x38: {  	[tilespmem:$0x57E0] =	vst v0;
	v0 =	vand.u32 $0x3FFF, v1  }
0x39: {  	[tilespmem:$0x56D0] =	vst v0;
	v0 =	vshrl.u32 v1, $0xE;
	v1 =	vld [tilespmem:$0x27C0]  }
0x3a: {  	[tilespmem:$0x57F0] =	vst v0;
	v0 =	vand.u32 $0x3FFF, v2  }
0x3b: {  	[tilespmem:$0x56E0] =	vst v0;
	v0 =	vshrl.u32 v2, $0xE;
	v2 =	vld [tilespmem:$0x27D0]  }
0x3c: {  	[tilespmem:$0x5800] =	vst v0;
	v0 =	vand.u32 $0x3FFF, v3  }
0x3d: {  	[tilespmem:$0x56F0] =	vst v0;
	v0 =	vshrl.u32 v3, $0xE  }
0x3e: {  	[tilespmem:$0x5810] =	vst v0;
	v0 =	vand.u32 $0x3FFF, v1  }
0x3f: {  	[tilespmem:$0x5700] =	vst v0;
	v0 =	vshrl.u32 v1, $0xE  }
0x40: {  	[tilespmem:$0x5820] =	vst v0;
	v0 =	vand.u32 $0x3FFF, v2  }
0x41: {  	[tilespmem:$0x5710] =	vst v0;
	v0 =	vshrl.u32 v2, $0xE  }
0x42: {  	s20 =	simm.s32 $0x56C0;
	[tilespmem:$0x5830] =	vst v0  }
0x43: {  	[tilespmem:s21], [sflag:$0x2] =	stream.indirect.gather [hbm4b:s0+s17], $0x10, s20, s17, $0xb8;
	[tilespmem:$0x6AA0] =	vst v63  }
0x44: {  	p1 =	sle.u32 s4, $0x2;
	s1 =	simm.s32 $0x2810;
	[bflag:$0x0] =	sbarrier.arrive $0xFFFF  }
0x45: {  	v0 =	vld @!p1 [tilespmem:s1+$0xFFFFFFD0];
	_ =	sdelay $0x4  }
0x46: {  	v1 =	vand.u32 @!p1 $0x3FFF, v0  }
0x47: {  	v0 =	vshrl.u32 @!p1 v0, $0xE;
	[tilespmem:$0x5720] =	vst @!p1 v1  }
0x48: {  	[tilespmem:$0x5840] =	vst @!p1 v0  }
0x49: {  	v0 =	vld @!p1 [tilespmem:s1+$0xFFFFFFE0];
	_ =	sdelay $0x4  }
0x4a: {  	v1 =	vand.u32 @!p1 $0x3FFF, v0  }
0x4b: {  	v0 =	vshrl.u32 @!p1 v0, $0xE;
	[tilespmem:$0x5730] =	vst @!p1 v1  }
0x4c: {  	[tilespmem:$0x5850] =	vst @!p1 v0  }
0x4d: {  	v0 =	vld @!p1 [tilespmem:s1+$0xFFFFFFF0];
	_ =	sdelay $0x4  }
0x4e: {  	v1 =	vand.u32 @!p1 $0x3FFF, v0  }
0x4f: {  	v0 =	vshrl.u32 @!p1 v0, $0xE;
	[tilespmem:$0x5740] =	vst @!p1 v1  }
0x50: {  	[tilespmem:$0x5860] =	vst @!p1 v0  }
0x51: {  	v0 =	vld @!p1 [tilespmem:s1+$0x0];
	_ =	sdelay $0x4  }
0x52: {  	v1 =	vand.u32 @!p1 $0x3FFF, v0  }
0x53: {  	v0 =	vshrl.u32 @!p1 v0, $0xE;
	[tilespmem:$0x5750] =	vst @!p1 v1  }
0x54: {  	[tilespmem:$0x5870] =	vst @!p1 v0  }
0x55: {  	v0 =	vld @!p1 [tilespmem:s1+$0x10];
	_ =	sdelay $0x4  }
0x56: {  	v1 =	vand.u32 @!p1 $0x3FFF, v0  }
0x57: {  	v0 =	vshrl.u32 @!p1 v0, $0xE;
	[tilespmem:$0x5760] =	vst @!p1 v1  }
0x58: {  	[tilespmem:$0x5880] =	vst @!p1 v0  }
0x59: {  	v0 =	vld @!p1 [tilespmem:s1+$0x20];
	_ =	sdelay $0x4  }
0x5a: {  	v1 =	vand.u32 @!p1 $0x3FFF, v0  }
0x5b: {  	v0 =	vshrl.u32 @!p1 v0, $0xE;
	[tilespmem:$0x5770] =	vst @!p1 v1  }
0x5c: {  	s5 =	simm.s32 @!p1 $0x5720;
	s7 =	simm.s32 @!p1 $0x64A0;
	s3 =	simm.s32 @!p1 $0x60;
	[tilespmem:$0x5890] =	vst @!p1 v0  }
0x5d: {  	[tilespmem:s7], [sflag:$0x3] =	stream.indirect.gather @!p1 [hbm4b:s0+s3], $0x10, s5, s3, $0xb8;
	[tilespmem:$0x6AA0] =	vst v63  }
0x5e: {  	_ =	swait.ge [sflag:s22], $0x600  }
0x5f: {  	[sflag:s22] =	ssyncset.done $0x0  }
0x60: {  	[sflag:s22] =	ssyncadd.s32 $0xFFFFFA00  }
0x61: {  	[spmem:s2] =	stream.indirect.scatter.add.f32 [tilespmem:s19], [sflag:$0x4], $0x10, s23, s17, $0xb8;
	[tilespmem:$0x6AA0] =	vst v63  }
0x62: {  	_ =	swait.ge [sflag:s14], $0x600  }
0x63: {  	[sflag:s14] =	ssyncset.done $0x0  }
0x64: {  	p1 =	sle.u32 s4, $0x3;
	[sflag:s14] =	ssyncadd.s32 $0xFFFFFA00  }
0x65: {  	v0 =	vld @!p1 [tilespmem:s1+$0x30];
	_ =	sdelay $0x4  }
0x66: {  	v1 =	vand.u32 @!p1 $0x3FFF, v0  }
0x67: {  	v0 =	vshrl.u32 @!p1 v0, $0xE;
	[tilespmem:$0x5660] =	vst @!p1 v1  }
0x68: {  	[tilespmem:$0x5780] =	vst @!p1 v0  }
0x69: {  	v0 =	vld @!p1 [tilespmem:s1+$0x40];
	_ =	sdelay $0x4  }
0x6a: {  	v1 =	vand.u32 @!p1 $0x3FFF, v0  }
0x6b: {  	v0 =	vshrl.u32 @!p1 v0, $0xE;
	[tilespmem:$0x5670] =	vst @!p1 v1  }
0x6c: {  	[tilespmem:$0x5790] =	vst @!p1 v0  }
0x6d: {  	v0 =	vld @!p1 [tilespmem:s1+$0x50];
	_ =	sdelay $0x4  }
0x6e: {  	v1 =	vand.u32 @!p1 $0x3FFF, v0  }
0x6f: {  	v0 =	vshrl.u32 @!p1 v0, $0xE;
	[tilespmem:$0x5680] =	vst @!p1 v1  }
0x70: {  	[tilespmem:$0x57A0] =	vst @!p1 v0  }
0x71: {  	v0 =	vld @!p1 [tilespmem:s1+$0x60];
	_ =	sdelay $0x4  }
0x72: {  	v1 =	vand.u32 @!p1 $0x3FFF, v0  }
0x73: {  	v0 =	vshrl.u32 @!p1 v0, $0xE;
	[tilespmem:$0x5690] =	vst @!p1 v1  }
0x74: {  	[tilespmem:$0x57B0] =	vst @!p1 v0  }
0x75: {  	v0 =	vld @!p1 [tilespmem:s1+$0x70];
	_ =	sdelay $0x4  }
0x76: {  	v1 =	vand.u32 @!p1 $0x3FFF, v0  }
0x77: {  	v0 =	vshrl.u32 @!p1 v0, $0xE;
	[tilespmem:$0x56A0] =	vst @!p1 v1  }
0x78: {  	[tilespmem:$0x57C0] =	vst @!p1 v0  }
0x79: {  	v0 =	vld @!p1 [tilespmem:s1+$0x80];
	_ =	sdelay $0x4  }
0x7a: {  	v1 =	vand.u32 @!p1 $0x3FFF, v0  }
0x7b: {  	v0 =	vshrl.u32 @!p1 v0, $0xE;
	[tilespmem:$0x56B0] =	vst @!p1 v1  }
0x7c: {  	s3 =	simm.s32 @!p1 $0x60;
	s5 =	simm.s32 @!p1 $0x5660;
	s7 =	simm.s32 @!p1 $0x58A0;
	[tilespmem:$0x57D0] =	vst @!p1 v0  }
0x7d: {  	[tilespmem:s7], [sflag:$0x1] =	stream.indirect.gather @!p1 [hbm4b:s0+s3], $0x10, s5, s3, $0xb8;
	[tilespmem:$0x6AA0] =	vst v63  }
0x7e: {  	_ =	swait.ge [sflag:s24], $0x600  }
0x7f: {  	[sflag:s24] =	ssyncset.done $0x0  }
0x80: {  	[sflag:s24] =	ssyncadd.s32 $0xFFFFFA00  }
0x81: {  	[spmem:s2] =	stream.indirect.scatter.add.f32 [tilespmem:s21], [sflag:$0x4], $0x10, s25, s17, $0xb8;
	[tilespmem:$0x6AA0] =	vst v63  }
0x82: {  	_ =	swait.ge [sflag:s14], $0x600  }
0x83: {  	[sflag:s14] =	ssyncset.done $0x0  }
0x84: {  	p2 =	sle.u32 s4, $0x4;
	[sflag:s14] =	ssyncadd.s32 $0xFFFFFA00  }
0x85: {  	v0 =	vld @!p2 [tilespmem:s1+$0x90];
	_ =	sdelay $0x4  }
0x86: {  	v1 =	vand.u32 @!p2 $0x3FFF, v0  }
0x87: {  	v0 =	vshrl.u32 @!p2 v0, $0xE;
	[tilespmem:$0x56C0] =	vst @!p2 v1  }
0x88: {  	[tilespmem:$0x57E0] =	vst @!p2 v0  }
0x89: {  	v0 =	vld @!p2 [tilespmem:s1+$0xA0];
	_ =	sdelay $0x4  }
0x8a: {  	v1 =	vand.u32 @!p2 $0x3FFF, v0  }
0x8b: {  	v0 =	vshrl.u32 @!p2 v0, $0xE;
	[tilespmem:$0x56D0] =	vst @!p2 v1  }
0x8c: {  	[tilespmem:$0x57F0] =	vst @!p2 v0  }
0x8d: {  	v0 =	vld @!p2 [tilespmem:s1+$0xB0];
	_ =	sdelay $0x4  }
0x8e: {  	v1 =	vand.u32 @!p2 $0x3FFF, v0  }
0x8f: {  	v0 =	vshrl.u32 @!p2 v0, $0xE;
	[tilespmem:$0x56E0] =	vst @!p2 v1  }
0x90: {  	[tilespmem:$0x5800] =	vst @!p2 v0  }
0x91: {  	v0 =	vld @!p2 [tilespmem:s1+$0xC0];
	_ =	sdelay $0x2  }
0x92: {  	p1 =	sne.s32 s12, $0x3  }
.Ltmp0:
0x93: {  	_ = 	snop;
	(pc) =	sbr.rel @!p1 .LBB2_3-.Ltmp0, $4  }
0x94: {  	v1 =	vand.u32 @!p2 $0x3FFF, v0  }
0x95: {  	v0 =	vshrl.u32 @!p2 v0, $0xE;
	[tilespmem:$0x56F0] =	vst @!p2 v1  }
0x96: {  	s16 =	simm.s32 $0x2810;
	s20 =	simm.s32 @!p2 $0x60;
	[tilespmem:$0x5810] =	vst @!p2 v0  }
0x97: {  	s3 =	simm.s32 $0x3;
	s5 =	simm.s32 @!p2 $0x56C0;
	s7 =	simm.s32 @!p2 $0x5EA0;
	v0 =	vld @!p2 [tilespmem:s1+$0xD0]  }
.LBB2_2:
0x98: {  	_ =	sdelay $0x3  }
0x99: {  	s16 =	sadd.s32 $0x120, s16;
	s18 =	smov.u32 s3;
	s3 =	sadd.s32 $0x3, s3;
	v1 =	vand.u32 @!p2 $0x3FFF, v0;
	v0 =	vshrl.u32 @!p2 v0, $0xE  }
0x9a: {  	p1 =	sne.s32 s12, s3;
	[tilespmem:$0x5700] =	vst @!p2 v1  }
0x9b: {  	[tilespmem:$0x5820] =	vst @!p2 v0  }
0x9c: {  	v0 =	vld @!p2 [tilespmem:s1+$0xE0];
	s1 =	smov.u32 s16;
	_ =	sdelay $0x4  }
0x9d: {  	v1 =	vand.u32 @!p2 $0x3FFF, v0;
	v0 =	vshrl.u32 @!p2 v0, $0xE  }
0x9e: {  	[tilespmem:$0x5710] =	vst @!p2 v1  }
0x9f: {  	[tilespmem:$0x5830] =	vst @!p2 v0  }
0xa0: {  	[tilespmem:s7], [sflag:$0x2] =	stream.indirect.gather @!p2 [hbm4b:s0+s20], $0x10, s5, s20, $0xb8;
	[tilespmem:$0x6AA0] =	vst v63  }
0xa1: {  	_ =	swait.ge [sflag:s26], $0x600  }
0xa2: {  	[sflag:s26] =	ssyncset.done $0x0  }
0xa3: {  	[sflag:s26] =	ssyncadd.s32 $0xFFFFFA00  }
0xa4: {  	[spmem:s2] =	stream.indirect.scatter.add.f32 [tilespmem:s29], [sflag:$0x4], $0x10, s28, s17, $0xb8;
	[tilespmem:$0x6AA0] =	vst v63  }
0xa5: {  	_ =	swait.ge [sflag:s14], $0x600  }
0xa6: {  	s5 =	sadd.s32 $0x2, s18;
	[sflag:s14] =	ssyncset.done $0x0  }
0xa7: {  	p2 =	sge.u32 s5, s4;
	[sflag:s14] =	ssyncadd.s32 $0xFFFFFA00  }
0xa8: {  	v0 =	vld @!p2 [tilespmem:s16+$0xFFFFFFD0];
	_ =	sdelay $0x4  }
0xa9: {  	v1 =	vand.u32 @!p2 $0x3FFF, v0;
	v0 =	vshrl.u32 @!p2 v0, $0xE  }
0xaa: {  	[tilespmem:$0x5720] =	vst @!p2 v1  }
0xab: {  	[tilespmem:$0x5840] =	vst @!p2 v0  }
0xac: {  	v0 =	vld @!p2 [tilespmem:s16+$0xFFFFFFE0];
	_ =	sdelay $0x4  }
0xad: {  	v1 =	vand.u32 @!p2 $0x3FFF, v0;
	v0 =	vshrl.u32 @!p2 v0, $0xE  }
0xae: {  	[tilespmem:$0x5730] =	vst @!p2 v1  }
0xaf: {  	[tilespmem:$0x5850] =	vst @!p2 v0  }
0xb0: {  	v0 =	vld @!p2 [tilespmem:s16+$0xFFFFFFF0];
	_ =	sdelay $0x4  }
0xb1: {  	v1 =	vand.u32 @!p2 $0x3FFF, v0;
	v0 =	vshrl.u32 @!p2 v0, $0xE  }
0xb2: {  	[tilespmem:$0x5740] =	vst @!p2 v1  }
0xb3: {  	[tilespmem:$0x5860] =	vst @!p2 v0  }
0xb4: {  	v0 =	vld @!p2 [tilespmem:s16+$0x0];
	_ =	sdelay $0x4  }
0xb5: {  	v1 =	vand.u32 @!p2 $0x3FFF, v0;
	v0 =	vshrl.u32 @!p2 v0, $0xE  }
0xb6: {  	[tilespmem:$0x5750] =	vst @!p2 v1  }
0xb7: {  	[tilespmem:$0x5870] =	vst @!p2 v0  }
0xb8: {  	v0 =	vld @!p2 [tilespmem:s16+$0x10];
	_ =	sdelay $0x4  }
0xb9: {  	v1 =	vand.u32 @!p2 $0x3FFF, v0;
	v0 =	vshrl.u32 @!p2 v0, $0xE  }
0xba: {  	[tilespmem:$0x5760] =	vst @!p2 v1  }
0xbb: {  	[tilespmem:$0x5880] =	vst @!p2 v0  }
0xbc: {  	v0 =	vld @!p2 [tilespmem:s16+$0x20]  }
0xbd: {  	s5 =	simm.s32 @!p2 $0x60;
	s7 =	simm.s32 @!p2 $0x5720;
	s20 =	simm.s32 @!p2 $0x64A0  }
0xbe: {  	_ =	sdelay $0x2  }
0xbf: {  	v1 =	vand.u32 @!p2 $0x3FFF, v0;
	v0 =	vshrl.u32 @!p2 v0, $0xE  }
0xc0: {  	[tilespmem:$0x5770] =	vst @!p2 v1  }
0xc1: {  	[tilespmem:$0x5890] =	vst @!p2 v0  }
0xc2: {  	[tilespmem:s20], [sflag:$0x3] =	stream.indirect.gather @!p2 [hbm4b:s0+s5], $0x10, s7, s5, $0xb8;
	[tilespmem:$0x6AA0] =	vst v63  }
0xc3: {  	_ =	swait.ge [sflag:s22], $0x600  }
0xc4: {  	[sflag:s22] =	ssyncset.done $0x0  }
0xc5: {  	[sflag:s22] =	ssyncadd.s32 $0xFFFFFA00  }
0xc6: {  	[spmem:s2] =	stream.indirect.scatter.add.f32 [tilespmem:s19], [sflag:$0x4], $0x10, s23, s17, $0xb8;
	[tilespmem:$0x6AA0] =	vst v63  }
0xc7: {  	_ =	swait.ge [sflag:s14], $0x600  }
0xc8: {  	[sflag:s14] =	ssyncset.done $0x0  }
0xc9: {  	p2 =	sge.u32 s3, s4;
	[sflag:s14] =	ssyncadd.s32 $0xFFFFFA00  }
0xca: {  	v0 =	vld @!p2 [tilespmem:s16+$0x30];
	_ =	sdelay $0x4  }
0xcb: {  	v1 =	vand.u32 @!p2 $0x3FFF, v0;
	v0 =	vshrl.u32 @!p2 v0, $0xE  }
0xcc: {  	[tilespmem:$0x5660] =	vst @!p2 v1  }
0xcd: {  	[tilespmem:$0x5780] =	vst @!p2 v0  }
0xce: {  	v0 =	vld @!p2 [tilespmem:s16+$0x40];
	_ =	sdelay $0x4  }
0xcf: {  	v1 =	vand.u32 @!p2 $0x3FFF, v0;
	v0 =	vshrl.u32 @!p2 v0, $0xE  }
0xd0: {  	[tilespmem:$0x5670] =	vst @!p2 v1  }
0xd1: {  	[tilespmem:$0x5790] =	vst @!p2 v0  }
0xd2: {  	v0 =	vld @!p2 [tilespmem:s16+$0x50];
	_ =	sdelay $0x4  }
0xd3: {  	v1 =	vand.u32 @!p2 $0x3FFF, v0;
	v0 =	vshrl.u32 @!p2 v0, $0xE  }
0xd4: {  	[tilespmem:$0x5680] =	vst @!p2 v1  }
0xd5: {  	[tilespmem:$0x57A0] =	vst @!p2 v0  }
0xd6: {  	v0 =	vld @!p2 [tilespmem:s16+$0x60];
	_ =	sdelay $0x4  }
0xd7: {  	v1 =	vand.u32 @!p2 $0x3FFF, v0;
	v0 =	vshrl.u32 @!p2 v0, $0xE  }
0xd8: {  	[tilespmem:$0x5690] =	vst @!p2 v1  }
0xd9: {  	[tilespmem:$0x57B0] =	vst @!p2 v0  }
0xda: {  	v0 =	vld @!p2 [tilespmem:s16+$0x70];
	_ =	sdelay $0x2  }
0xdb: {  	s5 =	simm.s32 @!p2 $0x60;
	s7 =	simm.s32 @!p2 $0x5660;
	s20 =	simm.s32 @!p2 $0x58A0  }
0xdc: {  	_ = 	snop  }
0xdd: {  	v1 =	vand.u32 @!p2 $0x3FFF, v0;
	v0 =	vshrl.u32 @!p2 v0, $0xE  }
0xde: {  	[tilespmem:$0x56A0] =	vst @!p2 v1  }
0xdf: {  	[tilespmem:$0x57C0] =	vst @!p2 v0  }
0xe0: {  	v0 =	vld @!p2 [tilespmem:s16+$0x80];
	_ =	sdelay $0x4  }
0xe1: {  	v1 =	vand.u32 @!p2 $0x3FFF, v0;
	v0 =	vshrl.u32 @!p2 v0, $0xE  }
0xe2: {  	[tilespmem:$0x56B0] =	vst @!p2 v1  }
0xe3: {  	[tilespmem:$0x57D0] =	vst @!p2 v0  }
0xe4: {  	[tilespmem:s20], [sflag:$0x1] =	stream.indirect.gather @!p2 [hbm4b:s0+s5], $0x10, s7, s5, $0xb8;
	[tilespmem:$0x6AA0] =	vst v63  }
0xe5: {  	_ =	swait.ge [sflag:s24], $0x600  }
0xe6: {  	[sflag:s24] =	ssyncset.done $0x0  }
0xe7: {  	[sflag:s24] =	ssyncadd.s32 $0xFFFFFA00  }
0xe8: {  	[spmem:s2] =	stream.indirect.scatter.add.f32 [tilespmem:s21], [sflag:$0x4], $0x10, s25, s17, $0xb8;
	[tilespmem:$0x6AA0] =	vst v63  }
0xe9: {  	_ =	swait.ge [sflag:s14], $0x600  }
0xea: {  	s5 =	sadd.s32 $0x4, s18;
	[sflag:s14] =	ssyncset.done $0x0  }
0xeb: {  	p2 =	sge.u32 s5, s4;
	[sflag:s14] =	ssyncadd.s32 $0xFFFFFA00  }
0xec: {  	v0 =	vld @!p2 [tilespmem:s16+$0x90];
	_ =	sdelay $0x4  }
0xed: {  	v1 =	vand.u32 @!p2 $0x3FFF, v0;
	v0 =	vshrl.u32 @!p2 v0, $0xE  }
0xee: {  	[tilespmem:$0x56C0] =	vst @!p2 v1  }
0xef: {  	[tilespmem:$0x57E0] =	vst @!p2 v0  }
0xf0: {  	v0 =	vld @!p2 [tilespmem:s16+$0xA0];
	_ =	sdelay $0x4  }
0xf1: {  	v1 =	vand.u32 @!p2 $0x3FFF, v0;
	v0 =	vshrl.u32 @!p2 v0, $0xE  }
0xf2: {  	[tilespmem:$0x56D0] =	vst @!p2 v1  }
0xf3: {  	[tilespmem:$0x57F0] =	vst @!p2 v0  }
0xf4: {  	v0 =	vld @!p2 [tilespmem:s16+$0xB0];
	_ =	sdelay $0x4  }
0xf5: {  	v1 =	vand.u32 @!p2 $0x3FFF, v0;
	v0 =	vshrl.u32 @!p2 v0, $0xE  }
0xf6: {  	[tilespmem:$0x56E0] =	vst @!p2 v1  }
0xf7: {  	[tilespmem:$0x5800] =	vst @!p2 v0  }
0xf8: {  	v0 =	vld @!p2 [tilespmem:s16+$0xC0];
	_ =	sdelay $0x3  }
.Ltmp1:
0xf9: {  	(pc) =	sbr.rel @p1 .LBB2_2-.Ltmp1, $4  }
0xfa: {  	s20 =	simm.s32 @!p2 $0x60;
	s5 =	simm.s32 @!p2 $0x56C0;
	s7 =	simm.s32 @!p2 $0x5EA0;
	v1 =	vand.u32 @!p2 $0x3FFF, v0;
	v0 =	vshrl.u32 @!p2 v0, $0xE  }
0xfb: {  	[tilespmem:$0x56F0] =	vst @!p2 v1  }
0xfc: {  	[tilespmem:$0x5810] =	vst @!p2 v0  }
0xfd: {  	v0 =	vld @!p2 [tilespmem:s16+$0xD0]  }
.LBB2_3:
0xfe: {  	_ =	sdelay $0x3  }
0xff: {  	v1 =	vand.u32 @!p2 $0x3FFF, v0  }
0x100: {  	v0 =	vshrl.u32 @!p2 v0, $0xE;
	[tilespmem:$0x5700] =	vst @!p2 v1  }
0x101: {  	[tilespmem:$0x5820] =	vst @!p2 v0  }
0x102: {  	v0 =	vld @!p2 [tilespmem:s1+$0xE0];
	_ =	sdelay $0x4  }
0x103: {  	v1 =	vand.u32 @!p2 $0x3FFF, v0  }
0x104: {  	v0 =	vshrl.u32 @!p2 v0, $0xE;
	[tilespmem:$0x5710] =	vst @!p2 v1  }
0x105: {  	[tilespmem:$0x5830] =	vst @!p2 v0  }
0x106: {  	[tilespmem:s7], [sflag:$0x2] =	stream.indirect.gather @!p2 [hbm4b:s0+s20], $0x10, s5, s20, $0xb8;
	[tilespmem:$0x6AA0] =	vst v63  }
0x107: {  	_ =	swait.ge [sflag:s26], $0x600  }
0x108: {  	[sflag:s26] =	ssyncset.done $0x0  }
0x109: {  	[sflag:s26] =	ssyncadd.s32 $0xFFFFFA00  }
0x10a: {  	[spmem:s2] =	stream.indirect.scatter.add.f32 [tilespmem:s29], [sflag:$0x4], $0x10, s28, s17, $0xb8;
	[tilespmem:$0x6AA0] =	vst v63  }
0x10b: {  	_ =	swait.ge [sflag:s14], $0x600  }
0x10c: {  	[sflag:s14] =	ssyncset.done $0x0  }
0x10d: {  	[sflag:s14] =	ssyncadd.s32 $0xFFFFFA00  }
0x10e: {  	[bflag:$0x0] =	sbarrier.arrive $0xFFFF  }
0x10f: {  	[hbm:s9], [sflag:s6] =	dma.local [spmem:s13], $0x4E0  }
0x110: {  	s30 =	sadd.s32 $0x1, s30;
	_ =	swait.ge [sflag:s14], $0x4E0  }
0x111: {  	p1 =	sne.s32 s30, s11;
	[sflag:s14] =	ssyncset.done $0x0  }
.Ltmp2:
0x112: {  	[sflag:s14] =	ssyncadd.s32 $0xFFFFFB20;
	(pc) =	sbr.rel @p1 .LBB2_1-.Ltmp2, $4  }
0x113: {  	[hbm:s10], [sflag:s6] =	dma.local @!p0 [spmem:s15], $0x20  }
0x114: {  	_ =	swait.ge @!p0 [sflag:s31], $0x20  }
0x115: {  	[sflag:s31] =	ssyncset.done @!p0 $0x0  }
0x116: {  	[sflag:s31] =	ssyncadd.s32 @!p0 $0xFFFFFFE0  }
0x117: {  	_ =	sfence.sel $0x180000  }
0x118: {  	[bflag:$0x0] =	sbarrier.arrive $0xFFFF  }
0x119: {  	_ =	strace $0x90000050  }
0x11a: {  	[bflag:$0x2] =	sbarrier.arrive $0xFFFF  }
0x11b: {  	s0 =	rddreg [dreg:$0x3]  }
0x11c: {  	s0 =	sadd.s32 @!p0 $0x100000, s0  }
0x11d: {  	[sflag:s0] =	ssyncadd.tile.s32 @!p0 $0x1;
	_ =	shalt  }
.Lfunc_end2:
_tile_overlayer_lowered:
.L_overlay_start_2:
0x11e: {  	(tag) =	ssettag $0x2  }
0x11f: {  	s0 =	rddreg [dreg:$0x0];
	s2 =	stileid.u32  }
0x120: {  	s1 =	rddreg [dreg:$0x1];
	p0 =	sne.s32 s2, $0x0  }
0x121: {  	s3 =	rddreg [dreg:$0x2];
	[bflag:$0x3] =	sbarrier.arrive $0xFFFF;
	s2 =	simm.s32 @!p0 $0x1C04  }
0x122: {  	[timem:s3], [sflag:s2] =	dma.local @!p0 [hbm:s0], s1  }
0x123: {  	s0 =	simm.s32 @!p0 $0x4  }
0x124: {  	_ =	swait.ge @!p0 [sflag:s0], s1  }
0x125: {  	s1 =	ssub.s32 @!p0 $0x0, s1;
	[sflag:s0] =	ssyncset.done @!p0 $0x0  }
0x126: {  	[sflag:s0] =	ssyncadd.s32 @!p0 s1  }
0x127: {  	[bflag:$0x3] =	sbarrier.arrive $0xFFFF  }
0x128: {  	_ =	shalt  }

</sc_bundles>
